<compile_context>
chip_gen: v7x
topology: tpu7x:2x2x1
jax: 0.10.2.dev20260603
libtpu: 0.0.44.dev20260713+nightly
codegen_flags: <defaults>
</compile_context>

<pallas_src>
import functools

import jax
import jax.numpy as jnp
from jax import lax
from jax.experimental import pallas as pl
from jax.experimental.pallas import tpu as pltpu
from jax.experimental.pallas import tpu_sc as plsc

_info = plsc.get_sparse_core_info()
_NC = _info.num_cores
_NS = _info.num_subcores
_NW = _NC * _NS

_D = 32
_L = 128
_CPJ = 4
_NJ = 20
_IPW = _CPJ * _L


def _mega_body(table_hbm, idx_hbm, out_hbm, idx_v,
               rows0, rows1, rows2, rows3, st0, st1, gsem, wsem):
    wid = lax.axis_index("s") * _NC + lax.axis_index("c")
    iota16 = lax.iota(jnp.int32, 16)
    rows_ring = (rows0, rows1, rows2, rows3)
    stages = (st0, st1)

    pltpu.sync_copy(idx_hbm.at[wid], idx_v)

    def fire(j, rows):
        for c in range(_CPJ):
            pltpu.async_copy(
                table_hbm.at[idx_v.at[j * _CPJ + c]],
                rows.at[pl.ds(c * _L, _L)],
                gsem,
            )

    def drain(j, rows):
        for c in range(_CPJ):
            pltpu.make_async_copy(
                table_hbm.at[idx_v.at[j * _CPJ + c]],
                rows.at[pl.ds(c * _L, _L)],
                gsem,
            ).wait()

    def transpose(rows, st):
        def tp(dtc, carry):
            dt = dtc // _CPJ
            c = lax.rem(dtc, _CPJ)
            rowvs = [iota16 + (c * _L + g * 16) for g in range(8)]
            for s2 in range(4):
                colvs = [
                    jnp.full((16,), 0, jnp.int32) + (dt * 8 + 2 * s2 + h)
                    for h in range(2)
                ]
                vals = [
                    plsc.load_gather(rows, [rowvs[g], colvs[h]])
                    for h in range(2)
                    for g in range(8)
                ]
                for h in range(2):
                    for g in range(8):
                        st[pl.ds(dt * 4096 + c * 1024 + (2 * s2 + h) * 128
                                 + g * 16, 16)] = vals[h * 8 + g]
            return carry
        lax.fori_loop(0, 4 * _CPJ, tp, 0)

    def fire_out(j, st):
        for dt in range(4):
            pltpu.async_copy(
                st.at[pl.ds(dt * 4096, 4096)],
                out_hbm.at[j, dt, pl.ds(wid * 4096, 4096)],
                wsem,
            )

    def wait_out(st):
        for dt in range(4):
            pltpu.make_async_copy(
                st.at[pl.ds(dt * 4096, 4096)],
                out_hbm.at[0, dt, pl.ds(wid * 4096, 4096)],
                wsem,
            ).wait()

    _DEPTH = 3
    for j in range(_DEPTH):
        fire(j, rows_ring[j])

    def loop(jq, carry):
        for k in range(4):
            j = 4 * jq + k
            drain(j, rows_ring[k])

            @pl.when(j >= 2)
            def _():
                wait_out(stages[k % 2])

            transpose(rows_ring[k], stages[k % 2])
            fire_out(j, stages[k % 2])

            @pl.when(j + _DEPTH < _NJ)
            def _():
                fire(j + _DEPTH, rows_ring[(k + _DEPTH) % 4])
        return carry

    lax.fori_loop(0, _NJ // 4, loop, 0)
    wait_out(st0)
    wait_out(st1)


@jax.jit
def kernel(token_ids, emb):
    n_i, n_j = token_ids.shape
    ipw = n_i // _NW
    tt = token_ids.astype(jnp.int32).T
    idx = (
        tt.reshape(n_j, _NW, _CPJ, _L)
        .transpose(1, 0, 2, 3)
        .reshape(_NW, n_j * _CPJ, _L)
    )

    call = functools.partial(
        pl.kernel,
        mesh=plsc.VectorSubcoreMesh(core_axis_name="c", subcore_axis_name="s"),
        out_type=jax.ShapeDtypeStruct((n_j, 4, _NW * 4096), jnp.float32),
        scratch_types=[
            pltpu.VMEM((n_j * _CPJ, _L), jnp.int32),
            pltpu.VMEM((_IPW, _D), jnp.float32),
            pltpu.VMEM((_IPW, _D), jnp.float32),
            pltpu.VMEM((_IPW, _D), jnp.float32),
            pltpu.VMEM((_IPW, _D), jnp.float32),
            pltpu.VMEM((4 * 4096,), jnp.float32),
            pltpu.VMEM((4 * 4096,), jnp.float32),
            pltpu.SemaphoreType.DMA,
            pltpu.SemaphoreType.DMA,
        ],
        compiler_params=pltpu.CompilerParams(
            use_tc_tiling_on_sc=False, needs_layout_passes=False,
            skip_device_barrier=True, disable_bounds_checks=True,
            disable_semaphore_checks=True,
        ),
    )(_mega_body)

    out_flat = call(emb, idx)
    out5 = out_flat.reshape(n_j, 4, _NW * _CPJ, 8, _L)
    x = jnp.transpose(out5, (2, 4, 0, 1, 3))
    return x.reshape(n_i, n_j, _D)

# --- scband reference (transcript-rebuilt; emitter-appended) ---
"""Pipeline reference for scband-embedding-7327214207587 (READ-ONLY COPY).

The authoritative reference and input builder live on the scoring server;
editing this copy changes nothing except your own understanding.
"""

import jax, jax.numpy as jnp
import numpy as np

NUM_EMBEDDINGS = 1000000
EMBEDDING_DIM = 32

def setup_inputs(seed: int = 0) -> dict:
    key = jax.random.key(seed)
    k1, k2 = jax.random.split(key)
    token_ids = jax.random.randint(k1, (16384, 20), 0, NUM_EMBEDDINGS, dtype=jnp.int64 if jax.config.jax_enable_x64 else jnp.int32)
    # trunc_normal init, mean=0 std=1, a=-3 b=3
    emb = jax.random.truncated_normal(k2, -3.0, 3.0, (NUM_EMBEDDINGS, EMBEDDING_DIM), dtype=jnp.float32)
    return {"token_ids": token_ids, "emb": emb}

def reference(token_ids, emb):
    # emb[token_ids] -> gather rows of the embedding table
    return jnp.take(emb, token_ids, axis=0)

if __name__ == "__main__":
    import jax
    _d = setup_inputs()
    print(jax.jit(kernel)(*tuple(_d.values())))

</pallas_src>

<mosaic_0001>
#map = affine_map<(d0, d1) -> (0, 0)>
#map1 = affine_map<(d0, d1) -> (0, 0, 0)>
module attributes {stable_mosaic.version = 14 : i64} {
  func.func @_mega_body(%arg0: i32, %arg1: i32, %arg2: memref<1000000x32xf32, #tpu.memory_space<hbm>>, %arg3: memref<32x80x128xi32, #tpu.memory_space<hbm>>, %arg4: memref<20x4x131072xf32, #tpu.memory_space<hbm>>, %arg5: memref<80x128xi32, #tpu.memory_space<vmem>>, %arg6: memref<512x32xf32, #tpu.memory_space<vmem>>, %arg7: memref<512x32xf32, #tpu.memory_space<vmem>>, %arg8: memref<512x32xf32, #tpu.memory_space<vmem>>, %arg9: memref<512x32xf32, #tpu.memory_space<vmem>>, %arg10: memref<16384xf32, #tpu.memory_space<vmem>>, %arg11: memref<16384xf32, #tpu.memory_space<vmem>>, %arg12: memref<!tpu.dma_semaphore, #tpu.memory_space<semaphore_mem>>, %arg13: memref<!tpu.dma_semaphore, #tpu.memory_space<semaphore_mem>>) attributes {dimension_semantics = [#tpu.dimension_semantics<core_parallel>, #tpu.dimension_semantics<subcore_parallel>], iteration_bounds = array<i64: 2, 16>, scalar_prefetch = 0 : i64, scratch_operands = 9 : i64, tpu.core_type = #tpu.core_type<sc_vector_subcore>, window_params = [{transform_indices = #map}, {transform_indices = #map1}, {transform_indices = #map1}]} {
    %mul3A = arith.constant 2 : i32
    %mul3A_0 = arith.muli %arg1, %mul3A : i32
    %add3A = arith.addi %mul3A_0, %arg0 : i32
    %iota3A = tpu.iota {dimensions = array<i32: 0>} : vector<16xi32>
    "tpu.region"() ({
      %run_scoped3A = tpu.sem_alloc : memref<!tpu.dma_semaphore, #tpu.memory_space<semaphore_mem>>
      %dma_start3A_220 = arith.constant 0 : i32
      %dma_start3A_221 = arith.constant 0 : i32
      %dma_start3A_222 = tpu.memref_slice %arg3[%add3A, %dma_start3A_220, %dma_start3A_221] : memref<32x80x128xi32, #tpu.memory_space<hbm>> -> memref<1x80x128xi32, #tpu.memory_space<hbm>>
      %dma_start3A_223 = tpu.memref_squeeze %dma_start3A_222 : memref<1x80x128xi32, #tpu.memory_space<hbm>> -> memref<80x128xi32, #tpu.memory_space<hbm>>
      %dma_start3A_224 = arith.constant 0 : i32
      %dma_start3A_225 = arith.constant 0 : i32
      %dma_start3A_226 = tpu.memref_slice %arg3[%add3A, %dma_start3A_224, %dma_start3A_225] : memref<32x80x128xi32, #tpu.memory_space<hbm>> -> memref<1x80x128xi32, #tpu.memory_space<hbm>>
      %dma_start3A_227 = tpu.memref_squeeze %dma_start3A_226 : memref<1x80x128xi32, #tpu.memory_space<hbm>> -> memref<80x128xi32, #tpu.memory_space<hbm>>
      tpu.enqueue_dma source(%dma_start3A_227 : memref<80x128xi32, #tpu.memory_space<hbm>>) target(%arg5 : memref<80x128xi32, #tpu.memory_space<vmem>>) target_semaphore(%run_scoped3A : memref<!tpu.dma_semaphore, #tpu.memory_space<semaphore_mem>>)
      %dma_wait3A_228 = arith.constant 0 : i32
      %dma_wait3A_229 = arith.constant 0 : i32
      %dma_wait3A_230 = tpu.memref_slice %arg3[%add3A, %dma_wait3A_228, %dma_wait3A_229] : memref<32x80x128xi32, #tpu.memory_space<hbm>> -> memref<1x80x128xi32, #tpu.memory_space<hbm>>
      %dma_wait3A_231 = tpu.memref_squeeze %dma_wait3A_230 : memref<1x80x128xi32, #tpu.memory_space<hbm>> -> memref<80x128xi32, #tpu.memory_space<hbm>>
      %dma_wait3A_232 = arith.constant 0 : i32
      %dma_wait3A_233 = arith.constant 0 : i32
      %dma_wait3A_234 = tpu.memref_slice %arg3[%add3A, %dma_wait3A_232, %dma_wait3A_233] : memref<32x80x128xi32, #tpu.memory_space<hbm>> -> memref<1x80x128xi32, #tpu.memory_space<hbm>>
      %dma_wait3A_235 = tpu.memref_squeeze %dma_wait3A_234 : memref<1x80x128xi32, #tpu.memory_space<hbm>> -> memref<80x128xi32, #tpu.memory_space<hbm>>
      tpu.wait_dma2 semaphore(%run_scoped3A : memref<!tpu.dma_semaphore, #tpu.memory_space<semaphore_mem>>) src(%dma_wait3A_235 : memref<80x128xi32, #tpu.memory_space<hbm>>) dst(%arg5 : memref<80x128xi32, #tpu.memory_space<vmem>>)
      tpu.yield
    }) : () -> ()
    %dma_start3A = arith.constant 0 : i32
    %dma_start3A_1 = arith.constant 0 : i32
    %dma_start3A_2 = arith.constant 0 : i32
    %dma_start3A_3 = tpu.memref_slice %arg6[%dma_start3A_1, %dma_start3A_2] : memref<512x32xf32, #tpu.memory_space<vmem>> -> memref<128x32xf32, #tpu.memory_space<vmem>>
    %dma_start3A_4 = arith.constant 0 : i32
    %dma_start3A_5 = tpu.memref_slice %arg5[%dma_start3A, %dma_start3A_4] : memref<80x128xi32, #tpu.memory_space<vmem>> -> memref<1x128xi32, #tpu.memory_space<vmem>>
    %dma_start3A_6 = tpu.memref_squeeze %dma_start3A_5 : memref<1x128xi32, #tpu.memory_space<vmem>> -> memref<128xi32, #tpu.memory_space<vmem>>
    %dma_start3A_7 = arith.constant 0 : i32
    %dma_start3A_8 = arith.constant 0 : i32
    %dma_start3A_9 = tpu.memref_slice %arg2[%dma_start3A_7, %dma_start3A_8] : memref<1000000x32xf32, #tpu.memory_space<hbm>> -> memref<1000000x32xf32, #tpu.memory_space<hbm>>
    tpu.enqueue_indirect_dma source(%dma_start3A_9 : memref<1000000x32xf32, #tpu.memory_space<hbm>>) target(%dma_start3A_3 : memref<128x32xf32, #tpu.memory_space<vmem>>) offsets(%dma_start3A_6 : memref<128xi32, #tpu.memory_space<vmem>>) semaphore(%arg12 : memref<!tpu.dma_semaphore, #tpu.memory_space<semaphore_mem>>)
    %dma_start3A_10 = arith.constant 1 : i32
    %dma_start3A_11 = arith.constant 128 : i32
    %dma_start3A_12 = arith.constant 0 : i32
    %dma_start3A_13 = tpu.memref_slice %arg6[%dma_start3A_11, %dma_start3A_12] : memref<512x32xf32, #tpu.memory_space<vmem>> -> memref<128x32xf32, #tpu.memory_space<vmem>>
    %dma_start3A_14 = arith.constant 0 : i32
    %dma_start3A_15 = tpu.memref_slice %arg5[%dma_start3A_10, %dma_start3A_14] : memref<80x128xi32, #tpu.memory_space<vmem>> -> memref<1x128xi32, #tpu.memory_space<vmem>>
    %dma_start3A_16 = tpu.memref_squeeze %dma_start3A_15 : memref<1x128xi32, #tpu.memory_space<vmem>> -> memref<128xi32, #tpu.memory_space<vmem>>
    %dma_start3A_17 = arith.constant 0 : i32
    %dma_start3A_18 = arith.constant 0 : i32
    %dma_start3A_19 = tpu.memref_slice %arg2[%dma_start3A_17, %dma_start3A_18] : memref<1000000x32xf32, #tpu.memory_space<hbm>> -> memref<1000000x32xf32, #tpu.memory_space<hbm>>
    tpu.enqueue_indirect_dma source(%dma_start3A_19 : memref<1000000x32xf32, #tpu.memory_space<hbm>>) target(%dma_start3A_13 : memref<128x32xf32, #tpu.memory_space<vmem>>) offsets(%dma_start3A_16 : memref<128xi32, #tpu.memory_space<vmem>>) semaphore(%arg12 : memref<!tpu.dma_semaphore, #tpu.memory_space<semaphore_mem>>)
    %dma_start3A_20 = arith.constant 2 : i32
    %dma_start3A_21 = arith.constant 256 : i32
    %dma_start3A_22 = arith.constant 0 : i32
    %dma_start3A_23 = tpu.memref_slice %arg6[%dma_start3A_21, %dma_start3A_22] : memref<512x32xf32, #tpu.memory_space<vmem>> -> memref<128x32xf32, #tpu.memory_space<vmem>>
    %dma_start3A_24 = arith.constant 0 : i32
    %dma_start3A_25 = tpu.memref_slice %arg5[%dma_start3A_20, %dma_start3A_24] : memref<80x128xi32, #tpu.memory_space<vmem>> -> memref<1x128xi32, #tpu.memory_space<vmem>>
    %dma_start3A_26 = tpu.memref_squeeze %dma_start3A_25 : memref<1x128xi32, #tpu.memory_space<vmem>> -> memref<128xi32, #tpu.memory_space<vmem>>
    %dma_start3A_27 = arith.constant 0 : i32
    %dma_start3A_28 = arith.constant 0 : i32
    %dma_start3A_29 = tpu.memref_slice %arg2[%dma_start3A_27, %dma_start3A_28] : memref<1000000x32xf32, #tpu.memory_space<hbm>> -> memref<1000000x32xf32, #tpu.memory_space<hbm>>
    tpu.enqueue_indirect_dma source(%dma_start3A_29 : memref<1000000x32xf32, #tpu.memory_space<hbm>>) target(%dma_start3A_23 : memref<128x32xf32, #tpu.memory_space<vmem>>) offsets(%dma_start3A_26 : memref<128xi32, #tpu.memory_space<vmem>>) semaphore(%arg12 : memref<!tpu.dma_semaphore, #tpu.memory_space<semaphore_mem>>)
    %dma_start3A_30 = arith.constant 3 : i32
    %dma_start3A_31 = arith.constant 384 : i32
    %dma_start3A_32 = arith.constant 0 : i32
    %dma_start3A_33 = tpu.memref_slice %arg6[%dma_start3A_31, %dma_start3A_32] : memref<512x32xf32, #tpu.memory_space<vmem>> -> memref<128x32xf32, #tpu.memory_space<vmem>>
    %dma_start3A_34 = arith.constant 0 : i32
    %dma_start3A_35 = tpu.memref_slice %arg5[%dma_start3A_30, %dma_start3A_34] : memref<80x128xi32, #tpu.memory_space<vmem>> -> memref<1x128xi32, #tpu.memory_space<vmem>>
    %dma_start3A_36 = tpu.memref_squeeze %dma_start3A_35 : memref<1x128xi32, #tpu.memory_space<vmem>> -> memref<128xi32, #tpu.memory_space<vmem>>
    %dma_start3A_37 = arith.constant 0 : i32
    %dma_start3A_38 = arith.constant 0 : i32
    %dma_start3A_39 = tpu.memref_slice %arg2[%dma_start3A_37, %dma_start3A_38] : memref<1000000x32xf32, #tpu.memory_space<hbm>> -> memref<1000000x32xf32, #tpu.memory_space<hbm>>
    tpu.enqueue_indirect_dma source(%dma_start3A_39 : memref<1000000x32xf32, #tpu.memory_space<hbm>>) target(%dma_start3A_33 : memref<128x32xf32, #tpu.memory_space<vmem>>) offsets(%dma_start3A_36 : memref<128xi32, #tpu.memory_space<vmem>>) semaphore(%arg12 : memref<!tpu.dma_semaphore, #tpu.memory_space<semaphore_mem>>)
    %dma_start3A_40 = arith.constant 4 : i32
    %dma_start3A_41 = arith.constant 0 : i32
    %dma_start3A_42 = arith.constant 0 : i32
    %dma_start3A_43 = tpu.memref_slice %arg7[%dma_start3A_41, %dma_start3A_42] : memref<512x32xf32, #tpu.memory_space<vmem>> -> memref<128x32xf32, #tpu.memory_space<vmem>>
    %dma_start3A_44 = arith.constant 0 : i32
    %dma_start3A_45 = tpu.memref_slice %arg5[%dma_start3A_40, %dma_start3A_44] : memref<80x128xi32, #tpu.memory_space<vmem>> -> memref<1x128xi32, #tpu.memory_space<vmem>>
    %dma_start3A_46 = tpu.memref_squeeze %dma_start3A_45 : memref<1x128xi32, #tpu.memory_space<vmem>> -> memref<128xi32, #tpu.memory_space<vmem>>
    %dma_start3A_47 = arith.constant 0 : i32
    %dma_start3A_48 = arith.constant 0 : i32
    %dma_start3A_49 = tpu.memref_slice %arg2[%dma_start3A_47, %dma_start3A_48] : memref<1000000x32xf32, #tpu.memory_space<hbm>> -> memref<1000000x32xf32, #tpu.memory_space<hbm>>
    tpu.enqueue_indirect_dma source(%dma_start3A_49 : memref<1000000x32xf32, #tpu.memory_space<hbm>>) target(%dma_start3A_43 : memref<128x32xf32, #tpu.memory_space<vmem>>) offsets(%dma_start3A_46 : memref<128xi32, #tpu.memory_space<vmem>>) semaphore(%arg12 : memref<!tpu.dma_semaphore, #tpu.memory_space<semaphore_mem>>)
    %dma_start3A_50 = arith.constant 5 : i32
    %dma_start3A_51 = arith.constant 128 : i32
    %dma_start3A_52 = arith.constant 0 : i32
    %dma_start3A_53 = tpu.memref_slice %arg7[%dma_start3A_51, %dma_start3A_52] : memref<512x32xf32, #tpu.memory_space<vmem>> -> memref<128x32xf32, #tpu.memory_space<vmem>>
    %dma_start3A_54 = arith.constant 0 : i32
    %dma_start3A_55 = tpu.memref_slice %arg5[%dma_start3A_50, %dma_start3A_54] : memref<80x128xi32, #tpu.memory_space<vmem>> -> memref<1x128xi32, #tpu.memory_space<vmem>>
    %dma_start3A_56 = tpu.memref_squeeze %dma_start3A_55 : memref<1x128xi32, #tpu.memory_space<vmem>> -> memref<128xi32, #tpu.memory_space<vmem>>
    %dma_start3A_57 = arith.constant 0 : i32
    %dma_start3A_58 = arith.constant 0 : i32
    %dma_start3A_59 = tpu.memref_slice %arg2[%dma_start3A_57, %dma_start3A_58] : memref<1000000x32xf32, #tpu.memory_space<hbm>> -> memref<1000000x32xf32, #tpu.memory_space<hbm>>
    tpu.enqueue_indirect_dma source(%dma_start3A_59 : memref<1000000x32xf32, #tpu.memory_space<hbm>>) target(%dma_start3A_53 : memref<128x32xf32, #tpu.memory_space<vmem>>) offsets(%dma_start3A_56 : memref<128xi32, #tpu.memory_space<vmem>>) semaphore(%arg12 : memref<!tpu.dma_semaphore, #tpu.memory_space<semaphore_mem>>)
    %dma_start3A_60 = arith.constant 6 : i32
    %dma_start3A_61 = arith.constant 256 : i32
    %dma_start3A_62 = arith.constant 0 : i32
    %dma_start3A_63 = tpu.memref_slice %arg7[%dma_start3A_61, %dma_start3A_62] : memref<512x32xf32, #tpu.memory_space<vmem>> -> memref<128x32xf32, #tpu.memory_space<vmem>>
    %dma_start3A_64 = arith.constant 0 : i32
    %dma_start3A_65 = tpu.memref_slice %arg5[%dma_start3A_60, %dma_start3A_64] : memref<80x128xi32, #tpu.memory_space<vmem>> -> memref<1x128xi32, #tpu.memory_space<vmem>>
    %dma_start3A_66 = tpu.memref_squeeze %dma_start3A_65 : memref<1x128xi32, #tpu.memory_space<vmem>> -> memref<128xi32, #tpu.memory_space<vmem>>
    %dma_start3A_67 = arith.constant 0 : i32
    %dma_start3A_68 = arith.constant 0 : i32
    %dma_start3A_69 = tpu.memref_slice %arg2[%dma_start3A_67, %dma_start3A_68] : memref<1000000x32xf32, #tpu.memory_space<hbm>> -> memref<1000000x32xf32, #tpu.memory_space<hbm>>
    tpu.enqueue_indirect_dma source(%dma_start3A_69 : memref<1000000x32xf32, #tpu.memory_space<hbm>>) target(%dma_start3A_63 : memref<128x32xf32, #tpu.memory_space<vmem>>) offsets(%dma_start3A_66 : memref<128xi32, #tpu.memory_space<vmem>>) semaphore(%arg12 : memref<!tpu.dma_semaphore, #tpu.memory_space<semaphore_mem>>)
    %dma_start3A_70 = arith.constant 7 : i32
    %dma_start3A_71 = arith.constant 384 : i32
    %dma_start3A_72 = arith.constant 0 : i32
    %dma_start3A_73 = tpu.memref_slice %arg7[%dma_start3A_71, %dma_start3A_72] : memref<512x32xf32, #tpu.memory_space<vmem>> -> memref<128x32xf32, #tpu.memory_space<vmem>>
    %dma_start3A_74 = arith.constant 0 : i32
    %dma_start3A_75 = tpu.memref_slice %arg5[%dma_start3A_70, %dma_start3A_74] : memref<80x128xi32, #tpu.memory_space<vmem>> -> memref<1x128xi32, #tpu.memory_space<vmem>>
    %dma_start3A_76 = tpu.memref_squeeze %dma_start3A_75 : memref<1x128xi32, #tpu.memory_space<vmem>> -> memref<128xi32, #tpu.memory_space<vmem>>
    %dma_start3A_77 = arith.constant 0 : i32
    %dma_start3A_78 = arith.constant 0 : i32
    %dma_start3A_79 = tpu.memref_slice %arg2[%dma_start3A_77, %dma_start3A_78] : memref<1000000x32xf32, #tpu.memory_space<hbm>> -> memref<1000000x32xf32, #tpu.memory_space<hbm>>
    tpu.enqueue_indirect_dma source(%dma_start3A_79 : memref<1000000x32xf32, #tpu.memory_space<hbm>>) target(%dma_start3A_73 : memref<128x32xf32, #tpu.memory_space<vmem>>) offsets(%dma_start3A_76 : memref<128xi32, #tpu.memory_space<vmem>>) semaphore(%arg12 : memref<!tpu.dma_semaphore, #tpu.memory_space<semaphore_mem>>)
    %dma_start3A_80 = arith.constant 8 : i32
    %dma_start3A_81 = arith.constant 0 : i32
    %dma_start3A_82 = arith.constant 0 : i32
    %dma_start3A_83 = tpu.memref_slice %arg8[%dma_start3A_81, %dma_start3A_82] : memref<512x32xf32, #tpu.memory_space<vmem>> -> memref<128x32xf32, #tpu.memory_space<vmem>>
    %dma_start3A_84 = arith.constant 0 : i32
    %dma_start3A_85 = tpu.memref_slice %arg5[%dma_start3A_80, %dma_start3A_84] : memref<80x128xi32, #tpu.memory_space<vmem>> -> memref<1x128xi32, #tpu.memory_space<vmem>>
    %dma_start3A_86 = tpu.memref_squeeze %dma_start3A_85 : memref<1x128xi32, #tpu.memory_space<vmem>> -> memref<128xi32, #tpu.memory_space<vmem>>
    %dma_start3A_87 = arith.constant 0 : i32
    %dma_start3A_88 = arith.constant 0 : i32
    %dma_start3A_89 = tpu.memref_slice %arg2[%dma_start3A_87, %dma_start3A_88] : memref<1000000x32xf32, #tpu.memory_space<hbm>> -> memref<1000000x32xf32, #tpu.memory_space<hbm>>
    tpu.enqueue_indirect_dma source(%dma_start3A_89 : memref<1000000x32xf32, #tpu.memory_space<hbm>>) target(%dma_start3A_83 : memref<128x32xf32, #tpu.memory_space<vmem>>) offsets(%dma_start3A_86 : memref<128xi32, #tpu.memory_space<vmem>>) semaphore(%arg12 : memref<!tpu.dma_semaphore, #tpu.memory_space<semaphore_mem>>)
    %dma_start3A_90 = arith.constant 9 : i32
    %dma_start3A_91 = arith.constant 128 : i32
    %dma_start3A_92 = arith.constant 0 : i32
    %dma_start3A_93 = tpu.memref_slice %arg8[%dma_start3A_91, %dma_start3A_92] : memref<512x32xf32, #tpu.memory_space<vmem>> -> memref<128x32xf32, #tpu.memory_space<vmem>>
    %dma_start3A_94 = arith.constant 0 : i32
    %dma_start3A_95 = tpu.memref_slice %arg5[%dma_start3A_90, %dma_start3A_94] : memref<80x128xi32, #tpu.memory_space<vmem>> -> memref<1x128xi32, #tpu.memory_space<vmem>>
    %dma_start3A_96 = tpu.memref_squeeze %dma_start3A_95 : memref<1x128xi32, #tpu.memory_space<vmem>> -> memref<128xi32, #tpu.memory_space<vmem>>
    %dma_start3A_97 = arith.constant 0 : i32
    %dma_start3A_98 = arith.constant 0 : i32
    %dma_start3A_99 = tpu.memref_slice %arg2[%dma_start3A_97, %dma_start3A_98] : memref<1000000x32xf32, #tpu.memory_space<hbm>> -> memref<1000000x32xf32, #tpu.memory_space<hbm>>
    tpu.enqueue_indirect_dma source(%dma_start3A_99 : memref<1000000x32xf32, #tpu.memory_space<hbm>>) target(%dma_start3A_93 : memref<128x32xf32, #tpu.memory_space<vmem>>) offsets(%dma_start3A_96 : memref<128xi32, #tpu.memory_space<vmem>>) semaphore(%arg12 : memref<!tpu.dma_semaphore, #tpu.memory_space<semaphore_mem>>)
    %dma_start3A_100 = arith.constant 10 : i32
    %dma_start3A_101 = arith.constant 256 : i32
    %dma_start3A_102 = arith.constant 0 : i32
    %dma_start3A_103 = tpu.memref_slice %arg8[%dma_start3A_101, %dma_start3A_102] : memref<512x32xf32, #tpu.memory_space<vmem>> -> memref<128x32xf32, #tpu.memory_space<vmem>>
    %dma_start3A_104 = arith.constant 0 : i32
    %dma_start3A_105 = tpu.memref_slice %arg5[%dma_start3A_100, %dma_start3A_104] : memref<80x128xi32, #tpu.memory_space<vmem>> -> memref<1x128xi32, #tpu.memory_space<vmem>>
    %dma_start3A_106 = tpu.memref_squeeze %dma_start3A_105 : memref<1x128xi32, #tpu.memory_space<vmem>> -> memref<128xi32, #tpu.memory_space<vmem>>
    %dma_start3A_107 = arith.constant 0 : i32
    %dma_start3A_108 = arith.constant 0 : i32
    %dma_start3A_109 = tpu.memref_slice %arg2[%dma_start3A_107, %dma_start3A_108] : memref<1000000x32xf32, #tpu.memory_space<hbm>> -> memref<1000000x32xf32, #tpu.memory_space<hbm>>
    tpu.enqueue_indirect_dma source(%dma_start3A_109 : memref<1000000x32xf32, #tpu.memory_space<hbm>>) target(%dma_start3A_103 : memref<128x32xf32, #tpu.memory_space<vmem>>) offsets(%dma_start3A_106 : memref<128xi32, #tpu.memory_space<vmem>>) semaphore(%arg12 : memref<!tpu.dma_semaphore, #tpu.memory_space<semaphore_mem>>)
    %dma_start3A_110 = arith.constant 11 : i32
    %dma_start3A_111 = arith.constant 384 : i32
    %dma_start3A_112 = arith.constant 0 : i32
    %dma_start3A_113 = tpu.memref_slice %arg8[%dma_start3A_111, %dma_start3A_112] : memref<512x32xf32, #tpu.memory_space<vmem>> -> memref<128x32xf32, #tpu.memory_space<vmem>>
    %dma_start3A_114 = arith.constant 0 : i32
    %dma_start3A_115 = tpu.memref_slice %arg5[%dma_start3A_110, %dma_start3A_114] : memref<80x128xi32, #tpu.memory_space<vmem>> -> memref<1x128xi32, #tpu.memory_space<vmem>>
    %dma_start3A_116 = tpu.memref_squeeze %dma_start3A_115 : memref<1x128xi32, #tpu.memory_space<vmem>> -> memref<128xi32, #tpu.memory_space<vmem>>
    %dma_start3A_117 = arith.constant 0 : i32
    %dma_start3A_118 = arith.constant 0 : i32
    %dma_start3A_119 = tpu.memref_slice %arg2[%dma_start3A_117, %dma_start3A_118] : memref<1000000x32xf32, #tpu.memory_space<hbm>> -> memref<1000000x32xf32, #tpu.memory_space<hbm>>
    tpu.enqueue_indirect_dma source(%dma_start3A_119 : memref<1000000x32xf32, #tpu.memory_space<hbm>>) target(%dma_start3A_113 : memref<128x32xf32, #tpu.memory_space<vmem>>) offsets(%dma_start3A_116 : memref<128xi32, #tpu.memory_space<vmem>>) semaphore(%arg12 : memref<!tpu.dma_semaphore, #tpu.memory_space<semaphore_mem>>)
    %scan3A = arith.constant 0 : i32
    %scan3A_120 = arith.constant 0 : i32
    %scan3A_121 = arith.constant 5 : i32
    %scan3A_122 = arith.addi %scan3A_120, %scan3A_121 : i32
    %scan3A_123 = arith.constant 1 : i32
    scf.for %scan3A_220 = %scan3A_120 to %scan3A_122 step %scan3A_123  : i32 {
      %mul3A_221 = arith.constant 4 : i32
      %mul3A_222 = arith.muli %mul3A_221, %scan3A_220 : i32
      %add3A_223 = arith.constant 0 : i32
      %add3A_224 = arith.addi %mul3A_222, %add3A_223 : i32
      %mul3A_225 = arith.constant 4 : i32
      %mul3A_226 = arith.muli %add3A_224, %mul3A_225 : i32
      %add3A_227 = arith.constant 0 : i32
      %add3A_228 = arith.addi %mul3A_226, %add3A_227 : i32
      %dma_wait3A_229 = arith.constant 0 : i32
      %dma_wait3A_230 = arith.constant 0 : i32
      %dma_wait3A_231 = tpu.memref_slice %arg6[%dma_wait3A_229, %dma_wait3A_230] : memref<512x32xf32, #tpu.memory_space<vmem>> -> memref<128x32xf32, #tpu.memory_space<vmem>>
      %dma_wait3A_232 = arith.constant 0 : i32
      %dma_wait3A_233 = tpu.memref_slice %arg5[%add3A_228, %dma_wait3A_232] : memref<80x128xi32, #tpu.memory_space<vmem>> -> memref<1x128xi32, #tpu.memory_space<vmem>>
      %dma_wait3A_234 = tpu.memref_squeeze %dma_wait3A_233 : memref<1x128xi32, #tpu.memory_space<vmem>> -> memref<128xi32, #tpu.memory_space<vmem>>
      %dma_wait3A_235 = arith.constant 0 : i32
      %dma_wait3A_236 = arith.constant 0 : i32
      %dma_wait3A_237 = tpu.memref_slice %arg2[%dma_wait3A_235, %dma_wait3A_236] : memref<1000000x32xf32, #tpu.memory_space<hbm>> -> memref<1000000x32xf32, #tpu.memory_space<hbm>>
      tpu.wait_indirect_dma semaphore(%arg12 : memref<!tpu.dma_semaphore, #tpu.memory_space<semaphore_mem>>) src(%dma_wait3A_237 : memref<1000000x32xf32, #tpu.memory_space<hbm>>) dst(%dma_wait3A_231 : memref<128x32xf32, #tpu.memory_space<vmem>>)
      %mul3A_238 = arith.constant 4 : i32
      %mul3A_239 = arith.muli %add3A_224, %mul3A_238 : i32
      %add3A_240 = arith.constant 1 : i32
      %add3A_241 = arith.addi %mul3A_239, %add3A_240 : i32
      %dma_wait3A_242 = arith.constant 128 : i32
      %dma_wait3A_243 = arith.constant 0 : i32
      %dma_wait3A_244 = tpu.memref_slice %arg6[%dma_wait3A_242, %dma_wait3A_243] : memref<512x32xf32, #tpu.memory_space<vmem>> -> memref<128x32xf32, #tpu.memory_space<vmem>>
      %dma_wait3A_245 = arith.constant 0 : i32
      %dma_wait3A_246 = tpu.memref_slice %arg5[%add3A_241, %dma_wait3A_245] : memref<80x128xi32, #tpu.memory_space<vmem>> -> memref<1x128xi32, #tpu.memory_space<vmem>>
      %dma_wait3A_247 = tpu.memref_squeeze %dma_wait3A_246 : memref<1x128xi32, #tpu.memory_space<vmem>> -> memref<128xi32, #tpu.memory_space<vmem>>
      %dma_wait3A_248 = arith.constant 0 : i32
      %dma_wait3A_249 = arith.constant 0 : i32
      %dma_wait3A_250 = tpu.memref_slice %arg2[%dma_wait3A_248, %dma_wait3A_249] : memref<1000000x32xf32, #tpu.memory_space<hbm>> -> memref<1000000x32xf32, #tpu.memory_space<hbm>>
      tpu.wait_indirect_dma semaphore(%arg12 : memref<!tpu.dma_semaphore, #tpu.memory_space<semaphore_mem>>) src(%dma_wait3A_250 : memref<1000000x32xf32, #tpu.memory_space<hbm>>) dst(%dma_wait3A_244 : memref<128x32xf32, #tpu.memory_space<vmem>>)
      %mul3A_251 = arith.constant 4 : i32
      %mul3A_252 = arith.muli %add3A_224, %mul3A_251 : i32
      %add3A_253 = arith.constant 2 : i32
      %add3A_254 = arith.addi %mul3A_252, %add3A_253 : i32
      %dma_wait3A_255 = arith.constant 256 : i32
      %dma_wait3A_256 = arith.constant 0 : i32
      %dma_wait3A_257 = tpu.memref_slice %arg6[%dma_wait3A_255, %dma_wait3A_256] : memref<512x32xf32, #tpu.memory_space<vmem>> -> memref<128x32xf32, #tpu.memory_space<vmem>>
      %dma_wait3A_258 = arith.constant 0 : i32
      %dma_wait3A_259 = tpu.memref_slice %arg5[%add3A_254, %dma_wait3A_258] : memref<80x128xi32, #tpu.memory_space<vmem>> -> memref<1x128xi32, #tpu.memory_space<vmem>>
      %dma_wait3A_260 = tpu.memref_squeeze %dma_wait3A_259 : memref<1x128xi32, #tpu.memory_space<vmem>> -> memref<128xi32, #tpu.memory_space<vmem>>
      %dma_wait3A_261 = arith.constant 0 : i32
      %dma_wait3A_262 = arith.constant 0 : i32
      %dma_wait3A_263 = tpu.memref_slice %arg2[%dma_wait3A_261, %dma_wait3A_262] : memref<1000000x32xf32, #tpu.memory_space<hbm>> -> memref<1000000x32xf32, #tpu.memory_space<hbm>>
      tpu.wait_indirect_dma semaphore(%arg12 : memref<!tpu.dma_semaphore, #tpu.memory_space<semaphore_mem>>) src(%dma_wait3A_263 : memref<1000000x32xf32, #tpu.memory_space<hbm>>) dst(%dma_wait3A_257 : memref<128x32xf32, #tpu.memory_space<vmem>>)
      %mul3A_264 = arith.constant 4 : i32
      %mul3A_265 = arith.muli %add3A_224, %mul3A_264 : i32
      %add3A_266 = arith.constant 3 : i32
      %add3A_267 = arith.addi %mul3A_265, %add3A_266 : i32
      %dma_wait3A_268 = arith.constant 384 : i32
      %dma_wait3A_269 = arith.constant 0 : i32
      %dma_wait3A_270 = tpu.memref_slice %arg6[%dma_wait3A_268, %dma_wait3A_269] : memref<512x32xf32, #tpu.memory_space<vmem>> -> memref<128x32xf32, #tpu.memory_space<vmem>>
      %dma_wait3A_271 = arith.constant 0 : i32
      %dma_wait3A_272 = tpu.memref_slice %arg5[%add3A_267, %dma_wait3A_271] : memref<80x128xi32, #tpu.memory_space<vmem>> -> memref<1x128xi32, #tpu.memory_space<vmem>>
      %dma_wait3A_273 = tpu.memref_squeeze %dma_wait3A_272 : memref<1x128xi32, #tpu.memory_space<vmem>> -> memref<128xi32, #tpu.memory_space<vmem>>
      %dma_wait3A_274 = arith.constant 0 : i32
      %dma_wait3A_275 = arith.constant 0 : i32
      %dma_wait3A_276 = tpu.memref_slice %arg2[%dma_wait3A_274, %dma_wait3A_275] : memref<1000000x32xf32, #tpu.memory_space<hbm>> -> memref<1000000x32xf32, #tpu.memory_space<hbm>>
      tpu.wait_indirect_dma semaphore(%arg12 : memref<!tpu.dma_semaphore, #tpu.memory_space<semaphore_mem>>) src(%dma_wait3A_276 : memref<1000000x32xf32, #tpu.memory_space<hbm>>) dst(%dma_wait3A_270 : memref<128x32xf32, #tpu.memory_space<vmem>>)
      %ge3A = arith.constant 2 : i32
      %ge3A_277 = arith.cmpi sge, %add3A_224, %ge3A : i32
      %convert_element_type3A = arith.extui %ge3A_277 : i1 to i32
      %cond3A = arith.constant 0 : i32
      %cond3A_278 = arith.cmpi ne, %convert_element_type3A, %cond3A : i32
      scf.if %cond3A_278 {
        %mul3A_689 = arith.constant 4096 : i32
        %mul3A_690 = arith.muli %add3A, %mul3A_689 : i32
        %dma_wait3A_691 = arith.constant 0 : i32
        %dma_wait3A_692 = arith.constant 0 : i32
        %dma_wait3A_693 = arith.constant 0 : i32
        %dma_wait3A_694 = tpu.memref_slice %arg10[%dma_wait3A_693] : memref<16384xf32, #tpu.memory_space<vmem>> -> memref<4096xf32, #tpu.memory_space<vmem>>
        %dma_wait3A_695 = tpu.memref_slice %arg4[%dma_wait3A_691, %dma_wait3A_692, %mul3A_690] : memref<20x4x131072xf32, #tpu.memory_space<hbm>> -> memref<1x1x4096xf32, #tpu.memory_space<hbm>>
        %dma_wait3A_696 = tpu.memref_squeeze %dma_wait3A_695 : memref<1x1x4096xf32, #tpu.memory_space<hbm>> -> memref<4096xf32, #tpu.memory_space<hbm>>
        %dma_wait3A_697 = tpu.memref_slice %arg4[%dma_wait3A_691, %dma_wait3A_692, %mul3A_690] : memref<20x4x131072xf32, #tpu.memory_space<hbm>> -> memref<1x1x4096xf32, #tpu.memory_space<hbm>>
        %dma_wait3A_698 = tpu.memref_squeeze %dma_wait3A_697 : memref<1x1x4096xf32, #tpu.memory_space<hbm>> -> memref<4096xf32, #tpu.memory_space<hbm>>
        %dma_wait3A_699 = arith.constant 0 : i32
        %dma_wait3A_700 = tpu.memref_slice %arg10[%dma_wait3A_699] : memref<16384xf32, #tpu.memory_space<vmem>> -> memref<4096xf32, #tpu.memory_space<vmem>>
        tpu.wait_dma2 semaphore(%arg13 : memref<!tpu.dma_semaphore, #tpu.memory_space<semaphore_mem>>) src(%dma_wait3A_700 : memref<4096xf32, #tpu.memory_space<vmem>>) dst(%dma_wait3A_698 : memref<4096xf32, #tpu.memory_space<hbm>>)
        %mul3A_701 = arith.constant 4096 : i32
        %mul3A_702 = arith.muli %add3A, %mul3A_701 : i32
        %dma_wait3A_703 = arith.constant 0 : i32
        %dma_wait3A_704 = arith.constant 1 : i32
        %dma_wait3A_705 = arith.constant 4096 : i32
        %dma_wait3A_706 = tpu.memref_slice %arg10[%dma_wait3A_705] : memref<16384xf32, #tpu.memory_space<vmem>> -> memref<4096xf32, #tpu.memory_space<vmem>>
        %dma_wait3A_707 = tpu.memref_slice %arg4[%dma_wait3A_703, %dma_wait3A_704, %mul3A_702] : memref<20x4x131072xf32, #tpu.memory_space<hbm>> -> memref<1x1x4096xf32, #tpu.memory_space<hbm>>
        %dma_wait3A_708 = tpu.memref_squeeze %dma_wait3A_707 : memref<1x1x4096xf32, #tpu.memory_space<hbm>> -> memref<4096xf32, #tpu.memory_space<hbm>>
        %dma_wait3A_709 = tpu.memref_slice %arg4[%dma_wait3A_703, %dma_wait3A_704, %mul3A_702] : memref<20x4x131072xf32, #tpu.memory_space<hbm>> -> memref<1x1x4096xf32, #tpu.memory_space<hbm>>
        %dma_wait3A_710 = tpu.memref_squeeze %dma_wait3A_709 : memref<1x1x4096xf32, #tpu.memory_space<hbm>> -> memref<4096xf32, #tpu.memory_space<hbm>>
        %dma_wait3A_711 = arith.constant 4096 : i32
        %dma_wait3A_712 = tpu.memref_slice %arg10[%dma_wait3A_711] : memref<16384xf32, #tpu.memory_space<vmem>> -> memref<4096xf32, #tpu.memory_space<vmem>>
        tpu.wait_dma2 semaphore(%arg13 : memref<!tpu.dma_semaphore, #tpu.memory_space<semaphore_mem>>) src(%dma_wait3A_712 : memref<4096xf32, #tpu.memory_space<vmem>>) dst(%dma_wait3A_710 : memref<4096xf32, #tpu.memory_space<hbm>>)
        %mul3A_713 = arith.constant 4096 : i32
        %mul3A_714 = arith.muli %add3A, %mul3A_713 : i32
        %dma_wait3A_715 = arith.constant 0 : i32
        %dma_wait3A_716 = arith.constant 2 : i32
        %dma_wait3A_717 = arith.constant 8192 : i32
        %dma_wait3A_718 = tpu.memref_slice %arg10[%dma_wait3A_717] : memref<16384xf32, #tpu.memory_space<vmem>> -> memref<4096xf32, #tpu.memory_space<vmem>>
        %dma_wait3A_719 = tpu.memref_slice %arg4[%dma_wait3A_715, %dma_wait3A_716, %mul3A_714] : memref<20x4x131072xf32, #tpu.memory_space<hbm>> -> memref<1x1x4096xf32, #tpu.memory_space<hbm>>
        %dma_wait3A_720 = tpu.memref_squeeze %dma_wait3A_719 : memref<1x1x4096xf32, #tpu.memory_space<hbm>> -> memref<4096xf32, #tpu.memory_space<hbm>>
        %dma_wait3A_721 = tpu.memref_slice %arg4[%dma_wait3A_715, %dma_wait3A_716, %mul3A_714] : memref<20x4x131072xf32, #tpu.memory_space<hbm>> -> memref<1x1x4096xf32, #tpu.memory_space<hbm>>
        %dma_wait3A_722 = tpu.memref_squeeze %dma_wait3A_721 : memref<1x1x4096xf32, #tpu.memory_space<hbm>> -> memref<4096xf32, #tpu.memory_space<hbm>>
        %dma_wait3A_723 = arith.constant 8192 : i32
        %dma_wait3A_724 = tpu.memref_slice %arg10[%dma_wait3A_723] : memref<16384xf32, #tpu.memory_space<vmem>> -> memref<4096xf32, #tpu.memory_space<vmem>>
        tpu.wait_dma2 semaphore(%arg13 : memref<!tpu.dma_semaphore, #tpu.memory_space<semaphore_mem>>) src(%dma_wait3A_724 : memref<4096xf32, #tpu.memory_space<vmem>>) dst(%dma_wait3A_722 : memref<4096xf32, #tpu.memory_space<hbm>>)
        %mul3A_725 = arith.constant 4096 : i32
        %mul3A_726 = arith.muli %add3A, %mul3A_725 : i32
        %dma_wait3A_727 = arith.constant 0 : i32
        %dma_wait3A_728 = arith.constant 3 : i32
        %dma_wait3A_729 = arith.constant 12288 : i32
        %dma_wait3A_730 = tpu.memref_slice %arg10[%dma_wait3A_729] : memref<16384xf32, #tpu.memory_space<vmem>> -> memref<4096xf32, #tpu.memory_space<vmem>>
        %dma_wait3A_731 = tpu.memref_slice %arg4[%dma_wait3A_727, %dma_wait3A_728, %mul3A_726] : memref<20x4x131072xf32, #tpu.memory_space<hbm>> -> memref<1x1x4096xf32, #tpu.memory_space<hbm>>
        %dma_wait3A_732 = tpu.memref_squeeze %dma_wait3A_731 : memref<1x1x4096xf32, #tpu.memory_space<hbm>> -> memref<4096xf32, #tpu.memory_space<hbm>>
        %dma_wait3A_733 = tpu.memref_slice %arg4[%dma_wait3A_727, %dma_wait3A_728, %mul3A_726] : memref<20x4x131072xf32, #tpu.memory_space<hbm>> -> memref<1x1x4096xf32, #tpu.memory_space<hbm>>
        %dma_wait3A_734 = tpu.memref_squeeze %dma_wait3A_733 : memref<1x1x4096xf32, #tpu.memory_space<hbm>> -> memref<4096xf32, #tpu.memory_space<hbm>>
        %dma_wait3A_735 = arith.constant 12288 : i32
        %dma_wait3A_736 = tpu.memref_slice %arg10[%dma_wait3A_735] : memref<16384xf32, #tpu.memory_space<vmem>> -> memref<4096xf32, #tpu.memory_space<vmem>>
        tpu.wait_dma2 semaphore(%arg13 : memref<!tpu.dma_semaphore, #tpu.memory_space<semaphore_mem>>) src(%dma_wait3A_736 : memref<4096xf32, #tpu.memory_space<vmem>>) dst(%dma_wait3A_734 : memref<4096xf32, #tpu.memory_space<hbm>>)
      } else {
      }
      %scan3A_279 = arith.constant 0 : i32
      %scan3A_280 = arith.constant 0 : i32
      %scan3A_281 = arith.constant 16 : i32
      %scan3A_282 = arith.addi %scan3A_280, %scan3A_281 : i32
      %scan3A_283 = arith.constant 1 : i32
      scf.for %scan3A_689 = %scan3A_280 to %scan3A_282 step %scan3A_283  : i32 {
        %jit3A = arith.constant 4 : i32
        %div3A = arith.divsi %scan3A_689, %jit3A : i32
        %sign3A = arith.constant 0 : i32
        %sign3A_690 = arith.cmpi sgt, %scan3A_689, %sign3A : i32
        %sign3A_691 = arith.extui %sign3A_690 : i1 to i32
        %sign3A_692 = arith.constant 0 : i32
        %sign3A_693 = arith.cmpi slt, %scan3A_689, %sign3A_692 : i32
        %sign3A_694 = arith.extui %sign3A_693 : i1 to i32
        %sign3A_695 = arith.subi %sign3A_691, %sign3A_694 : i32
        %sign3A_696 = arith.constant 0 : i32
        %sign3A_697 = arith.cmpi sgt, %jit3A, %sign3A_696 : i32
        %sign3A_698 = arith.extui %sign3A_697 : i1 to i32
        %sign3A_699 = arith.constant 0 : i32
        %sign3A_700 = arith.cmpi slt, %jit3A, %sign3A_699 : i32
        %sign3A_701 = arith.extui %sign3A_700 : i1 to i32
        %sign3A_702 = arith.subi %sign3A_698, %sign3A_701 : i32
        %ne3A = arith.cmpi ne, %sign3A_695, %sign3A_702 : i32
        %rem3A = arith.remsi %scan3A_689, %jit3A : i32
        %ne3A_703 = arith.constant 0 : i32
        %ne3A_704 = arith.cmpi ne, %rem3A, %ne3A_703 : i32
        %and3A = arith.andi %ne3A, %ne3A_704 : i1
        %sub3A = arith.constant 1 : i32
        %sub3A_705 = arith.subi %div3A, %sub3A : i32
        %select_n3A = arith.select %and3A, %sub3A_705, %div3A : i32
        %rem3A_706 = arith.constant 4 : i32
        %rem3A_707 = arith.remsi %scan3A_689, %rem3A_706 : i32
        %mul3A_708 = arith.constant 128 : i32
        %mul3A_709 = arith.muli %rem3A_707, %mul3A_708 : i32
        %add3A_710 = arith.constant 0 : i32
        %add3A_711 = arith.addi %mul3A_709, %add3A_710 : i32
        %add3A_712 = vector.broadcast %add3A_711 : i32 to vector<16xi32>
        %add3A_713 = arith.addi %iota3A, %add3A_712 : vector<16xi32>
        %mul3A_714 = arith.constant 128 : i32
        %mul3A_715 = arith.muli %rem3A_707, %mul3A_714 : i32
        %add3A_716 = arith.constant 16 : i32
        %add3A_717 = arith.addi %mul3A_715, %add3A_716 : i32
        %add3A_718 = vector.broadcast %add3A_717 : i32 to vector<16xi32>
        %add3A_719 = arith.addi %iota3A, %add3A_718 : vector<16xi32>
        %mul3A_720 = arith.constant 128 : i32
        %mul3A_721 = arith.muli %rem3A_707, %mul3A_720 : i32
        %add3A_722 = arith.constant 32 : i32
        %add3A_723 = arith.addi %mul3A_721, %add3A_722 : i32
        %add3A_724 = vector.broadcast %add3A_723 : i32 to vector<16xi32>
        %add3A_725 = arith.addi %iota3A, %add3A_724 : vector<16xi32>
        %mul3A_726 = arith.constant 128 : i32
        %mul3A_727 = arith.muli %rem3A_707, %mul3A_726 : i32
        %add3A_728 = arith.constant 48 : i32
        %add3A_729 = arith.addi %mul3A_727, %add3A_728 : i32
        %add3A_730 = vector.broadcast %add3A_729 : i32 to vector<16xi32>
        %add3A_731 = arith.addi %iota3A, %add3A_730 : vector<16xi32>
        %mul3A_732 = arith.constant 128 : i32
        %mul3A_733 = arith.muli %rem3A_707, %mul3A_732 : i32
        %add3A_734 = arith.constant 64 : i32
        %add3A_735 = arith.addi %mul3A_733, %add3A_734 : i32
        %add3A_736 = vector.broadcast %add3A_735 : i32 to vector<16xi32>
        %add3A_737 = arith.addi %iota3A, %add3A_736 : vector<16xi32>
        %mul3A_738 = arith.constant 128 : i32
        %mul3A_739 = arith.muli %rem3A_707, %mul3A_738 : i32
        %add3A_740 = arith.constant 80 : i32
        %add3A_741 = arith.addi %mul3A_739, %add3A_740 : i32
        %add3A_742 = vector.broadcast %add3A_741 : i32 to vector<16xi32>
        %add3A_743 = arith.addi %iota3A, %add3A_742 : vector<16xi32>
        %mul3A_744 = arith.constant 128 : i32
        %mul3A_745 = arith.muli %rem3A_707, %mul3A_744 : i32
        %add3A_746 = arith.constant 96 : i32
        %add3A_747 = arith.addi %mul3A_745, %add3A_746 : i32
        %add3A_748 = vector.broadcast %add3A_747 : i32 to vector<16xi32>
        %add3A_749 = arith.addi %iota3A, %add3A_748 : vector<16xi32>
        %mul3A_750 = arith.constant 128 : i32
        %mul3A_751 = arith.muli %rem3A_707, %mul3A_750 : i32
        %add3A_752 = arith.constant 112 : i32
        %add3A_753 = arith.addi %mul3A_751, %add3A_752 : i32
        %add3A_754 = vector.broadcast %add3A_753 : i32 to vector<16xi32>
        %add3A_755 = arith.addi %iota3A, %add3A_754 : vector<16xi32>
        %broadcast_in_dim3A = arith.constant 0 : i32
        %broadcast_in_dim3A_756 = vector.broadcast %broadcast_in_dim3A : i32 to vector<16xi32>
        %mul3A_757 = arith.constant 8 : i32
        %mul3A_758 = arith.muli %select_n3A, %mul3A_757 : i32
        %add3A_759 = arith.constant 0 : i32
        %add3A_760 = arith.addi %mul3A_758, %add3A_759 : i32
        %add3A_761 = arith.constant 0 : i32
        %add3A_762 = arith.addi %add3A_760, %add3A_761 : i32
        %add3A_763 = vector.broadcast %add3A_762 : i32 to vector<16xi32>
        %add3A_764 = arith.addi %broadcast_in_dim3A_756, %add3A_763 : vector<16xi32>
        %broadcast_in_dim3A_765 = arith.constant 0 : i32
        %broadcast_in_dim3A_766 = vector.broadcast %broadcast_in_dim3A_765 : i32 to vector<16xi32>
        %mul3A_767 = arith.constant 8 : i32
        %mul3A_768 = arith.muli %select_n3A, %mul3A_767 : i32
        %add3A_769 = arith.constant 0 : i32
        %add3A_770 = arith.addi %mul3A_768, %add3A_769 : i32
        %add3A_771 = arith.constant 1 : i32
        %add3A_772 = arith.addi %add3A_770, %add3A_771 : i32
        %add3A_773 = vector.broadcast %add3A_772 : i32 to vector<16xi32>
        %add3A_774 = arith.addi %broadcast_in_dim3A_766, %add3A_773 : vector<16xi32>
        %gather3A = tpu.vector_load_idx %arg6[%add3A_713, %add3A_764] : memref<512x32xf32, #tpu.memory_space<vmem>>[vector<16xi32>, vector<16xi32>], vector<16xf32>,
        %gather3A_775 = tpu.vector_load_idx %arg6[%add3A_719, %add3A_764] : memref<512x32xf32, #tpu.memory_space<vmem>>[vector<16xi32>, vector<16xi32>], vector<16xf32>,
        %gather3A_776 = tpu.vector_load_idx %arg6[%add3A_725, %add3A_764] : memref<512x32xf32, #tpu.memory_space<vmem>>[vector<16xi32>, vector<16xi32>], vector<16xf32>,
        %gather3A_777 = tpu.vector_load_idx %arg6[%add3A_731, %add3A_764] : memref<512x32xf32, #tpu.memory_space<vmem>>[vector<16xi32>, vector<16xi32>], vector<16xf32>,
        %gather3A_778 = tpu.vector_load_idx %arg6[%add3A_737, %add3A_764] : memref<512x32xf32, #tpu.memory_space<vmem>>[vector<16xi32>, vector<16xi32>], vector<16xf32>,
        %gather3A_779 = tpu.vector_load_idx %arg6[%add3A_743, %add3A_764] : memref<512x32xf32, #tpu.memory_space<vmem>>[vector<16xi32>, vector<16xi32>], vector<16xf32>,
        %gather3A_780 = tpu.vector_load_idx %arg6[%add3A_749, %add3A_764] : memref<512x32xf32, #tpu.memory_space<vmem>>[vector<16xi32>, vector<16xi32>], vector<16xf32>,
        %gather3A_781 = tpu.vector_load_idx %arg6[%add3A_755, %add3A_764] : memref<512x32xf32, #tpu.memory_space<vmem>>[vector<16xi32>, vector<16xi32>], vector<16xf32>,
        %gather3A_782 = tpu.vector_load_idx %arg6[%add3A_713, %add3A_774] : memref<512x32xf32, #tpu.memory_space<vmem>>[vector<16xi32>, vector<16xi32>], vector<16xf32>,
        %gather3A_783 = tpu.vector_load_idx %arg6[%add3A_719, %add3A_774] : memref<512x32xf32, #tpu.memory_space<vmem>>[vector<16xi32>, vector<16xi32>], vector<16xf32>,
        %gather3A_784 = tpu.vector_load_idx %arg6[%add3A_725, %add3A_774] : memref<512x32xf32, #tpu.memory_space<vmem>>[vector<16xi32>, vector<16xi32>], vector<16xf32>,
        %gather3A_785 = tpu.vector_load_idx %arg6[%add3A_731, %add3A_774] : memref<512x32xf32, #tpu.memory_space<vmem>>[vector<16xi32>, vector<16xi32>], vector<16xf32>,
        %gather3A_786 = tpu.vector_load_idx %arg6[%add3A_737, %add3A_774] : memref<512x32xf32, #tpu.memory_space<vmem>>[vector<16xi32>, vector<16xi32>], vector<16xf32>,
        %gather3A_787 = tpu.vector_load_idx %arg6[%add3A_743, %add3A_774] : memref<512x32xf32, #tpu.memory_space<vmem>>[vector<16xi32>, vector<16xi32>], vector<16xf32>,
        %gather3A_788 = tpu.vector_load_idx %arg6[%add3A_749, %add3A_774] : memref<512x32xf32, #tpu.memory_space<vmem>>[vector<16xi32>, vector<16xi32>], vector<16xf32>,
        %gather3A_789 = tpu.vector_load_idx %arg6[%add3A_755, %add3A_774] : memref<512x32xf32, #tpu.memory_space<vmem>>[vector<16xi32>, vector<16xi32>], vector<16xf32>,
        %mul3A_790 = arith.constant 4096 : i32
        %mul3A_791 = arith.muli %select_n3A, %mul3A_790 : i32
        %mul3A_792 = arith.constant 1024 : i32
        %mul3A_793 = arith.muli %rem3A_707, %mul3A_792 : i32
        %add3A_794 = arith.addi %mul3A_791, %mul3A_793 : i32
        %add3A_795 = arith.constant 0 : i32
        %add3A_796 = arith.addi %add3A_794, %add3A_795 : i32
        %add3A_797 = arith.constant 0 : i32
        %add3A_798 = arith.addi %add3A_796, %add3A_797 : i32
        %swap3A = arith.index_cast %add3A_798 : i32 to index
        %swap3A_799 = tpu.vector_load %arg10[%swap3A] {strides = array<i32>} : memref<16384xf32, #tpu.memory_space<vmem>>, vector<16xf32>,
        tpu.vector_store %arg10[%swap3A], %gather3A {strides = array<i32>} : memref<16384xf32, #tpu.memory_space<vmem>>, vector<16xf32>,
        %mul3A_800 = arith.constant 4096 : i32
        %mul3A_801 = arith.muli %select_n3A, %mul3A_800 : i32
        %mul3A_802 = arith.constant 1024 : i32
        %mul3A_803 = arith.muli %rem3A_707, %mul3A_802 : i32
        %add3A_804 = arith.addi %mul3A_801, %mul3A_803 : i32
        %add3A_805 = arith.constant 0 : i32
        %add3A_806 = arith.addi %add3A_804, %add3A_805 : i32
        %add3A_807 = arith.constant 16 : i32
        %add3A_808 = arith.addi %add3A_806, %add3A_807 : i32
        %swap3A_809 = arith.index_cast %add3A_808 : i32 to index
        %swap3A_810 = tpu.vector_load %arg10[%swap3A_809] {strides = array<i32>} : memref<16384xf32, #tpu.memory_space<vmem>>, vector<16xf32>,
        tpu.vector_store %arg10[%swap3A_809], %gather3A_775 {strides = array<i32>} : memref<16384xf32, #tpu.memory_space<vmem>>, vector<16xf32>,
        %mul3A_811 = arith.constant 4096 : i32
        %mul3A_812 = arith.muli %select_n3A, %mul3A_811 : i32
        %mul3A_813 = arith.constant 1024 : i32
        %mul3A_814 = arith.muli %rem3A_707, %mul3A_813 : i32
        %add3A_815 = arith.addi %mul3A_812, %mul3A_814 : i32
        %add3A_816 = arith.constant 0 : i32
        %add3A_817 = arith.addi %add3A_815, %add3A_816 : i32
        %add3A_818 = arith.constant 32 : i32
        %add3A_819 = arith.addi %add3A_817, %add3A_818 : i32
        %swap3A_820 = arith.index_cast %add3A_819 : i32 to index
        %swap3A_821 = tpu.vector_load %arg10[%swap3A_820] {strides = array<i32>} : memref<16384xf32, #tpu.memory_space<vmem>>, vector<16xf32>,
        tpu.vector_store %arg10[%swap3A_820], %gather3A_776 {strides = array<i32>} : memref<16384xf32, #tpu.memory_space<vmem>>, vector<16xf32>,
        %mul3A_822 = arith.constant 4096 : i32
        %mul3A_823 = arith.muli %select_n3A, %mul3A_822 : i32
        %mul3A_824 = arith.constant 1024 : i32
        %mul3A_825 = arith.muli %rem3A_707, %mul3A_824 : i32
        %add3A_826 = arith.addi %mul3A_823, %mul3A_825 : i32
        %add3A_827 = arith.constant 0 : i32
        %add3A_828 = arith.addi %add3A_826, %add3A_827 : i32
        %add3A_829 = arith.constant 48 : i32
        %add3A_830 = arith.addi %add3A_828, %add3A_829 : i32
        %swap3A_831 = arith.index_cast %add3A_830 : i32 to index
        %swap3A_832 = tpu.vector_load %arg10[%swap3A_831] {strides = array<i32>} : memref<16384xf32, #tpu.memory_space<vmem>>, vector<16xf32>,
        tpu.vector_store %arg10[%swap3A_831], %gather3A_777 {strides = array<i32>} : memref<16384xf32, #tpu.memory_space<vmem>>, vector<16xf32>,
        %mul3A_833 = arith.constant 4096 : i32
        %mul3A_834 = arith.muli %select_n3A, %mul3A_833 : i32
        %mul3A_835 = arith.constant 1024 : i32
        %mul3A_836 = arith.muli %rem3A_707, %mul3A_835 : i32
        %add3A_837 = arith.addi %mul3A_834, %mul3A_836 : i32
        %add3A_838 = arith.constant 0 : i32
        %add3A_839 = arith.addi %add3A_837, %add3A_838 : i32
        %add3A_840 = arith.constant 64 : i32
        %add3A_841 = arith.addi %add3A_839, %add3A_840 : i32
        %swap3A_842 = arith.index_cast %add3A_841 : i32 to index
        %swap3A_843 = tpu.vector_load %arg10[%swap3A_842] {strides = array<i32>} : memref<16384xf32, #tpu.memory_space<vmem>>, vector<16xf32>,
        tpu.vector_store %arg10[%swap3A_842], %gather3A_778 {strides = array<i32>} : memref<16384xf32, #tpu.memory_space<vmem>>, vector<16xf32>,
        %mul3A_844 = arith.constant 4096 : i32
        %mul3A_845 = arith.muli %select_n3A, %mul3A_844 : i32
        %mul3A_846 = arith.constant 1024 : i32
        %mul3A_847 = arith.muli %rem3A_707, %mul3A_846 : i32
        %add3A_848 = arith.addi %mul3A_845, %mul3A_847 : i32
        %add3A_849 = arith.constant 0 : i32
        %add3A_850 = arith.addi %add3A_848, %add3A_849 : i32
        %add3A_851 = arith.constant 80 : i32
        %add3A_852 = arith.addi %add3A_850, %add3A_851 : i32
        %swap3A_853 = arith.index_cast %add3A_852 : i32 to index
        %swap3A_854 = tpu.vector_load %arg10[%swap3A_853] {strides = array<i32>} : memref<16384xf32, #tpu.memory_space<vmem>>, vector<16xf32>,
        tpu.vector_store %arg10[%swap3A_853], %gather3A_779 {strides = array<i32>} : memref<16384xf32, #tpu.memory_space<vmem>>, vector<16xf32>,
        %mul3A_855 = arith.constant 4096 : i32
        %mul3A_856 = arith.muli %select_n3A, %mul3A_855 : i32
        %mul3A_857 = arith.constant 1024 : i32
        %mul3A_858 = arith.muli %rem3A_707, %mul3A_857 : i32
        %add3A_859 = arith.addi %mul3A_856, %mul3A_858 : i32
        %add3A_860 = arith.constant 0 : i32
        %add3A_861 = arith.addi %add3A_859, %add3A_860 : i32
        %add3A_862 = arith.constant 96 : i32
        %add3A_863 = arith.addi %add3A_861, %add3A_862 : i32
        %swap3A_864 = arith.index_cast %add3A_863 : i32 to index
        %swap3A_865 = tpu.vector_load %arg10[%swap3A_864] {strides = array<i32>} : memref<16384xf32, #tpu.memory_space<vmem>>, vector<16xf32>,
        tpu.vector_store %arg10[%swap3A_864], %gather3A_780 {strides = array<i32>} : memref<16384xf32, #tpu.memory_space<vmem>>, vector<16xf32>,
        %mul3A_866 = arith.constant 4096 : i32
        %mul3A_867 = arith.muli %select_n3A, %mul3A_866 : i32
        %mul3A_868 = arith.constant 1024 : i32
        %mul3A_869 = arith.muli %rem3A_707, %mul3A_868 : i32
        %add3A_870 = arith.addi %mul3A_867, %mul3A_869 : i32
        %add3A_871 = arith.constant 0 : i32
        %add3A_872 = arith.addi %add3A_870, %add3A_871 : i32
        %add3A_873 = arith.constant 112 : i32
        %add3A_874 = arith.addi %add3A_872, %add3A_873 : i32
        %swap3A_875 = arith.index_cast %add3A_874 : i32 to index
        %swap3A_876 = tpu.vector_load %arg10[%swap3A_875] {strides = array<i32>} : memref<16384xf32, #tpu.memory_space<vmem>>, vector<16xf32>,
        tpu.vector_store %arg10[%swap3A_875], %gather3A_781 {strides = array<i32>} : memref<16384xf32, #tpu.memory_space<vmem>>, vector<16xf32>,
        %mul3A_877 = arith.constant 4096 : i32
        %mul3A_878 = arith.muli %select_n3A, %mul3A_877 : i32
        %mul3A_879 = arith.constant 1024 : i32
        %mul3A_880 = arith.muli %rem3A_707, %mul3A_879 : i32
        %add3A_881 = arith.addi %mul3A_878, %mul3A_880 : i32
        %add3A_882 = arith.constant 128 : i32
        %add3A_883 = arith.addi %add3A_881, %add3A_882 : i32
        %add3A_884 = arith.constant 0 : i32
        %add3A_885 = arith.addi %add3A_883, %add3A_884 : i32
        %swap3A_886 = arith.index_cast %add3A_885 : i32 to index
        %swap3A_887 = tpu.vector_load %arg10[%swap3A_886] {strides = array<i32>} : memref<16384xf32, #tpu.memory_space<vmem>>, vector<16xf32>,
        tpu.vector_store %arg10[%swap3A_886], %gather3A_782 {strides = array<i32>} : memref<16384xf32, #tpu.memory_space<vmem>>, vector<16xf32>,
        %mul3A_888 = arith.constant 4096 : i32
        %mul3A_889 = arith.muli %select_n3A, %mul3A_888 : i32
        %mul3A_890 = arith.constant 1024 : i32
        %mul3A_891 = arith.muli %rem3A_707, %mul3A_890 : i32
        %add3A_892 = arith.addi %mul3A_889, %mul3A_891 : i32
        %add3A_893 = arith.constant 128 : i32
        %add3A_894 = arith.addi %add3A_892, %add3A_893 : i32
        %add3A_895 = arith.constant 16 : i32
        %add3A_896 = arith.addi %add3A_894, %add3A_895 : i32
        %swap3A_897 = arith.index_cast %add3A_896 : i32 to index
        %swap3A_898 = tpu.vector_load %arg10[%swap3A_897] {strides = array<i32>} : memref<16384xf32, #tpu.memory_space<vmem>>, vector<16xf32>,
        tpu.vector_store %arg10[%swap3A_897], %gather3A_783 {strides = array<i32>} : memref<16384xf32, #tpu.memory_space<vmem>>, vector<16xf32>,
        %mul3A_899 = arith.constant 4096 : i32
        %mul3A_900 = arith.muli %select_n3A, %mul3A_899 : i32
        %mul3A_901 = arith.constant 1024 : i32
        %mul3A_902 = arith.muli %rem3A_707, %mul3A_901 : i32
        %add3A_903 = arith.addi %mul3A_900, %mul3A_902 : i32
        %add3A_904 = arith.constant 128 : i32
        %add3A_905 = arith.addi %add3A_903, %add3A_904 : i32
        %add3A_906 = arith.constant 32 : i32
        %add3A_907 = arith.addi %add3A_905, %add3A_906 : i32
        %swap3A_908 = arith.index_cast %add3A_907 : i32 to index
        %swap3A_909 = tpu.vector_load %arg10[%swap3A_908] {strides = array<i32>} : memref<16384xf32, #tpu.memory_space<vmem>>, vector<16xf32>,
        tpu.vector_store %arg10[%swap3A_908], %gather3A_784 {strides = array<i32>} : memref<16384xf32, #tpu.memory_space<vmem>>, vector<16xf32>,
        %mul3A_910 = arith.constant 4096 : i32
        %mul3A_911 = arith.muli %select_n3A, %mul3A_910 : i32
        %mul3A_912 = arith.constant 1024 : i32
        %mul3A_913 = arith.muli %rem3A_707, %mul3A_912 : i32
        %add3A_914 = arith.addi %mul3A_911, %mul3A_913 : i32
        %add3A_915 = arith.constant 128 : i32
        %add3A_916 = arith.addi %add3A_914, %add3A_915 : i32
        %add3A_917 = arith.constant 48 : i32
        %add3A_918 = arith.addi %add3A_916, %add3A_917 : i32
        %swap3A_919 = arith.index_cast %add3A_918 : i32 to index
        %swap3A_920 = tpu.vector_load %arg10[%swap3A_919] {strides = array<i32>} : memref<16384xf32, #tpu.memory_space<vmem>>, vector<16xf32>,
        tpu.vector_store %arg10[%swap3A_919], %gather3A_785 {strides = array<i32>} : memref<16384xf32, #tpu.memory_space<vmem>>, vector<16xf32>,
        %mul3A_921 = arith.constant 4096 : i32
        %mul3A_922 = arith.muli %select_n3A, %mul3A_921 : i32
        %mul3A_923 = arith.constant 1024 : i32
        %mul3A_924 = arith.muli %rem3A_707, %mul3A_923 : i32
        %add3A_925 = arith.addi %mul3A_922, %mul3A_924 : i32
        %add3A_926 = arith.constant 128 : i32
        %add3A_927 = arith.addi %add3A_925, %add3A_926 : i32
        %add3A_928 = arith.constant 64 : i32
        %add3A_929 = arith.addi %add3A_927, %add3A_928 : i32
        %swap3A_930 = arith.index_cast %add3A_929 : i32 to index
        %swap3A_931 = tpu.vector_load %arg10[%swap3A_930] {strides = array<i32>} : memref<16384xf32, #tpu.memory_space<vmem>>, vector<16xf32>,
        tpu.vector_store %arg10[%swap3A_930], %gather3A_786 {strides = array<i32>} : memref<16384xf32, #tpu.memory_space<vmem>>, vector<16xf32>,
        %mul3A_932 = arith.constant 4096 : i32
        %mul3A_933 = arith.muli %select_n3A, %mul3A_932 : i32
        %mul3A_934 = arith.constant 1024 : i32
        %mul3A_935 = arith.muli %rem3A_707, %mul3A_934 : i32
        %add3A_936 = arith.addi %mul3A_933, %mul3A_935 : i32
        %add3A_937 = arith.constant 128 : i32
        %add3A_938 = arith.addi %add3A_936, %add3A_937 : i32
        %add3A_939 = arith.constant 80 : i32
        %add3A_940 = arith.addi %add3A_938, %add3A_939 : i32
        %swap3A_941 = arith.index_cast %add3A_940 : i32 to index
        %swap3A_942 = tpu.vector_load %arg10[%swap3A_941] {strides = array<i32>} : memref<16384xf32, #tpu.memory_space<vmem>>, vector<16xf32>,
        tpu.vector_store %arg10[%swap3A_941], %gather3A_787 {strides = array<i32>} : memref<16384xf32, #tpu.memory_space<vmem>>, vector<16xf32>,
        %mul3A_943 = arith.constant 4096 : i32
        %mul3A_944 = arith.muli %select_n3A, %mul3A_943 : i32
        %mul3A_945 = arith.constant 1024 : i32
        %mul3A_946 = arith.muli %rem3A_707, %mul3A_945 : i32
        %add3A_947 = arith.addi %mul3A_944, %mul3A_946 : i32
        %add3A_948 = arith.constant 128 : i32
        %add3A_949 = arith.addi %add3A_947, %add3A_948 : i32
        %add3A_950 = arith.constant 96 : i32
        %add3A_951 = arith.addi %add3A_949, %add3A_950 : i32
        %swap3A_952 = arith.index_cast %add3A_951 : i32 to index
        %swap3A_953 = tpu.vector_load %arg10[%swap3A_952] {strides = array<i32>} : memref<16384xf32, #tpu.memory_space<vmem>>, vector<16xf32>,
        tpu.vector_store %arg10[%swap3A_952], %gather3A_788 {strides = array<i32>} : memref<16384xf32, #tpu.memory_space<vmem>>, vector<16xf32>,
        %mul3A_954 = arith.constant 4096 : i32
        %mul3A_955 = arith.muli %select_n3A, %mul3A_954 : i32
        %mul3A_956 = arith.constant 1024 : i32
        %mul3A_957 = arith.muli %rem3A_707, %mul3A_956 : i32
        %add3A_958 = arith.addi %mul3A_955, %mul3A_957 : i32
        %add3A_959 = arith.constant 128 : i32
        %add3A_960 = arith.addi %add3A_958, %add3A_959 : i32
        %add3A_961 = arith.constant 112 : i32
        %add3A_962 = arith.addi %add3A_960, %add3A_961 : i32
        %swap3A_963 = arith.index_cast %add3A_962 : i32 to index
        %swap3A_964 = tpu.vector_load %arg10[%swap3A_963] {strides = array<i32>} : memref<16384xf32, #tpu.memory_space<vmem>>, vector<16xf32>,
        tpu.vector_store %arg10[%swap3A_963], %gather3A_789 {strides = array<i32>} : memref<16384xf32, #tpu.memory_space<vmem>>, vector<16xf32>,
        %broadcast_in_dim3A_965 = arith.constant 0 : i32
        %broadcast_in_dim3A_966 = vector.broadcast %broadcast_in_dim3A_965 : i32 to vector<16xi32>
        %mul3A_967 = arith.constant 8 : i32
        %mul3A_968 = arith.muli %select_n3A, %mul3A_967 : i32
        %add3A_969 = arith.constant 2 : i32
        %add3A_970 = arith.addi %mul3A_968, %add3A_969 : i32
        %add3A_971 = arith.constant 0 : i32
        %add3A_972 = arith.addi %add3A_970, %add3A_971 : i32
        %add3A_973 = vector.broadcast %add3A_972 : i32 to vector<16xi32>
        %add3A_974 = arith.addi %broadcast_in_dim3A_966, %add3A_973 : vector<16xi32>
        %broadcast_in_dim3A_975 = arith.constant 0 : i32
        %broadcast_in_dim3A_976 = vector.broadcast %broadcast_in_dim3A_975 : i32 to vector<16xi32>
        %mul3A_977 = arith.constant 8 : i32
        %mul3A_978 = arith.muli %select_n3A, %mul3A_977 : i32
        %add3A_979 = arith.constant 2 : i32
        %add3A_980 = arith.addi %mul3A_978, %add3A_979 : i32
        %add3A_981 = arith.constant 1 : i32
        %add3A_982 = arith.addi %add3A_980, %add3A_981 : i32
        %add3A_983 = vector.broadcast %add3A_982 : i32 to vector<16xi32>
        %add3A_984 = arith.addi %broadcast_in_dim3A_976, %add3A_983 : vector<16xi32>
        %gather3A_985 = tpu.vector_load_idx %arg6[%add3A_713, %add3A_974] : memref<512x32xf32, #tpu.memory_space<vmem>>[vector<16xi32>, vector<16xi32>], vector<16xf32>,
        %gather3A_986 = tpu.vector_load_idx %arg6[%add3A_719, %add3A_974] : memref<512x32xf32, #tpu.memory_space<vmem>>[vector<16xi32>, vector<16xi32>], vector<16xf32>,
        %gather3A_987 = tpu.vector_load_idx %arg6[%add3A_725, %add3A_974] : memref<512x32xf32, #tpu.memory_space<vmem>>[vector<16xi32>, vector<16xi32>], vector<16xf32>,
        %gather3A_988 = tpu.vector_load_idx %arg6[%add3A_731, %add3A_974] : memref<512x32xf32, #tpu.memory_space<vmem>>[vector<16xi32>, vector<16xi32>], vector<16xf32>,
        %gather3A_989 = tpu.vector_load_idx %arg6[%add3A_737, %add3A_974] : memref<512x32xf32, #tpu.memory_space<vmem>>[vector<16xi32>, vector<16xi32>], vector<16xf32>,
        %gather3A_990 = tpu.vector_load_idx %arg6[%add3A_743, %add3A_974] : memref<512x32xf32, #tpu.memory_space<vmem>>[vector<16xi32>, vector<16xi32>], vector<16xf32>,
        %gather3A_991 = tpu.vector_load_idx %arg6[%add3A_749, %add3A_974] : memref<512x32xf32, #tpu.memory_space<vmem>>[vector<16xi32>, vector<16xi32>], vector<16xf32>,
        %gather3A_992 = tpu.vector_load_idx %arg6[%add3A_755, %add3A_974] : memref<512x32xf32, #tpu.memory_space<vmem>>[vector<16xi32>, vector<16xi32>], vector<16xf32>,
        %gather3A_993 = tpu.vector_load_idx %arg6[%add3A_713, %add3A_984] : memref<512x32xf32, #tpu.memory_space<vmem>>[vector<16xi32>, vector<16xi32>], vector<16xf32>,
        %gather3A_994 = tpu.vector_load_idx %arg6[%add3A_719, %add3A_984] : memref<512x32xf32, #tpu.memory_space<vmem>>[vector<16xi32>, vector<16xi32>], vector<16xf32>,
        %gather3A_995 = tpu.vector_load_idx %arg6[%add3A_725, %add3A_984] : memref<512x32xf32, #tpu.memory_space<vmem>>[vector<16xi32>, vector<16xi32>], vector<16xf32>,
        %gather3A_996 = tpu.vector_load_idx %arg6[%add3A_731, %add3A_984] : memref<512x32xf32, #tpu.memory_space<vmem>>[vector<16xi32>, vector<16xi32>], vector<16xf32>,
        %gather3A_997 = tpu.vector_load_idx %arg6[%add3A_737, %add3A_984] : memref<512x32xf32, #tpu.memory_space<vmem>>[vector<16xi32>, vector<16xi32>], vector<16xf32>,
        %gather3A_998 = tpu.vector_load_idx %arg6[%add3A_743, %add3A_984] : memref<512x32xf32, #tpu.memory_space<vmem>>[vector<16xi32>, vector<16xi32>], vector<16xf32>,
        %gather3A_999 = tpu.vector_load_idx %arg6[%add3A_749, %add3A_984] : memref<512x32xf32, #tpu.memory_space<vmem>>[vector<16xi32>, vector<16xi32>], vector<16xf32>,
        %gather3A_1000 = tpu.vector_load_idx %arg6[%add3A_755, %add3A_984] : memref<512x32xf32, #tpu.memory_space<vmem>>[vector<16xi32>, vector<16xi32>], vector<16xf32>,
        %mul3A_1001 = arith.constant 4096 : i32
        %mul3A_1002 = arith.muli %select_n3A, %mul3A_1001 : i32
        %mul3A_1003 = arith.constant 1024 : i32
        %mul3A_1004 = arith.muli %rem3A_707, %mul3A_1003 : i32
        %add3A_1005 = arith.addi %mul3A_1002, %mul3A_1004 : i32
        %add3A_1006 = arith.constant 256 : i32
        %add3A_1007 = arith.addi %add3A_1005, %add3A_1006 : i32
        %add3A_1008 = arith.constant 0 : i32
        %add3A_1009 = arith.addi %add3A_1007, %add3A_1008 : i32
        %swap3A_1010 = arith.index_cast %add3A_1009 : i32 to index
        %swap3A_1011 = tpu.vector_load %arg10[%swap3A_1010] {strides = array<i32>} : memref<16384xf32, #tpu.memory_space<vmem>>, vector<16xf32>,
        tpu.vector_store %arg10[%swap3A_1010], %gather3A_985 {strides = array<i32>} : memref<16384xf32, #tpu.memory_space<vmem>>, vector<16xf32>,
        %mul3A_1012 = arith.constant 4096 : i32
        %mul3A_1013 = arith.muli %select_n3A, %mul3A_1012 : i32
        %mul3A_1014 = arith.constant 1024 : i32
        %mul3A_1015 = arith.muli %rem3A_707, %mul3A_1014 : i32
        %add3A_1016 = arith.addi %mul3A_1013, %mul3A_1015 : i32
        %add3A_1017 = arith.constant 256 : i32
        %add3A_1018 = arith.addi %add3A_1016, %add3A_1017 : i32
        %add3A_1019 = arith.constant 16 : i32
        %add3A_1020 = arith.addi %add3A_1018, %add3A_1019 : i32
        %swap3A_1021 = arith.index_cast %add3A_1020 : i32 to index
        %swap3A_1022 = tpu.vector_load %arg10[%swap3A_1021] {strides = array<i32>} : memref<16384xf32, #tpu.memory_space<vmem>>, vector<16xf32>,
        tpu.vector_store %arg10[%swap3A_1021], %gather3A_986 {strides = array<i32>} : memref<16384xf32, #tpu.memory_space<vmem>>, vector<16xf32>,
        %mul3A_1023 = arith.constant 4096 : i32
        %mul3A_1024 = arith.muli %select_n3A, %mul3A_1023 : i32
        %mul3A_1025 = arith.constant 1024 : i32
        %mul3A_1026 = arith.muli %rem3A_707, %mul3A_1025 : i32
        %add3A_1027 = arith.addi %mul3A_1024, %mul3A_1026 : i32
        %add3A_1028 = arith.constant 256 : i32
        %add3A_1029 = arith.addi %add3A_1027, %add3A_1028 : i32
        %add3A_1030 = arith.constant 32 : i32
        %add3A_1031 = arith.addi %add3A_1029, %add3A_1030 : i32
        %swap3A_1032 = arith.index_cast %add3A_1031 : i32 to index
        %swap3A_1033 = tpu.vector_load %arg10[%swap3A_1032] {strides = array<i32>} : memref<16384xf32, #tpu.memory_space<vmem>>, vector<16xf32>,
        tpu.vector_store %arg10[%swap3A_1032], %gather3A_987 {strides = array<i32>} : memref<16384xf32, #tpu.memory_space<vmem>>, vector<16xf32>,
        %mul3A_1034 = arith.constant 4096 : i32
        %mul3A_1035 = arith.muli %select_n3A, %mul3A_1034 : i32
        %mul3A_1036 = arith.constant 1024 : i32
        %mul3A_1037 = arith.muli %rem3A_707, %mul3A_1036 : i32
        %add3A_1038 = arith.addi %mul3A_1035, %mul3A_1037 : i32
        %add3A_1039 = arith.constant 256 : i32
        %add3A_1040 = arith.addi %add3A_1038, %add3A_1039 : i32
        %add3A_1041 = arith.constant 48 : i32
        %add3A_1042 = arith.addi %add3A_1040, %add3A_1041 : i32
        %swap3A_1043 = arith.index_cast %add3A_1042 : i32 to index
        %swap3A_1044 = tpu.vector_load %arg10[%swap3A_1043] {strides = array<i32>} : memref<16384xf32, #tpu.memory_space<vmem>>, vector<16xf32>,
        tpu.vector_store %arg10[%swap3A_1043], %gather3A_988 {strides = array<i32>} : memref<16384xf32, #tpu.memory_space<vmem>>, vector<16xf32>,
        %mul3A_1045 = arith.constant 4096 : i32
        %mul3A_1046 = arith.muli %select_n3A, %mul3A_1045 : i32
        %mul3A_1047 = arith.constant 1024 : i32
        %mul3A_1048 = arith.muli %rem3A_707, %mul3A_1047 : i32
        %add3A_1049 = arith.addi %mul3A_1046, %mul3A_1048 : i32
        %add3A_1050 = arith.constant 256 : i32
        %add3A_1051 = arith.addi %add3A_1049, %add3A_1050 : i32
        %add3A_1052 = arith.constant 64 : i32
        %add3A_1053 = arith.addi %add3A_1051, %add3A_1052 : i32
        %swap3A_1054 = arith.index_cast %add3A_1053 : i32 to index
        %swap3A_1055 = tpu.vector_load %arg10[%swap3A_1054] {strides = array<i32>} : memref<16384xf32, #tpu.memory_space<vmem>>, vector<16xf32>,
        tpu.vector_store %arg10[%swap3A_1054], %gather3A_989 {strides = array<i32>} : memref<16384xf32, #tpu.memory_space<vmem>>, vector<16xf32>,
        %mul3A_1056 = arith.constant 4096 : i32
        %mul3A_1057 = arith.muli %select_n3A, %mul3A_1056 : i32
        %mul3A_1058 = arith.constant 1024 : i32
        %mul3A_1059 = arith.muli %rem3A_707, %mul3A_1058 : i32
        %add3A_1060 = arith.addi %mul3A_1057, %mul3A_1059 : i32
        %add3A_1061 = arith.constant 256 : i32
        %add3A_1062 = arith.addi %add3A_1060, %add3A_1061 : i32
        %add3A_1063 = arith.constant 80 : i32
        %add3A_1064 = arith.addi %add3A_1062, %add3A_1063 : i32
        %swap3A_1065 = arith.index_cast %add3A_1064 : i32 to index
        %swap3A_1066 = tpu.vector_load %arg10[%swap3A_1065] {strides = array<i32>} : memref<16384xf32, #tpu.memory_space<vmem>>, vector<16xf32>,
        tpu.vector_store %arg10[%swap3A_1065], %gather3A_990 {strides = array<i32>} : memref<16384xf32, #tpu.memory_space<vmem>>, vector<16xf32>,
        %mul3A_1067 = arith.constant 4096 : i32
        %mul3A_1068 = arith.muli %select_n3A, %mul3A_1067 : i32
        %mul3A_1069 = arith.constant 1024 : i32
        %mul3A_1070 = arith.muli %rem3A_707, %mul3A_1069 : i32
        %add3A_1071 = arith.addi %mul3A_1068, %mul3A_1070 : i32
        %add3A_1072 = arith.constant 256 : i32
        %add3A_1073 = arith.addi %add3A_1071, %add3A_1072 : i32
        %add3A_1074 = arith.constant 96 : i32
        %add3A_1075 = arith.addi %add3A_1073, %add3A_1074 : i32
        %swap3A_1076 = arith.index_cast %add3A_1075 : i32 to index
        %swap3A_1077 = tpu.vector_load %arg10[%swap3A_1076] {strides = array<i32>} : memref<16384xf32, #tpu.memory_space<vmem>>, vector<16xf32>,
        tpu.vector_store %arg10[%swap3A_1076], %gather3A_991 {strides = array<i32>} : memref<16384xf32, #tpu.memory_space<vmem>>, vector<16xf32>,
        %mul3A_1078 = arith.constant 4096 : i32
        %mul3A_1079 = arith.muli %select_n3A, %mul3A_1078 : i32
        %mul3A_1080 = arith.constant 1024 : i32
        %mul3A_1081 = arith.muli %rem3A_707, %mul3A_1080 : i32
        %add3A_1082 = arith.addi %mul3A_1079, %mul3A_1081 : i32
        %add3A_1083 = arith.constant 256 : i32
        %add3A_1084 = arith.addi %add3A_1082, %add3A_1083 : i32
        %add3A_1085 = arith.constant 112 : i32
        %add3A_1086 = arith.addi %add3A_1084, %add3A_1085 : i32
        %swap3A_1087 = arith.index_cast %add3A_1086 : i32 to index
        %swap3A_1088 = tpu.vector_load %arg10[%swap3A_1087] {strides = array<i32>} : memref<16384xf32, #tpu.memory_space<vmem>>, vector<16xf32>,
        tpu.vector_store %arg10[%swap3A_1087], %gather3A_992 {strides = array<i32>} : memref<16384xf32, #tpu.memory_space<vmem>>, vector<16xf32>,
        %mul3A_1089 = arith.constant 4096 : i32
        %mul3A_1090 = arith.muli %select_n3A, %mul3A_1089 : i32
        %mul3A_1091 = arith.constant 1024 : i32
        %mul3A_1092 = arith.muli %rem3A_707, %mul3A_1091 : i32
        %add3A_1093 = arith.addi %mul3A_1090, %mul3A_1092 : i32
        %add3A_1094 = arith.constant 384 : i32
        %add3A_1095 = arith.addi %add3A_1093, %add3A_1094 : i32
        %add3A_1096 = arith.constant 0 : i32
        %add3A_1097 = arith.addi %add3A_1095, %add3A_1096 : i32
        %swap3A_1098 = arith.index_cast %add3A_1097 : i32 to index
        %swap3A_1099 = tpu.vector_load %arg10[%swap3A_1098] {strides = array<i32>} : memref<16384xf32, #tpu.memory_space<vmem>>, vector<16xf32>,
        tpu.vector_store %arg10[%swap3A_1098], %gather3A_993 {strides = array<i32>} : memref<16384xf32, #tpu.memory_space<vmem>>, vector<16xf32>,
        %mul3A_1100 = arith.constant 4096 : i32
        %mul3A_1101 = arith.muli %select_n3A, %mul3A_1100 : i32
        %mul3A_1102 = arith.constant 1024 : i32
        %mul3A_1103 = arith.muli %rem3A_707, %mul3A_1102 : i32
        %add3A_1104 = arith.addi %mul3A_1101, %mul3A_1103 : i32
        %add3A_1105 = arith.constant 384 : i32
        %add3A_1106 = arith.addi %add3A_1104, %add3A_1105 : i32
        %add3A_1107 = arith.constant 16 : i32
        %add3A_1108 = arith.addi %add3A_1106, %add3A_1107 : i32
        %swap3A_1109 = arith.index_cast %add3A_1108 : i32 to index
        %swap3A_1110 = tpu.vector_load %arg10[%swap3A_1109] {strides = array<i32>} : memref<16384xf32, #tpu.memory_space<vmem>>, vector<16xf32>,
        tpu.vector_store %arg10[%swap3A_1109], %gather3A_994 {strides = array<i32>} : memref<16384xf32, #tpu.memory_space<vmem>>, vector<16xf32>,
        %mul3A_1111 = arith.constant 4096 : i32
        %mul3A_1112 = arith.muli %select_n3A, %mul3A_1111 : i32
        %mul3A_1113 = arith.constant 1024 : i32
        %mul3A_1114 = arith.muli %rem3A_707, %mul3A_1113 : i32
        %add3A_1115 = arith.addi %mul3A_1112, %mul3A_1114 : i32
        %add3A_1116 = arith.constant 384 : i32
        %add3A_1117 = arith.addi %add3A_1115, %add3A_1116 : i32
        %add3A_1118 = arith.constant 32 : i32
        %add3A_1119 = arith.addi %add3A_1117, %add3A_1118 : i32
        %swap3A_1120 = arith.index_cast %add3A_1119 : i32 to index
        %swap3A_1121 = tpu.vector_load %arg10[%swap3A_1120] {strides = array<i32>} : memref<16384xf32, #tpu.memory_space<vmem>>, vector<16xf32>,
        tpu.vector_store %arg10[%swap3A_1120], %gather3A_995 {strides = array<i32>} : memref<16384xf32, #tpu.memory_space<vmem>>, vector<16xf32>,
        %mul3A_1122 = arith.constant 4096 : i32
        %mul3A_1123 = arith.muli %select_n3A, %mul3A_1122 : i32
        %mul3A_1124 = arith.constant 1024 : i32
        %mul3A_1125 = arith.muli %rem3A_707, %mul3A_1124 : i32
        %add3A_1126 = arith.addi %mul3A_1123, %mul3A_1125 : i32
        %add3A_1127 = arith.constant 384 : i32
        %add3A_1128 = arith.addi %add3A_1126, %add3A_1127 : i32
        %add3A_1129 = arith.constant 48 : i32
        %add3A_1130 = arith.addi %add3A_1128, %add3A_1129 : i32
        %swap3A_1131 = arith.index_cast %add3A_1130 : i32 to index
        %swap3A_1132 = tpu.vector_load %arg10[%swap3A_1131] {strides = array<i32>} : memref<16384xf32, #tpu.memory_space<vmem>>, vector<16xf32>,
        tpu.vector_store %arg10[%swap3A_1131], %gather3A_996 {strides = array<i32>} : memref<16384xf32, #tpu.memory_space<vmem>>, vector<16xf32>,
        %mul3A_1133 = arith.constant 4096 : i32
        %mul3A_1134 = arith.muli %select_n3A, %mul3A_1133 : i32
        %mul3A_1135 = arith.constant 1024 : i32
        %mul3A_1136 = arith.muli %rem3A_707, %mul3A_1135 : i32
        %add3A_1137 = arith.addi %mul3A_1134, %mul3A_1136 : i32
        %add3A_1138 = arith.constant 384 : i32
        %add3A_1139 = arith.addi %add3A_1137, %add3A_1138 : i32
        %add3A_1140 = arith.constant 64 : i32
        %add3A_1141 = arith.addi %add3A_1139, %add3A_1140 : i32
        %swap3A_1142 = arith.index_cast %add3A_1141 : i32 to index
        %swap3A_1143 = tpu.vector_load %arg10[%swap3A_1142] {strides = array<i32>} : memref<16384xf32, #tpu.memory_space<vmem>>, vector<16xf32>,
        tpu.vector_store %arg10[%swap3A_1142], %gather3A_997 {strides = array<i32>} : memref<16384xf32, #tpu.memory_space<vmem>>, vector<16xf32>,
        %mul3A_1144 = arith.constant 4096 : i32
        %mul3A_1145 = arith.muli %select_n3A, %mul3A_1144 : i32
        %mul3A_1146 = arith.constant 1024 : i32
        %mul3A_1147 = arith.muli %rem3A_707, %mul3A_1146 : i32
        %add3A_1148 = arith.addi %mul3A_1145, %mul3A_1147 : i32
        %add3A_1149 = arith.constant 384 : i32
        %add3A_1150 = arith.addi %add3A_1148, %add3A_1149 : i32
        %add3A_1151 = arith.constant 80 : i32
        %add3A_1152 = arith.addi %add3A_1150, %add3A_1151 : i32
        %swap3A_1153 = arith.index_cast %add3A_1152 : i32 to index
        %swap3A_1154 = tpu.vector_load %arg10[%swap3A_1153] {strides = array<i32>} : memref<16384xf32, #tpu.memory_space<vmem>>, vector<16xf32>,
        tpu.vector_store %arg10[%swap3A_1153], %gather3A_998 {strides = array<i32>} : memref<16384xf32, #tpu.memory_space<vmem>>, vector<16xf32>,
        %mul3A_1155 = arith.constant 4096 : i32
        %mul3A_1156 = arith.muli %select_n3A, %mul3A_1155 : i32
        %mul3A_1157 = arith.constant 1024 : i32
        %mul3A_1158 = arith.muli %rem3A_707, %mul3A_1157 : i32
        %add3A_1159 = arith.addi %mul3A_1156, %mul3A_1158 : i32
        %add3A_1160 = arith.constant 384 : i32
        %add3A_1161 = arith.addi %add3A_1159, %add3A_1160 : i32
        %add3A_1162 = arith.constant 96 : i32
        %add3A_1163 = arith.addi %add3A_1161, %add3A_1162 : i32
        %swap3A_1164 = arith.index_cast %add3A_1163 : i32 to index
        %swap3A_1165 = tpu.vector_load %arg10[%swap3A_1164] {strides = array<i32>} : memref<16384xf32, #tpu.memory_space<vmem>>, vector<16xf32>,
        tpu.vector_store %arg10[%swap3A_1164], %gather3A_999 {strides = array<i32>} : memref<16384xf32, #tpu.memory_space<vmem>>, vector<16xf32>,
        %mul3A_1166 = arith.constant 4096 : i32
        %mul3A_1167 = arith.muli %select_n3A, %mul3A_1166 : i32
        %mul3A_1168 = arith.constant 1024 : i32
        %mul3A_1169 = arith.muli %rem3A_707, %mul3A_1168 : i32
        %add3A_1170 = arith.addi %mul3A_1167, %mul3A_1169 : i32
        %add3A_1171 = arith.constant 384 : i32
        %add3A_1172 = arith.addi %add3A_1170, %add3A_1171 : i32
        %add3A_1173 = arith.constant 112 : i32
        %add3A_1174 = arith.addi %add3A_1172, %add3A_1173 : i32
        %swap3A_1175 = arith.index_cast %add3A_1174 : i32 to index
        %swap3A_1176 = tpu.vector_load %arg10[%swap3A_1175] {strides = array<i32>} : memref<16384xf32, #tpu.memory_space<vmem>>, vector<16xf32>,
        tpu.vector_store %arg10[%swap3A_1175], %gather3A_1000 {strides = array<i32>} : memref<16384xf32, #tpu.memory_space<vmem>>, vector<16xf32>,
        %broadcast_in_dim3A_1177 = arith.constant 0 : i32
        %broadcast_in_dim3A_1178 = vector.broadcast %broadcast_in_dim3A_1177 : i32 to vector<16xi32>
        %mul3A_1179 = arith.constant 8 : i32
        %mul3A_1180 = arith.muli %select_n3A, %mul3A_1179 : i32
        %add3A_1181 = arith.constant 4 : i32
        %add3A_1182 = arith.addi %mul3A_1180, %add3A_1181 : i32
        %add3A_1183 = arith.constant 0 : i32
        %add3A_1184 = arith.addi %add3A_1182, %add3A_1183 : i32
        %add3A_1185 = vector.broadcast %add3A_1184 : i32 to vector<16xi32>
        %add3A_1186 = arith.addi %broadcast_in_dim3A_1178, %add3A_1185 : vector<16xi32>
        %broadcast_in_dim3A_1187 = arith.constant 0 : i32
        %broadcast_in_dim3A_1188 = vector.broadcast %broadcast_in_dim3A_1187 : i32 to vector<16xi32>
        %mul3A_1189 = arith.constant 8 : i32
        %mul3A_1190 = arith.muli %select_n3A, %mul3A_1189 : i32
        %add3A_1191 = arith.constant 4 : i32
        %add3A_1192 = arith.addi %mul3A_1190, %add3A_1191 : i32
        %add3A_1193 = arith.constant 1 : i32
        %add3A_1194 = arith.addi %add3A_1192, %add3A_1193 : i32
        %add3A_1195 = vector.broadcast %add3A_1194 : i32 to vector<16xi32>
        %add3A_1196 = arith.addi %broadcast_in_dim3A_1188, %add3A_1195 : vector<16xi32>
        %gather3A_1197 = tpu.vector_load_idx %arg6[%add3A_713, %add3A_1186] : memref<512x32xf32, #tpu.memory_space<vmem>>[vector<16xi32>, vector<16xi32>], vector<16xf32>,
        %gather3A_1198 = tpu.vector_load_idx %arg6[%add3A_719, %add3A_1186] : memref<512x32xf32, #tpu.memory_space<vmem>>[vector<16xi32>, vector<16xi32>], vector<16xf32>,
        %gather3A_1199 = tpu.vector_load_idx %arg6[%add3A_725, %add3A_1186] : memref<512x32xf32, #tpu.memory_space<vmem>>[vector<16xi32>, vector<16xi32>], vector<16xf32>,
        %gather3A_1200 = tpu.vector_load_idx %arg6[%add3A_731, %add3A_1186] : memref<512x32xf32, #tpu.memory_space<vmem>>[vector<16xi32>, vector<16xi32>], vector<16xf32>,
        %gather3A_1201 = tpu.vector_load_idx %arg6[%add3A_737, %add3A_1186] : memref<512x32xf32, #tpu.memory_space<vmem>>[vector<16xi32>, vector<16xi32>], vector<16xf32>,
        %gather3A_1202 = tpu.vector_load_idx %arg6[%add3A_743, %add3A_1186] : memref<512x32xf32, #tpu.memory_space<vmem>>[vector<16xi32>, vector<16xi32>], vector<16xf32>,
        %gather3A_1203 = tpu.vector_load_idx %arg6[%add3A_749, %add3A_1186] : memref<512x32xf32, #tpu.memory_space<vmem>>[vector<16xi32>, vector<16xi32>], vector<16xf32>,
        %gather3A_1204 = tpu.vector_load_idx %arg6[%add3A_755, %add3A_1186] : memref<512x32xf32, #tpu.memory_space<vmem>>[vector<16xi32>, vector<16xi32>], vector<16xf32>,
        %gather3A_1205 = tpu.vector_load_idx %arg6[%add3A_713, %add3A_1196] : memref<512x32xf32, #tpu.memory_space<vmem>>[vector<16xi32>, vector<16xi32>], vector<16xf32>,
        %gather3A_1206 = tpu.vector_load_idx %arg6[%add3A_719, %add3A_1196] : memref<512x32xf32, #tpu.memory_space<vmem>>[vector<16xi32>, vector<16xi32>], vector<16xf32>,
        %gather3A_1207 = tpu.vector_load_idx %arg6[%add3A_725, %add3A_1196] : memref<512x32xf32, #tpu.memory_space<vmem>>[vector<16xi32>, vector<16xi32>], vector<16xf32>,
        %gather3A_1208 = tpu.vector_load_idx %arg6[%add3A_731, %add3A_1196] : memref<512x32xf32, #tpu.memory_space<vmem>>[vector<16xi32>, vector<16xi32>], vector<16xf32>,
        %gather3A_1209 = tpu.vector_load_idx %arg6[%add3A_737, %add3A_1196] : memref<512x32xf32, #tpu.memory_space<vmem>>[vector<16xi32>, vector<16xi32>], vector<16xf32>,
        %gather3A_1210 = tpu.vector_load_idx %arg6[%add3A_743, %add3A_1196] : memref<512x32xf32, #tpu.memory_space<vmem>>[vector<16xi32>, vector<16xi32>], vector<16xf32>,
        %gather3A_1211 = tpu.vector_load_idx %arg6[%add3A_749, %add3A_1196] : memref<512x32xf32, #tpu.memory_space<vmem>>[vector<16xi32>, vector<16xi32>], vector<16xf32>,
        %gather3A_1212 = tpu.vector_load_idx %arg6[%add3A_755, %add3A_1196] : memref<512x32xf32, #tpu.memory_space<vmem>>[vector<16xi32>, vector<16xi32>], vector<16xf32>,
        %mul3A_1213 = arith.constant 4096 : i32
        %mul3A_1214 = arith.muli %select_n3A, %mul3A_1213 : i32
        %mul3A_1215 = arith.constant 1024 : i32
        %mul3A_1216 = arith.muli %rem3A_707, %mul3A_1215 : i32
        %add3A_1217 = arith.addi %mul3A_1214, %mul3A_1216 : i32
        %add3A_1218 = arith.constant 512 : i32
        %add3A_1219 = arith.addi %add3A_1217, %add3A_1218 : i32
        %add3A_1220 = arith.constant 0 : i32
        %add3A_1221 = arith.addi %add3A_1219, %add3A_1220 : i32
        %swap3A_1222 = arith.index_cast %add3A_1221 : i32 to index
        %swap3A_1223 = tpu.vector_load %arg10[%swap3A_1222] {strides = array<i32>} : memref<16384xf32, #tpu.memory_space<vmem>>, vector<16xf32>,
        tpu.vector_store %arg10[%swap3A_1222], %gather3A_1197 {strides = array<i32>} : memref<16384xf32, #tpu.memory_space<vmem>>, vector<16xf32>,
        %mul3A_1224 = arith.constant 4096 : i32
        %mul3A_1225 = arith.muli %select_n3A, %mul3A_1224 : i32
        %mul3A_1226 = arith.constant 1024 : i32
        %mul3A_1227 = arith.muli %rem3A_707, %mul3A_1226 : i32
        %add3A_1228 = arith.addi %mul3A_1225, %mul3A_1227 : i32
        %add3A_1229 = arith.constant 512 : i32
        %add3A_1230 = arith.addi %add3A_1228, %add3A_1229 : i32
        %add3A_1231 = arith.constant 16 : i32
        %add3A_1232 = arith.addi %add3A_1230, %add3A_1231 : i32
        %swap3A_1233 = arith.index_cast %add3A_1232 : i32 to index
        %swap3A_1234 = tpu.vector_load %arg10[%swap3A_1233] {strides = array<i32>} : memref<16384xf32, #tpu.memory_space<vmem>>, vector<16xf32>,
        tpu.vector_store %arg10[%swap3A_1233], %gather3A_1198 {strides = array<i32>} : memref<16384xf32, #tpu.memory_space<vmem>>, vector<16xf32>,
        %mul3A_1235 = arith.constant 4096 : i32
        %mul3A_1236 = arith.muli %select_n3A, %mul3A_1235 : i32
        %mul3A_1237 = arith.constant 1024 : i32
        %mul3A_1238 = arith.muli %rem3A_707, %mul3A_1237 : i32
        %add3A_1239 = arith.addi %mul3A_1236, %mul3A_1238 : i32
        %add3A_1240 = arith.constant 512 : i32
        %add3A_1241 = arith.addi %add3A_1239, %add3A_1240 : i32
        %add3A_1242 = arith.constant 32 : i32
        %add3A_1243 = arith.addi %add3A_1241, %add3A_1242 : i32
        %swap3A_1244 = arith.index_cast %add3A_1243 : i32 to index
        %swap3A_1245 = tpu.vector_load %arg10[%swap3A_1244] {strides = array<i32>} : memref<16384xf32, #tpu.memory_space<vmem>>, vector<16xf32>,
        tpu.vector_store %arg10[%swap3A_1244], %gather3A_1199 {strides = array<i32>} : memref<16384xf32, #tpu.memory_space<vmem>>, vector<16xf32>,
        %mul3A_1246 = arith.constant 4096 : i32
        %mul3A_1247 = arith.muli %select_n3A, %mul3A_1246 : i32
        %mul3A_1248 = arith.constant 1024 : i32
        %mul3A_1249 = arith.muli %rem3A_707, %mul3A_1248 : i32
        %add3A_1250 = arith.addi %mul3A_1247, %mul3A_1249 : i32
        %add3A_1251 = arith.constant 512 : i32
        %add3A_1252 = arith.addi %add3A_1250, %add3A_1251 : i32
        %add3A_1253 = arith.constant 48 : i32
        %add3A_1254 = arith.addi %add3A_1252, %add3A_1253 : i32
        %swap3A_1255 = arith.index_cast %add3A_1254 : i32 to index
        %swap3A_1256 = tpu.vector_load %arg10[%swap3A_1255] {strides = array<i32>} : memref<16384xf32, #tpu.memory_space<vmem>>, vector<16xf32>,
        tpu.vector_store %arg10[%swap3A_1255], %gather3A_1200 {strides = array<i32>} : memref<16384xf32, #tpu.memory_space<vmem>>, vector<16xf32>,
        %mul3A_1257 = arith.constant 4096 : i32
        %mul3A_1258 = arith.muli %select_n3A, %mul3A_1257 : i32
        %mul3A_1259 = arith.constant 1024 : i32
        %mul3A_1260 = arith.muli %rem3A_707, %mul3A_1259 : i32
        %add3A_1261 = arith.addi %mul3A_1258, %mul3A_1260 : i32
        %add3A_1262 = arith.constant 512 : i32
        %add3A_1263 = arith.addi %add3A_1261, %add3A_1262 : i32
        %add3A_1264 = arith.constant 64 : i32
        %add3A_1265 = arith.addi %add3A_1263, %add3A_1264 : i32
        %swap3A_1266 = arith.index_cast %add3A_1265 : i32 to index
        %swap3A_1267 = tpu.vector_load %arg10[%swap3A_1266] {strides = array<i32>} : memref<16384xf32, #tpu.memory_space<vmem>>, vector<16xf32>,
        tpu.vector_store %arg10[%swap3A_1266], %gather3A_1201 {strides = array<i32>} : memref<16384xf32, #tpu.memory_space<vmem>>, vector<16xf32>,
        %mul3A_1268 = arith.constant 4096 : i32
        %mul3A_1269 = arith.muli %select_n3A, %mul3A_1268 : i32
        %mul3A_1270 = arith.constant 1024 : i32
        %mul3A_1271 = arith.muli %rem3A_707, %mul3A_1270 : i32
        %add3A_1272 = arith.addi %mul3A_1269, %mul3A_1271 : i32
        %add3A_1273 = arith.constant 512 : i32
        %add3A_1274 = arith.addi %add3A_1272, %add3A_1273 : i32
        %add3A_1275 = arith.constant 80 : i32
        %add3A_1276 = arith.addi %add3A_1274, %add3A_1275 : i32
        %swap3A_1277 = arith.index_cast %add3A_1276 : i32 to index
        %swap3A_1278 = tpu.vector_load %arg10[%swap3A_1277] {strides = array<i32>} : memref<16384xf32, #tpu.memory_space<vmem>>, vector<16xf32>,
        tpu.vector_store %arg10[%swap3A_1277], %gather3A_1202 {strides = array<i32>} : memref<16384xf32, #tpu.memory_space<vmem>>, vector<16xf32>,
        %mul3A_1279 = arith.constant 4096 : i32
        %mul3A_1280 = arith.muli %select_n3A, %mul3A_1279 : i32
        %mul3A_1281 = arith.constant 1024 : i32
        %mul3A_1282 = arith.muli %rem3A_707, %mul3A_1281 : i32
        %add3A_1283 = arith.addi %mul3A_1280, %mul3A_1282 : i32
        %add3A_1284 = arith.constant 512 : i32
        %add3A_1285 = arith.addi %add3A_1283, %add3A_1284 : i32
        %add3A_1286 = arith.constant 96 : i32
        %add3A_1287 = arith.addi %add3A_1285, %add3A_1286 : i32
        %swap3A_1288 = arith.index_cast %add3A_1287 : i32 to index
        %swap3A_1289 = tpu.vector_load %arg10[%swap3A_1288] {strides = array<i32>} : memref<16384xf32, #tpu.memory_space<vmem>>, vector<16xf32>,
        tpu.vector_store %arg10[%swap3A_1288], %gather3A_1203 {strides = array<i32>} : memref<16384xf32, #tpu.memory_space<vmem>>, vector<16xf32>,
        %mul3A_1290 = arith.constant 4096 : i32
        %mul3A_1291 = arith.muli %select_n3A, %mul3A_1290 : i32
        %mul3A_1292 = arith.constant 1024 : i32
        %mul3A_1293 = arith.muli %rem3A_707, %mul3A_1292 : i32
        %add3A_1294 = arith.addi %mul3A_1291, %mul3A_1293 : i32
        %add3A_1295 = arith.constant 512 : i32
        %add3A_1296 = arith.addi %add3A_1294, %add3A_1295 : i32
        %add3A_1297 = arith.constant 112 : i32
        %add3A_1298 = arith.addi %add3A_1296, %add3A_1297 : i32
        %swap3A_1299 = arith.index_cast %add3A_1298 : i32 to index
        %swap3A_1300 = tpu.vector_load %arg10[%swap3A_1299] {strides = array<i32>} : memref<16384xf32, #tpu.memory_space<vmem>>, vector<16xf32>,
        tpu.vector_store %arg10[%swap3A_1299], %gather3A_1204 {strides = array<i32>} : memref<16384xf32, #tpu.memory_space<vmem>>, vector<16xf32>,
        %mul3A_1301 = arith.constant 4096 : i32
        %mul3A_1302 = arith.muli %select_n3A, %mul3A_1301 : i32
        %mul3A_1303 = arith.constant 1024 : i32
        %mul3A_1304 = arith.muli %rem3A_707, %mul3A_1303 : i32
        %add3A_1305 = arith.addi %mul3A_1302, %mul3A_1304 : i32
        %add3A_1306 = arith.constant 640 : i32
        %add3A_1307 = arith.addi %add3A_1305, %add3A_1306 : i32
        %add3A_1308 = arith.constant 0 : i32
        %add3A_1309 = arith.addi %add3A_1307, %add3A_1308 : i32
        %swap3A_1310 = arith.index_cast %add3A_1309 : i32 to index
        %swap3A_1311 = tpu.vector_load %arg10[%swap3A_1310] {strides = array<i32>} : memref<16384xf32, #tpu.memory_space<vmem>>, vector<16xf32>,
        tpu.vector_store %arg10[%swap3A_1310], %gather3A_1205 {strides = array<i32>} : memref<16384xf32, #tpu.memory_space<vmem>>, vector<16xf32>,
        %mul3A_1312 = arith.constant 4096 : i32
        %mul3A_1313 = arith.muli %select_n3A, %mul3A_1312 : i32
        %mul3A_1314 = arith.constant 1024 : i32
        %mul3A_1315 = arith.muli %rem3A_707, %mul3A_1314 : i32
        %add3A_1316 = arith.addi %mul3A_1313, %mul3A_1315 : i32
        %add3A_1317 = arith.constant 640 : i32
        %add3A_1318 = arith.addi %add3A_1316, %add3A_1317 : i32
        %add3A_1319 = arith.constant 16 : i32
        %add3A_1320 = arith.addi %add3A_1318, %add3A_1319 : i32
        %swap3A_1321 = arith.index_cast %add3A_1320 : i32 to index
        %swap3A_1322 = tpu.vector_load %arg10[%swap3A_1321] {strides = array<i32>} : memref<16384xf32, #tpu.memory_space<vmem>>, vector<16xf32>,
        tpu.vector_store %arg10[%swap3A_1321], %gather3A_1206 {strides = array<i32>} : memref<16384xf32, #tpu.memory_space<vmem>>, vector<16xf32>,
        %mul3A_1323 = arith.constant 4096 : i32
        %mul3A_1324 = arith.muli %select_n3A, %mul3A_1323 : i32
        %mul3A_1325 = arith.constant 1024 : i32
        %mul3A_1326 = arith.muli %rem3A_707, %mul3A_1325 : i32
        %add3A_1327 = arith.addi %mul3A_1324, %mul3A_1326 : i32
        %add3A_1328 = arith.constant 640 : i32
        %add3A_1329 = arith.addi %add3A_1327, %add3A_1328 : i32
        %add3A_1330 = arith.constant 32 : i32
        %add3A_1331 = arith.addi %add3A_1329, %add3A_1330 : i32
        %swap3A_1332 = arith.index_cast %add3A_1331 : i32 to index
        %swap3A_1333 = tpu.vector_load %arg10[%swap3A_1332] {strides = array<i32>} : memref<16384xf32, #tpu.memory_space<vmem>>, vector<16xf32>,
        tpu.vector_store %arg10[%swap3A_1332], %gather3A_1207 {strides = array<i32>} : memref<16384xf32, #tpu.memory_space<vmem>>, vector<16xf32>,
        %mul3A_1334 = arith.constant 4096 : i32
        %mul3A_1335 = arith.muli %select_n3A, %mul3A_1334 : i32
        %mul3A_1336 = arith.constant 1024 : i32
        %mul3A_1337 = arith.muli %rem3A_707, %mul3A_1336 : i32
        %add3A_1338 = arith.addi %mul3A_1335, %mul3A_1337 : i32
        %add3A_1339 = arith.constant 640 : i32
        %add3A_1340 = arith.addi %add3A_1338, %add3A_1339 : i32
        %add3A_1341 = arith.constant 48 : i32
        %add3A_1342 = arith.addi %add3A_1340, %add3A_1341 : i32
        %swap3A_1343 = arith.index_cast %add3A_1342 : i32 to index
        %swap3A_1344 = tpu.vector_load %arg10[%swap3A_1343] {strides = array<i32>} : memref<16384xf32, #tpu.memory_space<vmem>>, vector<16xf32>,
        tpu.vector_store %arg10[%swap3A_1343], %gather3A_1208 {strides = array<i32>} : memref<16384xf32, #tpu.memory_space<vmem>>, vector<16xf32>,
        %mul3A_1345 = arith.constant 4096 : i32
        %mul3A_1346 = arith.muli %select_n3A, %mul3A_1345 : i32
        %mul3A_1347 = arith.constant 1024 : i32
        %mul3A_1348 = arith.muli %rem3A_707, %mul3A_1347 : i32
        %add3A_1349 = arith.addi %mul3A_1346, %mul3A_1348 : i32
        %add3A_1350 = arith.constant 640 : i32
        %add3A_1351 = arith.addi %add3A_1349, %add3A_1350 : i32
        %add3A_1352 = arith.constant 64 : i32
        %add3A_1353 = arith.addi %add3A_1351, %add3A_1352 : i32
        %swap3A_1354 = arith.index_cast %add3A_1353 : i32 to index
        %swap3A_1355 = tpu.vector_load %arg10[%swap3A_1354] {strides = array<i32>} : memref<16384xf32, #tpu.memory_space<vmem>>, vector<16xf32>,
        tpu.vector_store %arg10[%swap3A_1354], %gather3A_1209 {strides = array<i32>} : memref<16384xf32, #tpu.memory_space<vmem>>, vector<16xf32>,
        %mul3A_1356 = arith.constant 4096 : i32
        %mul3A_1357 = arith.muli %select_n3A, %mul3A_1356 : i32
        %mul3A_1358 = arith.constant 1024 : i32
        %mul3A_1359 = arith.muli %rem3A_707, %mul3A_1358 : i32
        %add3A_1360 = arith.addi %mul3A_1357, %mul3A_1359 : i32
        %add3A_1361 = arith.constant 640 : i32
        %add3A_1362 = arith.addi %add3A_1360, %add3A_1361 : i32
        %add3A_1363 = arith.constant 80 : i32
        %add3A_1364 = arith.addi %add3A_1362, %add3A_1363 : i32
        %swap3A_1365 = arith.index_cast %add3A_1364 : i32 to index
        %swap3A_1366 = tpu.vector_load %arg10[%swap3A_1365] {strides = array<i32>} : memref<16384xf32, #tpu.memory_space<vmem>>, vector<16xf32>,
        tpu.vector_store %arg10[%swap3A_1365], %gather3A_1210 {strides = array<i32>} : memref<16384xf32, #tpu.memory_space<vmem>>, vector<16xf32>,
        %mul3A_1367 = arith.constant 4096 : i32
        %mul3A_1368 = arith.muli %select_n3A, %mul3A_1367 : i32
        %mul3A_1369 = arith.constant 1024 : i32
        %mul3A_1370 = arith.muli %rem3A_707, %mul3A_1369 : i32
        %add3A_1371 = arith.addi %mul3A_1368, %mul3A_1370 : i32
        %add3A_1372 = arith.constant 640 : i32
        %add3A_1373 = arith.addi %add3A_1371, %add3A_1372 : i32
        %add3A_1374 = arith.constant 96 : i32
        %add3A_1375 = arith.addi %add3A_1373, %add3A_1374 : i32
        %swap3A_1376 = arith.index_cast %add3A_1375 : i32 to index
        %swap3A_1377 = tpu.vector_load %arg10[%swap3A_1376] {strides = array<i32>} : memref<16384xf32, #tpu.memory_space<vmem>>, vector<16xf32>,
        tpu.vector_store %arg10[%swap3A_1376], %gather3A_1211 {strides = array<i32>} : memref<16384xf32, #tpu.memory_space<vmem>>, vector<16xf32>,
        %mul3A_1378 = arith.constant 4096 : i32
        %mul3A_1379 = arith.muli %select_n3A, %mul3A_1378 : i32
        %mul3A_1380 = arith.constant 1024 : i32
        %mul3A_1381 = arith.muli %rem3A_707, %mul3A_1380 : i32
        %add3A_1382 = arith.addi %mul3A_1379, %mul3A_1381 : i32
        %add3A_1383 = arith.constant 640 : i32
        %add3A_1384 = arith.addi %add3A_1382, %add3A_1383 : i32
        %add3A_1385 = arith.constant 112 : i32
        %add3A_1386 = arith.addi %add3A_1384, %add3A_1385 : i32
        %swap3A_1387 = arith.index_cast %add3A_1386 : i32 to index
        %swap3A_1388 = tpu.vector_load %arg10[%swap3A_1387] {strides = array<i32>} : memref<16384xf32, #tpu.memory_space<vmem>>, vector<16xf32>,
        tpu.vector_store %arg10[%swap3A_1387], %gather3A_1212 {strides = array<i32>} : memref<16384xf32, #tpu.memory_space<vmem>>, vector<16xf32>,
        %broadcast_in_dim3A_1389 = arith.constant 0 : i32
        %broadcast_in_dim3A_1390 = vector.broadcast %broadcast_in_dim3A_1389 : i32 to vector<16xi32>
        %mul3A_1391 = arith.constant 8 : i32
        %mul3A_1392 = arith.muli %select_n3A, %mul3A_1391 : i32
        %add3A_1393 = arith.constant 6 : i32
        %add3A_1394 = arith.addi %mul3A_1392, %add3A_1393 : i32
        %add3A_1395 = arith.constant 0 : i32
        %add3A_1396 = arith.addi %add3A_1394, %add3A_1395 : i32
        %add3A_1397 = vector.broadcast %add3A_1396 : i32 to vector<16xi32>
        %add3A_1398 = arith.addi %broadcast_in_dim3A_1390, %add3A_1397 : vector<16xi32>
        %broadcast_in_dim3A_1399 = arith.constant 0 : i32
        %broadcast_in_dim3A_1400 = vector.broadcast %broadcast_in_dim3A_1399 : i32 to vector<16xi32>
        %mul3A_1401 = arith.constant 8 : i32
        %mul3A_1402 = arith.muli %select_n3A, %mul3A_1401 : i32
        %add3A_1403 = arith.constant 6 : i32
        %add3A_1404 = arith.addi %mul3A_1402, %add3A_1403 : i32
        %add3A_1405 = arith.constant 1 : i32
        %add3A_1406 = arith.addi %add3A_1404, %add3A_1405 : i32
        %add3A_1407 = vector.broadcast %add3A_1406 : i32 to vector<16xi32>
        %add3A_1408 = arith.addi %broadcast_in_dim3A_1400, %add3A_1407 : vector<16xi32>
        %gather3A_1409 = tpu.vector_load_idx %arg6[%add3A_713, %add3A_1398] : memref<512x32xf32, #tpu.memory_space<vmem>>[vector<16xi32>, vector<16xi32>], vector<16xf32>,
        %gather3A_1410 = tpu.vector_load_idx %arg6[%add3A_719, %add3A_1398] : memref<512x32xf32, #tpu.memory_space<vmem>>[vector<16xi32>, vector<16xi32>], vector<16xf32>,
        %gather3A_1411 = tpu.vector_load_idx %arg6[%add3A_725, %add3A_1398] : memref<512x32xf32, #tpu.memory_space<vmem>>[vector<16xi32>, vector<16xi32>], vector<16xf32>,
        %gather3A_1412 = tpu.vector_load_idx %arg6[%add3A_731, %add3A_1398] : memref<512x32xf32, #tpu.memory_space<vmem>>[vector<16xi32>, vector<16xi32>], vector<16xf32>,
        %gather3A_1413 = tpu.vector_load_idx %arg6[%add3A_737, %add3A_1398] : memref<512x32xf32, #tpu.memory_space<vmem>>[vector<16xi32>, vector<16xi32>], vector<16xf32>,
        %gather3A_1414 = tpu.vector_load_idx %arg6[%add3A_743, %add3A_1398] : memref<512x32xf32, #tpu.memory_space<vmem>>[vector<16xi32>, vector<16xi32>], vector<16xf32>,
        %gather3A_1415 = tpu.vector_load_idx %arg6[%add3A_749, %add3A_1398] : memref<512x32xf32, #tpu.memory_space<vmem>>[vector<16xi32>, vector<16xi32>], vector<16xf32>,
        %gather3A_1416 = tpu.vector_load_idx %arg6[%add3A_755, %add3A_1398] : memref<512x32xf32, #tpu.memory_space<vmem>>[vector<16xi32>, vector<16xi32>], vector<16xf32>,
        %gather3A_1417 = tpu.vector_load_idx %arg6[%add3A_713, %add3A_1408] : memref<512x32xf32, #tpu.memory_space<vmem>>[vector<16xi32>, vector<16xi32>], vector<16xf32>,
        %gather3A_1418 = tpu.vector_load_idx %arg6[%add3A_719, %add3A_1408] : memref<512x32xf32, #tpu.memory_space<vmem>>[vector<16xi32>, vector<16xi32>], vector<16xf32>,
        %gather3A_1419 = tpu.vector_load_idx %arg6[%add3A_725, %add3A_1408] : memref<512x32xf32, #tpu.memory_space<vmem>>[vector<16xi32>, vector<16xi32>], vector<16xf32>,
        %gather3A_1420 = tpu.vector_load_idx %arg6[%add3A_731, %add3A_1408] : memref<512x32xf32, #tpu.memory_space<vmem>>[vector<16xi32>, vector<16xi32>], vector<16xf32>,
        %gather3A_1421 = tpu.vector_load_idx %arg6[%add3A_737, %add3A_1408] : memref<512x32xf32, #tpu.memory_space<vmem>>[vector<16xi32>, vector<16xi32>], vector<16xf32>,
        %gather3A_1422 = tpu.vector_load_idx %arg6[%add3A_743, %add3A_1408] : memref<512x32xf32, #tpu.memory_space<vmem>>[vector<16xi32>, vector<16xi32>], vector<16xf32>,
        %gather3A_1423 = tpu.vector_load_idx %arg6[%add3A_749, %add3A_1408] : memref<512x32xf32, #tpu.memory_space<vmem>>[vector<16xi32>, vector<16xi32>], vector<16xf32>,
        %gather3A_1424 = tpu.vector_load_idx %arg6[%add3A_755, %add3A_1408] : memref<512x32xf32, #tpu.memory_space<vmem>>[vector<16xi32>, vector<16xi32>], vector<16xf32>,
        %mul3A_1425 = arith.constant 4096 : i32
        %mul3A_1426 = arith.muli %select_n3A, %mul3A_1425 : i32
        %mul3A_1427 = arith.constant 1024 : i32
        %mul3A_1428 = arith.muli %rem3A_707, %mul3A_1427 : i32
        %add3A_1429 = arith.addi %mul3A_1426, %mul3A_1428 : i32
        %add3A_1430 = arith.constant 768 : i32
        %add3A_1431 = arith.addi %add3A_1429, %add3A_1430 : i32
        %add3A_1432 = arith.constant 0 : i32
        %add3A_1433 = arith.addi %add3A_1431, %add3A_1432 : i32
        %swap3A_1434 = arith.index_cast %add3A_1433 : i32 to index
        %swap3A_1435 = tpu.vector_load %arg10[%swap3A_1434] {strides = array<i32>} : memref<16384xf32, #tpu.memory_space<vmem>>, vector<16xf32>,
        tpu.vector_store %arg10[%swap3A_1434], %gather3A_1409 {strides = array<i32>} : memref<16384xf32, #tpu.memory_space<vmem>>, vector<16xf32>,
        %mul3A_1436 = arith.constant 4096 : i32
        %mul3A_1437 = arith.muli %select_n3A, %mul3A_1436 : i32
        %mul3A_1438 = arith.constant 1024 : i32
        %mul3A_1439 = arith.muli %rem3A_707, %mul3A_1438 : i32
        %add3A_1440 = arith.addi %mul3A_1437, %mul3A_1439 : i32
        %add3A_1441 = arith.constant 768 : i32
        %add3A_1442 = arith.addi %add3A_1440, %add3A_1441 : i32
        %add3A_1443 = arith.constant 16 : i32
        %add3A_1444 = arith.addi %add3A_1442, %add3A_1443 : i32
        %swap3A_1445 = arith.index_cast %add3A_1444 : i32 to index
        %swap3A_1446 = tpu.vector_load %arg10[%swap3A_1445] {strides = array<i32>} : memref<16384xf32, #tpu.memory_space<vmem>>, vector<16xf32>,
        tpu.vector_store %arg10[%swap3A_1445], %gather3A_1410 {strides = array<i32>} : memref<16384xf32, #tpu.memory_space<vmem>>, vector<16xf32>,
        %mul3A_1447 = arith.constant 4096 : i32
        %mul3A_1448 = arith.muli %select_n3A, %mul3A_1447 : i32
        %mul3A_1449 = arith.constant 1024 : i32
        %mul3A_1450 = arith.muli %rem3A_707, %mul3A_1449 : i32
        %add3A_1451 = arith.addi %mul3A_1448, %mul3A_1450 : i32
        %add3A_1452 = arith.constant 768 : i32
        %add3A_1453 = arith.addi %add3A_1451, %add3A_1452 : i32
        %add3A_1454 = arith.constant 32 : i32
        %add3A_1455 = arith.addi %add3A_1453, %add3A_1454 : i32
        %swap3A_1456 = arith.index_cast %add3A_1455 : i32 to index
        %swap3A_1457 = tpu.vector_load %arg10[%swap3A_1456] {strides = array<i32>} : memref<16384xf32, #tpu.memory_space<vmem>>, vector<16xf32>,
        tpu.vector_store %arg10[%swap3A_1456], %gather3A_1411 {strides = array<i32>} : memref<16384xf32, #tpu.memory_space<vmem>>, vector<16xf32>,
        %mul3A_1458 = arith.constant 4096 : i32
        %mul3A_1459 = arith.muli %select_n3A, %mul3A_1458 : i32
        %mul3A_1460 = arith.constant 1024 : i32
        %mul3A_1461 = arith.muli %rem3A_707, %mul3A_1460 : i32
        %add3A_1462 = arith.addi %mul3A_1459, %mul3A_1461 : i32
        %add3A_1463 = arith.constant 768 : i32
        %add3A_1464 = arith.addi %add3A_1462, %add3A_1463 : i32
        %add3A_1465 = arith.constant 48 : i32
        %add3A_1466 = arith.addi %add3A_1464, %add3A_1465 : i32
        %swap3A_1467 = arith.index_cast %add3A_1466 : i32 to index
        %swap3A_1468 = tpu.vector_load %arg10[%swap3A_1467] {strides = array<i32>} : memref<16384xf32, #tpu.memory_space<vmem>>, vector<16xf32>,
        tpu.vector_store %arg10[%swap3A_1467], %gather3A_1412 {strides = array<i32>} : memref<16384xf32, #tpu.memory_space<vmem>>, vector<16xf32>,
        %mul3A_1469 = arith.constant 4096 : i32
        %mul3A_1470 = arith.muli %select_n3A, %mul3A_1469 : i32
        %mul3A_1471 = arith.constant 1024 : i32
        %mul3A_1472 = arith.muli %rem3A_707, %mul3A_1471 : i32
        %add3A_1473 = arith.addi %mul3A_1470, %mul3A_1472 : i32
        %add3A_1474 = arith.constant 768 : i32
        %add3A_1475 = arith.addi %add3A_1473, %add3A_1474 : i32
        %add3A_1476 = arith.constant 64 : i32
        %add3A_1477 = arith.addi %add3A_1475, %add3A_1476 : i32
        %swap3A_1478 = arith.index_cast %add3A_1477 : i32 to index
        %swap3A_1479 = tpu.vector_load %arg10[%swap3A_1478] {strides = array<i32>} : memref<16384xf32, #tpu.memory_space<vmem>>, vector<16xf32>,
        tpu.vector_store %arg10[%swap3A_1478], %gather3A_1413 {strides = array<i32>} : memref<16384xf32, #tpu.memory_space<vmem>>, vector<16xf32>,
        %mul3A_1480 = arith.constant 4096 : i32
        %mul3A_1481 = arith.muli %select_n3A, %mul3A_1480 : i32
        %mul3A_1482 = arith.constant 1024 : i32
        %mul3A_1483 = arith.muli %rem3A_707, %mul3A_1482 : i32
        %add3A_1484 = arith.addi %mul3A_1481, %mul3A_1483 : i32
        %add3A_1485 = arith.constant 768 : i32
        %add3A_1486 = arith.addi %add3A_1484, %add3A_1485 : i32
        %add3A_1487 = arith.constant 80 : i32
        %add3A_1488 = arith.addi %add3A_1486, %add3A_1487 : i32
        %swap3A_1489 = arith.index_cast %add3A_1488 : i32 to index
        %swap3A_1490 = tpu.vector_load %arg10[%swap3A_1489] {strides = array<i32>} : memref<16384xf32, #tpu.memory_space<vmem>>, vector<16xf32>,
        tpu.vector_store %arg10[%swap3A_1489], %gather3A_1414 {strides = array<i32>} : memref<16384xf32, #tpu.memory_space<vmem>>, vector<16xf32>,
        %mul3A_1491 = arith.constant 4096 : i32
        %mul3A_1492 = arith.muli %select_n3A, %mul3A_1491 : i32
        %mul3A_1493 = arith.constant 1024 : i32
        %mul3A_1494 = arith.muli %rem3A_707, %mul3A_1493 : i32
        %add3A_1495 = arith.addi %mul3A_1492, %mul3A_1494 : i32
        %add3A_1496 = arith.constant 768 : i32
        %add3A_1497 = arith.addi %add3A_1495, %add3A_1496 : i32
        %add3A_1498 = arith.constant 96 : i32
        %add3A_1499 = arith.addi %add3A_1497, %add3A_1498 : i32
        %swap3A_1500 = arith.index_cast %add3A_1499 : i32 to index
        %swap3A_1501 = tpu.vector_load %arg10[%swap3A_1500] {strides = array<i32>} : memref<16384xf32, #tpu.memory_space<vmem>>, vector<16xf32>,
        tpu.vector_store %arg10[%swap3A_1500], %gather3A_1415 {strides = array<i32>} : memref<16384xf32, #tpu.memory_space<vmem>>, vector<16xf32>,
        %mul3A_1502 = arith.constant 4096 : i32
        %mul3A_1503 = arith.muli %select_n3A, %mul3A_1502 : i32
        %mul3A_1504 = arith.constant 1024 : i32
        %mul3A_1505 = arith.muli %rem3A_707, %mul3A_1504 : i32
        %add3A_1506 = arith.addi %mul3A_1503, %mul3A_1505 : i32
        %add3A_1507 = arith.constant 768 : i32
        %add3A_1508 = arith.addi %add3A_1506, %add3A_1507 : i32
        %add3A_1509 = arith.constant 112 : i32
        %add3A_1510 = arith.addi %add3A_1508, %add3A_1509 : i32
        %swap3A_1511 = arith.index_cast %add3A_1510 : i32 to index
        %swap3A_1512 = tpu.vector_load %arg10[%swap3A_1511] {strides = array<i32>} : memref<16384xf32, #tpu.memory_space<vmem>>, vector<16xf32>,
        tpu.vector_store %arg10[%swap3A_1511], %gather3A_1416 {strides = array<i32>} : memref<16384xf32, #tpu.memory_space<vmem>>, vector<16xf32>,
        %mul3A_1513 = arith.constant 4096 : i32
        %mul3A_1514 = arith.muli %select_n3A, %mul3A_1513 : i32
        %mul3A_1515 = arith.constant 1024 : i32
        %mul3A_1516 = arith.muli %rem3A_707, %mul3A_1515 : i32
        %add3A_1517 = arith.addi %mul3A_1514, %mul3A_1516 : i32
        %add3A_1518 = arith.constant 896 : i32
        %add3A_1519 = arith.addi %add3A_1517, %add3A_1518 : i32
        %add3A_1520 = arith.constant 0 : i32
        %add3A_1521 = arith.addi %add3A_1519, %add3A_1520 : i32
        %swap3A_1522 = arith.index_cast %add3A_1521 : i32 to index
        %swap3A_1523 = tpu.vector_load %arg10[%swap3A_1522] {strides = array<i32>} : memref<16384xf32, #tpu.memory_space<vmem>>, vector<16xf32>,
        tpu.vector_store %arg10[%swap3A_1522], %gather3A_1417 {strides = array<i32>} : memref<16384xf32, #tpu.memory_space<vmem>>, vector<16xf32>,
        %mul3A_1524 = arith.constant 4096 : i32
        %mul3A_1525 = arith.muli %select_n3A, %mul3A_1524 : i32
        %mul3A_1526 = arith.constant 1024 : i32
        %mul3A_1527 = arith.muli %rem3A_707, %mul3A_1526 : i32
        %add3A_1528 = arith.addi %mul3A_1525, %mul3A_1527 : i32
        %add3A_1529 = arith.constant 896 : i32
        %add3A_1530 = arith.addi %add3A_1528, %add3A_1529 : i32
        %add3A_1531 = arith.constant 16 : i32
        %add3A_1532 = arith.addi %add3A_1530, %add3A_1531 : i32
        %swap3A_1533 = arith.index_cast %add3A_1532 : i32 to index
        %swap3A_1534 = tpu.vector_load %arg10[%swap3A_1533] {strides = array<i32>} : memref<16384xf32, #tpu.memory_space<vmem>>, vector<16xf32>,
        tpu.vector_store %arg10[%swap3A_1533], %gather3A_1418 {strides = array<i32>} : memref<16384xf32, #tpu.memory_space<vmem>>, vector<16xf32>,
        %mul3A_1535 = arith.constant 4096 : i32
        %mul3A_1536 = arith.muli %select_n3A, %mul3A_1535 : i32
        %mul3A_1537 = arith.constant 1024 : i32
        %mul3A_1538 = arith.muli %rem3A_707, %mul3A_1537 : i32
        %add3A_1539 = arith.addi %mul3A_1536, %mul3A_1538 : i32
        %add3A_1540 = arith.constant 896 : i32
        %add3A_1541 = arith.addi %add3A_1539, %add3A_1540 : i32
        %add3A_1542 = arith.constant 32 : i32
        %add3A_1543 = arith.addi %add3A_1541, %add3A_1542 : i32
        %swap3A_1544 = arith.index_cast %add3A_1543 : i32 to index
        %swap3A_1545 = tpu.vector_load %arg10[%swap3A_1544] {strides = array<i32>} : memref<16384xf32, #tpu.memory_space<vmem>>, vector<16xf32>,
        tpu.vector_store %arg10[%swap3A_1544], %gather3A_1419 {strides = array<i32>} : memref<16384xf32, #tpu.memory_space<vmem>>, vector<16xf32>,
        %mul3A_1546 = arith.constant 4096 : i32
        %mul3A_1547 = arith.muli %select_n3A, %mul3A_1546 : i32
        %mul3A_1548 = arith.constant 1024 : i32
        %mul3A_1549 = arith.muli %rem3A_707, %mul3A_1548 : i32
        %add3A_1550 = arith.addi %mul3A_1547, %mul3A_1549 : i32
        %add3A_1551 = arith.constant 896 : i32
        %add3A_1552 = arith.addi %add3A_1550, %add3A_1551 : i32
        %add3A_1553 = arith.constant 48 : i32
        %add3A_1554 = arith.addi %add3A_1552, %add3A_1553 : i32
        %swap3A_1555 = arith.index_cast %add3A_1554 : i32 to index
        %swap3A_1556 = tpu.vector_load %arg10[%swap3A_1555] {strides = array<i32>} : memref<16384xf32, #tpu.memory_space<vmem>>, vector<16xf32>,
        tpu.vector_store %arg10[%swap3A_1555], %gather3A_1420 {strides = array<i32>} : memref<16384xf32, #tpu.memory_space<vmem>>, vector<16xf32>,
        %mul3A_1557 = arith.constant 4096 : i32
        %mul3A_1558 = arith.muli %select_n3A, %mul3A_1557 : i32
        %mul3A_1559 = arith.constant 1024 : i32
        %mul3A_1560 = arith.muli %rem3A_707, %mul3A_1559 : i32
        %add3A_1561 = arith.addi %mul3A_1558, %mul3A_1560 : i32
        %add3A_1562 = arith.constant 896 : i32
        %add3A_1563 = arith.addi %add3A_1561, %add3A_1562 : i32
        %add3A_1564 = arith.constant 64 : i32
        %add3A_1565 = arith.addi %add3A_1563, %add3A_1564 : i32
        %swap3A_1566 = arith.index_cast %add3A_1565 : i32 to index
        %swap3A_1567 = tpu.vector_load %arg10[%swap3A_1566] {strides = array<i32>} : memref<16384xf32, #tpu.memory_space<vmem>>, vector<16xf32>,
        tpu.vector_store %arg10[%swap3A_1566], %gather3A_1421 {strides = array<i32>} : memref<16384xf32, #tpu.memory_space<vmem>>, vector<16xf32>,
        %mul3A_1568 = arith.constant 4096 : i32
        %mul3A_1569 = arith.muli %select_n3A, %mul3A_1568 : i32
        %mul3A_1570 = arith.constant 1024 : i32
        %mul3A_1571 = arith.muli %rem3A_707, %mul3A_1570 : i32
        %add3A_1572 = arith.addi %mul3A_1569, %mul3A_1571 : i32
        %add3A_1573 = arith.constant 896 : i32
        %add3A_1574 = arith.addi %add3A_1572, %add3A_1573 : i32
        %add3A_1575 = arith.constant 80 : i32
        %add3A_1576 = arith.addi %add3A_1574, %add3A_1575 : i32
        %swap3A_1577 = arith.index_cast %add3A_1576 : i32 to index
        %swap3A_1578 = tpu.vector_load %arg10[%swap3A_1577] {strides = array<i32>} : memref<16384xf32, #tpu.memory_space<vmem>>, vector<16xf32>,
        tpu.vector_store %arg10[%swap3A_1577], %gather3A_1422 {strides = array<i32>} : memref<16384xf32, #tpu.memory_space<vmem>>, vector<16xf32>,
        %mul3A_1579 = arith.constant 4096 : i32
        %mul3A_1580 = arith.muli %select_n3A, %mul3A_1579 : i32
        %mul3A_1581 = arith.constant 1024 : i32
        %mul3A_1582 = arith.muli %rem3A_707, %mul3A_1581 : i32
        %add3A_1583 = arith.addi %mul3A_1580, %mul3A_1582 : i32
        %add3A_1584 = arith.constant 896 : i32
        %add3A_1585 = arith.addi %add3A_1583, %add3A_1584 : i32
        %add3A_1586 = arith.constant 96 : i32
        %add3A_1587 = arith.addi %add3A_1585, %add3A_1586 : i32
        %swap3A_1588 = arith.index_cast %add3A_1587 : i32 to index
        %swap3A_1589 = tpu.vector_load %arg10[%swap3A_1588] {strides = array<i32>} : memref<16384xf32, #tpu.memory_space<vmem>>, vector<16xf32>,
        tpu.vector_store %arg10[%swap3A_1588], %gather3A_1423 {strides = array<i32>} : memref<16384xf32, #tpu.memory_space<vmem>>, vector<16xf32>,
        %mul3A_1590 = arith.constant 4096 : i32
        %mul3A_1591 = arith.muli %select_n3A, %mul3A_1590 : i32
        %mul3A_1592 = arith.constant 1024 : i32
        %mul3A_1593 = arith.muli %rem3A_707, %mul3A_1592 : i32
        %add3A_1594 = arith.addi %mul3A_1591, %mul3A_1593 : i32
        %add3A_1595 = arith.constant 896 : i32
        %add3A_1596 = arith.addi %add3A_1594, %add3A_1595 : i32
        %add3A_1597 = arith.constant 112 : i32
        %add3A_1598 = arith.addi %add3A_1596, %add3A_1597 : i32
        %swap3A_1599 = arith.index_cast %add3A_1598 : i32 to index
        %swap3A_1600 = tpu.vector_load %arg10[%swap3A_1599] {strides = array<i32>} : memref<16384xf32, #tpu.memory_space<vmem>>, vector<16xf32>,
        tpu.vector_store %arg10[%swap3A_1599], %gather3A_1424 {strides = array<i32>} : memref<16384xf32, #tpu.memory_space<vmem>>, vector<16xf32>,
      }
      %scan3A_284 = arith.constant 16 : i32
      %mul3A_285 = arith.constant 4096 : i32
      %mul3A_286 = arith.muli %add3A, %mul3A_285 : i32
      %dma_start3A_287 = arith.constant 0 : i32
      %dma_start3A_288 = arith.constant 0 : i32
      %dma_start3A_289 = tpu.memref_slice %arg10[%dma_start3A_288] : memref<16384xf32, #tpu.memory_space<vmem>> -> memref<4096xf32, #tpu.memory_space<vmem>>
      %dma_start3A_290 = tpu.memref_slice %arg4[%add3A_224, %dma_start3A_287, %mul3A_286] : memref<20x4x131072xf32, #tpu.memory_space<hbm>> -> memref<1x1x4096xf32, #tpu.memory_space<hbm>>
      %dma_start3A_291 = tpu.memref_squeeze %dma_start3A_290 : memref<1x1x4096xf32, #tpu.memory_space<hbm>> -> memref<4096xf32, #tpu.memory_space<hbm>>
      %dma_start3A_292 = tpu.memref_slice %arg4[%add3A_224, %dma_start3A_287, %mul3A_286] : memref<20x4x131072xf32, #tpu.memory_space<hbm>> -> memref<1x1x4096xf32, #tpu.memory_space<hbm>>
      %dma_start3A_293 = tpu.memref_squeeze %dma_start3A_292 : memref<1x1x4096xf32, #tpu.memory_space<hbm>> -> memref<4096xf32, #tpu.memory_space<hbm>>
      %dma_start3A_294 = arith.constant 0 : i32
      %dma_start3A_295 = tpu.memref_slice %arg10[%dma_start3A_294] : memref<16384xf32, #tpu.memory_space<vmem>> -> memref<4096xf32, #tpu.memory_space<vmem>>
      tpu.enqueue_dma source(%dma_start3A_295 : memref<4096xf32, #tpu.memory_space<vmem>>) target(%dma_start3A_293 : memref<4096xf32, #tpu.memory_space<hbm>>) target_semaphore(%arg13 : memref<!tpu.dma_semaphore, #tpu.memory_space<semaphore_mem>>)
      %mul3A_296 = arith.constant 4096 : i32
      %mul3A_297 = arith.muli %add3A, %mul3A_296 : i32
      %dma_start3A_298 = arith.constant 1 : i32
      %dma_start3A_299 = arith.constant 4096 : i32
      %dma_start3A_300 = tpu.memref_slice %arg10[%dma_start3A_299] : memref<16384xf32, #tpu.memory_space<vmem>> -> memref<4096xf32, #tpu.memory_space<vmem>>
      %dma_start3A_301 = tpu.memref_slice %arg4[%add3A_224, %dma_start3A_298, %mul3A_297] : memref<20x4x131072xf32, #tpu.memory_space<hbm>> -> memref<1x1x4096xf32, #tpu.memory_space<hbm>>
      %dma_start3A_302 = tpu.memref_squeeze %dma_start3A_301 : memref<1x1x4096xf32, #tpu.memory_space<hbm>> -> memref<4096xf32, #tpu.memory_space<hbm>>
      %dma_start3A_303 = tpu.memref_slice %arg4[%add3A_224, %dma_start3A_298, %mul3A_297] : memref<20x4x131072xf32, #tpu.memory_space<hbm>> -> memref<1x1x4096xf32, #tpu.memory_space<hbm>>
      %dma_start3A_304 = tpu.memref_squeeze %dma_start3A_303 : memref<1x1x4096xf32, #tpu.memory_space<hbm>> -> memref<4096xf32, #tpu.memory_space<hbm>>
      %dma_start3A_305 = arith.constant 4096 : i32
      %dma_start3A_306 = tpu.memref_slice %arg10[%dma_start3A_305] : memref<16384xf32, #tpu.memory_space<vmem>> -> memref<4096xf32, #tpu.memory_space<vmem>>
      tpu.enqueue_dma source(%dma_start3A_306 : memref<4096xf32, #tpu.memory_space<vmem>>) target(%dma_start3A_304 : memref<4096xf32, #tpu.memory_space<hbm>>) target_semaphore(%arg13 : memref<!tpu.dma_semaphore, #tpu.memory_space<semaphore_mem>>)
      %mul3A_307 = arith.constant 4096 : i32
      %mul3A_308 = arith.muli %add3A, %mul3A_307 : i32
      %dma_start3A_309 = arith.constant 2 : i32
      %dma_start3A_310 = arith.constant 8192 : i32
      %dma_start3A_311 = tpu.memref_slice %arg10[%dma_start3A_310] : memref<16384xf32, #tpu.memory_space<vmem>> -> memref<4096xf32, #tpu.memory_space<vmem>>
      %dma_start3A_312 = tpu.memref_slice %arg4[%add3A_224, %dma_start3A_309, %mul3A_308] : memref<20x4x131072xf32, #tpu.memory_space<hbm>> -> memref<1x1x4096xf32, #tpu.memory_space<hbm>>
      %dma_start3A_313 = tpu.memref_squeeze %dma_start3A_312 : memref<1x1x4096xf32, #tpu.memory_space<hbm>> -> memref<4096xf32, #tpu.memory_space<hbm>>
      %dma_start3A_314 = tpu.memref_slice %arg4[%add3A_224, %dma_start3A_309, %mul3A_308] : memref<20x4x131072xf32, #tpu.memory_space<hbm>> -> memref<1x1x4096xf32, #tpu.memory_space<hbm>>
      %dma_start3A_315 = tpu.memref_squeeze %dma_start3A_314 : memref<1x1x4096xf32, #tpu.memory_space<hbm>> -> memref<4096xf32, #tpu.memory_space<hbm>>
      %dma_start3A_316 = arith.constant 8192 : i32
      %dma_start3A_317 = tpu.memref_slice %arg10[%dma_start3A_316] : memref<16384xf32, #tpu.memory_space<vmem>> -> memref<4096xf32, #tpu.memory_space<vmem>>
      tpu.enqueue_dma source(%dma_start3A_317 : memref<4096xf32, #tpu.memory_space<vmem>>) target(%dma_start3A_315 : memref<4096xf32, #tpu.memory_space<hbm>>) target_semaphore(%arg13 : memref<!tpu.dma_semaphore, #tpu.memory_space<semaphore_mem>>)
      %mul3A_318 = arith.constant 4096 : i32
      %mul3A_319 = arith.muli %add3A, %mul3A_318 : i32
      %dma_start3A_320 = arith.constant 3 : i32
      %dma_start3A_321 = arith.constant 12288 : i32
      %dma_start3A_322 = tpu.memref_slice %arg10[%dma_start3A_321] : memref<16384xf32, #tpu.memory_space<vmem>> -> memref<4096xf32, #tpu.memory_space<vmem>>
      %dma_start3A_323 = tpu.memref_slice %arg4[%add3A_224, %dma_start3A_320, %mul3A_319] : memref<20x4x131072xf32, #tpu.memory_space<hbm>> -> memref<1x1x4096xf32, #tpu.memory_space<hbm>>
      %dma_start3A_324 = tpu.memref_squeeze %dma_start3A_323 : memref<1x1x4096xf32, #tpu.memory_space<hbm>> -> memref<4096xf32, #tpu.memory_space<hbm>>
      %dma_start3A_325 = tpu.memref_slice %arg4[%add3A_224, %dma_start3A_320, %mul3A_319] : memref<20x4x131072xf32, #tpu.memory_space<hbm>> -> memref<1x1x4096xf32, #tpu.memory_space<hbm>>
      %dma_start3A_326 = tpu.memref_squeeze %dma_start3A_325 : memref<1x1x4096xf32, #tpu.memory_space<hbm>> -> memref<4096xf32, #tpu.memory_space<hbm>>
      %dma_start3A_327 = arith.constant 12288 : i32
      %dma_start3A_328 = tpu.memref_slice %arg10[%dma_start3A_327] : memref<16384xf32, #tpu.memory_space<vmem>> -> memref<4096xf32, #tpu.memory_space<vmem>>
      tpu.enqueue_dma source(%dma_start3A_328 : memref<4096xf32, #tpu.memory_space<vmem>>) target(%dma_start3A_326 : memref<4096xf32, #tpu.memory_space<hbm>>) target_semaphore(%arg13 : memref<!tpu.dma_semaphore, #tpu.memory_space<semaphore_mem>>)
      %add3A_329 = arith.constant 3 : i32
      %add3A_330 = arith.addi %add3A_224, %add3A_329 : i32
      %lt3A = arith.constant 20 : i32
      %lt3A_331 = arith.cmpi slt, %add3A_330, %lt3A : i32
      %convert_element_type3A_332 = arith.extui %lt3A_331 : i1 to i32
      %cond3A_333 = arith.constant 0 : i32
      %cond3A_334 = arith.cmpi ne, %convert_element_type3A_332, %cond3A_333 : i32
      scf.if %cond3A_334 {
        %add3A_689 = arith.constant 3 : i32
        %add3A_690 = arith.addi %add3A_224, %add3A_689 : i32
        %mul3A_691 = arith.constant 4 : i32
        %mul3A_692 = arith.muli %add3A_690, %mul3A_691 : i32
        %add3A_693 = arith.constant 0 : i32
        %add3A_694 = arith.addi %mul3A_692, %add3A_693 : i32
        %dma_start3A_695 = arith.constant 0 : i32
        %dma_start3A_696 = arith.constant 0 : i32
        %dma_start3A_697 = tpu.memref_slice %arg9[%dma_start3A_695, %dma_start3A_696] : memref<512x32xf32, #tpu.memory_space<vmem>> -> memref<128x32xf32, #tpu.memory_space<vmem>>
        %dma_start3A_698 = arith.constant 0 : i32
        %dma_start3A_699 = tpu.memref_slice %arg5[%add3A_694, %dma_start3A_698] : memref<80x128xi32, #tpu.memory_space<vmem>> -> memref<1x128xi32, #tpu.memory_space<vmem>>
        %dma_start3A_700 = tpu.memref_squeeze %dma_start3A_699 : memref<1x128xi32, #tpu.memory_space<vmem>> -> memref<128xi32, #tpu.memory_space<vmem>>
        %dma_start3A_701 = arith.constant 0 : i32
        %dma_start3A_702 = arith.constant 0 : i32
        %dma_start3A_703 = tpu.memref_slice %arg2[%dma_start3A_701, %dma_start3A_702] : memref<1000000x32xf32, #tpu.memory_space<hbm>> -> memref<1000000x32xf32, #tpu.memory_space<hbm>>
        tpu.enqueue_indirect_dma source(%dma_start3A_703 : memref<1000000x32xf32, #tpu.memory_space<hbm>>) target(%dma_start3A_697 : memref<128x32xf32, #tpu.memory_space<vmem>>) offsets(%dma_start3A_700 : memref<128xi32, #tpu.memory_space<vmem>>) semaphore(%arg12 : memref<!tpu.dma_semaphore, #tpu.memory_space<semaphore_mem>>)
        %mul3A_704 = arith.constant 4 : i32
        %mul3A_705 = arith.muli %add3A_690, %mul3A_704 : i32
        %add3A_706 = arith.constant 1 : i32
        %add3A_707 = arith.addi %mul3A_705, %add3A_706 : i32
        %dma_start3A_708 = arith.constant 128 : i32
        %dma_start3A_709 = arith.constant 0 : i32
        %dma_start3A_710 = tpu.memref_slice %arg9[%dma_start3A_708, %dma_start3A_709] : memref<512x32xf32, #tpu.memory_space<vmem>> -> memref<128x32xf32, #tpu.memory_space<vmem>>
        %dma_start3A_711 = arith.constant 0 : i32
        %dma_start3A_712 = tpu.memref_slice %arg5[%add3A_707, %dma_start3A_711] : memref<80x128xi32, #tpu.memory_space<vmem>> -> memref<1x128xi32, #tpu.memory_space<vmem>>
        %dma_start3A_713 = tpu.memref_squeeze %dma_start3A_712 : memref<1x128xi32, #tpu.memory_space<vmem>> -> memref<128xi32, #tpu.memory_space<vmem>>
        %dma_start3A_714 = arith.constant 0 : i32
        %dma_start3A_715 = arith.constant 0 : i32
        %dma_start3A_716 = tpu.memref_slice %arg2[%dma_start3A_714, %dma_start3A_715] : memref<1000000x32xf32, #tpu.memory_space<hbm>> -> memref<1000000x32xf32, #tpu.memory_space<hbm>>
        tpu.enqueue_indirect_dma source(%dma_start3A_716 : memref<1000000x32xf32, #tpu.memory_space<hbm>>) target(%dma_start3A_710 : memref<128x32xf32, #tpu.memory_space<vmem>>) offsets(%dma_start3A_713 : memref<128xi32, #tpu.memory_space<vmem>>) semaphore(%arg12 : memref<!tpu.dma_semaphore, #tpu.memory_space<semaphore_mem>>)
        %mul3A_717 = arith.constant 4 : i32
        %mul3A_718 = arith.muli %add3A_690, %mul3A_717 : i32
        %add3A_719 = arith.constant 2 : i32
        %add3A_720 = arith.addi %mul3A_718, %add3A_719 : i32
        %dma_start3A_721 = arith.constant 256 : i32
        %dma_start3A_722 = arith.constant 0 : i32
        %dma_start3A_723 = tpu.memref_slice %arg9[%dma_start3A_721, %dma_start3A_722] : memref<512x32xf32, #tpu.memory_space<vmem>> -> memref<128x32xf32, #tpu.memory_space<vmem>>
        %dma_start3A_724 = arith.constant 0 : i32
        %dma_start3A_725 = tpu.memref_slice %arg5[%add3A_720, %dma_start3A_724] : memref<80x128xi32, #tpu.memory_space<vmem>> -> memref<1x128xi32, #tpu.memory_space<vmem>>
        %dma_start3A_726 = tpu.memref_squeeze %dma_start3A_725 : memref<1x128xi32, #tpu.memory_space<vmem>> -> memref<128xi32, #tpu.memory_space<vmem>>
        %dma_start3A_727 = arith.constant 0 : i32
        %dma_start3A_728 = arith.constant 0 : i32
        %dma_start3A_729 = tpu.memref_slice %arg2[%dma_start3A_727, %dma_start3A_728] : memref<1000000x32xf32, #tpu.memory_space<hbm>> -> memref<1000000x32xf32, #tpu.memory_space<hbm>>
        tpu.enqueue_indirect_dma source(%dma_start3A_729 : memref<1000000x32xf32, #tpu.memory_space<hbm>>) target(%dma_start3A_723 : memref<128x32xf32, #tpu.memory_space<vmem>>) offsets(%dma_start3A_726 : memref<128xi32, #tpu.memory_space<vmem>>) semaphore(%arg12 : memref<!tpu.dma_semaphore, #tpu.memory_space<semaphore_mem>>)
        %mul3A_730 = arith.constant 4 : i32
        %mul3A_731 = arith.muli %add3A_690, %mul3A_730 : i32
        %add3A_732 = arith.constant 3 : i32
        %add3A_733 = arith.addi %mul3A_731, %add3A_732 : i32
        %dma_start3A_734 = arith.constant 384 : i32
        %dma_start3A_735 = arith.constant 0 : i32
        %dma_start3A_736 = tpu.memref_slice %arg9[%dma_start3A_734, %dma_start3A_735] : memref<512x32xf32, #tpu.memory_space<vmem>> -> memref<128x32xf32, #tpu.memory_space<vmem>>
        %dma_start3A_737 = arith.constant 0 : i32
        %dma_start3A_738 = tpu.memref_slice %arg5[%add3A_733, %dma_start3A_737] : memref<80x128xi32, #tpu.memory_space<vmem>> -> memref<1x128xi32, #tpu.memory_space<vmem>>
        %dma_start3A_739 = tpu.memref_squeeze %dma_start3A_738 : memref<1x128xi32, #tpu.memory_space<vmem>> -> memref<128xi32, #tpu.memory_space<vmem>>
        %dma_start3A_740 = arith.constant 0 : i32
        %dma_start3A_741 = arith.constant 0 : i32
        %dma_start3A_742 = tpu.memref_slice %arg2[%dma_start3A_740, %dma_start3A_741] : memref<1000000x32xf32, #tpu.memory_space<hbm>> -> memref<1000000x32xf32, #tpu.memory_space<hbm>>
        tpu.enqueue_indirect_dma source(%dma_start3A_742 : memref<1000000x32xf32, #tpu.memory_space<hbm>>) target(%dma_start3A_736 : memref<128x32xf32, #tpu.memory_space<vmem>>) offsets(%dma_start3A_739 : memref<128xi32, #tpu.memory_space<vmem>>) semaphore(%arg12 : memref<!tpu.dma_semaphore, #tpu.memory_space<semaphore_mem>>)
      } else {
      }
      %mul3A_335 = arith.constant 4 : i32
      %mul3A_336 = arith.muli %mul3A_335, %scan3A_220 : i32
      %add3A_337 = arith.constant 1 : i32
      %add3A_338 = arith.addi %mul3A_336, %add3A_337 : i32
      %mul3A_339 = arith.constant 4 : i32
      %mul3A_340 = arith.muli %add3A_338, %mul3A_339 : i32
      %add3A_341 = arith.constant 0 : i32
      %add3A_342 = arith.addi %mul3A_340, %add3A_341 : i32
      %dma_wait3A_343 = arith.constant 0 : i32
      %dma_wait3A_344 = arith.constant 0 : i32
      %dma_wait3A_345 = tpu.memref_slice %arg7[%dma_wait3A_343, %dma_wait3A_344] : memref<512x32xf32, #tpu.memory_space<vmem>> -> memref<128x32xf32, #tpu.memory_space<vmem>>
      %dma_wait3A_346 = arith.constant 0 : i32
      %dma_wait3A_347 = tpu.memref_slice %arg5[%add3A_342, %dma_wait3A_346] : memref<80x128xi32, #tpu.memory_space<vmem>> -> memref<1x128xi32, #tpu.memory_space<vmem>>
      %dma_wait3A_348 = tpu.memref_squeeze %dma_wait3A_347 : memref<1x128xi32, #tpu.memory_space<vmem>> -> memref<128xi32, #tpu.memory_space<vmem>>
      %dma_wait3A_349 = arith.constant 0 : i32
      %dma_wait3A_350 = arith.constant 0 : i32
      %dma_wait3A_351 = tpu.memref_slice %arg2[%dma_wait3A_349, %dma_wait3A_350] : memref<1000000x32xf32, #tpu.memory_space<hbm>> -> memref<1000000x32xf32, #tpu.memory_space<hbm>>
      tpu.wait_indirect_dma semaphore(%arg12 : memref<!tpu.dma_semaphore, #tpu.memory_space<semaphore_mem>>) src(%dma_wait3A_351 : memref<1000000x32xf32, #tpu.memory_space<hbm>>) dst(%dma_wait3A_345 : memref<128x32xf32, #tpu.memory_space<vmem>>)
      %mul3A_352 = arith.constant 4 : i32
      %mul3A_353 = arith.muli %add3A_338, %mul3A_352 : i32
      %add3A_354 = arith.constant 1 : i32
      %add3A_355 = arith.addi %mul3A_353, %add3A_354 : i32
      %dma_wait3A_356 = arith.constant 128 : i32
      %dma_wait3A_357 = arith.constant 0 : i32
      %dma_wait3A_358 = tpu.memref_slice %arg7[%dma_wait3A_356, %dma_wait3A_357] : memref<512x32xf32, #tpu.memory_space<vmem>> -> memref<128x32xf32, #tpu.memory_space<vmem>>
      %dma_wait3A_359 = arith.constant 0 : i32
      %dma_wait3A_360 = tpu.memref_slice %arg5[%add3A_355, %dma_wait3A_359] : memref<80x128xi32, #tpu.memory_space<vmem>> -> memref<1x128xi32, #tpu.memory_space<vmem>>
      %dma_wait3A_361 = tpu.memref_squeeze %dma_wait3A_360 : memref<1x128xi32, #tpu.memory_space<vmem>> -> memref<128xi32, #tpu.memory_space<vmem>>
      %dma_wait3A_362 = arith.constant 0 : i32
      %dma_wait3A_363 = arith.constant 0 : i32
      %dma_wait3A_364 = tpu.memref_slice %arg2[%dma_wait3A_362, %dma_wait3A_363] : memref<1000000x32xf32, #tpu.memory_space<hbm>> -> memref<1000000x32xf32, #tpu.memory_space<hbm>>
      tpu.wait_indirect_dma semaphore(%arg12 : memref<!tpu.dma_semaphore, #tpu.memory_space<semaphore_mem>>) src(%dma_wait3A_364 : memref<1000000x32xf32, #tpu.memory_space<hbm>>) dst(%dma_wait3A_358 : memref<128x32xf32, #tpu.memory_space<vmem>>)
      %mul3A_365 = arith.constant 4 : i32
      %mul3A_366 = arith.muli %add3A_338, %mul3A_365 : i32
      %add3A_367 = arith.constant 2 : i32
      %add3A_368 = arith.addi %mul3A_366, %add3A_367 : i32
      %dma_wait3A_369 = arith.constant 256 : i32
      %dma_wait3A_370 = arith.constant 0 : i32
      %dma_wait3A_371 = tpu.memref_slice %arg7[%dma_wait3A_369, %dma_wait3A_370] : memref<512x32xf32, #tpu.memory_space<vmem>> -> memref<128x32xf32, #tpu.memory_space<vmem>>
      %dma_wait3A_372 = arith.constant 0 : i32
      %dma_wait3A_373 = tpu.memref_slice %arg5[%add3A_368, %dma_wait3A_372] : memref<80x128xi32, #tpu.memory_space<vmem>> -> memref<1x128xi32, #tpu.memory_space<vmem>>
      %dma_wait3A_374 = tpu.memref_squeeze %dma_wait3A_373 : memref<1x128xi32, #tpu.memory_space<vmem>> -> memref<128xi32, #tpu.memory_space<vmem>>
      %dma_wait3A_375 = arith.constant 0 : i32
      %dma_wait3A_376 = arith.constant 0 : i32
      %dma_wait3A_377 = tpu.memref_slice %arg2[%dma_wait3A_375, %dma_wait3A_376] : memref<1000000x32xf32, #tpu.memory_space<hbm>> -> memref<1000000x32xf32, #tpu.memory_space<hbm>>
      tpu.wait_indirect_dma semaphore(%arg12 : memref<!tpu.dma_semaphore, #tpu.memory_space<semaphore_mem>>) src(%dma_wait3A_377 : memref<1000000x32xf32, #tpu.memory_space<hbm>>) dst(%dma_wait3A_371 : memref<128x32xf32, #tpu.memory_space<vmem>>)
      %mul3A_378 = arith.constant 4 : i32
      %mul3A_379 = arith.muli %add3A_338, %mul3A_378 : i32
      %add3A_380 = arith.constant 3 : i32
      %add3A_381 = arith.addi %mul3A_379, %add3A_380 : i32
      %dma_wait3A_382 = arith.constant 384 : i32
      %dma_wait3A_383 = arith.constant 0 : i32
      %dma_wait3A_384 = tpu.memref_slice %arg7[%dma_wait3A_382, %dma_wait3A_383] : memref<512x32xf32, #tpu.memory_space<vmem>> -> memref<128x32xf32, #tpu.memory_space<vmem>>
      %dma_wait3A_385 = arith.constant 0 : i32
      %dma_wait3A_386 = tpu.memref_slice %arg5[%add3A_381, %dma_wait3A_385] : memref<80x128xi32, #tpu.memory_space<vmem>> -> memref<1x128xi32, #tpu.memory_space<vmem>>
      %dma_wait3A_387 = tpu.memref_squeeze %dma_wait3A_386 : memref<1x128xi32, #tpu.memory_space<vmem>> -> memref<128xi32, #tpu.memory_space<vmem>>
      %dma_wait3A_388 = arith.constant 0 : i32
      %dma_wait3A_389 = arith.constant 0 : i32
      %dma_wait3A_390 = tpu.memref_slice %arg2[%dma_wait3A_388, %dma_wait3A_389] : memref<1000000x32xf32, #tpu.memory_space<hbm>> -> memref<1000000x32xf32, #tpu.memory_space<hbm>>
      tpu.wait_indirect_dma semaphore(%arg12 : memref<!tpu.dma_semaphore, #tpu.memory_space<semaphore_mem>>) src(%dma_wait3A_390 : memref<1000000x32xf32, #tpu.memory_space<hbm>>) dst(%dma_wait3A_384 : memref<128x32xf32, #tpu.memory_space<vmem>>)
      %ge3A_391 = arith.constant 2 : i32
      %ge3A_392 = arith.cmpi sge, %add3A_338, %ge3A_391 : i32
      %convert_element_type3A_393 = arith.extui %ge3A_392 : i1 to i32
      %cond3A_394 = arith.constant 0 : i32
      %cond3A_395 = arith.cmpi ne, %convert_element_type3A_393, %cond3A_394 : i32
      scf.if %cond3A_395 {
        %mul3A_689 = arith.constant 4096 : i32
        %mul3A_690 = arith.muli %add3A, %mul3A_689 : i32
        %dma_wait3A_691 = arith.constant 0 : i32
        %dma_wait3A_692 = arith.constant 0 : i32
        %dma_wait3A_693 = arith.constant 0 : i32
        %dma_wait3A_694 = tpu.memref_slice %arg11[%dma_wait3A_693] : memref<16384xf32, #tpu.memory_space<vmem>> -> memref<4096xf32, #tpu.memory_space<vmem>>
        %dma_wait3A_695 = tpu.memref_slice %arg4[%dma_wait3A_691, %dma_wait3A_692, %mul3A_690] : memref<20x4x131072xf32, #tpu.memory_space<hbm>> -> memref<1x1x4096xf32, #tpu.memory_space<hbm>>
        %dma_wait3A_696 = tpu.memref_squeeze %dma_wait3A_695 : memref<1x1x4096xf32, #tpu.memory_space<hbm>> -> memref<4096xf32, #tpu.memory_space<hbm>>
        %dma_wait3A_697 = tpu.memref_slice %arg4[%dma_wait3A_691, %dma_wait3A_692, %mul3A_690] : memref<20x4x131072xf32, #tpu.memory_space<hbm>> -> memref<1x1x4096xf32, #tpu.memory_space<hbm>>
        %dma_wait3A_698 = tpu.memref_squeeze %dma_wait3A_697 : memref<1x1x4096xf32, #tpu.memory_space<hbm>> -> memref<4096xf32, #tpu.memory_space<hbm>>
        %dma_wait3A_699 = arith.constant 0 : i32
        %dma_wait3A_700 = tpu.memref_slice %arg11[%dma_wait3A_699] : memref<16384xf32, #tpu.memory_space<vmem>> -> memref<4096xf32, #tpu.memory_space<vmem>>
        tpu.wait_dma2 semaphore(%arg13 : memref<!tpu.dma_semaphore, #tpu.memory_space<semaphore_mem>>) src(%dma_wait3A_700 : memref<4096xf32, #tpu.memory_space<vmem>>) dst(%dma_wait3A_698 : memref<4096xf32, #tpu.memory_space<hbm>>)
        %mul3A_701 = arith.constant 4096 : i32
        %mul3A_702 = arith.muli %add3A, %mul3A_701 : i32
        %dma_wait3A_703 = arith.constant 0 : i32
        %dma_wait3A_704 = arith.constant 1 : i32
        %dma_wait3A_705 = arith.constant 4096 : i32
        %dma_wait3A_706 = tpu.memref_slice %arg11[%dma_wait3A_705] : memref<16384xf32, #tpu.memory_space<vmem>> -> memref<4096xf32, #tpu.memory_space<vmem>>
        %dma_wait3A_707 = tpu.memref_slice %arg4[%dma_wait3A_703, %dma_wait3A_704, %mul3A_702] : memref<20x4x131072xf32, #tpu.memory_space<hbm>> -> memref<1x1x4096xf32, #tpu.memory_space<hbm>>
        %dma_wait3A_708 = tpu.memref_squeeze %dma_wait3A_707 : memref<1x1x4096xf32, #tpu.memory_space<hbm>> -> memref<4096xf32, #tpu.memory_space<hbm>>
        %dma_wait3A_709 = tpu.memref_slice %arg4[%dma_wait3A_703, %dma_wait3A_704, %mul3A_702] : memref<20x4x131072xf32, #tpu.memory_space<hbm>> -> memref<1x1x4096xf32, #tpu.memory_space<hbm>>
        %dma_wait3A_710 = tpu.memref_squeeze %dma_wait3A_709 : memref<1x1x4096xf32, #tpu.memory_space<hbm>> -> memref<4096xf32, #tpu.memory_space<hbm>>
        %dma_wait3A_711 = arith.constant 4096 : i32
        %dma_wait3A_712 = tpu.memref_slice %arg11[%dma_wait3A_711] : memref<16384xf32, #tpu.memory_space<vmem>> -> memref<4096xf32, #tpu.memory_space<vmem>>
        tpu.wait_dma2 semaphore(%arg13 : memref<!tpu.dma_semaphore, #tpu.memory_space<semaphore_mem>>) src(%dma_wait3A_712 : memref<4096xf32, #tpu.memory_space<vmem>>) dst(%dma_wait3A_710 : memref<4096xf32, #tpu.memory_space<hbm>>)
        %mul3A_713 = arith.constant 4096 : i32
        %mul3A_714 = arith.muli %add3A, %mul3A_713 : i32
        %dma_wait3A_715 = arith.constant 0 : i32
        %dma_wait3A_716 = arith.constant 2 : i32
        %dma_wait3A_717 = arith.constant 8192 : i32
        %dma_wait3A_718 = tpu.memref_slice %arg11[%dma_wait3A_717] : memref<16384xf32, #tpu.memory_space<vmem>> -> memref<4096xf32, #tpu.memory_space<vmem>>
        %dma_wait3A_719 = tpu.memref_slice %arg4[%dma_wait3A_715, %dma_wait3A_716, %mul3A_714] : memref<20x4x131072xf32, #tpu.memory_space<hbm>> -> memref<1x1x4096xf32, #tpu.memory_space<hbm>>
        %dma_wait3A_720 = tpu.memref_squeeze %dma_wait3A_719 : memref<1x1x4096xf32, #tpu.memory_space<hbm>> -> memref<4096xf32, #tpu.memory_space<hbm>>
        %dma_wait3A_721 = tpu.memref_slice %arg4[%dma_wait3A_715, %dma_wait3A_716, %mul3A_714] : memref<20x4x131072xf32, #tpu.memory_space<hbm>> -> memref<1x1x4096xf32, #tpu.memory_space<hbm>>
        %dma_wait3A_722 = tpu.memref_squeeze %dma_wait3A_721 : memref<1x1x4096xf32, #tpu.memory_space<hbm>> -> memref<4096xf32, #tpu.memory_space<hbm>>
        %dma_wait3A_723 = arith.constant 8192 : i32
        %dma_wait3A_724 = tpu.memref_slice %arg11[%dma_wait3A_723] : memref<16384xf32, #tpu.memory_space<vmem>> -> memref<4096xf32, #tpu.memory_space<vmem>>
        tpu.wait_dma2 semaphore(%arg13 : memref<!tpu.dma_semaphore, #tpu.memory_space<semaphore_mem>>) src(%dma_wait3A_724 : memref<4096xf32, #tpu.memory_space<vmem>>) dst(%dma_wait3A_722 : memref<4096xf32, #tpu.memory_space<hbm>>)
        %mul3A_725 = arith.constant 4096 : i32
        %mul3A_726 = arith.muli %add3A, %mul3A_725 : i32
        %dma_wait3A_727 = arith.constant 0 : i32
        %dma_wait3A_728 = arith.constant 3 : i32
        %dma_wait3A_729 = arith.constant 12288 : i32
        %dma_wait3A_730 = tpu.memref_slice %arg11[%dma_wait3A_729] : memref<16384xf32, #tpu.memory_space<vmem>> -> memref<4096xf32, #tpu.memory_space<vmem>>
        %dma_wait3A_731 = tpu.memref_slice %arg4[%dma_wait3A_727, %dma_wait3A_728, %mul3A_726] : memref<20x4x131072xf32, #tpu.memory_space<hbm>> -> memref<1x1x4096xf32, #tpu.memory_space<hbm>>
        %dma_wait3A_732 = tpu.memref_squeeze %dma_wait3A_731 : memref<1x1x4096xf32, #tpu.memory_space<hbm>> -> memref<4096xf32, #tpu.memory_space<hbm>>
        %dma_wait3A_733 = tpu.memref_slice %arg4[%dma_wait3A_727, %dma_wait3A_728, %mul3A_726] : memref<20x4x131072xf32, #tpu.memory_space<hbm>> -> memref<1x1x4096xf32, #tpu.memory_space<hbm>>
        %dma_wait3A_734 = tpu.memref_squeeze %dma_wait3A_733 : memref<1x1x4096xf32, #tpu.memory_space<hbm>> -> memref<4096xf32, #tpu.memory_space<hbm>>
        %dma_wait3A_735 = arith.constant 12288 : i32
        %dma_wait3A_736 = tpu.memref_slice %arg11[%dma_wait3A_735] : memref<16384xf32, #tpu.memory_space<vmem>> -> memref<4096xf32, #tpu.memory_space<vmem>>
        tpu.wait_dma2 semaphore(%arg13 : memref<!tpu.dma_semaphore, #tpu.memory_space<semaphore_mem>>) src(%dma_wait3A_736 : memref<4096xf32, #tpu.memory_space<vmem>>) dst(%dma_wait3A_734 : memref<4096xf32, #tpu.memory_space<hbm>>)
      } else {
      }
      %scan3A_396 = arith.constant 0 : i32
      %scan3A_397 = arith.constant 0 : i32
      %scan3A_398 = arith.constant 16 : i32
      %scan3A_399 = arith.addi %scan3A_397, %scan3A_398 : i32
      %scan3A_400 = arith.constant 1 : i32
      scf.for %scan3A_689 = %scan3A_397 to %scan3A_399 step %scan3A_400  : i32 {
        %jit3A = arith.constant 4 : i32
        %div3A = arith.divsi %scan3A_689, %jit3A : i32
        %sign3A = arith.constant 0 : i32
        %sign3A_690 = arith.cmpi sgt, %scan3A_689, %sign3A : i32
        %sign3A_691 = arith.extui %sign3A_690 : i1 to i32
        %sign3A_692 = arith.constant 0 : i32
        %sign3A_693 = arith.cmpi slt, %scan3A_689, %sign3A_692 : i32
        %sign3A_694 = arith.extui %sign3A_693 : i1 to i32
        %sign3A_695 = arith.subi %sign3A_691, %sign3A_694 : i32
        %sign3A_696 = arith.constant 0 : i32
        %sign3A_697 = arith.cmpi sgt, %jit3A, %sign3A_696 : i32
        %sign3A_698 = arith.extui %sign3A_697 : i1 to i32
        %sign3A_699 = arith.constant 0 : i32
        %sign3A_700 = arith.cmpi slt, %jit3A, %sign3A_699 : i32
        %sign3A_701 = arith.extui %sign3A_700 : i1 to i32
        %sign3A_702 = arith.subi %sign3A_698, %sign3A_701 : i32
        %ne3A = arith.cmpi ne, %sign3A_695, %sign3A_702 : i32
        %rem3A = arith.remsi %scan3A_689, %jit3A : i32
        %ne3A_703 = arith.constant 0 : i32
        %ne3A_704 = arith.cmpi ne, %rem3A, %ne3A_703 : i32
        %and3A = arith.andi %ne3A, %ne3A_704 : i1
        %sub3A = arith.constant 1 : i32
        %sub3A_705 = arith.subi %div3A, %sub3A : i32
        %select_n3A = arith.select %and3A, %sub3A_705, %div3A : i32
        %rem3A_706 = arith.constant 4 : i32
        %rem3A_707 = arith.remsi %scan3A_689, %rem3A_706 : i32
        %mul3A_708 = arith.constant 128 : i32
        %mul3A_709 = arith.muli %rem3A_707, %mul3A_708 : i32
        %add3A_710 = arith.constant 0 : i32
        %add3A_711 = arith.addi %mul3A_709, %add3A_710 : i32
        %add3A_712 = vector.broadcast %add3A_711 : i32 to vector<16xi32>
        %add3A_713 = arith.addi %iota3A, %add3A_712 : vector<16xi32>
        %mul3A_714 = arith.constant 128 : i32
        %mul3A_715 = arith.muli %rem3A_707, %mul3A_714 : i32
        %add3A_716 = arith.constant 16 : i32
        %add3A_717 = arith.addi %mul3A_715, %add3A_716 : i32
        %add3A_718 = vector.broadcast %add3A_717 : i32 to vector<16xi32>
        %add3A_719 = arith.addi %iota3A, %add3A_718 : vector<16xi32>
        %mul3A_720 = arith.constant 128 : i32
        %mul3A_721 = arith.muli %rem3A_707, %mul3A_720 : i32
        %add3A_722 = arith.constant 32 : i32
        %add3A_723 = arith.addi %mul3A_721, %add3A_722 : i32
        %add3A_724 = vector.broadcast %add3A_723 : i32 to vector<16xi32>
        %add3A_725 = arith.addi %iota3A, %add3A_724 : vector<16xi32>
        %mul3A_726 = arith.constant 128 : i32
        %mul3A_727 = arith.muli %rem3A_707, %mul3A_726 : i32
        %add3A_728 = arith.constant 48 : i32
        %add3A_729 = arith.addi %mul3A_727, %add3A_728 : i32
        %add3A_730 = vector.broadcast %add3A_729 : i32 to vector<16xi32>
        %add3A_731 = arith.addi %iota3A, %add3A_730 : vector<16xi32>
        %mul3A_732 = arith.constant 128 : i32
        %mul3A_733 = arith.muli %rem3A_707, %mul3A_732 : i32
        %add3A_734 = arith.constant 64 : i32
        %add3A_735 = arith.addi %mul3A_733, %add3A_734 : i32
        %add3A_736 = vector.broadcast %add3A_735 : i32 to vector<16xi32>
        %add3A_737 = arith.addi %iota3A, %add3A_736 : vector<16xi32>
        %mul3A_738 = arith.constant 128 : i32
        %mul3A_739 = arith.muli %rem3A_707, %mul3A_738 : i32
        %add3A_740 = arith.constant 80 : i32
        %add3A_741 = arith.addi %mul3A_739, %add3A_740 : i32
        %add3A_742 = vector.broadcast %add3A_741 : i32 to vector<16xi32>
        %add3A_743 = arith.addi %iota3A, %add3A_742 : vector<16xi32>
        %mul3A_744 = arith.constant 128 : i32
        %mul3A_745 = arith.muli %rem3A_707, %mul3A_744 : i32
        %add3A_746 = arith.constant 96 : i32
        %add3A_747 = arith.addi %mul3A_745, %add3A_746 : i32
        %add3A_748 = vector.broadcast %add3A_747 : i32 to vector<16xi32>
        %add3A_749 = arith.addi %iota3A, %add3A_748 : vector<16xi32>
        %mul3A_750 = arith.constant 128 : i32
        %mul3A_751 = arith.muli %rem3A_707, %mul3A_750 : i32
        %add3A_752 = arith.constant 112 : i32
        %add3A_753 = arith.addi %mul3A_751, %add3A_752 : i32
        %add3A_754 = vector.broadcast %add3A_753 : i32 to vector<16xi32>
        %add3A_755 = arith.addi %iota3A, %add3A_754 : vector<16xi32>
        %broadcast_in_dim3A = arith.constant 0 : i32
        %broadcast_in_dim3A_756 = vector.broadcast %broadcast_in_dim3A : i32 to vector<16xi32>
        %mul3A_757 = arith.constant 8 : i32
        %mul3A_758 = arith.muli %select_n3A, %mul3A_757 : i32
        %add3A_759 = arith.constant 0 : i32
        %add3A_760 = arith.addi %mul3A_758, %add3A_759 : i32
        %add3A_761 = arith.constant 0 : i32
        %add3A_762 = arith.addi %add3A_760, %add3A_761 : i32
        %add3A_763 = vector.broadcast %add3A_762 : i32 to vector<16xi32>
        %add3A_764 = arith.addi %broadcast_in_dim3A_756, %add3A_763 : vector<16xi32>
        %broadcast_in_dim3A_765 = arith.constant 0 : i32
        %broadcast_in_dim3A_766 = vector.broadcast %broadcast_in_dim3A_765 : i32 to vector<16xi32>
        %mul3A_767 = arith.constant 8 : i32
        %mul3A_768 = arith.muli %select_n3A, %mul3A_767 : i32
        %add3A_769 = arith.constant 0 : i32
        %add3A_770 = arith.addi %mul3A_768, %add3A_769 : i32
        %add3A_771 = arith.constant 1 : i32
        %add3A_772 = arith.addi %add3A_770, %add3A_771 : i32
        %add3A_773 = vector.broadcast %add3A_772 : i32 to vector<16xi32>
        %add3A_774 = arith.addi %broadcast_in_dim3A_766, %add3A_773 : vector<16xi32>
        %gather3A = tpu.vector_load_idx %arg7[%add3A_713, %add3A_764] : memref<512x32xf32, #tpu.memory_space<vmem>>[vector<16xi32>, vector<16xi32>], vector<16xf32>,
        %gather3A_775 = tpu.vector_load_idx %arg7[%add3A_719, %add3A_764] : memref<512x32xf32, #tpu.memory_space<vmem>>[vector<16xi32>, vector<16xi32>], vector<16xf32>,
        %gather3A_776 = tpu.vector_load_idx %arg7[%add3A_725, %add3A_764] : memref<512x32xf32, #tpu.memory_space<vmem>>[vector<16xi32>, vector<16xi32>], vector<16xf32>,
        %gather3A_777 = tpu.vector_load_idx %arg7[%add3A_731, %add3A_764] : memref<512x32xf32, #tpu.memory_space<vmem>>[vector<16xi32>, vector<16xi32>], vector<16xf32>,
        %gather3A_778 = tpu.vector_load_idx %arg7[%add3A_737, %add3A_764] : memref<512x32xf32, #tpu.memory_space<vmem>>[vector<16xi32>, vector<16xi32>], vector<16xf32>,
        %gather3A_779 = tpu.vector_load_idx %arg7[%add3A_743, %add3A_764] : memref<512x32xf32, #tpu.memory_space<vmem>>[vector<16xi32>, vector<16xi32>], vector<16xf32>,
        %gather3A_780 = tpu.vector_load_idx %arg7[%add3A_749, %add3A_764] : memref<512x32xf32, #tpu.memory_space<vmem>>[vector<16xi32>, vector<16xi32>], vector<16xf32>,
        %gather3A_781 = tpu.vector_load_idx %arg7[%add3A_755, %add3A_764] : memref<512x32xf32, #tpu.memory_space<vmem>>[vector<16xi32>, vector<16xi32>], vector<16xf32>,
        %gather3A_782 = tpu.vector_load_idx %arg7[%add3A_713, %add3A_774] : memref<512x32xf32, #tpu.memory_space<vmem>>[vector<16xi32>, vector<16xi32>], vector<16xf32>,
        %gather3A_783 = tpu.vector_load_idx %arg7[%add3A_719, %add3A_774] : memref<512x32xf32, #tpu.memory_space<vmem>>[vector<16xi32>, vector<16xi32>], vector<16xf32>,
        %gather3A_784 = tpu.vector_load_idx %arg7[%add3A_725, %add3A_774] : memref<512x32xf32, #tpu.memory_space<vmem>>[vector<16xi32>, vector<16xi32>], vector<16xf32>,
        %gather3A_785 = tpu.vector_load_idx %arg7[%add3A_731, %add3A_774] : memref<512x32xf32, #tpu.memory_space<vmem>>[vector<16xi32>, vector<16xi32>], vector<16xf32>,
        %gather3A_786 = tpu.vector_load_idx %arg7[%add3A_737, %add3A_774] : memref<512x32xf32, #tpu.memory_space<vmem>>[vector<16xi32>, vector<16xi32>], vector<16xf32>,
        %gather3A_787 = tpu.vector_load_idx %arg7[%add3A_743, %add3A_774] : memref<512x32xf32, #tpu.memory_space<vmem>>[vector<16xi32>, vector<16xi32>], vector<16xf32>,
        %gather3A_788 = tpu.vector_load_idx %arg7[%add3A_749, %add3A_774] : memref<512x32xf32, #tpu.memory_space<vmem>>[vector<16xi32>, vector<16xi32>], vector<16xf32>,
        %gather3A_789 = tpu.vector_load_idx %arg7[%add3A_755, %add3A_774] : memref<512x32xf32, #tpu.memory_space<vmem>>[vector<16xi32>, vector<16xi32>], vector<16xf32>,
        %mul3A_790 = arith.constant 4096 : i32
        %mul3A_791 = arith.muli %select_n3A, %mul3A_790 : i32
        %mul3A_792 = arith.constant 1024 : i32
        %mul3A_793 = arith.muli %rem3A_707, %mul3A_792 : i32
        %add3A_794 = arith.addi %mul3A_791, %mul3A_793 : i32
        %add3A_795 = arith.constant 0 : i32
        %add3A_796 = arith.addi %add3A_794, %add3A_795 : i32
        %add3A_797 = arith.constant 0 : i32
        %add3A_798 = arith.addi %add3A_796, %add3A_797 : i32
        %swap3A = arith.index_cast %add3A_798 : i32 to index
        %swap3A_799 = tpu.vector_load %arg11[%swap3A] {strides = array<i32>} : memref<16384xf32, #tpu.memory_space<vmem>>, vector<16xf32>,
        tpu.vector_store %arg11[%swap3A], %gather3A {strides = array<i32>} : memref<16384xf32, #tpu.memory_space<vmem>>, vector<16xf32>,
        %mul3A_800 = arith.constant 4096 : i32
        %mul3A_801 = arith.muli %select_n3A, %mul3A_800 : i32
        %mul3A_802 = arith.constant 1024 : i32
        %mul3A_803 = arith.muli %rem3A_707, %mul3A_802 : i32
        %add3A_804 = arith.addi %mul3A_801, %mul3A_803 : i32
        %add3A_805 = arith.constant 0 : i32
        %add3A_806 = arith.addi %add3A_804, %add3A_805 : i32
        %add3A_807 = arith.constant 16 : i32
        %add3A_808 = arith.addi %add3A_806, %add3A_807 : i32
        %swap3A_809 = arith.index_cast %add3A_808 : i32 to index
        %swap3A_810 = tpu.vector_load %arg11[%swap3A_809] {strides = array<i32>} : memref<16384xf32, #tpu.memory_space<vmem>>, vector<16xf32>,
        tpu.vector_store %arg11[%swap3A_809], %gather3A_775 {strides = array<i32>} : memref<16384xf32, #tpu.memory_space<vmem>>, vector<16xf32>,
        %mul3A_811 = arith.constant 4096 : i32
        %mul3A_812 = arith.muli %select_n3A, %mul3A_811 : i32
        %mul3A_813 = arith.constant 1024 : i32
        %mul3A_814 = arith.muli %rem3A_707, %mul3A_813 : i32
        %add3A_815 = arith.addi %mul3A_812, %mul3A_814 : i32
        %add3A_816 = arith.constant 0 : i32
        %add3A_817 = arith.addi %add3A_815, %add3A_816 : i32
        %add3A_818 = arith.constant 32 : i32
        %add3A_819 = arith.addi %add3A_817, %add3A_818 : i32
        %swap3A_820 = arith.index_cast %add3A_819 : i32 to index
        %swap3A_821 = tpu.vector_load %arg11[%swap3A_820] {strides = array<i32>} : memref<16384xf32, #tpu.memory_space<vmem>>, vector<16xf32>,
        tpu.vector_store %arg11[%swap3A_820], %gather3A_776 {strides = array<i32>} : memref<16384xf32, #tpu.memory_space<vmem>>, vector<16xf32>,
        %mul3A_822 = arith.constant 4096 : i32
        %mul3A_823 = arith.muli %select_n3A, %mul3A_822 : i32
        %mul3A_824 = arith.constant 1024 : i32
        %mul3A_825 = arith.muli %rem3A_707, %mul3A_824 : i32
        %add3A_826 = arith.addi %mul3A_823, %mul3A_825 : i32
        %add3A_827 = arith.constant 0 : i32
        %add3A_828 = arith.addi %add3A_826, %add3A_827 : i32
        %add3A_829 = arith.constant 48 : i32
        %add3A_830 = arith.addi %add3A_828, %add3A_829 : i32
        %swap3A_831 = arith.index_cast %add3A_830 : i32 to index
        %swap3A_832 = tpu.vector_load %arg11[%swap3A_831] {strides = array<i32>} : memref<16384xf32, #tpu.memory_space<vmem>>, vector<16xf32>,
        tpu.vector_store %arg11[%swap3A_831], %gather3A_777 {strides = array<i32>} : memref<16384xf32, #tpu.memory_space<vmem>>, vector<16xf32>,
        %mul3A_833 = arith.constant 4096 : i32
        %mul3A_834 = arith.muli %select_n3A, %mul3A_833 : i32
        %mul3A_835 = arith.constant 1024 : i32
        %mul3A_836 = arith.muli %rem3A_707, %mul3A_835 : i32
        %add3A_837 = arith.addi %mul3A_834, %mul3A_836 : i32
        %add3A_838 = arith.constant 0 : i32
        %add3A_839 = arith.addi %add3A_837, %add3A_838 : i32
        %add3A_840 = arith.constant 64 : i32
        %add3A_841 = arith.addi %add3A_839, %add3A_840 : i32
        %swap3A_842 = arith.index_cast %add3A_841 : i32 to index
        %swap3A_843 = tpu.vector_load %arg11[%swap3A_842] {strides = array<i32>} : memref<16384xf32, #tpu.memory_space<vmem>>, vector<16xf32>,
        tpu.vector_store %arg11[%swap3A_842], %gather3A_778 {strides = array<i32>} : memref<16384xf32, #tpu.memory_space<vmem>>, vector<16xf32>,
        %mul3A_844 = arith.constant 4096 : i32
        %mul3A_845 = arith.muli %select_n3A, %mul3A_844 : i32
        %mul3A_846 = arith.constant 1024 : i32
        %mul3A_847 = arith.muli %rem3A_707, %mul3A_846 : i32
        %add3A_848 = arith.addi %mul3A_845, %mul3A_847 : i32
        %add3A_849 = arith.constant 0 : i32
        %add3A_850 = arith.addi %add3A_848, %add3A_849 : i32
        %add3A_851 = arith.constant 80 : i32
        %add3A_852 = arith.addi %add3A_850, %add3A_851 : i32
        %swap3A_853 = arith.index_cast %add3A_852 : i32 to index
        %swap3A_854 = tpu.vector_load %arg11[%swap3A_853] {strides = array<i32>} : memref<16384xf32, #tpu.memory_space<vmem>>, vector<16xf32>,
        tpu.vector_store %arg11[%swap3A_853], %gather3A_779 {strides = array<i32>} : memref<16384xf32, #tpu.memory_space<vmem>>, vector<16xf32>,
        %mul3A_855 = arith.constant 4096 : i32
        %mul3A_856 = arith.muli %select_n3A, %mul3A_855 : i32
        %mul3A_857 = arith.constant 1024 : i32
        %mul3A_858 = arith.muli %rem3A_707, %mul3A_857 : i32
        %add3A_859 = arith.addi %mul3A_856, %mul3A_858 : i32
        %add3A_860 = arith.constant 0 : i32
        %add3A_861 = arith.addi %add3A_859, %add3A_860 : i32
        %add3A_862 = arith.constant 96 : i32
        %add3A_863 = arith.addi %add3A_861, %add3A_862 : i32
        %swap3A_864 = arith.index_cast %add3A_863 : i32 to index
        %swap3A_865 = tpu.vector_load %arg11[%swap3A_864] {strides = array<i32>} : memref<16384xf32, #tpu.memory_space<vmem>>, vector<16xf32>,
        tpu.vector_store %arg11[%swap3A_864], %gather3A_780 {strides = array<i32>} : memref<16384xf32, #tpu.memory_space<vmem>>, vector<16xf32>,
        %mul3A_866 = arith.constant 4096 : i32
        %mul3A_867 = arith.muli %select_n3A, %mul3A_866 : i32
        %mul3A_868 = arith.constant 1024 : i32
        %mul3A_869 = arith.muli %rem3A_707, %mul3A_868 : i32
        %add3A_870 = arith.addi %mul3A_867, %mul3A_869 : i32
        %add3A_871 = arith.constant 0 : i32
        %add3A_872 = arith.addi %add3A_870, %add3A_871 : i32
        %add3A_873 = arith.constant 112 : i32
        %add3A_874 = arith.addi %add3A_872, %add3A_873 : i32
        %swap3A_875 = arith.index_cast %add3A_874 : i32 to index
        %swap3A_876 = tpu.vector_load %arg11[%swap3A_875] {strides = array<i32>} : memref<16384xf32, #tpu.memory_space<vmem>>, vector<16xf32>,
        tpu.vector_store %arg11[%swap3A_875], %gather3A_781 {strides = array<i32>} : memref<16384xf32, #tpu.memory_space<vmem>>, vector<16xf32>,
        %mul3A_877 = arith.constant 4096 : i32
        %mul3A_878 = arith.muli %select_n3A, %mul3A_877 : i32
        %mul3A_879 = arith.constant 1024 : i32
        %mul3A_880 = arith.muli %rem3A_707, %mul3A_879 : i32
        %add3A_881 = arith.addi %mul3A_878, %mul3A_880 : i32
        %add3A_882 = arith.constant 128 : i32
        %add3A_883 = arith.addi %add3A_881, %add3A_882 : i32
        %add3A_884 = arith.constant 0 : i32
        %add3A_885 = arith.addi %add3A_883, %add3A_884 : i32
        %swap3A_886 = arith.index_cast %add3A_885 : i32 to index
        %swap3A_887 = tpu.vector_load %arg11[%swap3A_886] {strides = array<i32>} : memref<16384xf32, #tpu.memory_space<vmem>>, vector<16xf32>,
        tpu.vector_store %arg11[%swap3A_886], %gather3A_782 {strides = array<i32>} : memref<16384xf32, #tpu.memory_space<vmem>>, vector<16xf32>,
        %mul3A_888 = arith.constant 4096 : i32
        %mul3A_889 = arith.muli %select_n3A, %mul3A_888 : i32
        %mul3A_890 = arith.constant 1024 : i32
        %mul3A_891 = arith.muli %rem3A_707, %mul3A_890 : i32
        %add3A_892 = arith.addi %mul3A_889, %mul3A_891 : i32
        %add3A_893 = arith.constant 128 : i32
        %add3A_894 = arith.addi %add3A_892, %add3A_893 : i32
        %add3A_895 = arith.constant 16 : i32
        %add3A_896 = arith.addi %add3A_894, %add3A_895 : i32
        %swap3A_897 = arith.index_cast %add3A_896 : i32 to index
        %swap3A_898 = tpu.vector_load %arg11[%swap3A_897] {strides = array<i32>} : memref<16384xf32, #tpu.memory_space<vmem>>, vector<16xf32>,
        tpu.vector_store %arg11[%swap3A_897], %gather3A_783 {strides = array<i32>} : memref<16384xf32, #tpu.memory_space<vmem>>, vector<16xf32>,
        %mul3A_899 = arith.constant 4096 : i32
        %mul3A_900 = arith.muli %select_n3A, %mul3A_899 : i32
        %mul3A_901 = arith.constant 1024 : i32
        %mul3A_902 = arith.muli %rem3A_707, %mul3A_901 : i32
        %add3A_903 = arith.addi %mul3A_900, %mul3A_902 : i32
        %add3A_904 = arith.constant 128 : i32
        %add3A_905 = arith.addi %add3A_903, %add3A_904 : i32
        %add3A_906 = arith.constant 32 : i32
        %add3A_907 = arith.addi %add3A_905, %add3A_906 : i32
        %swap3A_908 = arith.index_cast %add3A_907 : i32 to index
        %swap3A_909 = tpu.vector_load %arg11[%swap3A_908] {strides = array<i32>} : memref<16384xf32, #tpu.memory_space<vmem>>, vector<16xf32>,
        tpu.vector_store %arg11[%swap3A_908], %gather3A_784 {strides = array<i32>} : memref<16384xf32, #tpu.memory_space<vmem>>, vector<16xf32>,
        %mul3A_910 = arith.constant 4096 : i32
        %mul3A_911 = arith.muli %select_n3A, %mul3A_910 : i32
        %mul3A_912 = arith.constant 1024 : i32
        %mul3A_913 = arith.muli %rem3A_707, %mul3A_912 : i32
        %add3A_914 = arith.addi %mul3A_911, %mul3A_913 : i32
        %add3A_915 = arith.constant 128 : i32
        %add3A_916 = arith.addi %add3A_914, %add3A_915 : i32
        %add3A_917 = arith.constant 48 : i32
        %add3A_918 = arith.addi %add3A_916, %add3A_917 : i32
        %swap3A_919 = arith.index_cast %add3A_918 : i32 to index
        %swap3A_920 = tpu.vector_load %arg11[%swap3A_919] {strides = array<i32>} : memref<16384xf32, #tpu.memory_space<vmem>>, vector<16xf32>,
        tpu.vector_store %arg11[%swap3A_919], %gather3A_785 {strides = array<i32>} : memref<16384xf32, #tpu.memory_space<vmem>>, vector<16xf32>,
        %mul3A_921 = arith.constant 4096 : i32
        %mul3A_922 = arith.muli %select_n3A, %mul3A_921 : i32
        %mul3A_923 = arith.constant 1024 : i32
        %mul3A_924 = arith.muli %rem3A_707, %mul3A_923 : i32
        %add3A_925 = arith.addi %mul3A_922, %mul3A_924 : i32
        %add3A_926 = arith.constant 128 : i32
        %add3A_927 = arith.addi %add3A_925, %add3A_926 : i32
        %add3A_928 = arith.constant 64 : i32
        %add3A_929 = arith.addi %add3A_927, %add3A_928 : i32
        %swap3A_930 = arith.index_cast %add3A_929 : i32 to index
        %swap3A_931 = tpu.vector_load %arg11[%swap3A_930] {strides = array<i32>} : memref<16384xf32, #tpu.memory_space<vmem>>, vector<16xf32>,
        tpu.vector_store %arg11[%swap3A_930], %gather3A_786 {strides = array<i32>} : memref<16384xf32, #tpu.memory_space<vmem>>, vector<16xf32>,
        %mul3A_932 = arith.constant 4096 : i32
        %mul3A_933 = arith.muli %select_n3A, %mul3A_932 : i32
        %mul3A_934 = arith.constant 1024 : i32
        %mul3A_935 = arith.muli %rem3A_707, %mul3A_934 : i32
        %add3A_936 = arith.addi %mul3A_933, %mul3A_935 : i32
        %add3A_937 = arith.constant 128 : i32
        %add3A_938 = arith.addi %add3A_936, %add3A_937 : i32
        %add3A_939 = arith.constant 80 : i32
        %add3A_940 = arith.addi %add3A_938, %add3A_939 : i32
        %swap3A_941 = arith.index_cast %add3A_940 : i32 to index
        %swap3A_942 = tpu.vector_load %arg11[%swap3A_941] {strides = array<i32>} : memref<16384xf32, #tpu.memory_space<vmem>>, vector<16xf32>,
        tpu.vector_store %arg11[%swap3A_941], %gather3A_787 {strides = array<i32>} : memref<16384xf32, #tpu.memory_space<vmem>>, vector<16xf32>,
        %mul3A_943 = arith.constant 4096 : i32
        %mul3A_944 = arith.muli %select_n3A, %mul3A_943 : i32
        %mul3A_945 = arith.constant 1024 : i32
        %mul3A_946 = arith.muli %rem3A_707, %mul3A_945 : i32
        %add3A_947 = arith.addi %mul3A_944, %mul3A_946 : i32
        %add3A_948 = arith.constant 128 : i32
        %add3A_949 = arith.addi %add3A_947, %add3A_948 : i32
        %add3A_950 = arith.constant 96 : i32
        %add3A_951 = arith.addi %add3A_949, %add3A_950 : i32
        %swap3A_952 = arith.index_cast %add3A_951 : i32 to index
        %swap3A_953 = tpu.vector_load %arg11[%swap3A_952] {strides = array<i32>} : memref<16384xf32, #tpu.memory_space<vmem>>, vector<16xf32>,
        tpu.vector_store %arg11[%swap3A_952], %gather3A_788 {strides = array<i32>} : memref<16384xf32, #tpu.memory_space<vmem>>, vector<16xf32>,
        %mul3A_954 = arith.constant 4096 : i32
        %mul3A_955 = arith.muli %select_n3A, %mul3A_954 : i32
        %mul3A_956 = arith.constant 1024 : i32
        %mul3A_957 = arith.muli %rem3A_707, %mul3A_956 : i32
        %add3A_958 = arith.addi %mul3A_955, %mul3A_957 : i32
        %add3A_959 = arith.constant 128 : i32
        %add3A_960 = arith.addi %add3A_958, %add3A_959 : i32
        %add3A_961 = arith.constant 112 : i32
        %add3A_962 = arith.addi %add3A_960, %add3A_961 : i32
        %swap3A_963 = arith.index_cast %add3A_962 : i32 to index
        %swap3A_964 = tpu.vector_load %arg11[%swap3A_963] {strides = array<i32>} : memref<16384xf32, #tpu.memory_space<vmem>>, vector<16xf32>,
        tpu.vector_store %arg11[%swap3A_963], %gather3A_789 {strides = array<i32>} : memref<16384xf32, #tpu.memory_space<vmem>>, vector<16xf32>,
        %broadcast_in_dim3A_965 = arith.constant 0 : i32
        %broadcast_in_dim3A_966 = vector.broadcast %broadcast_in_dim3A_965 : i32 to vector<16xi32>
        %mul3A_967 = arith.constant 8 : i32
        %mul3A_968 = arith.muli %select_n3A, %mul3A_967 : i32
        %add3A_969 = arith.constant 2 : i32
        %add3A_970 = arith.addi %mul3A_968, %add3A_969 : i32
        %add3A_971 = arith.constant 0 : i32
        %add3A_972 = arith.addi %add3A_970, %add3A_971 : i32
        %add3A_973 = vector.broadcast %add3A_972 : i32 to vector<16xi32>
        %add3A_974 = arith.addi %broadcast_in_dim3A_966, %add3A_973 : vector<16xi32>
        %broadcast_in_dim3A_975 = arith.constant 0 : i32
        %broadcast_in_dim3A_976 = vector.broadcast %broadcast_in_dim3A_975 : i32 to vector<16xi32>
        %mul3A_977 = arith.constant 8 : i32
        %mul3A_978 = arith.muli %select_n3A, %mul3A_977 : i32
        %add3A_979 = arith.constant 2 : i32
        %add3A_980 = arith.addi %mul3A_978, %add3A_979 : i32
        %add3A_981 = arith.constant 1 : i32
        %add3A_982 = arith.addi %add3A_980, %add3A_981 : i32
        %add3A_983 = vector.broadcast %add3A_982 : i32 to vector<16xi32>
        %add3A_984 = arith.addi %broadcast_in_dim3A_976, %add3A_983 : vector<16xi32>
        %gather3A_985 = tpu.vector_load_idx %arg7[%add3A_713, %add3A_974] : memref<512x32xf32, #tpu.memory_space<vmem>>[vector<16xi32>, vector<16xi32>], vector<16xf32>,
        %gather3A_986 = tpu.vector_load_idx %arg7[%add3A_719, %add3A_974] : memref<512x32xf32, #tpu.memory_space<vmem>>[vector<16xi32>, vector<16xi32>], vector<16xf32>,
        %gather3A_987 = tpu.vector_load_idx %arg7[%add3A_725, %add3A_974] : memref<512x32xf32, #tpu.memory_space<vmem>>[vector<16xi32>, vector<16xi32>], vector<16xf32>,
        %gather3A_988 = tpu.vector_load_idx %arg7[%add3A_731, %add3A_974] : memref<512x32xf32, #tpu.memory_space<vmem>>[vector<16xi32>, vector<16xi32>], vector<16xf32>,
        %gather3A_989 = tpu.vector_load_idx %arg7[%add3A_737, %add3A_974] : memref<512x32xf32, #tpu.memory_space<vmem>>[vector<16xi32>, vector<16xi32>], vector<16xf32>,
        %gather3A_990 = tpu.vector_load_idx %arg7[%add3A_743, %add3A_974] : memref<512x32xf32, #tpu.memory_space<vmem>>[vector<16xi32>, vector<16xi32>], vector<16xf32>,
        %gather3A_991 = tpu.vector_load_idx %arg7[%add3A_749, %add3A_974] : memref<512x32xf32, #tpu.memory_space<vmem>>[vector<16xi32>, vector<16xi32>], vector<16xf32>,
        %gather3A_992 = tpu.vector_load_idx %arg7[%add3A_755, %add3A_974] : memref<512x32xf32, #tpu.memory_space<vmem>>[vector<16xi32>, vector<16xi32>], vector<16xf32>,
        %gather3A_993 = tpu.vector_load_idx %arg7[%add3A_713, %add3A_984] : memref<512x32xf32, #tpu.memory_space<vmem>>[vector<16xi32>, vector<16xi32>], vector<16xf32>,
        %gather3A_994 = tpu.vector_load_idx %arg7[%add3A_719, %add3A_984] : memref<512x32xf32, #tpu.memory_space<vmem>>[vector<16xi32>, vector<16xi32>], vector<16xf32>,
        %gather3A_995 = tpu.vector_load_idx %arg7[%add3A_725, %add3A_984] : memref<512x32xf32, #tpu.memory_space<vmem>>[vector<16xi32>, vector<16xi32>], vector<16xf32>,
        %gather3A_996 = tpu.vector_load_idx %arg7[%add3A_731, %add3A_984] : memref<512x32xf32, #tpu.memory_space<vmem>>[vector<16xi32>, vector<16xi32>], vector<16xf32>,
        %gather3A_997 = tpu.vector_load_idx %arg7[%add3A_737, %add3A_984] : memref<512x32xf32, #tpu.memory_space<vmem>>[vector<16xi32>, vector<16xi32>], vector<16xf32>,
        %gather3A_998 = tpu.vector_load_idx %arg7[%add3A_743, %add3A_984] : memref<512x32xf32, #tpu.memory_space<vmem>>[vector<16xi32>, vector<16xi32>], vector<16xf32>,
        %gather3A_999 = tpu.vector_load_idx %arg7[%add3A_749, %add3A_984] : memref<512x32xf32, #tpu.memory_space<vmem>>[vector<16xi32>, vector<16xi32>], vector<16xf32>,
        %gather3A_1000 = tpu.vector_load_idx %arg7[%add3A_755, %add3A_984] : memref<512x32xf32, #tpu.memory_space<vmem>>[vector<16xi32>, vector<16xi32>], vector<16xf32>,
        %mul3A_1001 = arith.constant 4096 : i32
        %mul3A_1002 = arith.muli %select_n3A, %mul3A_1001 : i32
        %mul3A_1003 = arith.constant 1024 : i32
        %mul3A_1004 = arith.muli %rem3A_707, %mul3A_1003 : i32
        %add3A_1005 = arith.addi %mul3A_1002, %mul3A_1004 : i32
        %add3A_1006 = arith.constant 256 : i32
        %add3A_1007 = arith.addi %add3A_1005, %add3A_1006 : i32
        %add3A_1008 = arith.constant 0 : i32
        %add3A_1009 = arith.addi %add3A_1007, %add3A_1008 : i32
        %swap3A_1010 = arith.index_cast %add3A_1009 : i32 to index
        %swap3A_1011 = tpu.vector_load %arg11[%swap3A_1010] {strides = array<i32>} : memref<16384xf32, #tpu.memory_space<vmem>>, vector<16xf32>,
        tpu.vector_store %arg11[%swap3A_1010], %gather3A_985 {strides = array<i32>} : memref<16384xf32, #tpu.memory_space<vmem>>, vector<16xf32>,
        %mul3A_1012 = arith.constant 4096 : i32
        %mul3A_1013 = arith.muli %select_n3A, %mul3A_1012 : i32
        %mul3A_1014 = arith.constant 1024 : i32
        %mul3A_1015 = arith.muli %rem3A_707, %mul3A_1014 : i32
        %add3A_1016 = arith.addi %mul3A_1013, %mul3A_1015 : i32
        %add3A_1017 = arith.constant 256 : i32
        %add3A_1018 = arith.addi %add3A_1016, %add3A_1017 : i32
        %add3A_1019 = arith.constant 16 : i32
        %add3A_1020 = arith.addi %add3A_1018, %add3A_1019 : i32
        %swap3A_1021 = arith.index_cast %add3A_1020 : i32 to index
        %swap3A_1022 = tpu.vector_load %arg11[%swap3A_1021] {strides = array<i32>} : memref<16384xf32, #tpu.memory_space<vmem>>, vector<16xf32>,
        tpu.vector_store %arg11[%swap3A_1021], %gather3A_986 {strides = array<i32>} : memref<16384xf32, #tpu.memory_space<vmem>>, vector<16xf32>,
        %mul3A_1023 = arith.constant 4096 : i32
        %mul3A_1024 = arith.muli %select_n3A, %mul3A_1023 : i32
        %mul3A_1025 = arith.constant 1024 : i32
        %mul3A_1026 = arith.muli %rem3A_707, %mul3A_1025 : i32
        %add3A_1027 = arith.addi %mul3A_1024, %mul3A_1026 : i32
        %add3A_1028 = arith.constant 256 : i32
        %add3A_1029 = arith.addi %add3A_1027, %add3A_1028 : i32
        %add3A_1030 = arith.constant 32 : i32
        %add3A_1031 = arith.addi %add3A_1029, %add3A_1030 : i32
        %swap3A_1032 = arith.index_cast %add3A_1031 : i32 to index
        %swap3A_1033 = tpu.vector_load %arg11[%swap3A_1032] {strides = array<i32>} : memref<16384xf32, #tpu.memory_space<vmem>>, vector<16xf32>,
        tpu.vector_store %arg11[%swap3A_1032], %gather3A_987 {strides = array<i32>} : memref<16384xf32, #tpu.memory_space<vmem>>, vector<16xf32>,
        %mul3A_1034 = arith.constant 4096 : i32
        %mul3A_1035 = arith.muli %select_n3A, %mul3A_1034 : i32
        %mul3A_1036 = arith.constant 1024 : i32
        %mul3A_1037 = arith.muli %rem3A_707, %mul3A_1036 : i32
        %add3A_1038 = arith.addi %mul3A_1035, %mul3A_1037 : i32
        %add3A_1039 = arith.constant 256 : i32
        %add3A_1040 = arith.addi %add3A_1038, %add3A_1039 : i32
        %add3A_1041 = arith.constant 48 : i32
        %add3A_1042 = arith.addi %add3A_1040, %add3A_1041 : i32
        %swap3A_1043 = arith.index_cast %add3A_1042 : i32 to index
        %swap3A_1044 = tpu.vector_load %arg11[%swap3A_1043] {strides = array<i32>} : memref<16384xf32, #tpu.memory_space<vmem>>, vector<16xf32>,
        tpu.vector_store %arg11[%swap3A_1043], %gather3A_988 {strides = array<i32>} : memref<16384xf32, #tpu.memory_space<vmem>>, vector<16xf32>,
        %mul3A_1045 = arith.constant 4096 : i32
        %mul3A_1046 = arith.muli %select_n3A, %mul3A_1045 : i32
        %mul3A_1047 = arith.constant 1024 : i32
        %mul3A_1048 = arith.muli %rem3A_707, %mul3A_1047 : i32
        %add3A_1049 = arith.addi %mul3A_1046, %mul3A_1048 : i32
        %add3A_1050 = arith.constant 256 : i32
        %add3A_1051 = arith.addi %add3A_1049, %add3A_1050 : i32
        %add3A_1052 = arith.constant 64 : i32
        %add3A_1053 = arith.addi %add3A_1051, %add3A_1052 : i32
        %swap3A_1054 = arith.index_cast %add3A_1053 : i32 to index
        %swap3A_1055 = tpu.vector_load %arg11[%swap3A_1054] {strides = array<i32>} : memref<16384xf32, #tpu.memory_space<vmem>>, vector<16xf32>,
        tpu.vector_store %arg11[%swap3A_1054], %gather3A_989 {strides = array<i32>} : memref<16384xf32, #tpu.memory_space<vmem>>, vector<16xf32>,
        %mul3A_1056 = arith.constant 4096 : i32
        %mul3A_1057 = arith.muli %select_n3A, %mul3A_1056 : i32
        %mul3A_1058 = arith.constant 1024 : i32
        %mul3A_1059 = arith.muli %rem3A_707, %mul3A_1058 : i32
        %add3A_1060 = arith.addi %mul3A_1057, %mul3A_1059 : i32
        %add3A_1061 = arith.constant 256 : i32
        %add3A_1062 = arith.addi %add3A_1060, %add3A_1061 : i32
        %add3A_1063 = arith.constant 80 : i32
        %add3A_1064 = arith.addi %add3A_1062, %add3A_1063 : i32
        %swap3A_1065 = arith.index_cast %add3A_1064 : i32 to index
        %swap3A_1066 = tpu.vector_load %arg11[%swap3A_1065] {strides = array<i32>} : memref<16384xf32, #tpu.memory_space<vmem>>, vector<16xf32>,
        tpu.vector_store %arg11[%swap3A_1065], %gather3A_990 {strides = array<i32>} : memref<16384xf32, #tpu.memory_space<vmem>>, vector<16xf32>,
        %mul3A_1067 = arith.constant 4096 : i32
        %mul3A_1068 = arith.muli %select_n3A, %mul3A_1067 : i32
        %mul3A_1069 = arith.constant 1024 : i32
        %mul3A_1070 = arith.muli %rem3A_707, %mul3A_1069 : i32
        %add3A_1071 = arith.addi %mul3A_1068, %mul3A_1070 : i32
        %add3A_1072 = arith.constant 256 : i32
        %add3A_1073 = arith.addi %add3A_1071, %add3A_1072 : i32
        %add3A_1074 = arith.constant 96 : i32
        %add3A_1075 = arith.addi %add3A_1073, %add3A_1074 : i32
        %swap3A_1076 = arith.index_cast %add3A_1075 : i32 to index
        %swap3A_1077 = tpu.vector_load %arg11[%swap3A_1076] {strides = array<i32>} : memref<16384xf32, #tpu.memory_space<vmem>>, vector<16xf32>,
        tpu.vector_store %arg11[%swap3A_1076], %gather3A_991 {strides = array<i32>} : memref<16384xf32, #tpu.memory_space<vmem>>, vector<16xf32>,
        %mul3A_1078 = arith.constant 4096 : i32
        %mul3A_1079 = arith.muli %select_n3A, %mul3A_1078 : i32
        %mul3A_1080 = arith.constant 1024 : i32
        %mul3A_1081 = arith.muli %rem3A_707, %mul3A_1080 : i32
        %add3A_1082 = arith.addi %mul3A_1079, %mul3A_1081 : i32
        %add3A_1083 = arith.constant 256 : i32
        %add3A_1084 = arith.addi %add3A_1082, %add3A_1083 : i32
        %add3A_1085 = arith.constant 112 : i32
        %add3A_1086 = arith.addi %add3A_1084, %add3A_1085 : i32
        %swap3A_1087 = arith.index_cast %add3A_1086 : i32 to index
        %swap3A_1088 = tpu.vector_load %arg11[%swap3A_1087] {strides = array<i32>} : memref<16384xf32, #tpu.memory_space<vmem>>, vector<16xf32>,
        tpu.vector_store %arg11[%swap3A_1087], %gather3A_992 {strides = array<i32>} : memref<16384xf32, #tpu.memory_space<vmem>>, vector<16xf32>,
        %mul3A_1089 = arith.constant 4096 : i32
        %mul3A_1090 = arith.muli %select_n3A, %mul3A_1089 : i32
        %mul3A_1091 = arith.constant 1024 : i32
        %mul3A_1092 = arith.muli %rem3A_707, %mul3A_1091 : i32
        %add3A_1093 = arith.addi %mul3A_1090, %mul3A_1092 : i32
        %add3A_1094 = arith.constant 384 : i32
        %add3A_1095 = arith.addi %add3A_1093, %add3A_1094 : i32
        %add3A_1096 = arith.constant 0 : i32
        %add3A_1097 = arith.addi %add3A_1095, %add3A_1096 : i32
        %swap3A_1098 = arith.index_cast %add3A_1097 : i32 to index
        %swap3A_1099 = tpu.vector_load %arg11[%swap3A_1098] {strides = array<i32>} : memref<16384xf32, #tpu.memory_space<vmem>>, vector<16xf32>,
        tpu.vector_store %arg11[%swap3A_1098], %gather3A_993 {strides = array<i32>} : memref<16384xf32, #tpu.memory_space<vmem>>, vector<16xf32>,
        %mul3A_1100 = arith.constant 4096 : i32
        %mul3A_1101 = arith.muli %select_n3A, %mul3A_1100 : i32
        %mul3A_1102 = arith.constant 1024 : i32
        %mul3A_1103 = arith.muli %rem3A_707, %mul3A_1102 : i32
        %add3A_1104 = arith.addi %mul3A_1101, %mul3A_1103 : i32
        %add3A_1105 = arith.constant 384 : i32
        %add3A_1106 = arith.addi %add3A_1104, %add3A_1105 : i32
        %add3A_1107 = arith.constant 16 : i32
        %add3A_1108 = arith.addi %add3A_1106, %add3A_1107 : i32
        %swap3A_1109 = arith.index_cast %add3A_1108 : i32 to index
        %swap3A_1110 = tpu.vector_load %arg11[%swap3A_1109] {strides = array<i32>} : memref<16384xf32, #tpu.memory_space<vmem>>, vector<16xf32>,
        tpu.vector_store %arg11[%swap3A_1109], %gather3A_994 {strides = array<i32>} : memref<16384xf32, #tpu.memory_space<vmem>>, vector<16xf32>,
        %mul3A_1111 = arith.constant 4096 : i32
        %mul3A_1112 = arith.muli %select_n3A, %mul3A_1111 : i32
        %mul3A_1113 = arith.constant 1024 : i32
        %mul3A_1114 = arith.muli %rem3A_707, %mul3A_1113 : i32
        %add3A_1115 = arith.addi %mul3A_1112, %mul3A_1114 : i32
        %add3A_1116 = arith.constant 384 : i32
        %add3A_1117 = arith.addi %add3A_1115, %add3A_1116 : i32
        %add3A_1118 = arith.constant 32 : i32
        %add3A_1119 = arith.addi %add3A_1117, %add3A_1118 : i32
        %swap3A_1120 = arith.index_cast %add3A_1119 : i32 to index
        %swap3A_1121 = tpu.vector_load %arg11[%swap3A_1120] {strides = array<i32>} : memref<16384xf32, #tpu.memory_space<vmem>>, vector<16xf32>,
        tpu.vector_store %arg11[%swap3A_1120], %gather3A_995 {strides = array<i32>} : memref<16384xf32, #tpu.memory_space<vmem>>, vector<16xf32>,
        %mul3A_1122 = arith.constant 4096 : i32
        %mul3A_1123 = arith.muli %select_n3A, %mul3A_1122 : i32
        %mul3A_1124 = arith.constant 1024 : i32
        %mul3A_1125 = arith.muli %rem3A_707, %mul3A_1124 : i32
        %add3A_1126 = arith.addi %mul3A_1123, %mul3A_1125 : i32
        %add3A_1127 = arith.constant 384 : i32
        %add3A_1128 = arith.addi %add3A_1126, %add3A_1127 : i32
        %add3A_1129 = arith.constant 48 : i32
        %add3A_1130 = arith.addi %add3A_1128, %add3A_1129 : i32
        %swap3A_1131 = arith.index_cast %add3A_1130 : i32 to index
        %swap3A_1132 = tpu.vector_load %arg11[%swap3A_1131] {strides = array<i32>} : memref<16384xf32, #tpu.memory_space<vmem>>, vector<16xf32>,
        tpu.vector_store %arg11[%swap3A_1131], %gather3A_996 {strides = array<i32>} : memref<16384xf32, #tpu.memory_space<vmem>>, vector<16xf32>,
        %mul3A_1133 = arith.constant 4096 : i32
        %mul3A_1134 = arith.muli %select_n3A, %mul3A_1133 : i32
        %mul3A_1135 = arith.constant 1024 : i32
        %mul3A_1136 = arith.muli %rem3A_707, %mul3A_1135 : i32
        %add3A_1137 = arith.addi %mul3A_1134, %mul3A_1136 : i32
        %add3A_1138 = arith.constant 384 : i32
        %add3A_1139 = arith.addi %add3A_1137, %add3A_1138 : i32
        %add3A_1140 = arith.constant 64 : i32
        %add3A_1141 = arith.addi %add3A_1139, %add3A_1140 : i32
        %swap3A_1142 = arith.index_cast %add3A_1141 : i32 to index
        %swap3A_1143 = tpu.vector_load %arg11[%swap3A_1142] {strides = array<i32>} : memref<16384xf32, #tpu.memory_space<vmem>>, vector<16xf32>,
        tpu.vector_store %arg11[%swap3A_1142], %gather3A_997 {strides = array<i32>} : memref<16384xf32, #tpu.memory_space<vmem>>, vector<16xf32>,
        %mul3A_1144 = arith.constant 4096 : i32
        %mul3A_1145 = arith.muli %select_n3A, %mul3A_1144 : i32
        %mul3A_1146 = arith.constant 1024 : i32
        %mul3A_1147 = arith.muli %rem3A_707, %mul3A_1146 : i32
        %add3A_1148 = arith.addi %mul3A_1145, %mul3A_1147 : i32
        %add3A_1149 = arith.constant 384 : i32
        %add3A_1150 = arith.addi %add3A_1148, %add3A_1149 : i32
        %add3A_1151 = arith.constant 80 : i32
        %add3A_1152 = arith.addi %add3A_1150, %add3A_1151 : i32
        %swap3A_1153 = arith.index_cast %add3A_1152 : i32 to index
        %swap3A_1154 = tpu.vector_load %arg11[%swap3A_1153] {strides = array<i32>} : memref<16384xf32, #tpu.memory_space<vmem>>, vector<16xf32>,
        tpu.vector_store %arg11[%swap3A_1153], %gather3A_998 {strides = array<i32>} : memref<16384xf32, #tpu.memory_space<vmem>>, vector<16xf32>,
        %mul3A_1155 = arith.constant 4096 : i32
        %mul3A_1156 = arith.muli %select_n3A, %mul3A_1155 : i32
        %mul3A_1157 = arith.constant 1024 : i32
        %mul3A_1158 = arith.muli %rem3A_707, %mul3A_1157 : i32
        %add3A_1159 = arith.addi %mul3A_1156, %mul3A_1158 : i32
        %add3A_1160 = arith.constant 384 : i32
        %add3A_1161 = arith.addi %add3A_1159, %add3A_1160 : i32
        %add3A_1162 = arith.constant 96 : i32
        %add3A_1163 = arith.addi %add3A_1161, %add3A_1162 : i32
        %swap3A_1164 = arith.index_cast %add3A_1163 : i32 to index
        %swap3A_1165 = tpu.vector_load %arg11[%swap3A_1164] {strides = array<i32>} : memref<16384xf32, #tpu.memory_space<vmem>>, vector<16xf32>,
        tpu.vector_store %arg11[%swap3A_1164], %gather3A_999 {strides = array<i32>} : memref<16384xf32, #tpu.memory_space<vmem>>, vector<16xf32>,
        %mul3A_1166 = arith.constant 4096 : i32
        %mul3A_1167 = arith.muli %select_n3A, %mul3A_1166 : i32
        %mul3A_1168 = arith.constant 1024 : i32
        %mul3A_1169 = arith.muli %rem3A_707, %mul3A_1168 : i32
        %add3A_1170 = arith.addi %mul3A_1167, %mul3A_1169 : i32
        %add3A_1171 = arith.constant 384 : i32
        %add3A_1172 = arith.addi %add3A_1170, %add3A_1171 : i32
        %add3A_1173 = arith.constant 112 : i32
        %add3A_1174 = arith.addi %add3A_1172, %add3A_1173 : i32
        %swap3A_1175 = arith.index_cast %add3A_1174 : i32 to index
        %swap3A_1176 = tpu.vector_load %arg11[%swap3A_1175] {strides = array<i32>} : memref<16384xf32, #tpu.memory_space<vmem>>, vector<16xf32>,
        tpu.vector_store %arg11[%swap3A_1175], %gather3A_1000 {strides = array<i32>} : memref<16384xf32, #tpu.memory_space<vmem>>, vector<16xf32>,
        %broadcast_in_dim3A_1177 = arith.constant 0 : i32
        %broadcast_in_dim3A_1178 = vector.broadcast %broadcast_in_dim3A_1177 : i32 to vector<16xi32>
        %mul3A_1179 = arith.constant 8 : i32
        %mul3A_1180 = arith.muli %select_n3A, %mul3A_1179 : i32
        %add3A_1181 = arith.constant 4 : i32
        %add3A_1182 = arith.addi %mul3A_1180, %add3A_1181 : i32
        %add3A_1183 = arith.constant 0 : i32
        %add3A_1184 = arith.addi %add3A_1182, %add3A_1183 : i32
        %add3A_1185 = vector.broadcast %add3A_1184 : i32 to vector<16xi32>
        %add3A_1186 = arith.addi %broadcast_in_dim3A_1178, %add3A_1185 : vector<16xi32>
        %broadcast_in_dim3A_1187 = arith.constant 0 : i32
        %broadcast_in_dim3A_1188 = vector.broadcast %broadcast_in_dim3A_1187 : i32 to vector<16xi32>
        %mul3A_1189 = arith.constant 8 : i32
        %mul3A_1190 = arith.muli %select_n3A, %mul3A_1189 : i32
        %add3A_1191 = arith.constant 4 : i32
        %add3A_1192 = arith.addi %mul3A_1190, %add3A_1191 : i32
        %add3A_1193 = arith.constant 1 : i32
        %add3A_1194 = arith.addi %add3A_1192, %add3A_1193 : i32
        %add3A_1195 = vector.broadcast %add3A_1194 : i32 to vector<16xi32>
        %add3A_1196 = arith.addi %broadcast_in_dim3A_1188, %add3A_1195 : vector<16xi32>
        %gather3A_1197 = tpu.vector_load_idx %arg7[%add3A_713, %add3A_1186] : memref<512x32xf32, #tpu.memory_space<vmem>>[vector<16xi32>, vector<16xi32>], vector<16xf32>,
        %gather3A_1198 = tpu.vector_load_idx %arg7[%add3A_719, %add3A_1186] : memref<512x32xf32, #tpu.memory_space<vmem>>[vector<16xi32>, vector<16xi32>], vector<16xf32>,
        %gather3A_1199 = tpu.vector_load_idx %arg7[%add3A_725, %add3A_1186] : memref<512x32xf32, #tpu.memory_space<vmem>>[vector<16xi32>, vector<16xi32>], vector<16xf32>,
        %gather3A_1200 = tpu.vector_load_idx %arg7[%add3A_731, %add3A_1186] : memref<512x32xf32, #tpu.memory_space<vmem>>[vector<16xi32>, vector<16xi32>], vector<16xf32>,
        %gather3A_1201 = tpu.vector_load_idx %arg7[%add3A_737, %add3A_1186] : memref<512x32xf32, #tpu.memory_space<vmem>>[vector<16xi32>, vector<16xi32>], vector<16xf32>,
        %gather3A_1202 = tpu.vector_load_idx %arg7[%add3A_743, %add3A_1186] : memref<512x32xf32, #tpu.memory_space<vmem>>[vector<16xi32>, vector<16xi32>], vector<16xf32>,
        %gather3A_1203 = tpu.vector_load_idx %arg7[%add3A_749, %add3A_1186] : memref<512x32xf32, #tpu.memory_space<vmem>>[vector<16xi32>, vector<16xi32>], vector<16xf32>,
        %gather3A_1204 = tpu.vector_load_idx %arg7[%add3A_755, %add3A_1186] : memref<512x32xf32, #tpu.memory_space<vmem>>[vector<16xi32>, vector<16xi32>], vector<16xf32>,
        %gather3A_1205 = tpu.vector_load_idx %arg7[%add3A_713, %add3A_1196] : memref<512x32xf32, #tpu.memory_space<vmem>>[vector<16xi32>, vector<16xi32>], vector<16xf32>,
        %gather3A_1206 = tpu.vector_load_idx %arg7[%add3A_719, %add3A_1196] : memref<512x32xf32, #tpu.memory_space<vmem>>[vector<16xi32>, vector<16xi32>], vector<16xf32>,
        %gather3A_1207 = tpu.vector_load_idx %arg7[%add3A_725, %add3A_1196] : memref<512x32xf32, #tpu.memory_space<vmem>>[vector<16xi32>, vector<16xi32>], vector<16xf32>,
        %gather3A_1208 = tpu.vector_load_idx %arg7[%add3A_731, %add3A_1196] : memref<512x32xf32, #tpu.memory_space<vmem>>[vector<16xi32>, vector<16xi32>], vector<16xf32>,
        %gather3A_1209 = tpu.vector_load_idx %arg7[%add3A_737, %add3A_1196] : memref<512x32xf32, #tpu.memory_space<vmem>>[vector<16xi32>, vector<16xi32>], vector<16xf32>,
        %gather3A_1210 = tpu.vector_load_idx %arg7[%add3A_743, %add3A_1196] : memref<512x32xf32, #tpu.memory_space<vmem>>[vector<16xi32>, vector<16xi32>], vector<16xf32>,
        %gather3A_1211 = tpu.vector_load_idx %arg7[%add3A_749, %add3A_1196] : memref<512x32xf32, #tpu.memory_space<vmem>>[vector<16xi32>, vector<16xi32>], vector<16xf32>,
        %gather3A_1212 = tpu.vector_load_idx %arg7[%add3A_755, %add3A_1196] : memref<512x32xf32, #tpu.memory_space<vmem>>[vector<16xi32>, vector<16xi32>], vector<16xf32>,
        %mul3A_1213 = arith.constant 4096 : i32
        %mul3A_1214 = arith.muli %select_n3A, %mul3A_1213 : i32
        %mul3A_1215 = arith.constant 1024 : i32
        %mul3A_1216 = arith.muli %rem3A_707, %mul3A_1215 : i32
        %add3A_1217 = arith.addi %mul3A_1214, %mul3A_1216 : i32
        %add3A_1218 = arith.constant 512 : i32
        %add3A_1219 = arith.addi %add3A_1217, %add3A_1218 : i32
        %add3A_1220 = arith.constant 0 : i32
        %add3A_1221 = arith.addi %add3A_1219, %add3A_1220 : i32
        %swap3A_1222 = arith.index_cast %add3A_1221 : i32 to index
        %swap3A_1223 = tpu.vector_load %arg11[%swap3A_1222] {strides = array<i32>} : memref<16384xf32, #tpu.memory_space<vmem>>, vector<16xf32>,
        tpu.vector_store %arg11[%swap3A_1222], %gather3A_1197 {strides = array<i32>} : memref<16384xf32, #tpu.memory_space<vmem>>, vector<16xf32>,
        %mul3A_1224 = arith.constant 4096 : i32
        %mul3A_1225 = arith.muli %select_n3A, %mul3A_1224 : i32
        %mul3A_1226 = arith.constant 1024 : i32
        %mul3A_1227 = arith.muli %rem3A_707, %mul3A_1226 : i32
        %add3A_1228 = arith.addi %mul3A_1225, %mul3A_1227 : i32
        %add3A_1229 = arith.constant 512 : i32
        %add3A_1230 = arith.addi %add3A_1228, %add3A_1229 : i32
        %add3A_1231 = arith.constant 16 : i32
        %add3A_1232 = arith.addi %add3A_1230, %add3A_1231 : i32
        %swap3A_1233 = arith.index_cast %add3A_1232 : i32 to index
        %swap3A_1234 = tpu.vector_load %arg11[%swap3A_1233] {strides = array<i32>} : memref<16384xf32, #tpu.memory_space<vmem>>, vector<16xf32>,
        tpu.vector_store %arg11[%swap3A_1233], %gather3A_1198 {strides = array<i32>} : memref<16384xf32, #tpu.memory_space<vmem>>, vector<16xf32>,
        %mul3A_1235 = arith.constant 4096 : i32
        %mul3A_1236 = arith.muli %select_n3A, %mul3A_1235 : i32
        %mul3A_1237 = arith.constant 1024 : i32
        %mul3A_1238 = arith.muli %rem3A_707, %mul3A_1237 : i32
        %add3A_1239 = arith.addi %mul3A_1236, %mul3A_1238 : i32
        %add3A_1240 = arith.constant 512 : i32
        %add3A_1241 = arith.addi %add3A_1239, %add3A_1240 : i32
        %add3A_1242 = arith.constant 32 : i32
        %add3A_1243 = arith.addi %add3A_1241, %add3A_1242 : i32
        %swap3A_1244 = arith.index_cast %add3A_1243 : i32 to index
        %swap3A_1245 = tpu.vector_load %arg11[%swap3A_1244] {strides = array<i32>} : memref<16384xf32, #tpu.memory_space<vmem>>, vector<16xf32>,
        tpu.vector_store %arg11[%swap3A_1244], %gather3A_1199 {strides = array<i32>} : memref<16384xf32, #tpu.memory_space<vmem>>, vector<16xf32>,
        %mul3A_1246 = arith.constant 4096 : i32
        %mul3A_1247 = arith.muli %select_n3A, %mul3A_1246 : i32
        %mul3A_1248 = arith.constant 1024 : i32
        %mul3A_1249 = arith.muli %rem3A_707, %mul3A_1248 : i32
        %add3A_1250 = arith.addi %mul3A_1247, %mul3A_1249 : i32
        %add3A_1251 = arith.constant 512 : i32
        %add3A_1252 = arith.addi %add3A_1250, %add3A_1251 : i32
        %add3A_1253 = arith.constant 48 : i32
        %add3A_1254 = arith.addi %add3A_1252, %add3A_1253 : i32
        %swap3A_1255 = arith.index_cast %add3A_1254 : i32 to index
        %swap3A_1256 = tpu.vector_load %arg11[%swap3A_1255] {strides = array<i32>} : memref<16384xf32, #tpu.memory_space<vmem>>, vector<16xf32>,
        tpu.vector_store %arg11[%swap3A_1255], %gather3A_1200 {strides = array<i32>} : memref<16384xf32, #tpu.memory_space<vmem>>, vector<16xf32>,
        %mul3A_1257 = arith.constant 4096 : i32
        %mul3A_1258 = arith.muli %select_n3A, %mul3A_1257 : i32
        %mul3A_1259 = arith.constant 1024 : i32
        %mul3A_1260 = arith.muli %rem3A_707, %mul3A_1259 : i32
        %add3A_1261 = arith.addi %mul3A_1258, %mul3A_1260 : i32
        %add3A_1262 = arith.constant 512 : i32
        %add3A_1263 = arith.addi %add3A_1261, %add3A_1262 : i32
        %add3A_1264 = arith.constant 64 : i32
        %add3A_1265 = arith.addi %add3A_1263, %add3A_1264 : i32
        %swap3A_1266 = arith.index_cast %add3A_1265 : i32 to index
        %swap3A_1267 = tpu.vector_load %arg11[%swap3A_1266] {strides = array<i32>} : memref<16384xf32, #tpu.memory_space<vmem>>, vector<16xf32>,
        tpu.vector_store %arg11[%swap3A_1266], %gather3A_1201 {strides = array<i32>} : memref<16384xf32, #tpu.memory_space<vmem>>, vector<16xf32>,
        %mul3A_1268 = arith.constant 4096 : i32
        %mul3A_1269 = arith.muli %select_n3A, %mul3A_1268 : i32
        %mul3A_1270 = arith.constant 1024 : i32
        %mul3A_1271 = arith.muli %rem3A_707, %mul3A_1270 : i32
        %add3A_1272 = arith.addi %mul3A_1269, %mul3A_1271 : i32
        %add3A_1273 = arith.constant 512 : i32
        %add3A_1274 = arith.addi %add3A_1272, %add3A_1273 : i32
        %add3A_1275 = arith.constant 80 : i32
        %add3A_1276 = arith.addi %add3A_1274, %add3A_1275 : i32
        %swap3A_1277 = arith.index_cast %add3A_1276 : i32 to index
        %swap3A_1278 = tpu.vector_load %arg11[%swap3A_1277] {strides = array<i32>} : memref<16384xf32, #tpu.memory_space<vmem>>, vector<16xf32>,
        tpu.vector_store %arg11[%swap3A_1277], %gather3A_1202 {strides = array<i32>} : memref<16384xf32, #tpu.memory_space<vmem>>, vector<16xf32>,
        %mul3A_1279 = arith.constant 4096 : i32
        %mul3A_1280 = arith.muli %select_n3A, %mul3A_1279 : i32
        %mul3A_1281 = arith.constant 1024 : i32
        %mul3A_1282 = arith.muli %rem3A_707, %mul3A_1281 : i32
        %add3A_1283 = arith.addi %mul3A_1280, %mul3A_1282 : i32
        %add3A_1284 = arith.constant 512 : i32
        %add3A_1285 = arith.addi %add3A_1283, %add3A_1284 : i32
        %add3A_1286 = arith.constant 96 : i32
        %add3A_1287 = arith.addi %add3A_1285, %add3A_1286 : i32
        %swap3A_1288 = arith.index_cast %add3A_1287 : i32 to index
        %swap3A_1289 = tpu.vector_load %arg11[%swap3A_1288] {strides = array<i32>} : memref<16384xf32, #tpu.memory_space<vmem>>, vector<16xf32>,
        tpu.vector_store %arg11[%swap3A_1288], %gather3A_1203 {strides = array<i32>} : memref<16384xf32, #tpu.memory_space<vmem>>, vector<16xf32>,
        %mul3A_1290 = arith.constant 4096 : i32
        %mul3A_1291 = arith.muli %select_n3A, %mul3A_1290 : i32
        %mul3A_1292 = arith.constant 1024 : i32
        %mul3A_1293 = arith.muli %rem3A_707, %mul3A_1292 : i32
        %add3A_1294 = arith.addi %mul3A_1291, %mul3A_1293 : i32
        %add3A_1295 = arith.constant 512 : i32
        %add3A_1296 = arith.addi %add3A_1294, %add3A_1295 : i32
        %add3A_1297 = arith.constant 112 : i32
        %add3A_1298 = arith.addi %add3A_1296, %add3A_1297 : i32
        %swap3A_1299 = arith.index_cast %add3A_1298 : i32 to index
        %swap3A_1300 = tpu.vector_load %arg11[%swap3A_1299] {strides = array<i32>} : memref<16384xf32, #tpu.memory_space<vmem>>, vector<16xf32>,
        tpu.vector_store %arg11[%swap3A_1299], %gather3A_1204 {strides = array<i32>} : memref<16384xf32, #tpu.memory_space<vmem>>, vector<16xf32>,
        %mul3A_1301 = arith.constant 4096 : i32
        %mul3A_1302 = arith.muli %select_n3A, %mul3A_1301 : i32
        %mul3A_1303 = arith.constant 1024 : i32
        %mul3A_1304 = arith.muli %rem3A_707, %mul3A_1303 : i32
        %add3A_1305 = arith.addi %mul3A_1302, %mul3A_1304 : i32
        %add3A_1306 = arith.constant 640 : i32
        %add3A_1307 = arith.addi %add3A_1305, %add3A_1306 : i32
        %add3A_1308 = arith.constant 0 : i32
        %add3A_1309 = arith.addi %add3A_1307, %add3A_1308 : i32
        %swap3A_1310 = arith.index_cast %add3A_1309 : i32 to index
        %swap3A_1311 = tpu.vector_load %arg11[%swap3A_1310] {strides = array<i32>} : memref<16384xf32, #tpu.memory_space<vmem>>, vector<16xf32>,
        tpu.vector_store %arg11[%swap3A_1310], %gather3A_1205 {strides = array<i32>} : memref<16384xf32, #tpu.memory_space<vmem>>, vector<16xf32>,
        %mul3A_1312 = arith.constant 4096 : i32
        %mul3A_1313 = arith.muli %select_n3A, %mul3A_1312 : i32
        %mul3A_1314 = arith.constant 1024 : i32
        %mul3A_1315 = arith.muli %rem3A_707, %mul3A_1314 : i32
        %add3A_1316 = arith.addi %mul3A_1313, %mul3A_1315 : i32
        %add3A_1317 = arith.constant 640 : i32
        %add3A_1318 = arith.addi %add3A_1316, %add3A_1317 : i32
        %add3A_1319 = arith.constant 16 : i32
        %add3A_1320 = arith.addi %add3A_1318, %add3A_1319 : i32
        %swap3A_1321 = arith.index_cast %add3A_1320 : i32 to index
        %swap3A_1322 = tpu.vector_load %arg11[%swap3A_1321] {strides = array<i32>} : memref<16384xf32, #tpu.memory_space<vmem>>, vector<16xf32>,
        tpu.vector_store %arg11[%swap3A_1321], %gather3A_1206 {strides = array<i32>} : memref<16384xf32, #tpu.memory_space<vmem>>, vector<16xf32>,
        %mul3A_1323 = arith.constant 4096 : i32
        %mul3A_1324 = arith.muli %select_n3A, %mul3A_1323 : i32
        %mul3A_1325 = arith.constant 1024 : i32
        %mul3A_1326 = arith.muli %rem3A_707, %mul3A_1325 : i32
        %add3A_1327 = arith.addi %mul3A_1324, %mul3A_1326 : i32
        %add3A_1328 = arith.constant 640 : i32
        %add3A_1329 = arith.addi %add3A_1327, %add3A_1328 : i32
        %add3A_1330 = arith.constant 32 : i32
        %add3A_1331 = arith.addi %add3A_1329, %add3A_1330 : i32
        %swap3A_1332 = arith.index_cast %add3A_1331 : i32 to index
        %swap3A_1333 = tpu.vector_load %arg11[%swap3A_1332] {strides = array<i32>} : memref<16384xf32, #tpu.memory_space<vmem>>, vector<16xf32>,
        tpu.vector_store %arg11[%swap3A_1332], %gather3A_1207 {strides = array<i32>} : memref<16384xf32, #tpu.memory_space<vmem>>, vector<16xf32>,
        %mul3A_1334 = arith.constant 4096 : i32
        %mul3A_1335 = arith.muli %select_n3A, %mul3A_1334 : i32
        %mul3A_1336 = arith.constant 1024 : i32
        %mul3A_1337 = arith.muli %rem3A_707, %mul3A_1336 : i32
        %add3A_1338 = arith.addi %mul3A_1335, %mul3A_1337 : i32
        %add3A_1339 = arith.constant 640 : i32
        %add3A_1340 = arith.addi %add3A_1338, %add3A_1339 : i32
        %add3A_1341 = arith.constant 48 : i32
        %add3A_1342 = arith.addi %add3A_1340, %add3A_1341 : i32
        %swap3A_1343 = arith.index_cast %add3A_1342 : i32 to index
        %swap3A_1344 = tpu.vector_load %arg11[%swap3A_1343] {strides = array<i32>} : memref<16384xf32, #tpu.memory_space<vmem>>, vector<16xf32>,
        tpu.vector_store %arg11[%swap3A_1343], %gather3A_1208 {strides = array<i32>} : memref<16384xf32, #tpu.memory_space<vmem>>, vector<16xf32>,
        %mul3A_1345 = arith.constant 4096 : i32
        %mul3A_1346 = arith.muli %select_n3A, %mul3A_1345 : i32
        %mul3A_1347 = arith.constant 1024 : i32
        %mul3A_1348 = arith.muli %rem3A_707, %mul3A_1347 : i32
        %add3A_1349 = arith.addi %mul3A_1346, %mul3A_1348 : i32
        %add3A_1350 = arith.constant 640 : i32
        %add3A_1351 = arith.addi %add3A_1349, %add3A_1350 : i32
        %add3A_1352 = arith.constant 64 : i32
        %add3A_1353 = arith.addi %add3A_1351, %add3A_1352 : i32
        %swap3A_1354 = arith.index_cast %add3A_1353 : i32 to index
        %swap3A_1355 = tpu.vector_load %arg11[%swap3A_1354] {strides = array<i32>} : memref<16384xf32, #tpu.memory_space<vmem>>, vector<16xf32>,
        tpu.vector_store %arg11[%swap3A_1354], %gather3A_1209 {strides = array<i32>} : memref<16384xf32, #tpu.memory_space<vmem>>, vector<16xf32>,
        %mul3A_1356 = arith.constant 4096 : i32
        %mul3A_1357 = arith.muli %select_n3A, %mul3A_1356 : i32
        %mul3A_1358 = arith.constant 1024 : i32
        %mul3A_1359 = arith.muli %rem3A_707, %mul3A_1358 : i32
        %add3A_1360 = arith.addi %mul3A_1357, %mul3A_1359 : i32
        %add3A_1361 = arith.constant 640 : i32
        %add3A_1362 = arith.addi %add3A_1360, %add3A_1361 : i32
        %add3A_1363 = arith.constant 80 : i32
        %add3A_1364 = arith.addi %add3A_1362, %add3A_1363 : i32
        %swap3A_1365 = arith.index_cast %add3A_1364 : i32 to index
        %swap3A_1366 = tpu.vector_load %arg11[%swap3A_1365] {strides = array<i32>} : memref<16384xf32, #tpu.memory_space<vmem>>, vector<16xf32>,
        tpu.vector_store %arg11[%swap3A_1365], %gather3A_1210 {strides = array<i32>} : memref<16384xf32, #tpu.memory_space<vmem>>, vector<16xf32>,
        %mul3A_1367 = arith.constant 4096 : i32
        %mul3A_1368 = arith.muli %select_n3A, %mul3A_1367 : i32
        %mul3A_1369 = arith.constant 1024 : i32
        %mul3A_1370 = arith.muli %rem3A_707, %mul3A_1369 : i32
        %add3A_1371 = arith.addi %mul3A_1368, %mul3A_1370 : i32
        %add3A_1372 = arith.constant 640 : i32
        %add3A_1373 = arith.addi %add3A_1371, %add3A_1372 : i32
        %add3A_1374 = arith.constant 96 : i32
        %add3A_1375 = arith.addi %add3A_1373, %add3A_1374 : i32
        %swap3A_1376 = arith.index_cast %add3A_1375 : i32 to index
        %swap3A_1377 = tpu.vector_load %arg11[%swap3A_1376] {strides = array<i32>} : memref<16384xf32, #tpu.memory_space<vmem>>, vector<16xf32>,
        tpu.vector_store %arg11[%swap3A_1376], %gather3A_1211 {strides = array<i32>} : memref<16384xf32, #tpu.memory_space<vmem>>, vector<16xf32>,
        %mul3A_1378 = arith.constant 4096 : i32
        %mul3A_1379 = arith.muli %select_n3A, %mul3A_1378 : i32
        %mul3A_1380 = arith.constant 1024 : i32
        %mul3A_1381 = arith.muli %rem3A_707, %mul3A_1380 : i32
        %add3A_1382 = arith.addi %mul3A_1379, %mul3A_1381 : i32
        %add3A_1383 = arith.constant 640 : i32
        %add3A_1384 = arith.addi %add3A_1382, %add3A_1383 : i32
        %add3A_1385 = arith.constant 112 : i32
        %add3A_1386 = arith.addi %add3A_1384, %add3A_1385 : i32
        %swap3A_1387 = arith.index_cast %add3A_1386 : i32 to index
        %swap3A_1388 = tpu.vector_load %arg11[%swap3A_1387] {strides = array<i32>} : memref<16384xf32, #tpu.memory_space<vmem>>, vector<16xf32>,
        tpu.vector_store %arg11[%swap3A_1387], %gather3A_1212 {strides = array<i32>} : memref<16384xf32, #tpu.memory_space<vmem>>, vector<16xf32>,
        %broadcast_in_dim3A_1389 = arith.constant 0 : i32
        %broadcast_in_dim3A_1390 = vector.broadcast %broadcast_in_dim3A_1389 : i32 to vector<16xi32>
        %mul3A_1391 = arith.constant 8 : i32
        %mul3A_1392 = arith.muli %select_n3A, %mul3A_1391 : i32
        %add3A_1393 = arith.constant 6 : i32
        %add3A_1394 = arith.addi %mul3A_1392, %add3A_1393 : i32
        %add3A_1395 = arith.constant 0 : i32
        %add3A_1396 = arith.addi %add3A_1394, %add3A_1395 : i32
        %add3A_1397 = vector.broadcast %add3A_1396 : i32 to vector<16xi32>
        %add3A_1398 = arith.addi %broadcast_in_dim3A_1390, %add3A_1397 : vector<16xi32>
        %broadcast_in_dim3A_1399 = arith.constant 0 : i32
        %broadcast_in_dim3A_1400 = vector.broadcast %broadcast_in_dim3A_1399 : i32 to vector<16xi32>
        %mul3A_1401 = arith.constant 8 : i32
        %mul3A_1402 = arith.muli %select_n3A, %mul3A_1401 : i32
        %add3A_1403 = arith.constant 6 : i32
        %add3A_1404 = arith.addi %mul3A_1402, %add3A_1403 : i32
        %add3A_1405 = arith.constant 1 : i32
        %add3A_1406 = arith.addi %add3A_1404, %add3A_1405 : i32
        %add3A_1407 = vector.broadcast %add3A_1406 : i32 to vector<16xi32>
        %add3A_1408 = arith.addi %broadcast_in_dim3A_1400, %add3A_1407 : vector<16xi32>
        %gather3A_1409 = tpu.vector_load_idx %arg7[%add3A_713, %add3A_1398] : memref<512x32xf32, #tpu.memory_space<vmem>>[vector<16xi32>, vector<16xi32>], vector<16xf32>,
        %gather3A_1410 = tpu.vector_load_idx %arg7[%add3A_719, %add3A_1398] : memref<512x32xf32, #tpu.memory_space<vmem>>[vector<16xi32>, vector<16xi32>], vector<16xf32>,
        %gather3A_1411 = tpu.vector_load_idx %arg7[%add3A_725, %add3A_1398] : memref<512x32xf32, #tpu.memory_space<vmem>>[vector<16xi32>, vector<16xi32>], vector<16xf32>,
        %gather3A_1412 = tpu.vector_load_idx %arg7[%add3A_731, %add3A_1398] : memref<512x32xf32, #tpu.memory_space<vmem>>[vector<16xi32>, vector<16xi32>], vector<16xf32>,
        %gather3A_1413 = tpu.vector_load_idx %arg7[%add3A_737, %add3A_1398] : memref<512x32xf32, #tpu.memory_space<vmem>>[vector<16xi32>, vector<16xi32>], vector<16xf32>,
        %gather3A_1414 = tpu.vector_load_idx %arg7[%add3A_743, %add3A_1398] : memref<512x32xf32, #tpu.memory_space<vmem>>[vector<16xi32>, vector<16xi32>], vector<16xf32>,
        %gather3A_1415 = tpu.vector_load_idx %arg7[%add3A_749, %add3A_1398] : memref<512x32xf32, #tpu.memory_space<vmem>>[vector<16xi32>, vector<16xi32>], vector<16xf32>,
        %gather3A_1416 = tpu.vector_load_idx %arg7[%add3A_755, %add3A_1398] : memref<512x32xf32, #tpu.memory_space<vmem>>[vector<16xi32>, vector<16xi32>], vector<16xf32>,
        %gather3A_1417 = tpu.vector_load_idx %arg7[%add3A_713, %add3A_1408] : memref<512x32xf32, #tpu.memory_space<vmem>>[vector<16xi32>, vector<16xi32>], vector<16xf32>,
        %gather3A_1418 = tpu.vector_load_idx %arg7[%add3A_719, %add3A_1408] : memref<512x32xf32, #tpu.memory_space<vmem>>[vector<16xi32>, vector<16xi32>], vector<16xf32>,
        %gather3A_1419 = tpu.vector_load_idx %arg7[%add3A_725, %add3A_1408] : memref<512x32xf32, #tpu.memory_space<vmem>>[vector<16xi32>, vector<16xi32>], vector<16xf32>,
        %gather3A_1420 = tpu.vector_load_idx %arg7[%add3A_731, %add3A_1408] : memref<512x32xf32, #tpu.memory_space<vmem>>[vector<16xi32>, vector<16xi32>], vector<16xf32>,
        %gather3A_1421 = tpu.vector_load_idx %arg7[%add3A_737, %add3A_1408] : memref<512x32xf32, #tpu.memory_space<vmem>>[vector<16xi32>, vector<16xi32>], vector<16xf32>,
        %gather3A_1422 = tpu.vector_load_idx %arg7[%add3A_743, %add3A_1408] : memref<512x32xf32, #tpu.memory_space<vmem>>[vector<16xi32>, vector<16xi32>], vector<16xf32>,
        %gather3A_1423 = tpu.vector_load_idx %arg7[%add3A_749, %add3A_1408] : memref<512x32xf32, #tpu.memory_space<vmem>>[vector<16xi32>, vector<16xi32>], vector<16xf32>,
        %gather3A_1424 = tpu.vector_load_idx %arg7[%add3A_755, %add3A_1408] : memref<512x32xf32, #tpu.memory_space<vmem>>[vector<16xi32>, vector<16xi32>], vector<16xf32>,
        %mul3A_1425 = arith.constant 4096 : i32
        %mul3A_1426 = arith.muli %select_n3A, %mul3A_1425 : i32
        %mul3A_1427 = arith.constant 1024 : i32
        %mul3A_1428 = arith.muli %rem3A_707, %mul3A_1427 : i32
        %add3A_1429 = arith.addi %mul3A_1426, %mul3A_1428 : i32
        %add3A_1430 = arith.constant 768 : i32
        %add3A_1431 = arith.addi %add3A_1429, %add3A_1430 : i32
        %add3A_1432 = arith.constant 0 : i32
        %add3A_1433 = arith.addi %add3A_1431, %add3A_1432 : i32
        %swap3A_1434 = arith.index_cast %add3A_1433 : i32 to index
        %swap3A_1435 = tpu.vector_load %arg11[%swap3A_1434] {strides = array<i32>} : memref<16384xf32, #tpu.memory_space<vmem>>, vector<16xf32>,
        tpu.vector_store %arg11[%swap3A_1434], %gather3A_1409 {strides = array<i32>} : memref<16384xf32, #tpu.memory_space<vmem>>, vector<16xf32>,
        %mul3A_1436 = arith.constant 4096 : i32
        %mul3A_1437 = arith.muli %select_n3A, %mul3A_1436 : i32
        %mul3A_1438 = arith.constant 1024 : i32
        %mul3A_1439 = arith.muli %rem3A_707, %mul3A_1438 : i32
        %add3A_1440 = arith.addi %mul3A_1437, %mul3A_1439 : i32
        %add3A_1441 = arith.constant 768 : i32
        %add3A_1442 = arith.addi %add3A_1440, %add3A_1441 : i32
        %add3A_1443 = arith.constant 16 : i32
        %add3A_1444 = arith.addi %add3A_1442, %add3A_1443 : i32
        %swap3A_1445 = arith.index_cast %add3A_1444 : i32 to index
        %swap3A_1446 = tpu.vector_load %arg11[%swap3A_1445] {strides = array<i32>} : memref<16384xf32, #tpu.memory_space<vmem>>, vector<16xf32>,
        tpu.vector_store %arg11[%swap3A_1445], %gather3A_1410 {strides = array<i32>} : memref<16384xf32, #tpu.memory_space<vmem>>, vector<16xf32>,
        %mul3A_1447 = arith.constant 4096 : i32
        %mul3A_1448 = arith.muli %select_n3A, %mul3A_1447 : i32
        %mul3A_1449 = arith.constant 1024 : i32
        %mul3A_1450 = arith.muli %rem3A_707, %mul3A_1449 : i32
        %add3A_1451 = arith.addi %mul3A_1448, %mul3A_1450 : i32
        %add3A_1452 = arith.constant 768 : i32
        %add3A_1453 = arith.addi %add3A_1451, %add3A_1452 : i32
        %add3A_1454 = arith.constant 32 : i32
        %add3A_1455 = arith.addi %add3A_1453, %add3A_1454 : i32
        %swap3A_1456 = arith.index_cast %add3A_1455 : i32 to index
        %swap3A_1457 = tpu.vector_load %arg11[%swap3A_1456] {strides = array<i32>} : memref<16384xf32, #tpu.memory_space<vmem>>, vector<16xf32>,
        tpu.vector_store %arg11[%swap3A_1456], %gather3A_1411 {strides = array<i32>} : memref<16384xf32, #tpu.memory_space<vmem>>, vector<16xf32>,
        %mul3A_1458 = arith.constant 4096 : i32
        %mul3A_1459 = arith.muli %select_n3A, %mul3A_1458 : i32
        %mul3A_1460 = arith.constant 1024 : i32
        %mul3A_1461 = arith.muli %rem3A_707, %mul3A_1460 : i32
        %add3A_1462 = arith.addi %mul3A_1459, %mul3A_1461 : i32
        %add3A_1463 = arith.constant 768 : i32
        %add3A_1464 = arith.addi %add3A_1462, %add3A_1463 : i32
        %add3A_1465 = arith.constant 48 : i32
        %add3A_1466 = arith.addi %add3A_1464, %add3A_1465 : i32
        %swap3A_1467 = arith.index_cast %add3A_1466 : i32 to index
        %swap3A_1468 = tpu.vector_load %arg11[%swap3A_1467] {strides = array<i32>} : memref<16384xf32, #tpu.memory_space<vmem>>, vector<16xf32>,
        tpu.vector_store %arg11[%swap3A_1467], %gather3A_1412 {strides = array<i32>} : memref<16384xf32, #tpu.memory_space<vmem>>, vector<16xf32>,
        %mul3A_1469 = arith.constant 4096 : i32
        %mul3A_1470 = arith.muli %select_n3A, %mul3A_1469 : i32
        %mul3A_1471 = arith.constant 1024 : i32
        %mul3A_1472 = arith.muli %rem3A_707, %mul3A_1471 : i32
        %add3A_1473 = arith.addi %mul3A_1470, %mul3A_1472 : i32
        %add3A_1474 = arith.constant 768 : i32
        %add3A_1475 = arith.addi %add3A_1473, %add3A_1474 : i32
        %add3A_1476 = arith.constant 64 : i32
        %add3A_1477 = arith.addi %add3A_1475, %add3A_1476 : i32
        %swap3A_1478 = arith.index_cast %add3A_1477 : i32 to index
        %swap3A_1479 = tpu.vector_load %arg11[%swap3A_1478] {strides = array<i32>} : memref<16384xf32, #tpu.memory_space<vmem>>, vector<16xf32>,
        tpu.vector_store %arg11[%swap3A_1478], %gather3A_1413 {strides = array<i32>} : memref<16384xf32, #tpu.memory_space<vmem>>, vector<16xf32>,
        %mul3A_1480 = arith.constant 4096 : i32
        %mul3A_1481 = arith.muli %select_n3A, %mul3A_1480 : i32
        %mul3A_1482 = arith.constant 1024 : i32
        %mul3A_1483 = arith.muli %rem3A_707, %mul3A_1482 : i32
        %add3A_1484 = arith.addi %mul3A_1481, %mul3A_1483 : i32
        %add3A_1485 = arith.constant 768 : i32
        %add3A_1486 = arith.addi %add3A_1484, %add3A_1485 : i32
        %add3A_1487 = arith.constant 80 : i32
        %add3A_1488 = arith.addi %add3A_1486, %add3A_1487 : i32
        %swap3A_1489 = arith.index_cast %add3A_1488 : i32 to index
        %swap3A_1490 = tpu.vector_load %arg11[%swap3A_1489] {strides = array<i32>} : memref<16384xf32, #tpu.memory_space<vmem>>, vector<16xf32>,
        tpu.vector_store %arg11[%swap3A_1489], %gather3A_1414 {strides = array<i32>} : memref<16384xf32, #tpu.memory_space<vmem>>, vector<16xf32>,
        %mul3A_1491 = arith.constant 4096 : i32
        %mul3A_1492 = arith.muli %select_n3A, %mul3A_1491 : i32
        %mul3A_1493 = arith.constant 1024 : i32
        %mul3A_1494 = arith.muli %rem3A_707, %mul3A_1493 : i32
        %add3A_1495 = arith.addi %mul3A_1492, %mul3A_1494 : i32
        %add3A_1496 = arith.constant 768 : i32
        %add3A_1497 = arith.addi %add3A_1495, %add3A_1496 : i32
        %add3A_1498 = arith.constant 96 : i32
        %add3A_1499 = arith.addi %add3A_1497, %add3A_1498 : i32
        %swap3A_1500 = arith.index_cast %add3A_1499 : i32 to index
        %swap3A_1501 = tpu.vector_load %arg11[%swap3A_1500] {strides = array<i32>} : memref<16384xf32, #tpu.memory_space<vmem>>, vector<16xf32>,
        tpu.vector_store %arg11[%swap3A_1500], %gather3A_1415 {strides = array<i32>} : memref<16384xf32, #tpu.memory_space<vmem>>, vector<16xf32>,
        %mul3A_1502 = arith.constant 4096 : i32
        %mul3A_1503 = arith.muli %select_n3A, %mul3A_1502 : i32
        %mul3A_1504 = arith.constant 1024 : i32
        %mul3A_1505 = arith.muli %rem3A_707, %mul3A_1504 : i32
        %add3A_1506 = arith.addi %mul3A_1503, %mul3A_1505 : i32
        %add3A_1507 = arith.constant 768 : i32
        %add3A_1508 = arith.addi %add3A_1506, %add3A_1507 : i32
        %add3A_1509 = arith.constant 112 : i32
        %add3A_1510 = arith.addi %add3A_1508, %add3A_1509 : i32
        %swap3A_1511 = arith.index_cast %add3A_1510 : i32 to index
        %swap3A_1512 = tpu.vector_load %arg11[%swap3A_1511] {strides = array<i32>} : memref<16384xf32, #tpu.memory_space<vmem>>, vector<16xf32>,
        tpu.vector_store %arg11[%swap3A_1511], %gather3A_1416 {strides = array<i32>} : memref<16384xf32, #tpu.memory_space<vmem>>, vector<16xf32>,
        %mul3A_1513 = arith.constant 4096 : i32
        %mul3A_1514 = arith.muli %select_n3A, %mul3A_1513 : i32
        %mul3A_1515 = arith.constant 1024 : i32
        %mul3A_1516 = arith.muli %rem3A_707, %mul3A_1515 : i32
        %add3A_1517 = arith.addi %mul3A_1514, %mul3A_1516 : i32
        %add3A_1518 = arith.constant 896 : i32
        %add3A_1519 = arith.addi %add3A_1517, %add3A_1518 : i32
        %add3A_1520 = arith.constant 0 : i32
        %add3A_1521 = arith.addi %add3A_1519, %add3A_1520 : i32
        %swap3A_1522 = arith.index_cast %add3A_1521 : i32 to index
        %swap3A_1523 = tpu.vector_load %arg11[%swap3A_1522] {strides = array<i32>} : memref<16384xf32, #tpu.memory_space<vmem>>, vector<16xf32>,
        tpu.vector_store %arg11[%swap3A_1522], %gather3A_1417 {strides = array<i32>} : memref<16384xf32, #tpu.memory_space<vmem>>, vector<16xf32>,
        %mul3A_1524 = arith.constant 4096 : i32
        %mul3A_1525 = arith.muli %select_n3A, %mul3A_1524 : i32
        %mul3A_1526 = arith.constant 1024 : i32
        %mul3A_1527 = arith.muli %rem3A_707, %mul3A_1526 : i32
        %add3A_1528 = arith.addi %mul3A_1525, %mul3A_1527 : i32
        %add3A_1529 = arith.constant 896 : i32
        %add3A_1530 = arith.addi %add3A_1528, %add3A_1529 : i32
        %add3A_1531 = arith.constant 16 : i32
        %add3A_1532 = arith.addi %add3A_1530, %add3A_1531 : i32
        %swap3A_1533 = arith.index_cast %add3A_1532 : i32 to index
        %swap3A_1534 = tpu.vector_load %arg11[%swap3A_1533] {strides = array<i32>} : memref<16384xf32, #tpu.memory_space<vmem>>, vector<16xf32>,
        tpu.vector_store %arg11[%swap3A_1533], %gather3A_1418 {strides = array<i32>} : memref<16384xf32, #tpu.memory_space<vmem>>, vector<16xf32>,
        %mul3A_1535 = arith.constant 4096 : i32
        %mul3A_1536 = arith.muli %select_n3A, %mul3A_1535 : i32
        %mul3A_1537 = arith.constant 1024 : i32
        %mul3A_1538 = arith.muli %rem3A_707, %mul3A_1537 : i32
        %add3A_1539 = arith.addi %mul3A_1536, %mul3A_1538 : i32
        %add3A_1540 = arith.constant 896 : i32
        %add3A_1541 = arith.addi %add3A_1539, %add3A_1540 : i32
        %add3A_1542 = arith.constant 32 : i32
        %add3A_1543 = arith.addi %add3A_1541, %add3A_1542 : i32
        %swap3A_1544 = arith.index_cast %add3A_1543 : i32 to index
        %swap3A_1545 = tpu.vector_load %arg11[%swap3A_1544] {strides = array<i32>} : memref<16384xf32, #tpu.memory_space<vmem>>, vector<16xf32>,
        tpu.vector_store %arg11[%swap3A_1544], %gather3A_1419 {strides = array<i32>} : memref<16384xf32, #tpu.memory_space<vmem>>, vector<16xf32>,
        %mul3A_1546 = arith.constant 4096 : i32
        %mul3A_1547 = arith.muli %select_n3A, %mul3A_1546 : i32
        %mul3A_1548 = arith.constant 1024 : i32
        %mul3A_1549 = arith.muli %rem3A_707, %mul3A_1548 : i32
        %add3A_1550 = arith.addi %mul3A_1547, %mul3A_1549 : i32
        %add3A_1551 = arith.constant 896 : i32
        %add3A_1552 = arith.addi %add3A_1550, %add3A_1551 : i32
        %add3A_1553 = arith.constant 48 : i32
        %add3A_1554 = arith.addi %add3A_1552, %add3A_1553 : i32
        %swap3A_1555 = arith.index_cast %add3A_1554 : i32 to index
        %swap3A_1556 = tpu.vector_load %arg11[%swap3A_1555] {strides = array<i32>} : memref<16384xf32, #tpu.memory_space<vmem>>, vector<16xf32>,
        tpu.vector_store %arg11[%swap3A_1555], %gather3A_1420 {strides = array<i32>} : memref<16384xf32, #tpu.memory_space<vmem>>, vector<16xf32>,
        %mul3A_1557 = arith.constant 4096 : i32
        %mul3A_1558 = arith.muli %select_n3A, %mul3A_1557 : i32
        %mul3A_1559 = arith.constant 1024 : i32
        %mul3A_1560 = arith.muli %rem3A_707, %mul3A_1559 : i32
        %add3A_1561 = arith.addi %mul3A_1558, %mul3A_1560 : i32
        %add3A_1562 = arith.constant 896 : i32
        %add3A_1563 = arith.addi %add3A_1561, %add3A_1562 : i32
        %add3A_1564 = arith.constant 64 : i32
        %add3A_1565 = arith.addi %add3A_1563, %add3A_1564 : i32
        %swap3A_1566 = arith.index_cast %add3A_1565 : i32 to index
        %swap3A_1567 = tpu.vector_load %arg11[%swap3A_1566] {strides = array<i32>} : memref<16384xf32, #tpu.memory_space<vmem>>, vector<16xf32>,
        tpu.vector_store %arg11[%swap3A_1566], %gather3A_1421 {strides = array<i32>} : memref<16384xf32, #tpu.memory_space<vmem>>, vector<16xf32>,
        %mul3A_1568 = arith.constant 4096 : i32
        %mul3A_1569 = arith.muli %select_n3A, %mul3A_1568 : i32
        %mul3A_1570 = arith.constant 1024 : i32
        %mul3A_1571 = arith.muli %rem3A_707, %mul3A_1570 : i32
        %add3A_1572 = arith.addi %mul3A_1569, %mul3A_1571 : i32
        %add3A_1573 = arith.constant 896 : i32
        %add3A_1574 = arith.addi %add3A_1572, %add3A_1573 : i32
        %add3A_1575 = arith.constant 80 : i32
        %add3A_1576 = arith.addi %add3A_1574, %add3A_1575 : i32
        %swap3A_1577 = arith.index_cast %add3A_1576 : i32 to index
        %swap3A_1578 = tpu.vector_load %arg11[%swap3A_1577] {strides = array<i32>} : memref<16384xf32, #tpu.memory_space<vmem>>, vector<16xf32>,
        tpu.vector_store %arg11[%swap3A_1577], %gather3A_1422 {strides = array<i32>} : memref<16384xf32, #tpu.memory_space<vmem>>, vector<16xf32>,
        %mul3A_1579 = arith.constant 4096 : i32
        %mul3A_1580 = arith.muli %select_n3A, %mul3A_1579 : i32
        %mul3A_1581 = arith.constant 1024 : i32
        %mul3A_1582 = arith.muli %rem3A_707, %mul3A_1581 : i32
        %add3A_1583 = arith.addi %mul3A_1580, %mul3A_1582 : i32
        %add3A_1584 = arith.constant 896 : i32
        %add3A_1585 = arith.addi %add3A_1583, %add3A_1584 : i32
        %add3A_1586 = arith.constant 96 : i32
        %add3A_1587 = arith.addi %add3A_1585, %add3A_1586 : i32
        %swap3A_1588 = arith.index_cast %add3A_1587 : i32 to index
        %swap3A_1589 = tpu.vector_load %arg11[%swap3A_1588] {strides = array<i32>} : memref<16384xf32, #tpu.memory_space<vmem>>, vector<16xf32>,
        tpu.vector_store %arg11[%swap3A_1588], %gather3A_1423 {strides = array<i32>} : memref<16384xf32, #tpu.memory_space<vmem>>, vector<16xf32>,
        %mul3A_1590 = arith.constant 4096 : i32
        %mul3A_1591 = arith.muli %select_n3A, %mul3A_1590 : i32
        %mul3A_1592 = arith.constant 1024 : i32
        %mul3A_1593 = arith.muli %rem3A_707, %mul3A_1592 : i32
        %add3A_1594 = arith.addi %mul3A_1591, %mul3A_1593 : i32
        %add3A_1595 = arith.constant 896 : i32
        %add3A_1596 = arith.addi %add3A_1594, %add3A_1595 : i32
        %add3A_1597 = arith.constant 112 : i32
        %add3A_1598 = arith.addi %add3A_1596, %add3A_1597 : i32
        %swap3A_1599 = arith.index_cast %add3A_1598 : i32 to index
        %swap3A_1600 = tpu.vector_load %arg11[%swap3A_1599] {strides = array<i32>} : memref<16384xf32, #tpu.memory_space<vmem>>, vector<16xf32>,
        tpu.vector_store %arg11[%swap3A_1599], %gather3A_1424 {strides = array<i32>} : memref<16384xf32, #tpu.memory_space<vmem>>, vector<16xf32>,
      }
      %scan3A_401 = arith.constant 16 : i32
      %mul3A_402 = arith.constant 4096 : i32
      %mul3A_403 = arith.muli %add3A, %mul3A_402 : i32
      %dma_start3A_404 = arith.constant 0 : i32
      %dma_start3A_405 = arith.constant 0 : i32
      %dma_start3A_406 = tpu.memref_slice %arg11[%dma_start3A_405] : memref<16384xf32, #tpu.memory_space<vmem>> -> memref<4096xf32, #tpu.memory_space<vmem>>
      %dma_start3A_407 = tpu.memref_slice %arg4[%add3A_338, %dma_start3A_404, %mul3A_403] : memref<20x4x131072xf32, #tpu.memory_space<hbm>> -> memref<1x1x4096xf32, #tpu.memory_space<hbm>>
      %dma_start3A_408 = tpu.memref_squeeze %dma_start3A_407 : memref<1x1x4096xf32, #tpu.memory_space<hbm>> -> memref<4096xf32, #tpu.memory_space<hbm>>
      %dma_start3A_409 = tpu.memref_slice %arg4[%add3A_338, %dma_start3A_404, %mul3A_403] : memref<20x4x131072xf32, #tpu.memory_space<hbm>> -> memref<1x1x4096xf32, #tpu.memory_space<hbm>>
      %dma_start3A_410 = tpu.memref_squeeze %dma_start3A_409 : memref<1x1x4096xf32, #tpu.memory_space<hbm>> -> memref<4096xf32, #tpu.memory_space<hbm>>
      %dma_start3A_411 = arith.constant 0 : i32
      %dma_start3A_412 = tpu.memref_slice %arg11[%dma_start3A_411] : memref<16384xf32, #tpu.memory_space<vmem>> -> memref<4096xf32, #tpu.memory_space<vmem>>
      tpu.enqueue_dma source(%dma_start3A_412 : memref<4096xf32, #tpu.memory_space<vmem>>) target(%dma_start3A_410 : memref<4096xf32, #tpu.memory_space<hbm>>) target_semaphore(%arg13 : memref<!tpu.dma_semaphore, #tpu.memory_space<semaphore_mem>>)
      %mul3A_413 = arith.constant 4096 : i32
      %mul3A_414 = arith.muli %add3A, %mul3A_413 : i32
      %dma_start3A_415 = arith.constant 1 : i32
      %dma_start3A_416 = arith.constant 4096 : i32
      %dma_start3A_417 = tpu.memref_slice %arg11[%dma_start3A_416] : memref<16384xf32, #tpu.memory_space<vmem>> -> memref<4096xf32, #tpu.memory_space<vmem>>
      %dma_start3A_418 = tpu.memref_slice %arg4[%add3A_338, %dma_start3A_415, %mul3A_414] : memref<20x4x131072xf32, #tpu.memory_space<hbm>> -> memref<1x1x4096xf32, #tpu.memory_space<hbm>>
      %dma_start3A_419 = tpu.memref_squeeze %dma_start3A_418 : memref<1x1x4096xf32, #tpu.memory_space<hbm>> -> memref<4096xf32, #tpu.memory_space<hbm>>
      %dma_start3A_420 = tpu.memref_slice %arg4[%add3A_338, %dma_start3A_415, %mul3A_414] : memref<20x4x131072xf32, #tpu.memory_space<hbm>> -> memref<1x1x4096xf32, #tpu.memory_space<hbm>>
      %dma_start3A_421 = tpu.memref_squeeze %dma_start3A_420 : memref<1x1x4096xf32, #tpu.memory_space<hbm>> -> memref<4096xf32, #tpu.memory_space<hbm>>
      %dma_start3A_422 = arith.constant 4096 : i32
      %dma_start3A_423 = tpu.memref_slice %arg11[%dma_start3A_422] : memref<16384xf32, #tpu.memory_space<vmem>> -> memref<4096xf32, #tpu.memory_space<vmem>>
      tpu.enqueue_dma source(%dma_start3A_423 : memref<4096xf32, #tpu.memory_space<vmem>>) target(%dma_start3A_421 : memref<4096xf32, #tpu.memory_space<hbm>>) target_semaphore(%arg13 : memref<!tpu.dma_semaphore, #tpu.memory_space<semaphore_mem>>)
      %mul3A_424 = arith.constant 4096 : i32
      %mul3A_425 = arith.muli %add3A, %mul3A_424 : i32
      %dma_start3A_426 = arith.constant 2 : i32
      %dma_start3A_427 = arith.constant 8192 : i32
      %dma_start3A_428 = tpu.memref_slice %arg11[%dma_start3A_427] : memref<16384xf32, #tpu.memory_space<vmem>> -> memref<4096xf32, #tpu.memory_space<vmem>>
      %dma_start3A_429 = tpu.memref_slice %arg4[%add3A_338, %dma_start3A_426, %mul3A_425] : memref<20x4x131072xf32, #tpu.memory_space<hbm>> -> memref<1x1x4096xf32, #tpu.memory_space<hbm>>
      %dma_start3A_430 = tpu.memref_squeeze %dma_start3A_429 : memref<1x1x4096xf32, #tpu.memory_space<hbm>> -> memref<4096xf32, #tpu.memory_space<hbm>>
      %dma_start3A_431 = tpu.memref_slice %arg4[%add3A_338, %dma_start3A_426, %mul3A_425] : memref<20x4x131072xf32, #tpu.memory_space<hbm>> -> memref<1x1x4096xf32, #tpu.memory_space<hbm>>
      %dma_start3A_432 = tpu.memref_squeeze %dma_start3A_431 : memref<1x1x4096xf32, #tpu.memory_space<hbm>> -> memref<4096xf32, #tpu.memory_space<hbm>>
      %dma_start3A_433 = arith.constant 8192 : i32
      %dma_start3A_434 = tpu.memref_slice %arg11[%dma_start3A_433] : memref<16384xf32, #tpu.memory_space<vmem>> -> memref<4096xf32, #tpu.memory_space<vmem>>
      tpu.enqueue_dma source(%dma_start3A_434 : memref<4096xf32, #tpu.memory_space<vmem>>) target(%dma_start3A_432 : memref<4096xf32, #tpu.memory_space<hbm>>) target_semaphore(%arg13 : memref<!tpu.dma_semaphore, #tpu.memory_space<semaphore_mem>>)
      %mul3A_435 = arith.constant 4096 : i32
      %mul3A_436 = arith.muli %add3A, %mul3A_435 : i32
      %dma_start3A_437 = arith.constant 3 : i32
      %dma_start3A_438 = arith.constant 12288 : i32
      %dma_start3A_439 = tpu.memref_slice %arg11[%dma_start3A_438] : memref<16384xf32, #tpu.memory_space<vmem>> -> memref<4096xf32, #tpu.memory_space<vmem>>
      %dma_start3A_440 = tpu.memref_slice %arg4[%add3A_338, %dma_start3A_437, %mul3A_436] : memref<20x4x131072xf32, #tpu.memory_space<hbm>> -> memref<1x1x4096xf32, #tpu.memory_space<hbm>>
      %dma_start3A_441 = tpu.memref_squeeze %dma_start3A_440 : memref<1x1x4096xf32, #tpu.memory_space<hbm>> -> memref<4096xf32, #tpu.memory_space<hbm>>
      %dma_start3A_442 = tpu.memref_slice %arg4[%add3A_338, %dma_start3A_437, %mul3A_436] : memref<20x4x131072xf32, #tpu.memory_space<hbm>> -> memref<1x1x4096xf32, #tpu.memory_space<hbm>>
      %dma_start3A_443 = tpu.memref_squeeze %dma_start3A_442 : memref<1x1x4096xf32, #tpu.memory_space<hbm>> -> memref<4096xf32, #tpu.memory_space<hbm>>
      %dma_start3A_444 = arith.constant 12288 : i32
      %dma_start3A_445 = tpu.memref_slice %arg11[%dma_start3A_444] : memref<16384xf32, #tpu.memory_space<vmem>> -> memref<4096xf32, #tpu.memory_space<vmem>>
      tpu.enqueue_dma source(%dma_start3A_445 : memref<4096xf32, #tpu.memory_space<vmem>>) target(%dma_start3A_443 : memref<4096xf32, #tpu.memory_space<hbm>>) target_semaphore(%arg13 : memref<!tpu.dma_semaphore, #tpu.memory_space<semaphore_mem>>)
      %add3A_446 = arith.constant 3 : i32
      %add3A_447 = arith.addi %add3A_338, %add3A_446 : i32
      %lt3A_448 = arith.constant 20 : i32
      %lt3A_449 = arith.cmpi slt, %add3A_447, %lt3A_448 : i32
      %convert_element_type3A_450 = arith.extui %lt3A_449 : i1 to i32
      %cond3A_451 = arith.constant 0 : i32
      %cond3A_452 = arith.cmpi ne, %convert_element_type3A_450, %cond3A_451 : i32
      scf.if %cond3A_452 {
        %add3A_689 = arith.constant 3 : i32
        %add3A_690 = arith.addi %add3A_338, %add3A_689 : i32
        %mul3A_691 = arith.constant 4 : i32
        %mul3A_692 = arith.muli %add3A_690, %mul3A_691 : i32
        %add3A_693 = arith.constant 0 : i32
        %add3A_694 = arith.addi %mul3A_692, %add3A_693 : i32
        %dma_start3A_695 = arith.constant 0 : i32
        %dma_start3A_696 = arith.constant 0 : i32
        %dma_start3A_697 = tpu.memref_slice %arg6[%dma_start3A_695, %dma_start3A_696] : memref<512x32xf32, #tpu.memory_space<vmem>> -> memref<128x32xf32, #tpu.memory_space<vmem>>
        %dma_start3A_698 = arith.constant 0 : i32
        %dma_start3A_699 = tpu.memref_slice %arg5[%add3A_694, %dma_start3A_698] : memref<80x128xi32, #tpu.memory_space<vmem>> -> memref<1x128xi32, #tpu.memory_space<vmem>>
        %dma_start3A_700 = tpu.memref_squeeze %dma_start3A_699 : memref<1x128xi32, #tpu.memory_space<vmem>> -> memref<128xi32, #tpu.memory_space<vmem>>
        %dma_start3A_701 = arith.constant 0 : i32
        %dma_start3A_702 = arith.constant 0 : i32
        %dma_start3A_703 = tpu.memref_slice %arg2[%dma_start3A_701, %dma_start3A_702] : memref<1000000x32xf32, #tpu.memory_space<hbm>> -> memref<1000000x32xf32, #tpu.memory_space<hbm>>
        tpu.enqueue_indirect_dma source(%dma_start3A_703 : memref<1000000x32xf32, #tpu.memory_space<hbm>>) target(%dma_start3A_697 : memref<128x32xf32, #tpu.memory_space<vmem>>) offsets(%dma_start3A_700 : memref<128xi32, #tpu.memory_space<vmem>>) semaphore(%arg12 : memref<!tpu.dma_semaphore, #tpu.memory_space<semaphore_mem>>)
        %mul3A_704 = arith.constant 4 : i32
        %mul3A_705 = arith.muli %add3A_690, %mul3A_704 : i32
        %add3A_706 = arith.constant 1 : i32
        %add3A_707 = arith.addi %mul3A_705, %add3A_706 : i32
        %dma_start3A_708 = arith.constant 128 : i32
        %dma_start3A_709 = arith.constant 0 : i32
        %dma_start3A_710 = tpu.memref_slice %arg6[%dma_start3A_708, %dma_start3A_709] : memref<512x32xf32, #tpu.memory_space<vmem>> -> memref<128x32xf32, #tpu.memory_space<vmem>>
        %dma_start3A_711 = arith.constant 0 : i32
        %dma_start3A_712 = tpu.memref_slice %arg5[%add3A_707, %dma_start3A_711] : memref<80x128xi32, #tpu.memory_space<vmem>> -> memref<1x128xi32, #tpu.memory_space<vmem>>
        %dma_start3A_713 = tpu.memref_squeeze %dma_start3A_712 : memref<1x128xi32, #tpu.memory_space<vmem>> -> memref<128xi32, #tpu.memory_space<vmem>>
        %dma_start3A_714 = arith.constant 0 : i32
        %dma_start3A_715 = arith.constant 0 : i32
        %dma_start3A_716 = tpu.memref_slice %arg2[%dma_start3A_714, %dma_start3A_715] : memref<1000000x32xf32, #tpu.memory_space<hbm>> -> memref<1000000x32xf32, #tpu.memory_space<hbm>>
        tpu.enqueue_indirect_dma source(%dma_start3A_716 : memref<1000000x32xf32, #tpu.memory_space<hbm>>) target(%dma_start3A_710 : memref<128x32xf32, #tpu.memory_space<vmem>>) offsets(%dma_start3A_713 : memref<128xi32, #tpu.memory_space<vmem>>) semaphore(%arg12 : memref<!tpu.dma_semaphore, #tpu.memory_space<semaphore_mem>>)
        %mul3A_717 = arith.constant 4 : i32
        %mul3A_718 = arith.muli %add3A_690, %mul3A_717 : i32
        %add3A_719 = arith.constant 2 : i32
        %add3A_720 = arith.addi %mul3A_718, %add3A_719 : i32
        %dma_start3A_721 = arith.constant 256 : i32
        %dma_start3A_722 = arith.constant 0 : i32
        %dma_start3A_723 = tpu.memref_slice %arg6[%dma_start3A_721, %dma_start3A_722] : memref<512x32xf32, #tpu.memory_space<vmem>> -> memref<128x32xf32, #tpu.memory_space<vmem>>
        %dma_start3A_724 = arith.constant 0 : i32
        %dma_start3A_725 = tpu.memref_slice %arg5[%add3A_720, %dma_start3A_724] : memref<80x128xi32, #tpu.memory_space<vmem>> -> memref<1x128xi32, #tpu.memory_space<vmem>>
        %dma_start3A_726 = tpu.memref_squeeze %dma_start3A_725 : memref<1x128xi32, #tpu.memory_space<vmem>> -> memref<128xi32, #tpu.memory_space<vmem>>
        %dma_start3A_727 = arith.constant 0 : i32
        %dma_start3A_728 = arith.constant 0 : i32
        %dma_start3A_729 = tpu.memref_slice %arg2[%dma_start3A_727, %dma_start3A_728] : memref<1000000x32xf32, #tpu.memory_space<hbm>> -> memref<1000000x32xf32, #tpu.memory_space<hbm>>
        tpu.enqueue_indirect_dma source(%dma_start3A_729 : memref<1000000x32xf32, #tpu.memory_space<hbm>>) target(%dma_start3A_723 : memref<128x32xf32, #tpu.memory_space<vmem>>) offsets(%dma_start3A_726 : memref<128xi32, #tpu.memory_space<vmem>>) semaphore(%arg12 : memref<!tpu.dma_semaphore, #tpu.memory_space<semaphore_mem>>)
        %mul3A_730 = arith.constant 4 : i32
        %mul3A_731 = arith.muli %add3A_690, %mul3A_730 : i32
        %add3A_732 = arith.constant 3 : i32
        %add3A_733 = arith.addi %mul3A_731, %add3A_732 : i32
        %dma_start3A_734 = arith.constant 384 : i32
        %dma_start3A_735 = arith.constant 0 : i32
        %dma_start3A_736 = tpu.memref_slice %arg6[%dma_start3A_734, %dma_start3A_735] : memref<512x32xf32, #tpu.memory_space<vmem>> -> memref<128x32xf32, #tpu.memory_space<vmem>>
        %dma_start3A_737 = arith.constant 0 : i32
        %dma_start3A_738 = tpu.memref_slice %arg5[%add3A_733, %dma_start3A_737] : memref<80x128xi32, #tpu.memory_space<vmem>> -> memref<1x128xi32, #tpu.memory_space<vmem>>
        %dma_start3A_739 = tpu.memref_squeeze %dma_start3A_738 : memref<1x128xi32, #tpu.memory_space<vmem>> -> memref<128xi32, #tpu.memory_space<vmem>>
        %dma_start3A_740 = arith.constant 0 : i32
        %dma_start3A_741 = arith.constant 0 : i32
        %dma_start3A_742 = tpu.memref_slice %arg2[%dma_start3A_740, %dma_start3A_741] : memref<1000000x32xf32, #tpu.memory_space<hbm>> -> memref<1000000x32xf32, #tpu.memory_space<hbm>>
        tpu.enqueue_indirect_dma source(%dma_start3A_742 : memref<1000000x32xf32, #tpu.memory_space<hbm>>) target(%dma_start3A_736 : memref<128x32xf32, #tpu.memory_space<vmem>>) offsets(%dma_start3A_739 : memref<128xi32, #tpu.memory_space<vmem>>) semaphore(%arg12 : memref<!tpu.dma_semaphore, #tpu.memory_space<semaphore_mem>>)
      } else {
      }
      %mul3A_453 = arith.constant 4 : i32
      %mul3A_454 = arith.muli %mul3A_453, %scan3A_220 : i32
      %add3A_455 = arith.constant 2 : i32
      %add3A_456 = arith.addi %mul3A_454, %add3A_455 : i32
      %mul3A_457 = arith.constant 4 : i32
      %mul3A_458 = arith.muli %add3A_456, %mul3A_457 : i32
      %add3A_459 = arith.constant 0 : i32
      %add3A_460 = arith.addi %mul3A_458, %add3A_459 : i32
      %dma_wait3A_461 = arith.constant 0 : i32
      %dma_wait3A_462 = arith.constant 0 : i32
      %dma_wait3A_463 = tpu.memref_slice %arg8[%dma_wait3A_461, %dma_wait3A_462] : memref<512x32xf32, #tpu.memory_space<vmem>> -> memref<128x32xf32, #tpu.memory_space<vmem>>
      %dma_wait3A_464 = arith.constant 0 : i32
      %dma_wait3A_465 = tpu.memref_slice %arg5[%add3A_460, %dma_wait3A_464] : memref<80x128xi32, #tpu.memory_space<vmem>> -> memref<1x128xi32, #tpu.memory_space<vmem>>
      %dma_wait3A_466 = tpu.memref_squeeze %dma_wait3A_465 : memref<1x128xi32, #tpu.memory_space<vmem>> -> memref<128xi32, #tpu.memory_space<vmem>>
      %dma_wait3A_467 = arith.constant 0 : i32
      %dma_wait3A_468 = arith.constant 0 : i32
      %dma_wait3A_469 = tpu.memref_slice %arg2[%dma_wait3A_467, %dma_wait3A_468] : memref<1000000x32xf32, #tpu.memory_space<hbm>> -> memref<1000000x32xf32, #tpu.memory_space<hbm>>
      tpu.wait_indirect_dma semaphore(%arg12 : memref<!tpu.dma_semaphore, #tpu.memory_space<semaphore_mem>>) src(%dma_wait3A_469 : memref<1000000x32xf32, #tpu.memory_space<hbm>>) dst(%dma_wait3A_463 : memref<128x32xf32, #tpu.memory_space<vmem>>)
      %mul3A_470 = arith.constant 4 : i32
      %mul3A_471 = arith.muli %add3A_456, %mul3A_470 : i32
      %add3A_472 = arith.constant 1 : i32
      %add3A_473 = arith.addi %mul3A_471, %add3A_472 : i32
      %dma_wait3A_474 = arith.constant 128 : i32
      %dma_wait3A_475 = arith.constant 0 : i32
      %dma_wait3A_476 = tpu.memref_slice %arg8[%dma_wait3A_474, %dma_wait3A_475] : memref<512x32xf32, #tpu.memory_space<vmem>> -> memref<128x32xf32, #tpu.memory_space<vmem>>
      %dma_wait3A_477 = arith.constant 0 : i32
      %dma_wait3A_478 = tpu.memref_slice %arg5[%add3A_473, %dma_wait3A_477] : memref<80x128xi32, #tpu.memory_space<vmem>> -> memref<1x128xi32, #tpu.memory_space<vmem>>
      %dma_wait3A_479 = tpu.memref_squeeze %dma_wait3A_478 : memref<1x128xi32, #tpu.memory_space<vmem>> -> memref<128xi32, #tpu.memory_space<vmem>>
      %dma_wait3A_480 = arith.constant 0 : i32
      %dma_wait3A_481 = arith.constant 0 : i32
      %dma_wait3A_482 = tpu.memref_slice %arg2[%dma_wait3A_480, %dma_wait3A_481] : memref<1000000x32xf32, #tpu.memory_space<hbm>> -> memref<1000000x32xf32, #tpu.memory_space<hbm>>
      tpu.wait_indirect_dma semaphore(%arg12 : memref<!tpu.dma_semaphore, #tpu.memory_space<semaphore_mem>>) src(%dma_wait3A_482 : memref<1000000x32xf32, #tpu.memory_space<hbm>>) dst(%dma_wait3A_476 : memref<128x32xf32, #tpu.memory_space<vmem>>)
      %mul3A_483 = arith.constant 4 : i32
      %mul3A_484 = arith.muli %add3A_456, %mul3A_483 : i32
      %add3A_485 = arith.constant 2 : i32
      %add3A_486 = arith.addi %mul3A_484, %add3A_485 : i32
      %dma_wait3A_487 = arith.constant 256 : i32
      %dma_wait3A_488 = arith.constant 0 : i32
      %dma_wait3A_489 = tpu.memref_slice %arg8[%dma_wait3A_487, %dma_wait3A_488] : memref<512x32xf32, #tpu.memory_space<vmem>> -> memref<128x32xf32, #tpu.memory_space<vmem>>
      %dma_wait3A_490 = arith.constant 0 : i32
      %dma_wait3A_491 = tpu.memref_slice %arg5[%add3A_486, %dma_wait3A_490] : memref<80x128xi32, #tpu.memory_space<vmem>> -> memref<1x128xi32, #tpu.memory_space<vmem>>
      %dma_wait3A_492 = tpu.memref_squeeze %dma_wait3A_491 : memref<1x128xi32, #tpu.memory_space<vmem>> -> memref<128xi32, #tpu.memory_space<vmem>>
      %dma_wait3A_493 = arith.constant 0 : i32
      %dma_wait3A_494 = arith.constant 0 : i32
      %dma_wait3A_495 = tpu.memref_slice %arg2[%dma_wait3A_493, %dma_wait3A_494] : memref<1000000x32xf32, #tpu.memory_space<hbm>> -> memref<1000000x32xf32, #tpu.memory_space<hbm>>
      tpu.wait_indirect_dma semaphore(%arg12 : memref<!tpu.dma_semaphore, #tpu.memory_space<semaphore_mem>>) src(%dma_wait3A_495 : memref<1000000x32xf32, #tpu.memory_space<hbm>>) dst(%dma_wait3A_489 : memref<128x32xf32, #tpu.memory_space<vmem>>)
      %mul3A_496 = arith.constant 4 : i32
      %mul3A_497 = arith.muli %add3A_456, %mul3A_496 : i32
      %add3A_498 = arith.constant 3 : i32
      %add3A_499 = arith.addi %mul3A_497, %add3A_498 : i32
      %dma_wait3A_500 = arith.constant 384 : i32
      %dma_wait3A_501 = arith.constant 0 : i32
      %dma_wait3A_502 = tpu.memref_slice %arg8[%dma_wait3A_500, %dma_wait3A_501] : memref<512x32xf32, #tpu.memory_space<vmem>> -> memref<128x32xf32, #tpu.memory_space<vmem>>
      %dma_wait3A_503 = arith.constant 0 : i32
      %dma_wait3A_504 = tpu.memref_slice %arg5[%add3A_499, %dma_wait3A_503] : memref<80x128xi32, #tpu.memory_space<vmem>> -> memref<1x128xi32, #tpu.memory_space<vmem>>
      %dma_wait3A_505 = tpu.memref_squeeze %dma_wait3A_504 : memref<1x128xi32, #tpu.memory_space<vmem>> -> memref<128xi32, #tpu.memory_space<vmem>>
      %dma_wait3A_506 = arith.constant 0 : i32
      %dma_wait3A_507 = arith.constant 0 : i32
      %dma_wait3A_508 = tpu.memref_slice %arg2[%dma_wait3A_506, %dma_wait3A_507] : memref<1000000x32xf32, #tpu.memory_space<hbm>> -> memref<1000000x32xf32, #tpu.memory_space<hbm>>
      tpu.wait_indirect_dma semaphore(%arg12 : memref<!tpu.dma_semaphore, #tpu.memory_space<semaphore_mem>>) src(%dma_wait3A_508 : memref<1000000x32xf32, #tpu.memory_space<hbm>>) dst(%dma_wait3A_502 : memref<128x32xf32, #tpu.memory_space<vmem>>)
      %ge3A_509 = arith.constant 2 : i32
      %ge3A_510 = arith.cmpi sge, %add3A_456, %ge3A_509 : i32
      %convert_element_type3A_511 = arith.extui %ge3A_510 : i1 to i32
      %cond3A_512 = arith.constant 0 : i32
      %cond3A_513 = arith.cmpi ne, %convert_element_type3A_511, %cond3A_512 : i32
      scf.if %cond3A_513 {
        %mul3A_689 = arith.constant 4096 : i32
        %mul3A_690 = arith.muli %add3A, %mul3A_689 : i32
        %dma_wait3A_691 = arith.constant 0 : i32
        %dma_wait3A_692 = arith.constant 0 : i32
        %dma_wait3A_693 = arith.constant 0 : i32
        %dma_wait3A_694 = tpu.memref_slice %arg10[%dma_wait3A_693] : memref<16384xf32, #tpu.memory_space<vmem>> -> memref<4096xf32, #tpu.memory_space<vmem>>
        %dma_wait3A_695 = tpu.memref_slice %arg4[%dma_wait3A_691, %dma_wait3A_692, %mul3A_690] : memref<20x4x131072xf32, #tpu.memory_space<hbm>> -> memref<1x1x4096xf32, #tpu.memory_space<hbm>>
        %dma_wait3A_696 = tpu.memref_squeeze %dma_wait3A_695 : memref<1x1x4096xf32, #tpu.memory_space<hbm>> -> memref<4096xf32, #tpu.memory_space<hbm>>
        %dma_wait3A_697 = tpu.memref_slice %arg4[%dma_wait3A_691, %dma_wait3A_692, %mul3A_690] : memref<20x4x131072xf32, #tpu.memory_space<hbm>> -> memref<1x1x4096xf32, #tpu.memory_space<hbm>>
        %dma_wait3A_698 = tpu.memref_squeeze %dma_wait3A_697 : memref<1x1x4096xf32, #tpu.memory_space<hbm>> -> memref<4096xf32, #tpu.memory_space<hbm>>
        %dma_wait3A_699 = arith.constant 0 : i32
        %dma_wait3A_700 = tpu.memref_slice %arg10[%dma_wait3A_699] : memref<16384xf32, #tpu.memory_space<vmem>> -> memref<4096xf32, #tpu.memory_space<vmem>>
        tpu.wait_dma2 semaphore(%arg13 : memref<!tpu.dma_semaphore, #tpu.memory_space<semaphore_mem>>) src(%dma_wait3A_700 : memref<4096xf32, #tpu.memory_space<vmem>>) dst(%dma_wait3A_698 : memref<4096xf32, #tpu.memory_space<hbm>>)
        %mul3A_701 = arith.constant 4096 : i32
        %mul3A_702 = arith.muli %add3A, %mul3A_701 : i32
        %dma_wait3A_703 = arith.constant 0 : i32
        %dma_wait3A_704 = arith.constant 1 : i32
        %dma_wait3A_705 = arith.constant 4096 : i32
        %dma_wait3A_706 = tpu.memref_slice %arg10[%dma_wait3A_705] : memref<16384xf32, #tpu.memory_space<vmem>> -> memref<4096xf32, #tpu.memory_space<vmem>>
        %dma_wait3A_707 = tpu.memref_slice %arg4[%dma_wait3A_703, %dma_wait3A_704, %mul3A_702] : memref<20x4x131072xf32, #tpu.memory_space<hbm>> -> memref<1x1x4096xf32, #tpu.memory_space<hbm>>
        %dma_wait3A_708 = tpu.memref_squeeze %dma_wait3A_707 : memref<1x1x4096xf32, #tpu.memory_space<hbm>> -> memref<4096xf32, #tpu.memory_space<hbm>>
        %dma_wait3A_709 = tpu.memref_slice %arg4[%dma_wait3A_703, %dma_wait3A_704, %mul3A_702] : memref<20x4x131072xf32, #tpu.memory_space<hbm>> -> memref<1x1x4096xf32, #tpu.memory_space<hbm>>
        %dma_wait3A_710 = tpu.memref_squeeze %dma_wait3A_709 : memref<1x1x4096xf32, #tpu.memory_space<hbm>> -> memref<4096xf32, #tpu.memory_space<hbm>>
        %dma_wait3A_711 = arith.constant 4096 : i32
        %dma_wait3A_712 = tpu.memref_slice %arg10[%dma_wait3A_711] : memref<16384xf32, #tpu.memory_space<vmem>> -> memref<4096xf32, #tpu.memory_space<vmem>>
        tpu.wait_dma2 semaphore(%arg13 : memref<!tpu.dma_semaphore, #tpu.memory_space<semaphore_mem>>) src(%dma_wait3A_712 : memref<4096xf32, #tpu.memory_space<vmem>>) dst(%dma_wait3A_710 : memref<4096xf32, #tpu.memory_space<hbm>>)
        %mul3A_713 = arith.constant 4096 : i32
        %mul3A_714 = arith.muli %add3A, %mul3A_713 : i32
        %dma_wait3A_715 = arith.constant 0 : i32
        %dma_wait3A_716 = arith.constant 2 : i32
        %dma_wait3A_717 = arith.constant 8192 : i32
        %dma_wait3A_718 = tpu.memref_slice %arg10[%dma_wait3A_717] : memref<16384xf32, #tpu.memory_space<vmem>> -> memref<4096xf32, #tpu.memory_space<vmem>>
        %dma_wait3A_719 = tpu.memref_slice %arg4[%dma_wait3A_715, %dma_wait3A_716, %mul3A_714] : memref<20x4x131072xf32, #tpu.memory_space<hbm>> -> memref<1x1x4096xf32, #tpu.memory_space<hbm>>
        %dma_wait3A_720 = tpu.memref_squeeze %dma_wait3A_719 : memref<1x1x4096xf32, #tpu.memory_space<hbm>> -> memref<4096xf32, #tpu.memory_space<hbm>>
        %dma_wait3A_721 = tpu.memref_slice %arg4[%dma_wait3A_715, %dma_wait3A_716, %mul3A_714] : memref<20x4x131072xf32, #tpu.memory_space<hbm>> -> memref<1x1x4096xf32, #tpu.memory_space<hbm>>
        %dma_wait3A_722 = tpu.memref_squeeze %dma_wait3A_721 : memref<1x1x4096xf32, #tpu.memory_space<hbm>> -> memref<4096xf32, #tpu.memory_space<hbm>>
        %dma_wait3A_723 = arith.constant 8192 : i32
        %dma_wait3A_724 = tpu.memref_slice %arg10[%dma_wait3A_723] : memref<16384xf32, #tpu.memory_space<vmem>> -> memref<4096xf32, #tpu.memory_space<vmem>>
        tpu.wait_dma2 semaphore(%arg13 : memref<!tpu.dma_semaphore, #tpu.memory_space<semaphore_mem>>) src(%dma_wait3A_724 : memref<4096xf32, #tpu.memory_space<vmem>>) dst(%dma_wait3A_722 : memref<4096xf32, #tpu.memory_space<hbm>>)
        %mul3A_725 = arith.constant 4096 : i32
        %mul3A_726 = arith.muli %add3A, %mul3A_725 : i32
        %dma_wait3A_727 = arith.constant 0 : i32
        %dma_wait3A_728 = arith.constant 3 : i32
        %dma_wait3A_729 = arith.constant 12288 : i32
        %dma_wait3A_730 = tpu.memref_slice %arg10[%dma_wait3A_729] : memref<16384xf32, #tpu.memory_space<vmem>> -> memref<4096xf32, #tpu.memory_space<vmem>>
        %dma_wait3A_731 = tpu.memref_slice %arg4[%dma_wait3A_727, %dma_wait3A_728, %mul3A_726] : memref<20x4x131072xf32, #tpu.memory_space<hbm>> -> memref<1x1x4096xf32, #tpu.memory_space<hbm>>
        %dma_wait3A_732 = tpu.memref_squeeze %dma_wait3A_731 : memref<1x1x4096xf32, #tpu.memory_space<hbm>> -> memref<4096xf32, #tpu.memory_space<hbm>>
        %dma_wait3A_733 = tpu.memref_slice %arg4[%dma_wait3A_727, %dma_wait3A_728, %mul3A_726] : memref<20x4x131072xf32, #tpu.memory_space<hbm>> -> memref<1x1x4096xf32, #tpu.memory_space<hbm>>
        %dma_wait3A_734 = tpu.memref_squeeze %dma_wait3A_733 : memref<1x1x4096xf32, #tpu.memory_space<hbm>> -> memref<4096xf32, #tpu.memory_space<hbm>>
        %dma_wait3A_735 = arith.constant 12288 : i32
        %dma_wait3A_736 = tpu.memref_slice %arg10[%dma_wait3A_735] : memref<16384xf32, #tpu.memory_space<vmem>> -> memref<4096xf32, #tpu.memory_space<vmem>>
        tpu.wait_dma2 semaphore(%arg13 : memref<!tpu.dma_semaphore, #tpu.memory_space<semaphore_mem>>) src(%dma_wait3A_736 : memref<4096xf32, #tpu.memory_space<vmem>>) dst(%dma_wait3A_734 : memref<4096xf32, #tpu.memory_space<hbm>>)
      } else {
      }
      %scan3A_514 = arith.constant 0 : i32
      %scan3A_515 = arith.constant 0 : i32
      %scan3A_516 = arith.constant 16 : i32
      %scan3A_517 = arith.addi %scan3A_515, %scan3A_516 : i32
      %scan3A_518 = arith.constant 1 : i32
      scf.for %scan3A_689 = %scan3A_515 to %scan3A_517 step %scan3A_518  : i32 {
        %jit3A = arith.constant 4 : i32
        %div3A = arith.divsi %scan3A_689, %jit3A : i32
        %sign3A = arith.constant 0 : i32
        %sign3A_690 = arith.cmpi sgt, %scan3A_689, %sign3A : i32
        %sign3A_691 = arith.extui %sign3A_690 : i1 to i32
        %sign3A_692 = arith.constant 0 : i32
        %sign3A_693 = arith.cmpi slt, %scan3A_689, %sign3A_692 : i32
        %sign3A_694 = arith.extui %sign3A_693 : i1 to i32
        %sign3A_695 = arith.subi %sign3A_691, %sign3A_694 : i32
        %sign3A_696 = arith.constant 0 : i32
        %sign3A_697 = arith.cmpi sgt, %jit3A, %sign3A_696 : i32
        %sign3A_698 = arith.extui %sign3A_697 : i1 to i32
        %sign3A_699 = arith.constant 0 : i32
        %sign3A_700 = arith.cmpi slt, %jit3A, %sign3A_699 : i32
        %sign3A_701 = arith.extui %sign3A_700 : i1 to i32
        %sign3A_702 = arith.subi %sign3A_698, %sign3A_701 : i32
        %ne3A = arith.cmpi ne, %sign3A_695, %sign3A_702 : i32
        %rem3A = arith.remsi %scan3A_689, %jit3A : i32
        %ne3A_703 = arith.constant 0 : i32
        %ne3A_704 = arith.cmpi ne, %rem3A, %ne3A_703 : i32
        %and3A = arith.andi %ne3A, %ne3A_704 : i1
        %sub3A = arith.constant 1 : i32
        %sub3A_705 = arith.subi %div3A, %sub3A : i32
        %select_n3A = arith.select %and3A, %sub3A_705, %div3A : i32
        %rem3A_706 = arith.constant 4 : i32
        %rem3A_707 = arith.remsi %scan3A_689, %rem3A_706 : i32
        %mul3A_708 = arith.constant 128 : i32
        %mul3A_709 = arith.muli %rem3A_707, %mul3A_708 : i32
        %add3A_710 = arith.constant 0 : i32
        %add3A_711 = arith.addi %mul3A_709, %add3A_710 : i32
        %add3A_712 = vector.broadcast %add3A_711 : i32 to vector<16xi32>
        %add3A_713 = arith.addi %iota3A, %add3A_712 : vector<16xi32>
        %mul3A_714 = arith.constant 128 : i32
        %mul3A_715 = arith.muli %rem3A_707, %mul3A_714 : i32
        %add3A_716 = arith.constant 16 : i32
        %add3A_717 = arith.addi %mul3A_715, %add3A_716 : i32
        %add3A_718 = vector.broadcast %add3A_717 : i32 to vector<16xi32>
        %add3A_719 = arith.addi %iota3A, %add3A_718 : vector<16xi32>
        %mul3A_720 = arith.constant 128 : i32
        %mul3A_721 = arith.muli %rem3A_707, %mul3A_720 : i32
        %add3A_722 = arith.constant 32 : i32
        %add3A_723 = arith.addi %mul3A_721, %add3A_722 : i32
        %add3A_724 = vector.broadcast %add3A_723 : i32 to vector<16xi32>
        %add3A_725 = arith.addi %iota3A, %add3A_724 : vector<16xi32>
        %mul3A_726 = arith.constant 128 : i32
        %mul3A_727 = arith.muli %rem3A_707, %mul3A_726 : i32
        %add3A_728 = arith.constant 48 : i32
        %add3A_729 = arith.addi %mul3A_727, %add3A_728 : i32
        %add3A_730 = vector.broadcast %add3A_729 : i32 to vector<16xi32>
        %add3A_731 = arith.addi %iota3A, %add3A_730 : vector<16xi32>
        %mul3A_732 = arith.constant 128 : i32
        %mul3A_733 = arith.muli %rem3A_707, %mul3A_732 : i32
        %add3A_734 = arith.constant 64 : i32
        %add3A_735 = arith.addi %mul3A_733, %add3A_734 : i32
        %add3A_736 = vector.broadcast %add3A_735 : i32 to vector<16xi32>
        %add3A_737 = arith.addi %iota3A, %add3A_736 : vector<16xi32>
        %mul3A_738 = arith.constant 128 : i32
        %mul3A_739 = arith.muli %rem3A_707, %mul3A_738 : i32
        %add3A_740 = arith.constant 80 : i32
        %add3A_741 = arith.addi %mul3A_739, %add3A_740 : i32
        %add3A_742 = vector.broadcast %add3A_741 : i32 to vector<16xi32>
        %add3A_743 = arith.addi %iota3A, %add3A_742 : vector<16xi32>
        %mul3A_744 = arith.constant 128 : i32
        %mul3A_745 = arith.muli %rem3A_707, %mul3A_744 : i32
        %add3A_746 = arith.constant 96 : i32
        %add3A_747 = arith.addi %mul3A_745, %add3A_746 : i32
        %add3A_748 = vector.broadcast %add3A_747 : i32 to vector<16xi32>
        %add3A_749 = arith.addi %iota3A, %add3A_748 : vector<16xi32>
        %mul3A_750 = arith.constant 128 : i32
        %mul3A_751 = arith.muli %rem3A_707, %mul3A_750 : i32
        %add3A_752 = arith.constant 112 : i32
        %add3A_753 = arith.addi %mul3A_751, %add3A_752 : i32
        %add3A_754 = vector.broadcast %add3A_753 : i32 to vector<16xi32>
        %add3A_755 = arith.addi %iota3A, %add3A_754 : vector<16xi32>
        %broadcast_in_dim3A = arith.constant 0 : i32
        %broadcast_in_dim3A_756 = vector.broadcast %broadcast_in_dim3A : i32 to vector<16xi32>
        %mul3A_757 = arith.constant 8 : i32
        %mul3A_758 = arith.muli %select_n3A, %mul3A_757 : i32
        %add3A_759 = arith.constant 0 : i32
        %add3A_760 = arith.addi %mul3A_758, %add3A_759 : i32
        %add3A_761 = arith.constant 0 : i32
        %add3A_762 = arith.addi %add3A_760, %add3A_761 : i32
        %add3A_763 = vector.broadcast %add3A_762 : i32 to vector<16xi32>
        %add3A_764 = arith.addi %broadcast_in_dim3A_756, %add3A_763 : vector<16xi32>
        %broadcast_in_dim3A_765 = arith.constant 0 : i32
        %broadcast_in_dim3A_766 = vector.broadcast %broadcast_in_dim3A_765 : i32 to vector<16xi32>
        %mul3A_767 = arith.constant 8 : i32
        %mul3A_768 = arith.muli %select_n3A, %mul3A_767 : i32
        %add3A_769 = arith.constant 0 : i32
        %add3A_770 = arith.addi %mul3A_768, %add3A_769 : i32
        %add3A_771 = arith.constant 1 : i32
        %add3A_772 = arith.addi %add3A_770, %add3A_771 : i32
        %add3A_773 = vector.broadcast %add3A_772 : i32 to vector<16xi32>
        %add3A_774 = arith.addi %broadcast_in_dim3A_766, %add3A_773 : vector<16xi32>
        %gather3A = tpu.vector_load_idx %arg8[%add3A_713, %add3A_764] : memref<512x32xf32, #tpu.memory_space<vmem>>[vector<16xi32>, vector<16xi32>], vector<16xf32>,
        %gather3A_775 = tpu.vector_load_idx %arg8[%add3A_719, %add3A_764] : memref<512x32xf32, #tpu.memory_space<vmem>>[vector<16xi32>, vector<16xi32>], vector<16xf32>,
        %gather3A_776 = tpu.vector_load_idx %arg8[%add3A_725, %add3A_764] : memref<512x32xf32, #tpu.memory_space<vmem>>[vector<16xi32>, vector<16xi32>], vector<16xf32>,
        %gather3A_777 = tpu.vector_load_idx %arg8[%add3A_731, %add3A_764] : memref<512x32xf32, #tpu.memory_space<vmem>>[vector<16xi32>, vector<16xi32>], vector<16xf32>,
        %gather3A_778 = tpu.vector_load_idx %arg8[%add3A_737, %add3A_764] : memref<512x32xf32, #tpu.memory_space<vmem>>[vector<16xi32>, vector<16xi32>], vector<16xf32>,
        %gather3A_779 = tpu.vector_load_idx %arg8[%add3A_743, %add3A_764] : memref<512x32xf32, #tpu.memory_space<vmem>>[vector<16xi32>, vector<16xi32>], vector<16xf32>,
        %gather3A_780 = tpu.vector_load_idx %arg8[%add3A_749, %add3A_764] : memref<512x32xf32, #tpu.memory_space<vmem>>[vector<16xi32>, vector<16xi32>], vector<16xf32>,
        %gather3A_781 = tpu.vector_load_idx %arg8[%add3A_755, %add3A_764] : memref<512x32xf32, #tpu.memory_space<vmem>>[vector<16xi32>, vector<16xi32>], vector<16xf32>,
        %gather3A_782 = tpu.vector_load_idx %arg8[%add3A_713, %add3A_774] : memref<512x32xf32, #tpu.memory_space<vmem>>[vector<16xi32>, vector<16xi32>], vector<16xf32>,
        %gather3A_783 = tpu.vector_load_idx %arg8[%add3A_719, %add3A_774] : memref<512x32xf32, #tpu.memory_space<vmem>>[vector<16xi32>, vector<16xi32>], vector<16xf32>,
        %gather3A_784 = tpu.vector_load_idx %arg8[%add3A_725, %add3A_774] : memref<512x32xf32, #tpu.memory_space<vmem>>[vector<16xi32>, vector<16xi32>], vector<16xf32>,
        %gather3A_785 = tpu.vector_load_idx %arg8[%add3A_731, %add3A_774] : memref<512x32xf32, #tpu.memory_space<vmem>>[vector<16xi32>, vector<16xi32>], vector<16xf32>,
        %gather3A_786 = tpu.vector_load_idx %arg8[%add3A_737, %add3A_774] : memref<512x32xf32, #tpu.memory_space<vmem>>[vector<16xi32>, vector<16xi32>], vector<16xf32>,
        %gather3A_787 = tpu.vector_load_idx %arg8[%add3A_743, %add3A_774] : memref<512x32xf32, #tpu.memory_space<vmem>>[vector<16xi32>, vector<16xi32>], vector<16xf32>,
        %gather3A_788 = tpu.vector_load_idx %arg8[%add3A_749, %add3A_774] : memref<512x32xf32, #tpu.memory_space<vmem>>[vector<16xi32>, vector<16xi32>], vector<16xf32>,
        %gather3A_789 = tpu.vector_load_idx %arg8[%add3A_755, %add3A_774] : memref<512x32xf32, #tpu.memory_space<vmem>>[vector<16xi32>, vector<16xi32>], vector<16xf32>,
        %mul3A_790 = arith.constant 4096 : i32
        %mul3A_791 = arith.muli %select_n3A, %mul3A_790 : i32
        %mul3A_792 = arith.constant 1024 : i32
        %mul3A_793 = arith.muli %rem3A_707, %mul3A_792 : i32
        %add3A_794 = arith.addi %mul3A_791, %mul3A_793 : i32
        %add3A_795 = arith.constant 0 : i32
        %add3A_796 = arith.addi %add3A_794, %add3A_795 : i32
        %add3A_797 = arith.constant 0 : i32
        %add3A_798 = arith.addi %add3A_796, %add3A_797 : i32
        %swap3A = arith.index_cast %add3A_798 : i32 to index
        %swap3A_799 = tpu.vector_load %arg10[%swap3A] {strides = array<i32>} : memref<16384xf32, #tpu.memory_space<vmem>>, vector<16xf32>,
        tpu.vector_store %arg10[%swap3A], %gather3A {strides = array<i32>} : memref<16384xf32, #tpu.memory_space<vmem>>, vector<16xf32>,
        %mul3A_800 = arith.constant 4096 : i32
        %mul3A_801 = arith.muli %select_n3A, %mul3A_800 : i32
        %mul3A_802 = arith.constant 1024 : i32
        %mul3A_803 = arith.muli %rem3A_707, %mul3A_802 : i32
        %add3A_804 = arith.addi %mul3A_801, %mul3A_803 : i32
        %add3A_805 = arith.constant 0 : i32
        %add3A_806 = arith.addi %add3A_804, %add3A_805 : i32
        %add3A_807 = arith.constant 16 : i32
        %add3A_808 = arith.addi %add3A_806, %add3A_807 : i32
        %swap3A_809 = arith.index_cast %add3A_808 : i32 to index
        %swap3A_810 = tpu.vector_load %arg10[%swap3A_809] {strides = array<i32>} : memref<16384xf32, #tpu.memory_space<vmem>>, vector<16xf32>,
        tpu.vector_store %arg10[%swap3A_809], %gather3A_775 {strides = array<i32>} : memref<16384xf32, #tpu.memory_space<vmem>>, vector<16xf32>,
        %mul3A_811 = arith.constant 4096 : i32
        %mul3A_812 = arith.muli %select_n3A, %mul3A_811 : i32
        %mul3A_813 = arith.constant 1024 : i32
        %mul3A_814 = arith.muli %rem3A_707, %mul3A_813 : i32
        %add3A_815 = arith.addi %mul3A_812, %mul3A_814 : i32
        %add3A_816 = arith.constant 0 : i32
        %add3A_817 = arith.addi %add3A_815, %add3A_816 : i32
        %add3A_818 = arith.constant 32 : i32
        %add3A_819 = arith.addi %add3A_817, %add3A_818 : i32
        %swap3A_820 = arith.index_cast %add3A_819 : i32 to index
        %swap3A_821 = tpu.vector_load %arg10[%swap3A_820] {strides = array<i32>} : memref<16384xf32, #tpu.memory_space<vmem>>, vector<16xf32>,
        tpu.vector_store %arg10[%swap3A_820], %gather3A_776 {strides = array<i32>} : memref<16384xf32, #tpu.memory_space<vmem>>, vector<16xf32>,
        %mul3A_822 = arith.constant 4096 : i32
        %mul3A_823 = arith.muli %select_n3A, %mul3A_822 : i32
        %mul3A_824 = arith.constant 1024 : i32
        %mul3A_825 = arith.muli %rem3A_707, %mul3A_824 : i32
        %add3A_826 = arith.addi %mul3A_823, %mul3A_825 : i32
        %add3A_827 = arith.constant 0 : i32
        %add3A_828 = arith.addi %add3A_826, %add3A_827 : i32
        %add3A_829 = arith.constant 48 : i32
        %add3A_830 = arith.addi %add3A_828, %add3A_829 : i32
        %swap3A_831 = arith.index_cast %add3A_830 : i32 to index
        %swap3A_832 = tpu.vector_load %arg10[%swap3A_831] {strides = array<i32>} : memref<16384xf32, #tpu.memory_space<vmem>>, vector<16xf32>,
        tpu.vector_store %arg10[%swap3A_831], %gather3A_777 {strides = array<i32>} : memref<16384xf32, #tpu.memory_space<vmem>>, vector<16xf32>,
        %mul3A_833 = arith.constant 4096 : i32
        %mul3A_834 = arith.muli %select_n3A, %mul3A_833 : i32
        %mul3A_835 = arith.constant 1024 : i32
        %mul3A_836 = arith.muli %rem3A_707, %mul3A_835 : i32
        %add3A_837 = arith.addi %mul3A_834, %mul3A_836 : i32
        %add3A_838 = arith.constant 0 : i32
        %add3A_839 = arith.addi %add3A_837, %add3A_838 : i32
        %add3A_840 = arith.constant 64 : i32
        %add3A_841 = arith.addi %add3A_839, %add3A_840 : i32
        %swap3A_842 = arith.index_cast %add3A_841 : i32 to index
        %swap3A_843 = tpu.vector_load %arg10[%swap3A_842] {strides = array<i32>} : memref<16384xf32, #tpu.memory_space<vmem>>, vector<16xf32>,
        tpu.vector_store %arg10[%swap3A_842], %gather3A_778 {strides = array<i32>} : memref<16384xf32, #tpu.memory_space<vmem>>, vector<16xf32>,
        %mul3A_844 = arith.constant 4096 : i32
        %mul3A_845 = arith.muli %select_n3A, %mul3A_844 : i32
        %mul3A_846 = arith.constant 1024 : i32
        %mul3A_847 = arith.muli %rem3A_707, %mul3A_846 : i32
        %add3A_848 = arith.addi %mul3A_845, %mul3A_847 : i32
        %add3A_849 = arith.constant 0 : i32
        %add3A_850 = arith.addi %add3A_848, %add3A_849 : i32
        %add3A_851 = arith.constant 80 : i32
        %add3A_852 = arith.addi %add3A_850, %add3A_851 : i32
        %swap3A_853 = arith.index_cast %add3A_852 : i32 to index
        %swap3A_854 = tpu.vector_load %arg10[%swap3A_853] {strides = array<i32>} : memref<16384xf32, #tpu.memory_space<vmem>>, vector<16xf32>,
        tpu.vector_store %arg10[%swap3A_853], %gather3A_779 {strides = array<i32>} : memref<16384xf32, #tpu.memory_space<vmem>>, vector<16xf32>,
        %mul3A_855 = arith.constant 4096 : i32
        %mul3A_856 = arith.muli %select_n3A, %mul3A_855 : i32
        %mul3A_857 = arith.constant 1024 : i32
        %mul3A_858 = arith.muli %rem3A_707, %mul3A_857 : i32
        %add3A_859 = arith.addi %mul3A_856, %mul3A_858 : i32
        %add3A_860 = arith.constant 0 : i32
        %add3A_861 = arith.addi %add3A_859, %add3A_860 : i32
        %add3A_862 = arith.constant 96 : i32
        %add3A_863 = arith.addi %add3A_861, %add3A_862 : i32
        %swap3A_864 = arith.index_cast %add3A_863 : i32 to index
        %swap3A_865 = tpu.vector_load %arg10[%swap3A_864] {strides = array<i32>} : memref<16384xf32, #tpu.memory_space<vmem>>, vector<16xf32>,
        tpu.vector_store %arg10[%swap3A_864], %gather3A_780 {strides = array<i32>} : memref<16384xf32, #tpu.memory_space<vmem>>, vector<16xf32>,
        %mul3A_866 = arith.constant 4096 : i32
        %mul3A_867 = arith.muli %select_n3A, %mul3A_866 : i32
        %mul3A_868 = arith.constant 1024 : i32
        %mul3A_869 = arith.muli %rem3A_707, %mul3A_868 : i32
        %add3A_870 = arith.addi %mul3A_867, %mul3A_869 : i32
        %add3A_871 = arith.constant 0 : i32
        %add3A_872 = arith.addi %add3A_870, %add3A_871 : i32
        %add3A_873 = arith.constant 112 : i32
        %add3A_874 = arith.addi %add3A_872, %add3A_873 : i32
        %swap3A_875 = arith.index_cast %add3A_874 : i32 to index
        %swap3A_876 = tpu.vector_load %arg10[%swap3A_875] {strides = array<i32>} : memref<16384xf32, #tpu.memory_space<vmem>>, vector<16xf32>,
        tpu.vector_store %arg10[%swap3A_875], %gather3A_781 {strides = array<i32>} : memref<16384xf32, #tpu.memory_space<vmem>>, vector<16xf32>,
        %mul3A_877 = arith.constant 4096 : i32
        %mul3A_878 = arith.muli %select_n3A, %mul3A_877 : i32
        %mul3A_879 = arith.constant 1024 : i32
        %mul3A_880 = arith.muli %rem3A_707, %mul3A_879 : i32
        %add3A_881 = arith.addi %mul3A_878, %mul3A_880 : i32
        %add3A_882 = arith.constant 128 : i32
        %add3A_883 = arith.addi %add3A_881, %add3A_882 : i32
        %add3A_884 = arith.constant 0 : i32
        %add3A_885 = arith.addi %add3A_883, %add3A_884 : i32
        %swap3A_886 = arith.index_cast %add3A_885 : i32 to index
        %swap3A_887 = tpu.vector_load %arg10[%swap3A_886] {strides = array<i32>} : memref<16384xf32, #tpu.memory_space<vmem>>, vector<16xf32>,
        tpu.vector_store %arg10[%swap3A_886], %gather3A_782 {strides = array<i32>} : memref<16384xf32, #tpu.memory_space<vmem>>, vector<16xf32>,
        %mul3A_888 = arith.constant 4096 : i32
        %mul3A_889 = arith.muli %select_n3A, %mul3A_888 : i32
        %mul3A_890 = arith.constant 1024 : i32
        %mul3A_891 = arith.muli %rem3A_707, %mul3A_890 : i32
        %add3A_892 = arith.addi %mul3A_889, %mul3A_891 : i32
        %add3A_893 = arith.constant 128 : i32
        %add3A_894 = arith.addi %add3A_892, %add3A_893 : i32
        %add3A_895 = arith.constant 16 : i32
        %add3A_896 = arith.addi %add3A_894, %add3A_895 : i32
        %swap3A_897 = arith.index_cast %add3A_896 : i32 to index
        %swap3A_898 = tpu.vector_load %arg10[%swap3A_897] {strides = array<i32>} : memref<16384xf32, #tpu.memory_space<vmem>>, vector<16xf32>,
        tpu.vector_store %arg10[%swap3A_897], %gather3A_783 {strides = array<i32>} : memref<16384xf32, #tpu.memory_space<vmem>>, vector<16xf32>,
        %mul3A_899 = arith.constant 4096 : i32
        %mul3A_900 = arith.muli %select_n3A, %mul3A_899 : i32
        %mul3A_901 = arith.constant 1024 : i32
        %mul3A_902 = arith.muli %rem3A_707, %mul3A_901 : i32
        %add3A_903 = arith.addi %mul3A_900, %mul3A_902 : i32
        %add3A_904 = arith.constant 128 : i32
        %add3A_905 = arith.addi %add3A_903, %add3A_904 : i32
        %add3A_906 = arith.constant 32 : i32
        %add3A_907 = arith.addi %add3A_905, %add3A_906 : i32
        %swap3A_908 = arith.index_cast %add3A_907 : i32 to index
        %swap3A_909 = tpu.vector_load %arg10[%swap3A_908] {strides = array<i32>} : memref<16384xf32, #tpu.memory_space<vmem>>, vector<16xf32>,
        tpu.vector_store %arg10[%swap3A_908], %gather3A_784 {strides = array<i32>} : memref<16384xf32, #tpu.memory_space<vmem>>, vector<16xf32>,
        %mul3A_910 = arith.constant 4096 : i32
        %mul3A_911 = arith.muli %select_n3A, %mul3A_910 : i32
        %mul3A_912 = arith.constant 1024 : i32
        %mul3A_913 = arith.muli %rem3A_707, %mul3A_912 : i32
        %add3A_914 = arith.addi %mul3A_911, %mul3A_913 : i32
        %add3A_915 = arith.constant 128 : i32
        %add3A_916 = arith.addi %add3A_914, %add3A_915 : i32
        %add3A_917 = arith.constant 48 : i32
        %add3A_918 = arith.addi %add3A_916, %add3A_917 : i32
        %swap3A_919 = arith.index_cast %add3A_918 : i32 to index
        %swap3A_920 = tpu.vector_load %arg10[%swap3A_919] {strides = array<i32>} : memref<16384xf32, #tpu.memory_space<vmem>>, vector<16xf32>,
        tpu.vector_store %arg10[%swap3A_919], %gather3A_785 {strides = array<i32>} : memref<16384xf32, #tpu.memory_space<vmem>>, vector<16xf32>,
        %mul3A_921 = arith.constant 4096 : i32
        %mul3A_922 = arith.muli %select_n3A, %mul3A_921 : i32
        %mul3A_923 = arith.constant 1024 : i32
        %mul3A_924 = arith.muli %rem3A_707, %mul3A_923 : i32
        %add3A_925 = arith.addi %mul3A_922, %mul3A_924 : i32
        %add3A_926 = arith.constant 128 : i32
        %add3A_927 = arith.addi %add3A_925, %add3A_926 : i32
        %add3A_928 = arith.constant 64 : i32
        %add3A_929 = arith.addi %add3A_927, %add3A_928 : i32
        %swap3A_930 = arith.index_cast %add3A_929 : i32 to index
        %swap3A_931 = tpu.vector_load %arg10[%swap3A_930] {strides = array<i32>} : memref<16384xf32, #tpu.memory_space<vmem>>, vector<16xf32>,
        tpu.vector_store %arg10[%swap3A_930], %gather3A_786 {strides = array<i32>} : memref<16384xf32, #tpu.memory_space<vmem>>, vector<16xf32>,
        %mul3A_932 = arith.constant 4096 : i32
        %mul3A_933 = arith.muli %select_n3A, %mul3A_932 : i32
        %mul3A_934 = arith.constant 1024 : i32
        %mul3A_935 = arith.muli %rem3A_707, %mul3A_934 : i32
        %add3A_936 = arith.addi %mul3A_933, %mul3A_935 : i32
        %add3A_937 = arith.constant 128 : i32
        %add3A_938 = arith.addi %add3A_936, %add3A_937 : i32
        %add3A_939 = arith.constant 80 : i32
        %add3A_940 = arith.addi %add3A_938, %add3A_939 : i32
        %swap3A_941 = arith.index_cast %add3A_940 : i32 to index
        %swap3A_942 = tpu.vector_load %arg10[%swap3A_941] {strides = array<i32>} : memref<16384xf32, #tpu.memory_space<vmem>>, vector<16xf32>,
        tpu.vector_store %arg10[%swap3A_941], %gather3A_787 {strides = array<i32>} : memref<16384xf32, #tpu.memory_space<vmem>>, vector<16xf32>,
        %mul3A_943 = arith.constant 4096 : i32
        %mul3A_944 = arith.muli %select_n3A, %mul3A_943 : i32
        %mul3A_945 = arith.constant 1024 : i32
        %mul3A_946 = arith.muli %rem3A_707, %mul3A_945 : i32
        %add3A_947 = arith.addi %mul3A_944, %mul3A_946 : i32
        %add3A_948 = arith.constant 128 : i32
        %add3A_949 = arith.addi %add3A_947, %add3A_948 : i32
        %add3A_950 = arith.constant 96 : i32
        %add3A_951 = arith.addi %add3A_949, %add3A_950 : i32
        %swap3A_952 = arith.index_cast %add3A_951 : i32 to index
        %swap3A_953 = tpu.vector_load %arg10[%swap3A_952] {strides = array<i32>} : memref<16384xf32, #tpu.memory_space<vmem>>, vector<16xf32>,
        tpu.vector_store %arg10[%swap3A_952], %gather3A_788 {strides = array<i32>} : memref<16384xf32, #tpu.memory_space<vmem>>, vector<16xf32>,
        %mul3A_954 = arith.constant 4096 : i32
        %mul3A_955 = arith.muli %select_n3A, %mul3A_954 : i32
        %mul3A_956 = arith.constant 1024 : i32
        %mul3A_957 = arith.muli %rem3A_707, %mul3A_956 : i32
        %add3A_958 = arith.addi %mul3A_955, %mul3A_957 : i32
        %add3A_959 = arith.constant 128 : i32
        %add3A_960 = arith.addi %add3A_958, %add3A_959 : i32
        %add3A_961 = arith.constant 112 : i32
        %add3A_962 = arith.addi %add3A_960, %add3A_961 : i32
        %swap3A_963 = arith.index_cast %add3A_962 : i32 to index
        %swap3A_964 = tpu.vector_load %arg10[%swap3A_963] {strides = array<i32>} : memref<16384xf32, #tpu.memory_space<vmem>>, vector<16xf32>,
        tpu.vector_store %arg10[%swap3A_963], %gather3A_789 {strides = array<i32>} : memref<16384xf32, #tpu.memory_space<vmem>>, vector<16xf32>,
        %broadcast_in_dim3A_965 = arith.constant 0 : i32
        %broadcast_in_dim3A_966 = vector.broadcast %broadcast_in_dim3A_965 : i32 to vector<16xi32>
        %mul3A_967 = arith.constant 8 : i32
        %mul3A_968 = arith.muli %select_n3A, %mul3A_967 : i32
        %add3A_969 = arith.constant 2 : i32
        %add3A_970 = arith.addi %mul3A_968, %add3A_969 : i32
        %add3A_971 = arith.constant 0 : i32
        %add3A_972 = arith.addi %add3A_970, %add3A_971 : i32
        %add3A_973 = vector.broadcast %add3A_972 : i32 to vector<16xi32>
        %add3A_974 = arith.addi %broadcast_in_dim3A_966, %add3A_973 : vector<16xi32>
        %broadcast_in_dim3A_975 = arith.constant 0 : i32
        %broadcast_in_dim3A_976 = vector.broadcast %broadcast_in_dim3A_975 : i32 to vector<16xi32>
        %mul3A_977 = arith.constant 8 : i32
        %mul3A_978 = arith.muli %select_n3A, %mul3A_977 : i32
        %add3A_979 = arith.constant 2 : i32
        %add3A_980 = arith.addi %mul3A_978, %add3A_979 : i32
        %add3A_981 = arith.constant 1 : i32
        %add3A_982 = arith.addi %add3A_980, %add3A_981 : i32
        %add3A_983 = vector.broadcast %add3A_982 : i32 to vector<16xi32>
        %add3A_984 = arith.addi %broadcast_in_dim3A_976, %add3A_983 : vector<16xi32>
        %gather3A_985 = tpu.vector_load_idx %arg8[%add3A_713, %add3A_974] : memref<512x32xf32, #tpu.memory_space<vmem>>[vector<16xi32>, vector<16xi32>], vector<16xf32>,
        %gather3A_986 = tpu.vector_load_idx %arg8[%add3A_719, %add3A_974] : memref<512x32xf32, #tpu.memory_space<vmem>>[vector<16xi32>, vector<16xi32>], vector<16xf32>,
        %gather3A_987 = tpu.vector_load_idx %arg8[%add3A_725, %add3A_974] : memref<512x32xf32, #tpu.memory_space<vmem>>[vector<16xi32>, vector<16xi32>], vector<16xf32>,
        %gather3A_988 = tpu.vector_load_idx %arg8[%add3A_731, %add3A_974] : memref<512x32xf32, #tpu.memory_space<vmem>>[vector<16xi32>, vector<16xi32>], vector<16xf32>,
        %gather3A_989 = tpu.vector_load_idx %arg8[%add3A_737, %add3A_974] : memref<512x32xf32, #tpu.memory_space<vmem>>[vector<16xi32>, vector<16xi32>], vector<16xf32>,
        %gather3A_990 = tpu.vector_load_idx %arg8[%add3A_743, %add3A_974] : memref<512x32xf32, #tpu.memory_space<vmem>>[vector<16xi32>, vector<16xi32>], vector<16xf32>,
        %gather3A_991 = tpu.vector_load_idx %arg8[%add3A_749, %add3A_974] : memref<512x32xf32, #tpu.memory_space<vmem>>[vector<16xi32>, vector<16xi32>], vector<16xf32>,
        %gather3A_992 = tpu.vector_load_idx %arg8[%add3A_755, %add3A_974] : memref<512x32xf32, #tpu.memory_space<vmem>>[vector<16xi32>, vector<16xi32>], vector<16xf32>,
        %gather3A_993 = tpu.vector_load_idx %arg8[%add3A_713, %add3A_984] : memref<512x32xf32, #tpu.memory_space<vmem>>[vector<16xi32>, vector<16xi32>], vector<16xf32>,
        %gather3A_994 = tpu.vector_load_idx %arg8[%add3A_719, %add3A_984] : memref<512x32xf32, #tpu.memory_space<vmem>>[vector<16xi32>, vector<16xi32>], vector<16xf32>,
        %gather3A_995 = tpu.vector_load_idx %arg8[%add3A_725, %add3A_984] : memref<512x32xf32, #tpu.memory_space<vmem>>[vector<16xi32>, vector<16xi32>], vector<16xf32>,
        %gather3A_996 = tpu.vector_load_idx %arg8[%add3A_731, %add3A_984] : memref<512x32xf32, #tpu.memory_space<vmem>>[vector<16xi32>, vector<16xi32>], vector<16xf32>,
        %gather3A_997 = tpu.vector_load_idx %arg8[%add3A_737, %add3A_984] : memref<512x32xf32, #tpu.memory_space<vmem>>[vector<16xi32>, vector<16xi32>], vector<16xf32>,
        %gather3A_998 = tpu.vector_load_idx %arg8[%add3A_743, %add3A_984] : memref<512x32xf32, #tpu.memory_space<vmem>>[vector<16xi32>, vector<16xi32>], vector<16xf32>,
        %gather3A_999 = tpu.vector_load_idx %arg8[%add3A_749, %add3A_984] : memref<512x32xf32, #tpu.memory_space<vmem>>[vector<16xi32>, vector<16xi32>], vector<16xf32>,
        %gather3A_1000 = tpu.vector_load_idx %arg8[%add3A_755, %add3A_984] : memref<512x32xf32, #tpu.memory_space<vmem>>[vector<16xi32>, vector<16xi32>], vector<16xf32>,
        %mul3A_1001 = arith.constant 4096 : i32
        %mul3A_1002 = arith.muli %select_n3A, %mul3A_1001 : i32
        %mul3A_1003 = arith.constant 1024 : i32
        %mul3A_1004 = arith.muli %rem3A_707, %mul3A_1003 : i32
        %add3A_1005 = arith.addi %mul3A_1002, %mul3A_1004 : i32
        %add3A_1006 = arith.constant 256 : i32
        %add3A_1007 = arith.addi %add3A_1005, %add3A_1006 : i32
        %add3A_1008 = arith.constant 0 : i32
        %add3A_1009 = arith.addi %add3A_1007, %add3A_1008 : i32
        %swap3A_1010 = arith.index_cast %add3A_1009 : i32 to index
        %swap3A_1011 = tpu.vector_load %arg10[%swap3A_1010] {strides = array<i32>} : memref<16384xf32, #tpu.memory_space<vmem>>, vector<16xf32>,
        tpu.vector_store %arg10[%swap3A_1010], %gather3A_985 {strides = array<i32>} : memref<16384xf32, #tpu.memory_space<vmem>>, vector<16xf32>,
        %mul3A_1012 = arith.constant 4096 : i32
        %mul3A_1013 = arith.muli %select_n3A, %mul3A_1012 : i32
        %mul3A_1014 = arith.constant 1024 : i32
        %mul3A_1015 = arith.muli %rem3A_707, %mul3A_1014 : i32
        %add3A_1016 = arith.addi %mul3A_1013, %mul3A_1015 : i32
        %add3A_1017 = arith.constant 256 : i32
        %add3A_1018 = arith.addi %add3A_1016, %add3A_1017 : i32
        %add3A_1019 = arith.constant 16 : i32
        %add3A_1020 = arith.addi %add3A_1018, %add3A_1019 : i32
        %swap3A_1021 = arith.index_cast %add3A_1020 : i32 to index
        %swap3A_1022 = tpu.vector_load %arg10[%swap3A_1021] {strides = array<i32>} : memref<16384xf32, #tpu.memory_space<vmem>>, vector<16xf32>,
        tpu.vector_store %arg10[%swap3A_1021], %gather3A_986 {strides = array<i32>} : memref<16384xf32, #tpu.memory_space<vmem>>, vector<16xf32>,
        %mul3A_1023 = arith.constant 4096 : i32
        %mul3A_1024 = arith.muli %select_n3A, %mul3A_1023 : i32
        %mul3A_1025 = arith.constant 1024 : i32
        %mul3A_1026 = arith.muli %rem3A_707, %mul3A_1025 : i32
        %add3A_1027 = arith.addi %mul3A_1024, %mul3A_1026 : i32
        %add3A_1028 = arith.constant 256 : i32
        %add3A_1029 = arith.addi %add3A_1027, %add3A_1028 : i32
        %add3A_1030 = arith.constant 32 : i32
        %add3A_1031 = arith.addi %add3A_1029, %add3A_1030 : i32
        %swap3A_1032 = arith.index_cast %add3A_1031 : i32 to index
        %swap3A_1033 = tpu.vector_load %arg10[%swap3A_1032] {strides = array<i32>} : memref<16384xf32, #tpu.memory_space<vmem>>, vector<16xf32>,
        tpu.vector_store %arg10[%swap3A_1032], %gather3A_987 {strides = array<i32>} : memref<16384xf32, #tpu.memory_space<vmem>>, vector<16xf32>,
        %mul3A_1034 = arith.constant 4096 : i32
        %mul3A_1035 = arith.muli %select_n3A, %mul3A_1034 : i32
        %mul3A_1036 = arith.constant 1024 : i32
        %mul3A_1037 = arith.muli %rem3A_707, %mul3A_1036 : i32
        %add3A_1038 = arith.addi %mul3A_1035, %mul3A_1037 : i32
        %add3A_1039 = arith.constant 256 : i32
        %add3A_1040 = arith.addi %add3A_1038, %add3A_1039 : i32
        %add3A_1041 = arith.constant 48 : i32
        %add3A_1042 = arith.addi %add3A_1040, %add3A_1041 : i32
        %swap3A_1043 = arith.index_cast %add3A_1042 : i32 to index
        %swap3A_1044 = tpu.vector_load %arg10[%swap3A_1043] {strides = array<i32>} : memref<16384xf32, #tpu.memory_space<vmem>>, vector<16xf32>,
        tpu.vector_store %arg10[%swap3A_1043], %gather3A_988 {strides = array<i32>} : memref<16384xf32, #tpu.memory_space<vmem>>, vector<16xf32>,
        %mul3A_1045 = arith.constant 4096 : i32
        %mul3A_1046 = arith.muli %select_n3A, %mul3A_1045 : i32
        %mul3A_1047 = arith.constant 1024 : i32
        %mul3A_1048 = arith.muli %rem3A_707, %mul3A_1047 : i32
        %add3A_1049 = arith.addi %mul3A_1046, %mul3A_1048 : i32
        %add3A_1050 = arith.constant 256 : i32
        %add3A_1051 = arith.addi %add3A_1049, %add3A_1050 : i32
        %add3A_1052 = arith.constant 64 : i32
        %add3A_1053 = arith.addi %add3A_1051, %add3A_1052 : i32
        %swap3A_1054 = arith.index_cast %add3A_1053 : i32 to index
        %swap3A_1055 = tpu.vector_load %arg10[%swap3A_1054] {strides = array<i32>} : memref<16384xf32, #tpu.memory_space<vmem>>, vector<16xf32>,
        tpu.vector_store %arg10[%swap3A_1054], %gather3A_989 {strides = array<i32>} : memref<16384xf32, #tpu.memory_space<vmem>>, vector<16xf32>,
        %mul3A_1056 = arith.constant 4096 : i32
        %mul3A_1057 = arith.muli %select_n3A, %mul3A_1056 : i32
        %mul3A_1058 = arith.constant 1024 : i32
        %mul3A_1059 = arith.muli %rem3A_707, %mul3A_1058 : i32
        %add3A_1060 = arith.addi %mul3A_1057, %mul3A_1059 : i32
        %add3A_1061 = arith.constant 256 : i32
        %add3A_1062 = arith.addi %add3A_1060, %add3A_1061 : i32
        %add3A_1063 = arith.constant 80 : i32
        %add3A_1064 = arith.addi %add3A_1062, %add3A_1063 : i32
        %swap3A_1065 = arith.index_cast %add3A_1064 : i32 to index
        %swap3A_1066 = tpu.vector_load %arg10[%swap3A_1065] {strides = array<i32>} : memref<16384xf32, #tpu.memory_space<vmem>>, vector<16xf32>,
        tpu.vector_store %arg10[%swap3A_1065], %gather3A_990 {strides = array<i32>} : memref<16384xf32, #tpu.memory_space<vmem>>, vector<16xf32>,
        %mul3A_1067 = arith.constant 4096 : i32
        %mul3A_1068 = arith.muli %select_n3A, %mul3A_1067 : i32
        %mul3A_1069 = arith.constant 1024 : i32
        %mul3A_1070 = arith.muli %rem3A_707, %mul3A_1069 : i32
        %add3A_1071 = arith.addi %mul3A_1068, %mul3A_1070 : i32
        %add3A_1072 = arith.constant 256 : i32
        %add3A_1073 = arith.addi %add3A_1071, %add3A_1072 : i32
        %add3A_1074 = arith.constant 96 : i32
        %add3A_1075 = arith.addi %add3A_1073, %add3A_1074 : i32
        %swap3A_1076 = arith.index_cast %add3A_1075 : i32 to index
        %swap3A_1077 = tpu.vector_load %arg10[%swap3A_1076] {strides = array<i32>} : memref<16384xf32, #tpu.memory_space<vmem>>, vector<16xf32>,
        tpu.vector_store %arg10[%swap3A_1076], %gather3A_991 {strides = array<i32>} : memref<16384xf32, #tpu.memory_space<vmem>>, vector<16xf32>,
        %mul3A_1078 = arith.constant 4096 : i32
        %mul3A_1079 = arith.muli %select_n3A, %mul3A_1078 : i32
        %mul3A_1080 = arith.constant 1024 : i32
        %mul3A_1081 = arith.muli %rem3A_707, %mul3A_1080 : i32
        %add3A_1082 = arith.addi %mul3A_1079, %mul3A_1081 : i32
        %add3A_1083 = arith.constant 256 : i32
        %add3A_1084 = arith.addi %add3A_1082, %add3A_1083 : i32
        %add3A_1085 = arith.constant 112 : i32
        %add3A_1086 = arith.addi %add3A_1084, %add3A_1085 : i32
        %swap3A_1087 = arith.index_cast %add3A_1086 : i32 to index
        %swap3A_1088 = tpu.vector_load %arg10[%swap3A_1087] {strides = array<i32>} : memref<16384xf32, #tpu.memory_space<vmem>>, vector<16xf32>,
        tpu.vector_store %arg10[%swap3A_1087], %gather3A_992 {strides = array<i32>} : memref<16384xf32, #tpu.memory_space<vmem>>, vector<16xf32>,
        %mul3A_1089 = arith.constant 4096 : i32
        %mul3A_1090 = arith.muli %select_n3A, %mul3A_1089 : i32
        %mul3A_1091 = arith.constant 1024 : i32
        %mul3A_1092 = arith.muli %rem3A_707, %mul3A_1091 : i32
        %add3A_1093 = arith.addi %mul3A_1090, %mul3A_1092 : i32
        %add3A_1094 = arith.constant 384 : i32
        %add3A_1095 = arith.addi %add3A_1093, %add3A_1094 : i32
        %add3A_1096 = arith.constant 0 : i32
        %add3A_1097 = arith.addi %add3A_1095, %add3A_1096 : i32
        %swap3A_1098 = arith.index_cast %add3A_1097 : i32 to index
        %swap3A_1099 = tpu.vector_load %arg10[%swap3A_1098] {strides = array<i32>} : memref<16384xf32, #tpu.memory_space<vmem>>, vector<16xf32>,
        tpu.vector_store %arg10[%swap3A_1098], %gather3A_993 {strides = array<i32>} : memref<16384xf32, #tpu.memory_space<vmem>>, vector<16xf32>,
        %mul3A_1100 = arith.constant 4096 : i32
        %mul3A_1101 = arith.muli %select_n3A, %mul3A_1100 : i32
        %mul3A_1102 = arith.constant 1024 : i32
        %mul3A_1103 = arith.muli %rem3A_707, %mul3A_1102 : i32
        %add3A_1104 = arith.addi %mul3A_1101, %mul3A_1103 : i32
        %add3A_1105 = arith.constant 384 : i32
        %add3A_1106 = arith.addi %add3A_1104, %add3A_1105 : i32
        %add3A_1107 = arith.constant 16 : i32
        %add3A_1108 = arith.addi %add3A_1106, %add3A_1107 : i32
        %swap3A_1109 = arith.index_cast %add3A_1108 : i32 to index
        %swap3A_1110 = tpu.vector_load %arg10[%swap3A_1109] {strides = array<i32>} : memref<16384xf32, #tpu.memory_space<vmem>>, vector<16xf32>,
        tpu.vector_store %arg10[%swap3A_1109], %gather3A_994 {strides = array<i32>} : memref<16384xf32, #tpu.memory_space<vmem>>, vector<16xf32>,
        %mul3A_1111 = arith.constant 4096 : i32
        %mul3A_1112 = arith.muli %select_n3A, %mul3A_1111 : i32
        %mul3A_1113 = arith.constant 1024 : i32
        %mul3A_1114 = arith.muli %rem3A_707, %mul3A_1113 : i32
        %add3A_1115 = arith.addi %mul3A_1112, %mul3A_1114 : i32
        %add3A_1116 = arith.constant 384 : i32
        %add3A_1117 = arith.addi %add3A_1115, %add3A_1116 : i32
        %add3A_1118 = arith.constant 32 : i32
        %add3A_1119 = arith.addi %add3A_1117, %add3A_1118 : i32
        %swap3A_1120 = arith.index_cast %add3A_1119 : i32 to index
        %swap3A_1121 = tpu.vector_load %arg10[%swap3A_1120] {strides = array<i32>} : memref<16384xf32, #tpu.memory_space<vmem>>, vector<16xf32>,
        tpu.vector_store %arg10[%swap3A_1120], %gather3A_995 {strides = array<i32>} : memref<16384xf32, #tpu.memory_space<vmem>>, vector<16xf32>,
        %mul3A_1122 = arith.constant 4096 : i32
        %mul3A_1123 = arith.muli %select_n3A, %mul3A_1122 : i32
        %mul3A_1124 = arith.constant 1024 : i32
        %mul3A_1125 = arith.muli %rem3A_707, %mul3A_1124 : i32
        %add3A_1126 = arith.addi %mul3A_1123, %mul3A_1125 : i32
        %add3A_1127 = arith.constant 384 : i32
        %add3A_1128 = arith.addi %add3A_1126, %add3A_1127 : i32
        %add3A_1129 = arith.constant 48 : i32
        %add3A_1130 = arith.addi %add3A_1128, %add3A_1129 : i32
        %swap3A_1131 = arith.index_cast %add3A_1130 : i32 to index
        %swap3A_1132 = tpu.vector_load %arg10[%swap3A_1131] {strides = array<i32>} : memref<16384xf32, #tpu.memory_space<vmem>>, vector<16xf32>,
        tpu.vector_store %arg10[%swap3A_1131], %gather3A_996 {strides = array<i32>} : memref<16384xf32, #tpu.memory_space<vmem>>, vector<16xf32>,
        %mul3A_1133 = arith.constant 4096 : i32
        %mul3A_1134 = arith.muli %select_n3A, %mul3A_1133 : i32
        %mul3A_1135 = arith.constant 1024 : i32
        %mul3A_1136 = arith.muli %rem3A_707, %mul3A_1135 : i32
        %add3A_1137 = arith.addi %mul3A_1134, %mul3A_1136 : i32
        %add3A_1138 = arith.constant 384 : i32
        %add3A_1139 = arith.addi %add3A_1137, %add3A_1138 : i32
        %add3A_1140 = arith.constant 64 : i32
        %add3A_1141 = arith.addi %add3A_1139, %add3A_1140 : i32
        %swap3A_1142 = arith.index_cast %add3A_1141 : i32 to index
        %swap3A_1143 = tpu.vector_load %arg10[%swap3A_1142] {strides = array<i32>} : memref<16384xf32, #tpu.memory_space<vmem>>, vector<16xf32>,
        tpu.vector_store %arg10[%swap3A_1142], %gather3A_997 {strides = array<i32>} : memref<16384xf32, #tpu.memory_space<vmem>>, vector<16xf32>,
        %mul3A_1144 = arith.constant 4096 : i32
        %mul3A_1145 = arith.muli %select_n3A, %mul3A_1144 : i32
        %mul3A_1146 = arith.constant 1024 : i32
        %mul3A_1147 = arith.muli %rem3A_707, %mul3A_1146 : i32
        %add3A_1148 = arith.addi %mul3A_1145, %mul3A_1147 : i32
        %add3A_1149 = arith.constant 384 : i32
        %add3A_1150 = arith.addi %add3A_1148, %add3A_1149 : i32
        %add3A_1151 = arith.constant 80 : i32
        %add3A_1152 = arith.addi %add3A_1150, %add3A_1151 : i32
        %swap3A_1153 = arith.index_cast %add3A_1152 : i32 to index
        %swap3A_1154 = tpu.vector_load %arg10[%swap3A_1153] {strides = array<i32>} : memref<16384xf32, #tpu.memory_space<vmem>>, vector<16xf32>,
        tpu.vector_store %arg10[%swap3A_1153], %gather3A_998 {strides = array<i32>} : memref<16384xf32, #tpu.memory_space<vmem>>, vector<16xf32>,
        %mul3A_1155 = arith.constant 4096 : i32
        %mul3A_1156 = arith.muli %select_n3A, %mul3A_1155 : i32
        %mul3A_1157 = arith.constant 1024 : i32
        %mul3A_1158 = arith.muli %rem3A_707, %mul3A_1157 : i32
        %add3A_1159 = arith.addi %mul3A_1156, %mul3A_1158 : i32
        %add3A_1160 = arith.constant 384 : i32
        %add3A_1161 = arith.addi %add3A_1159, %add3A_1160 : i32
        %add3A_1162 = arith.constant 96 : i32
        %add3A_1163 = arith.addi %add3A_1161, %add3A_1162 : i32
        %swap3A_1164 = arith.index_cast %add3A_1163 : i32 to index
        %swap3A_1165 = tpu.vector_load %arg10[%swap3A_1164] {strides = array<i32>} : memref<16384xf32, #tpu.memory_space<vmem>>, vector<16xf32>,
        tpu.vector_store %arg10[%swap3A_1164], %gather3A_999 {strides = array<i32>} : memref<16384xf32, #tpu.memory_space<vmem>>, vector<16xf32>,
        %mul3A_1166 = arith.constant 4096 : i32
        %mul3A_1167 = arith.muli %select_n3A, %mul3A_1166 : i32
        %mul3A_1168 = arith.constant 1024 : i32
        %mul3A_1169 = arith.muli %rem3A_707, %mul3A_1168 : i32
        %add3A_1170 = arith.addi %mul3A_1167, %mul3A_1169 : i32
        %add3A_1171 = arith.constant 384 : i32
        %add3A_1172 = arith.addi %add3A_1170, %add3A_1171 : i32
        %add3A_1173 = arith.constant 112 : i32
        %add3A_1174 = arith.addi %add3A_1172, %add3A_1173 : i32
        %swap3A_1175 = arith.index_cast %add3A_1174 : i32 to index
        %swap3A_1176 = tpu.vector_load %arg10[%swap3A_1175] {strides = array<i32>} : memref<16384xf32, #tpu.memory_space<vmem>>, vector<16xf32>,
        tpu.vector_store %arg10[%swap3A_1175], %gather3A_1000 {strides = array<i32>} : memref<16384xf32, #tpu.memory_space<vmem>>, vector<16xf32>,
        %broadcast_in_dim3A_1177 = arith.constant 0 : i32
        %broadcast_in_dim3A_1178 = vector.broadcast %broadcast_in_dim3A_1177 : i32 to vector<16xi32>
        %mul3A_1179 = arith.constant 8 : i32
        %mul3A_1180 = arith.muli %select_n3A, %mul3A_1179 : i32
        %add3A_1181 = arith.constant 4 : i32
        %add3A_1182 = arith.addi %mul3A_1180, %add3A_1181 : i32
        %add3A_1183 = arith.constant 0 : i32
        %add3A_1184 = arith.addi %add3A_1182, %add3A_1183 : i32
        %add3A_1185 = vector.broadcast %add3A_1184 : i32 to vector<16xi32>
        %add3A_1186 = arith.addi %broadcast_in_dim3A_1178, %add3A_1185 : vector<16xi32>
        %broadcast_in_dim3A_1187 = arith.constant 0 : i32
        %broadcast_in_dim3A_1188 = vector.broadcast %broadcast_in_dim3A_1187 : i32 to vector<16xi32>
        %mul3A_1189 = arith.constant 8 : i32
        %mul3A_1190 = arith.muli %select_n3A, %mul3A_1189 : i32
        %add3A_1191 = arith.constant 4 : i32
        %add3A_1192 = arith.addi %mul3A_1190, %add3A_1191 : i32
        %add3A_1193 = arith.constant 1 : i32
        %add3A_1194 = arith.addi %add3A_1192, %add3A_1193 : i32
        %add3A_1195 = vector.broadcast %add3A_1194 : i32 to vector<16xi32>
        %add3A_1196 = arith.addi %broadcast_in_dim3A_1188, %add3A_1195 : vector<16xi32>
        %gather3A_1197 = tpu.vector_load_idx %arg8[%add3A_713, %add3A_1186] : memref<512x32xf32, #tpu.memory_space<vmem>>[vector<16xi32>, vector<16xi32>], vector<16xf32>,
        %gather3A_1198 = tpu.vector_load_idx %arg8[%add3A_719, %add3A_1186] : memref<512x32xf32, #tpu.memory_space<vmem>>[vector<16xi32>, vector<16xi32>], vector<16xf32>,
        %gather3A_1199 = tpu.vector_load_idx %arg8[%add3A_725, %add3A_1186] : memref<512x32xf32, #tpu.memory_space<vmem>>[vector<16xi32>, vector<16xi32>], vector<16xf32>,
        %gather3A_1200 = tpu.vector_load_idx %arg8[%add3A_731, %add3A_1186] : memref<512x32xf32, #tpu.memory_space<vmem>>[vector<16xi32>, vector<16xi32>], vector<16xf32>,
        %gather3A_1201 = tpu.vector_load_idx %arg8[%add3A_737, %add3A_1186] : memref<512x32xf32, #tpu.memory_space<vmem>>[vector<16xi32>, vector<16xi32>], vector<16xf32>,
        %gather3A_1202 = tpu.vector_load_idx %arg8[%add3A_743, %add3A_1186] : memref<512x32xf32, #tpu.memory_space<vmem>>[vector<16xi32>, vector<16xi32>], vector<16xf32>,
        %gather3A_1203 = tpu.vector_load_idx %arg8[%add3A_749, %add3A_1186] : memref<512x32xf32, #tpu.memory_space<vmem>>[vector<16xi32>, vector<16xi32>], vector<16xf32>,
        %gather3A_1204 = tpu.vector_load_idx %arg8[%add3A_755, %add3A_1186] : memref<512x32xf32, #tpu.memory_space<vmem>>[vector<16xi32>, vector<16xi32>], vector<16xf32>,
        %gather3A_1205 = tpu.vector_load_idx %arg8[%add3A_713, %add3A_1196] : memref<512x32xf32, #tpu.memory_space<vmem>>[vector<16xi32>, vector<16xi32>], vector<16xf32>,
        %gather3A_1206 = tpu.vector_load_idx %arg8[%add3A_719, %add3A_1196] : memref<512x32xf32, #tpu.memory_space<vmem>>[vector<16xi32>, vector<16xi32>], vector<16xf32>,
        %gather3A_1207 = tpu.vector_load_idx %arg8[%add3A_725, %add3A_1196] : memref<512x32xf32, #tpu.memory_space<vmem>>[vector<16xi32>, vector<16xi32>], vector<16xf32>,
        %gather3A_1208 = tpu.vector_load_idx %arg8[%add3A_731, %add3A_1196] : memref<512x32xf32, #tpu.memory_space<vmem>>[vector<16xi32>, vector<16xi32>], vector<16xf32>,
        %gather3A_1209 = tpu.vector_load_idx %arg8[%add3A_737, %add3A_1196] : memref<512x32xf32, #tpu.memory_space<vmem>>[vector<16xi32>, vector<16xi32>], vector<16xf32>,
        %gather3A_1210 = tpu.vector_load_idx %arg8[%add3A_743, %add3A_1196] : memref<512x32xf32, #tpu.memory_space<vmem>>[vector<16xi32>, vector<16xi32>], vector<16xf32>,
        %gather3A_1211 = tpu.vector_load_idx %arg8[%add3A_749, %add3A_1196] : memref<512x32xf32, #tpu.memory_space<vmem>>[vector<16xi32>, vector<16xi32>], vector<16xf32>,
        %gather3A_1212 = tpu.vector_load_idx %arg8[%add3A_755, %add3A_1196] : memref<512x32xf32, #tpu.memory_space<vmem>>[vector<16xi32>, vector<16xi32>], vector<16xf32>,
        %mul3A_1213 = arith.constant 4096 : i32
        %mul3A_1214 = arith.muli %select_n3A, %mul3A_1213 : i32
        %mul3A_1215 = arith.constant 1024 : i32
        %mul3A_1216 = arith.muli %rem3A_707, %mul3A_1215 : i32
        %add3A_1217 = arith.addi %mul3A_1214, %mul3A_1216 : i32
        %add3A_1218 = arith.constant 512 : i32
        %add3A_1219 = arith.addi %add3A_1217, %add3A_1218 : i32
        %add3A_1220 = arith.constant 0 : i32
        %add3A_1221 = arith.addi %add3A_1219, %add3A_1220 : i32
        %swap3A_1222 = arith.index_cast %add3A_1221 : i32 to index
        %swap3A_1223 = tpu.vector_load %arg10[%swap3A_1222] {strides = array<i32>} : memref<16384xf32, #tpu.memory_space<vmem>>, vector<16xf32>,
        tpu.vector_store %arg10[%swap3A_1222], %gather3A_1197 {strides = array<i32>} : memref<16384xf32, #tpu.memory_space<vmem>>, vector<16xf32>,
        %mul3A_1224 = arith.constant 4096 : i32
        %mul3A_1225 = arith.muli %select_n3A, %mul3A_1224 : i32
        %mul3A_1226 = arith.constant 1024 : i32
        %mul3A_1227 = arith.muli %rem3A_707, %mul3A_1226 : i32
        %add3A_1228 = arith.addi %mul3A_1225, %mul3A_1227 : i32
        %add3A_1229 = arith.constant 512 : i32
        %add3A_1230 = arith.addi %add3A_1228, %add3A_1229 : i32
        %add3A_1231 = arith.constant 16 : i32
        %add3A_1232 = arith.addi %add3A_1230, %add3A_1231 : i32
        %swap3A_1233 = arith.index_cast %add3A_1232 : i32 to index
        %swap3A_1234 = tpu.vector_load %arg10[%swap3A_1233] {strides = array<i32>} : memref<16384xf32, #tpu.memory_space<vmem>>, vector<16xf32>,
        tpu.vector_store %arg10[%swap3A_1233], %gather3A_1198 {strides = array<i32>} : memref<16384xf32, #tpu.memory_space<vmem>>, vector<16xf32>,
        %mul3A_1235 = arith.constant 4096 : i32
        %mul3A_1236 = arith.muli %select_n3A, %mul3A_1235 : i32
        %mul3A_1237 = arith.constant 1024 : i32
        %mul3A_1238 = arith.muli %rem3A_707, %mul3A_1237 : i32
        %add3A_1239 = arith.addi %mul3A_1236, %mul3A_1238 : i32
        %add3A_1240 = arith.constant 512 : i32
        %add3A_1241 = arith.addi %add3A_1239, %add3A_1240 : i32
        %add3A_1242 = arith.constant 32 : i32
        %add3A_1243 = arith.addi %add3A_1241, %add3A_1242 : i32
        %swap3A_1244 = arith.index_cast %add3A_1243 : i32 to index
        %swap3A_1245 = tpu.vector_load %arg10[%swap3A_1244] {strides = array<i32>} : memref<16384xf32, #tpu.memory_space<vmem>>, vector<16xf32>,
        tpu.vector_store %arg10[%swap3A_1244], %gather3A_1199 {strides = array<i32>} : memref<16384xf32, #tpu.memory_space<vmem>>, vector<16xf32>,
        %mul3A_1246 = arith.constant 4096 : i32
        %mul3A_1247 = arith.muli %select_n3A, %mul3A_1246 : i32
        %mul3A_1248 = arith.constant 1024 : i32
        %mul3A_1249 = arith.muli %rem3A_707, %mul3A_1248 : i32
        %add3A_1250 = arith.addi %mul3A_1247, %mul3A_1249 : i32
        %add3A_1251 = arith.constant 512 : i32
        %add3A_1252 = arith.addi %add3A_1250, %add3A_1251 : i32
        %add3A_1253 = arith.constant 48 : i32
        %add3A_1254 = arith.addi %add3A_1252, %add3A_1253 : i32
        %swap3A_1255 = arith.index_cast %add3A_1254 : i32 to index
        %swap3A_1256 = tpu.vector_load %arg10[%swap3A_1255] {strides = array<i32>} : memref<16384xf32, #tpu.memory_space<vmem>>, vector<16xf32>,
        tpu.vector_store %arg10[%swap3A_1255], %gather3A_1200 {strides = array<i32>} : memref<16384xf32, #tpu.memory_space<vmem>>, vector<16xf32>,
        %mul3A_1257 = arith.constant 4096 : i32
        %mul3A_1258 = arith.muli %select_n3A, %mul3A_1257 : i32
        %mul3A_1259 = arith.constant 1024 : i32
        %mul3A_1260 = arith.muli %rem3A_707, %mul3A_1259 : i32
        %add3A_1261 = arith.addi %mul3A_1258, %mul3A_1260 : i32
        %add3A_1262 = arith.constant 512 : i32
        %add3A_1263 = arith.addi %add3A_1261, %add3A_1262 : i32
        %add3A_1264 = arith.constant 64 : i32
        %add3A_1265 = arith.addi %add3A_1263, %add3A_1264 : i32
        %swap3A_1266 = arith.index_cast %add3A_1265 : i32 to index
        %swap3A_1267 = tpu.vector_load %arg10[%swap3A_1266] {strides = array<i32>} : memref<16384xf32, #tpu.memory_space<vmem>>, vector<16xf32>,
        tpu.vector_store %arg10[%swap3A_1266], %gather3A_1201 {strides = array<i32>} : memref<16384xf32, #tpu.memory_space<vmem>>, vector<16xf32>,
        %mul3A_1268 = arith.constant 4096 : i32
        %mul3A_1269 = arith.muli %select_n3A, %mul3A_1268 : i32
        %mul3A_1270 = arith.constant 1024 : i32
        %mul3A_1271 = arith.muli %rem3A_707, %mul3A_1270 : i32
        %add3A_1272 = arith.addi %mul3A_1269, %mul3A_1271 : i32
        %add3A_1273 = arith.constant 512 : i32
        %add3A_1274 = arith.addi %add3A_1272, %add3A_1273 : i32
        %add3A_1275 = arith.constant 80 : i32
        %add3A_1276 = arith.addi %add3A_1274, %add3A_1275 : i32
        %swap3A_1277 = arith.index_cast %add3A_1276 : i32 to index
        %swap3A_1278 = tpu.vector_load %arg10[%swap3A_1277] {strides = array<i32>} : memref<16384xf32, #tpu.memory_space<vmem>>, vector<16xf32>,
        tpu.vector_store %arg10[%swap3A_1277], %gather3A_1202 {strides = array<i32>} : memref<16384xf32, #tpu.memory_space<vmem>>, vector<16xf32>,
        %mul3A_1279 = arith.constant 4096 : i32
        %mul3A_1280 = arith.muli %select_n3A, %mul3A_1279 : i32
        %mul3A_1281 = arith.constant 1024 : i32
        %mul3A_1282 = arith.muli %rem3A_707, %mul3A_1281 : i32
        %add3A_1283 = arith.addi %mul3A_1280, %mul3A_1282 : i32
        %add3A_1284 = arith.constant 512 : i32
        %add3A_1285 = arith.addi %add3A_1283, %add3A_1284 : i32
        %add3A_1286 = arith.constant 96 : i32
        %add3A_1287 = arith.addi %add3A_1285, %add3A_1286 : i32
        %swap3A_1288 = arith.index_cast %add3A_1287 : i32 to index
        %swap3A_1289 = tpu.vector_load %arg10[%swap3A_1288] {strides = array<i32>} : memref<16384xf32, #tpu.memory_space<vmem>>, vector<16xf32>,
        tpu.vector_store %arg10[%swap3A_1288], %gather3A_1203 {strides = array<i32>} : memref<16384xf32, #tpu.memory_space<vmem>>, vector<16xf32>,
        %mul3A_1290 = arith.constant 4096 : i32
        %mul3A_1291 = arith.muli %select_n3A, %mul3A_1290 : i32
        %mul3A_1292 = arith.constant 1024 : i32
        %mul3A_1293 = arith.muli %rem3A_707, %mul3A_1292 : i32
        %add3A_1294 = arith.addi %mul3A_1291, %mul3A_1293 : i32
        %add3A_1295 = arith.constant 512 : i32
        %add3A_1296 = arith.addi %add3A_1294, %add3A_1295 : i32
        %add3A_1297 = arith.constant 112 : i32
        %add3A_1298 = arith.addi %add3A_1296, %add3A_1297 : i32
        %swap3A_1299 = arith.index_cast %add3A_1298 : i32 to index
        %swap3A_1300 = tpu.vector_load %arg10[%swap3A_1299] {strides = array<i32>} : memref<16384xf32, #tpu.memory_space<vmem>>, vector<16xf32>,
        tpu.vector_store %arg10[%swap3A_1299], %gather3A_1204 {strides = array<i32>} : memref<16384xf32, #tpu.memory_space<vmem>>, vector<16xf32>,
        %mul3A_1301 = arith.constant 4096 : i32
        %mul3A_1302 = arith.muli %select_n3A, %mul3A_1301 : i32
        %mul3A_1303 = arith.constant 1024 : i32
        %mul3A_1304 = arith.muli %rem3A_707, %mul3A_1303 : i32
        %add3A_1305 = arith.addi %mul3A_1302, %mul3A_1304 : i32
        %add3A_1306 = arith.constant 640 : i32
        %add3A_1307 = arith.addi %add3A_1305, %add3A_1306 : i32
        %add3A_1308 = arith.constant 0 : i32
        %add3A_1309 = arith.addi %add3A_1307, %add3A_1308 : i32
        %swap3A_1310 = arith.index_cast %add3A_1309 : i32 to index
        %swap3A_1311 = tpu.vector_load %arg10[%swap3A_1310] {strides = array<i32>} : memref<16384xf32, #tpu.memory_space<vmem>>, vector<16xf32>,
        tpu.vector_store %arg10[%swap3A_1310], %gather3A_1205 {strides = array<i32>} : memref<16384xf32, #tpu.memory_space<vmem>>, vector<16xf32>,
        %mul3A_1312 = arith.constant 4096 : i32
        %mul3A_1313 = arith.muli %select_n3A, %mul3A_1312 : i32
        %mul3A_1314 = arith.constant 1024 : i32
        %mul3A_1315 = arith.muli %rem3A_707, %mul3A_1314 : i32
        %add3A_1316 = arith.addi %mul3A_1313, %mul3A_1315 : i32
        %add3A_1317 = arith.constant 640 : i32
        %add3A_1318 = arith.addi %add3A_1316, %add3A_1317 : i32
        %add3A_1319 = arith.constant 16 : i32
        %add3A_1320 = arith.addi %add3A_1318, %add3A_1319 : i32
        %swap3A_1321 = arith.index_cast %add3A_1320 : i32 to index
        %swap3A_1322 = tpu.vector_load %arg10[%swap3A_1321] {strides = array<i32>} : memref<16384xf32, #tpu.memory_space<vmem>>, vector<16xf32>,
        tpu.vector_store %arg10[%swap3A_1321], %gather3A_1206 {strides = array<i32>} : memref<16384xf32, #tpu.memory_space<vmem>>, vector<16xf32>,
        %mul3A_1323 = arith.constant 4096 : i32
        %mul3A_1324 = arith.muli %select_n3A, %mul3A_1323 : i32
        %mul3A_1325 = arith.constant 1024 : i32
        %mul3A_1326 = arith.muli %rem3A_707, %mul3A_1325 : i32
        %add3A_1327 = arith.addi %mul3A_1324, %mul3A_1326 : i32
        %add3A_1328 = arith.constant 640 : i32
        %add3A_1329 = arith.addi %add3A_1327, %add3A_1328 : i32
        %add3A_1330 = arith.constant 32 : i32
        %add3A_1331 = arith.addi %add3A_1329, %add3A_1330 : i32
        %swap3A_1332 = arith.index_cast %add3A_1331 : i32 to index
        %swap3A_1333 = tpu.vector_load %arg10[%swap3A_1332] {strides = array<i32>} : memref<16384xf32, #tpu.memory_space<vmem>>, vector<16xf32>,
        tpu.vector_store %arg10[%swap3A_1332], %gather3A_1207 {strides = array<i32>} : memref<16384xf32, #tpu.memory_space<vmem>>, vector<16xf32>,
        %mul3A_1334 = arith.constant 4096 : i32
        %mul3A_1335 = arith.muli %select_n3A, %mul3A_1334 : i32
        %mul3A_1336 = arith.constant 1024 : i32
        %mul3A_1337 = arith.muli %rem3A_707, %mul3A_1336 : i32
        %add3A_1338 = arith.addi %mul3A_1335, %mul3A_1337 : i32
        %add3A_1339 = arith.constant 640 : i32
        %add3A_1340 = arith.addi %add3A_1338, %add3A_1339 : i32
        %add3A_1341 = arith.constant 48 : i32
        %add3A_1342 = arith.addi %add3A_1340, %add3A_1341 : i32
        %swap3A_1343 = arith.index_cast %add3A_1342 : i32 to index
        %swap3A_1344 = tpu.vector_load %arg10[%swap3A_1343] {strides = array<i32>} : memref<16384xf32, #tpu.memory_space<vmem>>, vector<16xf32>,
        tpu.vector_store %arg10[%swap3A_1343], %gather3A_1208 {strides = array<i32>} : memref<16384xf32, #tpu.memory_space<vmem>>, vector<16xf32>,
        %mul3A_1345 = arith.constant 4096 : i32
        %mul3A_1346 = arith.muli %select_n3A, %mul3A_1345 : i32
        %mul3A_1347 = arith.constant 1024 : i32
        %mul3A_1348 = arith.muli %rem3A_707, %mul3A_1347 : i32
        %add3A_1349 = arith.addi %mul3A_1346, %mul3A_1348 : i32
        %add3A_1350 = arith.constant 640 : i32
        %add3A_1351 = arith.addi %add3A_1349, %add3A_1350 : i32
        %add3A_1352 = arith.constant 64 : i32
        %add3A_1353 = arith.addi %add3A_1351, %add3A_1352 : i32
        %swap3A_1354 = arith.index_cast %add3A_1353 : i32 to index
        %swap3A_1355 = tpu.vector_load %arg10[%swap3A_1354] {strides = array<i32>} : memref<16384xf32, #tpu.memory_space<vmem>>, vector<16xf32>,
        tpu.vector_store %arg10[%swap3A_1354], %gather3A_1209 {strides = array<i32>} : memref<16384xf32, #tpu.memory_space<vmem>>, vector<16xf32>,
        %mul3A_1356 = arith.constant 4096 : i32
        %mul3A_1357 = arith.muli %select_n3A, %mul3A_1356 : i32
        %mul3A_1358 = arith.constant 1024 : i32
        %mul3A_1359 = arith.muli %rem3A_707, %mul3A_1358 : i32
        %add3A_1360 = arith.addi %mul3A_1357, %mul3A_1359 : i32
        %add3A_1361 = arith.constant 640 : i32
        %add3A_1362 = arith.addi %add3A_1360, %add3A_1361 : i32
        %add3A_1363 = arith.constant 80 : i32
        %add3A_1364 = arith.addi %add3A_1362, %add3A_1363 : i32
        %swap3A_1365 = arith.index_cast %add3A_1364 : i32 to index
        %swap3A_1366 = tpu.vector_load %arg10[%swap3A_1365] {strides = array<i32>} : memref<16384xf32, #tpu.memory_space<vmem>>, vector<16xf32>,
        tpu.vector_store %arg10[%swap3A_1365], %gather3A_1210 {strides = array<i32>} : memref<16384xf32, #tpu.memory_space<vmem>>, vector<16xf32>,
        %mul3A_1367 = arith.constant 4096 : i32
        %mul3A_1368 = arith.muli %select_n3A, %mul3A_1367 : i32
        %mul3A_1369 = arith.constant 1024 : i32
        %mul3A_1370 = arith.muli %rem3A_707, %mul3A_1369 : i32
        %add3A_1371 = arith.addi %mul3A_1368, %mul3A_1370 : i32
        %add3A_1372 = arith.constant 640 : i32
        %add3A_1373 = arith.addi %add3A_1371, %add3A_1372 : i32
        %add3A_1374 = arith.constant 96 : i32
        %add3A_1375 = arith.addi %add3A_1373, %add3A_1374 : i32
        %swap3A_1376 = arith.index_cast %add3A_1375 : i32 to index
        %swap3A_1377 = tpu.vector_load %arg10[%swap3A_1376] {strides = array<i32>} : memref<16384xf32, #tpu.memory_space<vmem>>, vector<16xf32>,
        tpu.vector_store %arg10[%swap3A_1376], %gather3A_1211 {strides = array<i32>} : memref<16384xf32, #tpu.memory_space<vmem>>, vector<16xf32>,
        %mul3A_1378 = arith.constant 4096 : i32
        %mul3A_1379 = arith.muli %select_n3A, %mul3A_1378 : i32
        %mul3A_1380 = arith.constant 1024 : i32
        %mul3A_1381 = arith.muli %rem3A_707, %mul3A_1380 : i32
        %add3A_1382 = arith.addi %mul3A_1379, %mul3A_1381 : i32
        %add3A_1383 = arith.constant 640 : i32
        %add3A_1384 = arith.addi %add3A_1382, %add3A_1383 : i32
        %add3A_1385 = arith.constant 112 : i32
        %add3A_1386 = arith.addi %add3A_1384, %add3A_1385 : i32
        %swap3A_1387 = arith.index_cast %add3A_1386 : i32 to index
        %swap3A_1388 = tpu.vector_load %arg10[%swap3A_1387] {strides = array<i32>} : memref<16384xf32, #tpu.memory_space<vmem>>, vector<16xf32>,
        tpu.vector_store %arg10[%swap3A_1387], %gather3A_1212 {strides = array<i32>} : memref<16384xf32, #tpu.memory_space<vmem>>, vector<16xf32>,
        %broadcast_in_dim3A_1389 = arith.constant 0 : i32
        %broadcast_in_dim3A_1390 = vector.broadcast %broadcast_in_dim3A_1389 : i32 to vector<16xi32>
        %mul3A_1391 = arith.constant 8 : i32
        %mul3A_1392 = arith.muli %select_n3A, %mul3A_1391 : i32
        %add3A_1393 = arith.constant 6 : i32
        %add3A_1394 = arith.addi %mul3A_1392, %add3A_1393 : i32
        %add3A_1395 = arith.constant 0 : i32
        %add3A_1396 = arith.addi %add3A_1394, %add3A_1395 : i32
        %add3A_1397 = vector.broadcast %add3A_1396 : i32 to vector<16xi32>
        %add3A_1398 = arith.addi %broadcast_in_dim3A_1390, %add3A_1397 : vector<16xi32>
        %broadcast_in_dim3A_1399 = arith.constant 0 : i32
        %broadcast_in_dim3A_1400 = vector.broadcast %broadcast_in_dim3A_1399 : i32 to vector<16xi32>
        %mul3A_1401 = arith.constant 8 : i32
        %mul3A_1402 = arith.muli %select_n3A, %mul3A_1401 : i32
        %add3A_1403 = arith.constant 6 : i32
        %add3A_1404 = arith.addi %mul3A_1402, %add3A_1403 : i32
        %add3A_1405 = arith.constant 1 : i32
        %add3A_1406 = arith.addi %add3A_1404, %add3A_1405 : i32
        %add3A_1407 = vector.broadcast %add3A_1406 : i32 to vector<16xi32>
        %add3A_1408 = arith.addi %broadcast_in_dim3A_1400, %add3A_1407 : vector<16xi32>
        %gather3A_1409 = tpu.vector_load_idx %arg8[%add3A_713, %add3A_1398] : memref<512x32xf32, #tpu.memory_space<vmem>>[vector<16xi32>, vector<16xi32>], vector<16xf32>,
        %gather3A_1410 = tpu.vector_load_idx %arg8[%add3A_719, %add3A_1398] : memref<512x32xf32, #tpu.memory_space<vmem>>[vector<16xi32>, vector<16xi32>], vector<16xf32>,
        %gather3A_1411 = tpu.vector_load_idx %arg8[%add3A_725, %add3A_1398] : memref<512x32xf32, #tpu.memory_space<vmem>>[vector<16xi32>, vector<16xi32>], vector<16xf32>,
        %gather3A_1412 = tpu.vector_load_idx %arg8[%add3A_731, %add3A_1398] : memref<512x32xf32, #tpu.memory_space<vmem>>[vector<16xi32>, vector<16xi32>], vector<16xf32>,
        %gather3A_1413 = tpu.vector_load_idx %arg8[%add3A_737, %add3A_1398] : memref<512x32xf32, #tpu.memory_space<vmem>>[vector<16xi32>, vector<16xi32>], vector<16xf32>,
        %gather3A_1414 = tpu.vector_load_idx %arg8[%add3A_743, %add3A_1398] : memref<512x32xf32, #tpu.memory_space<vmem>>[vector<16xi32>, vector<16xi32>], vector<16xf32>,
        %gather3A_1415 = tpu.vector_load_idx %arg8[%add3A_749, %add3A_1398] : memref<512x32xf32, #tpu.memory_space<vmem>>[vector<16xi32>, vector<16xi32>], vector<16xf32>,
        %gather3A_1416 = tpu.vector_load_idx %arg8[%add3A_755, %add3A_1398] : memref<512x32xf32, #tpu.memory_space<vmem>>[vector<16xi32>, vector<16xi32>], vector<16xf32>,
        %gather3A_1417 = tpu.vector_load_idx %arg8[%add3A_713, %add3A_1408] : memref<512x32xf32, #tpu.memory_space<vmem>>[vector<16xi32>, vector<16xi32>], vector<16xf32>,
        %gather3A_1418 = tpu.vector_load_idx %arg8[%add3A_719, %add3A_1408] : memref<512x32xf32, #tpu.memory_space<vmem>>[vector<16xi32>, vector<16xi32>], vector<16xf32>,
        %gather3A_1419 = tpu.vector_load_idx %arg8[%add3A_725, %add3A_1408] : memref<512x32xf32, #tpu.memory_space<vmem>>[vector<16xi32>, vector<16xi32>], vector<16xf32>,
        %gather3A_1420 = tpu.vector_load_idx %arg8[%add3A_731, %add3A_1408] : memref<512x32xf32, #tpu.memory_space<vmem>>[vector<16xi32>, vector<16xi32>], vector<16xf32>,
        %gather3A_1421 = tpu.vector_load_idx %arg8[%add3A_737, %add3A_1408] : memref<512x32xf32, #tpu.memory_space<vmem>>[vector<16xi32>, vector<16xi32>], vector<16xf32>,
        %gather3A_1422 = tpu.vector_load_idx %arg8[%add3A_743, %add3A_1408] : memref<512x32xf32, #tpu.memory_space<vmem>>[vector<16xi32>, vector<16xi32>], vector<16xf32>,
        %gather3A_1423 = tpu.vector_load_idx %arg8[%add3A_749, %add3A_1408] : memref<512x32xf32, #tpu.memory_space<vmem>>[vector<16xi32>, vector<16xi32>], vector<16xf32>,
        %gather3A_1424 = tpu.vector_load_idx %arg8[%add3A_755, %add3A_1408] : memref<512x32xf32, #tpu.memory_space<vmem>>[vector<16xi32>, vector<16xi32>], vector<16xf32>,
        %mul3A_1425 = arith.constant 4096 : i32
        %mul3A_1426 = arith.muli %select_n3A, %mul3A_1425 : i32
        %mul3A_1427 = arith.constant 1024 : i32
        %mul3A_1428 = arith.muli %rem3A_707, %mul3A_1427 : i32
        %add3A_1429 = arith.addi %mul3A_1426, %mul3A_1428 : i32
        %add3A_1430 = arith.constant 768 : i32
        %add3A_1431 = arith.addi %add3A_1429, %add3A_1430 : i32
        %add3A_1432 = arith.constant 0 : i32
        %add3A_1433 = arith.addi %add3A_1431, %add3A_1432 : i32
        %swap3A_1434 = arith.index_cast %add3A_1433 : i32 to index
        %swap3A_1435 = tpu.vector_load %arg10[%swap3A_1434] {strides = array<i32>} : memref<16384xf32, #tpu.memory_space<vmem>>, vector<16xf32>,
        tpu.vector_store %arg10[%swap3A_1434], %gather3A_1409 {strides = array<i32>} : memref<16384xf32, #tpu.memory_space<vmem>>, vector<16xf32>,
        %mul3A_1436 = arith.constant 4096 : i32
        %mul3A_1437 = arith.muli %select_n3A, %mul3A_1436 : i32
        %mul3A_1438 = arith.constant 1024 : i32
        %mul3A_1439 = arith.muli %rem3A_707, %mul3A_1438 : i32
        %add3A_1440 = arith.addi %mul3A_1437, %mul3A_1439 : i32
        %add3A_1441 = arith.constant 768 : i32
        %add3A_1442 = arith.addi %add3A_1440, %add3A_1441 : i32
        %add3A_1443 = arith.constant 16 : i32
        %add3A_1444 = arith.addi %add3A_1442, %add3A_1443 : i32
        %swap3A_1445 = arith.index_cast %add3A_1444 : i32 to index
        %swap3A_1446 = tpu.vector_load %arg10[%swap3A_1445] {strides = array<i32>} : memref<16384xf32, #tpu.memory_space<vmem>>, vector<16xf32>,
        tpu.vector_store %arg10[%swap3A_1445], %gather3A_1410 {strides = array<i32>} : memref<16384xf32, #tpu.memory_space<vmem>>, vector<16xf32>,
        %mul3A_1447 = arith.constant 4096 : i32
        %mul3A_1448 = arith.muli %select_n3A, %mul3A_1447 : i32
        %mul3A_1449 = arith.constant 1024 : i32
        %mul3A_1450 = arith.muli %rem3A_707, %mul3A_1449 : i32
        %add3A_1451 = arith.addi %mul3A_1448, %mul3A_1450 : i32
        %add3A_1452 = arith.constant 768 : i32
        %add3A_1453 = arith.addi %add3A_1451, %add3A_1452 : i32
        %add3A_1454 = arith.constant 32 : i32
        %add3A_1455 = arith.addi %add3A_1453, %add3A_1454 : i32
        %swap3A_1456 = arith.index_cast %add3A_1455 : i32 to index
        %swap3A_1457 = tpu.vector_load %arg10[%swap3A_1456] {strides = array<i32>} : memref<16384xf32, #tpu.memory_space<vmem>>, vector<16xf32>,
        tpu.vector_store %arg10[%swap3A_1456], %gather3A_1411 {strides = array<i32>} : memref<16384xf32, #tpu.memory_space<vmem>>, vector<16xf32>,
        %mul3A_1458 = arith.constant 4096 : i32
        %mul3A_1459 = arith.muli %select_n3A, %mul3A_1458 : i32
        %mul3A_1460 = arith.constant 1024 : i32
        %mul3A_1461 = arith.muli %rem3A_707, %mul3A_1460 : i32
        %add3A_1462 = arith.addi %mul3A_1459, %mul3A_1461 : i32
        %add3A_1463 = arith.constant 768 : i32
        %add3A_1464 = arith.addi %add3A_1462, %add3A_1463 : i32
        %add3A_1465 = arith.constant 48 : i32
        %add3A_1466 = arith.addi %add3A_1464, %add3A_1465 : i32
        %swap3A_1467 = arith.index_cast %add3A_1466 : i32 to index
        %swap3A_1468 = tpu.vector_load %arg10[%swap3A_1467] {strides = array<i32>} : memref<16384xf32, #tpu.memory_space<vmem>>, vector<16xf32>,
        tpu.vector_store %arg10[%swap3A_1467], %gather3A_1412 {strides = array<i32>} : memref<16384xf32, #tpu.memory_space<vmem>>, vector<16xf32>,
        %mul3A_1469 = arith.constant 4096 : i32
        %mul3A_1470 = arith.muli %select_n3A, %mul3A_1469 : i32
        %mul3A_1471 = arith.constant 1024 : i32
        %mul3A_1472 = arith.muli %rem3A_707, %mul3A_1471 : i32
        %add3A_1473 = arith.addi %mul3A_1470, %mul3A_1472 : i32
        %add3A_1474 = arith.constant 768 : i32
        %add3A_1475 = arith.addi %add3A_1473, %add3A_1474 : i32
        %add3A_1476 = arith.constant 64 : i32
        %add3A_1477 = arith.addi %add3A_1475, %add3A_1476 : i32
        %swap3A_1478 = arith.index_cast %add3A_1477 : i32 to index
        %swap3A_1479 = tpu.vector_load %arg10[%swap3A_1478] {strides = array<i32>} : memref<16384xf32, #tpu.memory_space<vmem>>, vector<16xf32>,
        tpu.vector_store %arg10[%swap3A_1478], %gather3A_1413 {strides = array<i32>} : memref<16384xf32, #tpu.memory_space<vmem>>, vector<16xf32>,
        %mul3A_1480 = arith.constant 4096 : i32
        %mul3A_1481 = arith.muli %select_n3A, %mul3A_1480 : i32
        %mul3A_1482 = arith.constant 1024 : i32
        %mul3A_1483 = arith.muli %rem3A_707, %mul3A_1482 : i32
        %add3A_1484 = arith.addi %mul3A_1481, %mul3A_1483 : i32
        %add3A_1485 = arith.constant 768 : i32
        %add3A_1486 = arith.addi %add3A_1484, %add3A_1485 : i32
        %add3A_1487 = arith.constant 80 : i32
        %add3A_1488 = arith.addi %add3A_1486, %add3A_1487 : i32
        %swap3A_1489 = arith.index_cast %add3A_1488 : i32 to index
        %swap3A_1490 = tpu.vector_load %arg10[%swap3A_1489] {strides = array<i32>} : memref<16384xf32, #tpu.memory_space<vmem>>, vector<16xf32>,
        tpu.vector_store %arg10[%swap3A_1489], %gather3A_1414 {strides = array<i32>} : memref<16384xf32, #tpu.memory_space<vmem>>, vector<16xf32>,
        %mul3A_1491 = arith.constant 4096 : i32
        %mul3A_1492 = arith.muli %select_n3A, %mul3A_1491 : i32
        %mul3A_1493 = arith.constant 1024 : i32
        %mul3A_1494 = arith.muli %rem3A_707, %mul3A_1493 : i32
        %add3A_1495 = arith.addi %mul3A_1492, %mul3A_1494 : i32
        %add3A_1496 = arith.constant 768 : i32
        %add3A_1497 = arith.addi %add3A_1495, %add3A_1496 : i32
        %add3A_1498 = arith.constant 96 : i32
        %add3A_1499 = arith.addi %add3A_1497, %add3A_1498 : i32
        %swap3A_1500 = arith.index_cast %add3A_1499 : i32 to index
        %swap3A_1501 = tpu.vector_load %arg10[%swap3A_1500] {strides = array<i32>} : memref<16384xf32, #tpu.memory_space<vmem>>, vector<16xf32>,
        tpu.vector_store %arg10[%swap3A_1500], %gather3A_1415 {strides = array<i32>} : memref<16384xf32, #tpu.memory_space<vmem>>, vector<16xf32>,
        %mul3A_1502 = arith.constant 4096 : i32
        %mul3A_1503 = arith.muli %select_n3A, %mul3A_1502 : i32
        %mul3A_1504 = arith.constant 1024 : i32
        %mul3A_1505 = arith.muli %rem3A_707, %mul3A_1504 : i32
        %add3A_1506 = arith.addi %mul3A_1503, %mul3A_1505 : i32
        %add3A_1507 = arith.constant 768 : i32
        %add3A_1508 = arith.addi %add3A_1506, %add3A_1507 : i32
        %add3A_1509 = arith.constant 112 : i32
        %add3A_1510 = arith.addi %add3A_1508, %add3A_1509 : i32
        %swap3A_1511 = arith.index_cast %add3A_1510 : i32 to index
        %swap3A_1512 = tpu.vector_load %arg10[%swap3A_1511] {strides = array<i32>} : memref<16384xf32, #tpu.memory_space<vmem>>, vector<16xf32>,
        tpu.vector_store %arg10[%swap3A_1511], %gather3A_1416 {strides = array<i32>} : memref<16384xf32, #tpu.memory_space<vmem>>, vector<16xf32>,
        %mul3A_1513 = arith.constant 4096 : i32
        %mul3A_1514 = arith.muli %select_n3A, %mul3A_1513 : i32
        %mul3A_1515 = arith.constant 1024 : i32
        %mul3A_1516 = arith.muli %rem3A_707, %mul3A_1515 : i32
        %add3A_1517 = arith.addi %mul3A_1514, %mul3A_1516 : i32
        %add3A_1518 = arith.constant 896 : i32
        %add3A_1519 = arith.addi %add3A_1517, %add3A_1518 : i32
        %add3A_1520 = arith.constant 0 : i32
        %add3A_1521 = arith.addi %add3A_1519, %add3A_1520 : i32
        %swap3A_1522 = arith.index_cast %add3A_1521 : i32 to index
        %swap3A_1523 = tpu.vector_load %arg10[%swap3A_1522] {strides = array<i32>} : memref<16384xf32, #tpu.memory_space<vmem>>, vector<16xf32>,
        tpu.vector_store %arg10[%swap3A_1522], %gather3A_1417 {strides = array<i32>} : memref<16384xf32, #tpu.memory_space<vmem>>, vector<16xf32>,
        %mul3A_1524 = arith.constant 4096 : i32
        %mul3A_1525 = arith.muli %select_n3A, %mul3A_1524 : i32
        %mul3A_1526 = arith.constant 1024 : i32
        %mul3A_1527 = arith.muli %rem3A_707, %mul3A_1526 : i32
        %add3A_1528 = arith.addi %mul3A_1525, %mul3A_1527 : i32
        %add3A_1529 = arith.constant 896 : i32
        %add3A_1530 = arith.addi %add3A_1528, %add3A_1529 : i32
        %add3A_1531 = arith.constant 16 : i32
        %add3A_1532 = arith.addi %add3A_1530, %add3A_1531 : i32
        %swap3A_1533 = arith.index_cast %add3A_1532 : i32 to index
        %swap3A_1534 = tpu.vector_load %arg10[%swap3A_1533] {strides = array<i32>} : memref<16384xf32, #tpu.memory_space<vmem>>, vector<16xf32>,
        tpu.vector_store %arg10[%swap3A_1533], %gather3A_1418 {strides = array<i32>} : memref<16384xf32, #tpu.memory_space<vmem>>, vector<16xf32>,
        %mul3A_1535 = arith.constant 4096 : i32
        %mul3A_1536 = arith.muli %select_n3A, %mul3A_1535 : i32
        %mul3A_1537 = arith.constant 1024 : i32
        %mul3A_1538 = arith.muli %rem3A_707, %mul3A_1537 : i32
        %add3A_1539 = arith.addi %mul3A_1536, %mul3A_1538 : i32
        %add3A_1540 = arith.constant 896 : i32
        %add3A_1541 = arith.addi %add3A_1539, %add3A_1540 : i32
        %add3A_1542 = arith.constant 32 : i32
        %add3A_1543 = arith.addi %add3A_1541, %add3A_1542 : i32
        %swap3A_1544 = arith.index_cast %add3A_1543 : i32 to index
        %swap3A_1545 = tpu.vector_load %arg10[%swap3A_1544] {strides = array<i32>} : memref<16384xf32, #tpu.memory_space<vmem>>, vector<16xf32>,
        tpu.vector_store %arg10[%swap3A_1544], %gather3A_1419 {strides = array<i32>} : memref<16384xf32, #tpu.memory_space<vmem>>, vector<16xf32>,
        %mul3A_1546 = arith.constant 4096 : i32
        %mul3A_1547 = arith.muli %select_n3A, %mul3A_1546 : i32
        %mul3A_1548 = arith.constant 1024 : i32
        %mul3A_1549 = arith.muli %rem3A_707, %mul3A_1548 : i32
        %add3A_1550 = arith.addi %mul3A_1547, %mul3A_1549 : i32
        %add3A_1551 = arith.constant 896 : i32
        %add3A_1552 = arith.addi %add3A_1550, %add3A_1551 : i32
        %add3A_1553 = arith.constant 48 : i32
        %add3A_1554 = arith.addi %add3A_1552, %add3A_1553 : i32
        %swap3A_1555 = arith.index_cast %add3A_1554 : i32 to index
        %swap3A_1556 = tpu.vector_load %arg10[%swap3A_1555] {strides = array<i32>} : memref<16384xf32, #tpu.memory_space<vmem>>, vector<16xf32>,
        tpu.vector_store %arg10[%swap3A_1555], %gather3A_1420 {strides = array<i32>} : memref<16384xf32, #tpu.memory_space<vmem>>, vector<16xf32>,
        %mul3A_1557 = arith.constant 4096 : i32
        %mul3A_1558 = arith.muli %select_n3A, %mul3A_1557 : i32
        %mul3A_1559 = arith.constant 1024 : i32
        %mul3A_1560 = arith.muli %rem3A_707, %mul3A_1559 : i32
        %add3A_1561 = arith.addi %mul3A_1558, %mul3A_1560 : i32
        %add3A_1562 = arith.constant 896 : i32
        %add3A_1563 = arith.addi %add3A_1561, %add3A_1562 : i32
        %add3A_1564 = arith.constant 64 : i32
        %add3A_1565 = arith.addi %add3A_1563, %add3A_1564 : i32
        %swap3A_1566 = arith.index_cast %add3A_1565 : i32 to index
        %swap3A_1567 = tpu.vector_load %arg10[%swap3A_1566] {strides = array<i32>} : memref<16384xf32, #tpu.memory_space<vmem>>, vector<16xf32>,
        tpu.vector_store %arg10[%swap3A_1566], %gather3A_1421 {strides = array<i32>} : memref<16384xf32, #tpu.memory_space<vmem>>, vector<16xf32>,
        %mul3A_1568 = arith.constant 4096 : i32
        %mul3A_1569 = arith.muli %select_n3A, %mul3A_1568 : i32
        %mul3A_1570 = arith.constant 1024 : i32
        %mul3A_1571 = arith.muli %rem3A_707, %mul3A_1570 : i32
        %add3A_1572 = arith.addi %mul3A_1569, %mul3A_1571 : i32
        %add3A_1573 = arith.constant 896 : i32
        %add3A_1574 = arith.addi %add3A_1572, %add3A_1573 : i32
        %add3A_1575 = arith.constant 80 : i32
        %add3A_1576 = arith.addi %add3A_1574, %add3A_1575 : i32
        %swap3A_1577 = arith.index_cast %add3A_1576 : i32 to index
        %swap3A_1578 = tpu.vector_load %arg10[%swap3A_1577] {strides = array<i32>} : memref<16384xf32, #tpu.memory_space<vmem>>, vector<16xf32>,
        tpu.vector_store %arg10[%swap3A_1577], %gather3A_1422 {strides = array<i32>} : memref<16384xf32, #tpu.memory_space<vmem>>, vector<16xf32>,
        %mul3A_1579 = arith.constant 4096 : i32
        %mul3A_1580 = arith.muli %select_n3A, %mul3A_1579 : i32
        %mul3A_1581 = arith.constant 1024 : i32
        %mul3A_1582 = arith.muli %rem3A_707, %mul3A_1581 : i32
        %add3A_1583 = arith.addi %mul3A_1580, %mul3A_1582 : i32
        %add3A_1584 = arith.constant 896 : i32
        %add3A_1585 = arith.addi %add3A_1583, %add3A_1584 : i32
        %add3A_1586 = arith.constant 96 : i32
        %add3A_1587 = arith.addi %add3A_1585, %add3A_1586 : i32
        %swap3A_1588 = arith.index_cast %add3A_1587 : i32 to index
        %swap3A_1589 = tpu.vector_load %arg10[%swap3A_1588] {strides = array<i32>} : memref<16384xf32, #tpu.memory_space<vmem>>, vector<16xf32>,
        tpu.vector_store %arg10[%swap3A_1588], %gather3A_1423 {strides = array<i32>} : memref<16384xf32, #tpu.memory_space<vmem>>, vector<16xf32>,
        %mul3A_1590 = arith.constant 4096 : i32
        %mul3A_1591 = arith.muli %select_n3A, %mul3A_1590 : i32
        %mul3A_1592 = arith.constant 1024 : i32
        %mul3A_1593 = arith.muli %rem3A_707, %mul3A_1592 : i32
        %add3A_1594 = arith.addi %mul3A_1591, %mul3A_1593 : i32
        %add3A_1595 = arith.constant 896 : i32
        %add3A_1596 = arith.addi %add3A_1594, %add3A_1595 : i32
        %add3A_1597 = arith.constant 112 : i32
        %add3A_1598 = arith.addi %add3A_1596, %add3A_1597 : i32
        %swap3A_1599 = arith.index_cast %add3A_1598 : i32 to index
        %swap3A_1600 = tpu.vector_load %arg10[%swap3A_1599] {strides = array<i32>} : memref<16384xf32, #tpu.memory_space<vmem>>, vector<16xf32>,
        tpu.vector_store %arg10[%swap3A_1599], %gather3A_1424 {strides = array<i32>} : memref<16384xf32, #tpu.memory_space<vmem>>, vector<16xf32>,
      }
      %scan3A_519 = arith.constant 16 : i32
      %mul3A_520 = arith.constant 4096 : i32
      %mul3A_521 = arith.muli %add3A, %mul3A_520 : i32
      %dma_start3A_522 = arith.constant 0 : i32
      %dma_start3A_523 = arith.constant 0 : i32
      %dma_start3A_524 = tpu.memref_slice %arg10[%dma_start3A_523] : memref<16384xf32, #tpu.memory_space<vmem>> -> memref<4096xf32, #tpu.memory_space<vmem>>
      %dma_start3A_525 = tpu.memref_slice %arg4[%add3A_456, %dma_start3A_522, %mul3A_521] : memref<20x4x131072xf32, #tpu.memory_space<hbm>> -> memref<1x1x4096xf32, #tpu.memory_space<hbm>>
      %dma_start3A_526 = tpu.memref_squeeze %dma_start3A_525 : memref<1x1x4096xf32, #tpu.memory_space<hbm>> -> memref<4096xf32, #tpu.memory_space<hbm>>
      %dma_start3A_527 = tpu.memref_slice %arg4[%add3A_456, %dma_start3A_522, %mul3A_521] : memref<20x4x131072xf32, #tpu.memory_space<hbm>> -> memref<1x1x4096xf32, #tpu.memory_space<hbm>>
      %dma_start3A_528 = tpu.memref_squeeze %dma_start3A_527 : memref<1x1x4096xf32, #tpu.memory_space<hbm>> -> memref<4096xf32, #tpu.memory_space<hbm>>
      %dma_start3A_529 = arith.constant 0 : i32
      %dma_start3A_530 = tpu.memref_slice %arg10[%dma_start3A_529] : memref<16384xf32, #tpu.memory_space<vmem>> -> memref<4096xf32, #tpu.memory_space<vmem>>
      tpu.enqueue_dma source(%dma_start3A_530 : memref<4096xf32, #tpu.memory_space<vmem>>) target(%dma_start3A_528 : memref<4096xf32, #tpu.memory_space<hbm>>) target_semaphore(%arg13 : memref<!tpu.dma_semaphore, #tpu.memory_space<semaphore_mem>>)
      %mul3A_531 = arith.constant 4096 : i32
      %mul3A_532 = arith.muli %add3A, %mul3A_531 : i32
      %dma_start3A_533 = arith.constant 1 : i32
      %dma_start3A_534 = arith.constant 4096 : i32
      %dma_start3A_535 = tpu.memref_slice %arg10[%dma_start3A_534] : memref<16384xf32, #tpu.memory_space<vmem>> -> memref<4096xf32, #tpu.memory_space<vmem>>
      %dma_start3A_536 = tpu.memref_slice %arg4[%add3A_456, %dma_start3A_533, %mul3A_532] : memref<20x4x131072xf32, #tpu.memory_space<hbm>> -> memref<1x1x4096xf32, #tpu.memory_space<hbm>>
      %dma_start3A_537 = tpu.memref_squeeze %dma_start3A_536 : memref<1x1x4096xf32, #tpu.memory_space<hbm>> -> memref<4096xf32, #tpu.memory_space<hbm>>
      %dma_start3A_538 = tpu.memref_slice %arg4[%add3A_456, %dma_start3A_533, %mul3A_532] : memref<20x4x131072xf32, #tpu.memory_space<hbm>> -> memref<1x1x4096xf32, #tpu.memory_space<hbm>>
      %dma_start3A_539 = tpu.memref_squeeze %dma_start3A_538 : memref<1x1x4096xf32, #tpu.memory_space<hbm>> -> memref<4096xf32, #tpu.memory_space<hbm>>
      %dma_start3A_540 = arith.constant 4096 : i32
      %dma_start3A_541 = tpu.memref_slice %arg10[%dma_start3A_540] : memref<16384xf32, #tpu.memory_space<vmem>> -> memref<4096xf32, #tpu.memory_space<vmem>>
      tpu.enqueue_dma source(%dma_start3A_541 : memref<4096xf32, #tpu.memory_space<vmem>>) target(%dma_start3A_539 : memref<4096xf32, #tpu.memory_space<hbm>>) target_semaphore(%arg13 : memref<!tpu.dma_semaphore, #tpu.memory_space<semaphore_mem>>)
      %mul3A_542 = arith.constant 4096 : i32
      %mul3A_543 = arith.muli %add3A, %mul3A_542 : i32
      %dma_start3A_544 = arith.constant 2 : i32
      %dma_start3A_545 = arith.constant 8192 : i32
      %dma_start3A_546 = tpu.memref_slice %arg10[%dma_start3A_545] : memref<16384xf32, #tpu.memory_space<vmem>> -> memref<4096xf32, #tpu.memory_space<vmem>>
      %dma_start3A_547 = tpu.memref_slice %arg4[%add3A_456, %dma_start3A_544, %mul3A_543] : memref<20x4x131072xf32, #tpu.memory_space<hbm>> -> memref<1x1x4096xf32, #tpu.memory_space<hbm>>
      %dma_start3A_548 = tpu.memref_squeeze %dma_start3A_547 : memref<1x1x4096xf32, #tpu.memory_space<hbm>> -> memref<4096xf32, #tpu.memory_space<hbm>>
      %dma_start3A_549 = tpu.memref_slice %arg4[%add3A_456, %dma_start3A_544, %mul3A_543] : memref<20x4x131072xf32, #tpu.memory_space<hbm>> -> memref<1x1x4096xf32, #tpu.memory_space<hbm>>
      %dma_start3A_550 = tpu.memref_squeeze %dma_start3A_549 : memref<1x1x4096xf32, #tpu.memory_space<hbm>> -> memref<4096xf32, #tpu.memory_space<hbm>>
      %dma_start3A_551 = arith.constant 8192 : i32
      %dma_start3A_552 = tpu.memref_slice %arg10[%dma_start3A_551] : memref<16384xf32, #tpu.memory_space<vmem>> -> memref<4096xf32, #tpu.memory_space<vmem>>
      tpu.enqueue_dma source(%dma_start3A_552 : memref<4096xf32, #tpu.memory_space<vmem>>) target(%dma_start3A_550 : memref<4096xf32, #tpu.memory_space<hbm>>) target_semaphore(%arg13 : memref<!tpu.dma_semaphore, #tpu.memory_space<semaphore_mem>>)
      %mul3A_553 = arith.constant 4096 : i32
      %mul3A_554 = arith.muli %add3A, %mul3A_553 : i32
      %dma_start3A_555 = arith.constant 3 : i32
      %dma_start3A_556 = arith.constant 12288 : i32
      %dma_start3A_557 = tpu.memref_slice %arg10[%dma_start3A_556] : memref<16384xf32, #tpu.memory_space<vmem>> -> memref<4096xf32, #tpu.memory_space<vmem>>
      %dma_start3A_558 = tpu.memref_slice %arg4[%add3A_456, %dma_start3A_555, %mul3A_554] : memref<20x4x131072xf32, #tpu.memory_space<hbm>> -> memref<1x1x4096xf32, #tpu.memory_space<hbm>>
      %dma_start3A_559 = tpu.memref_squeeze %dma_start3A_558 : memref<1x1x4096xf32, #tpu.memory_space<hbm>> -> memref<4096xf32, #tpu.memory_space<hbm>>
      %dma_start3A_560 = tpu.memref_slice %arg4[%add3A_456, %dma_start3A_555, %mul3A_554] : memref<20x4x131072xf32, #tpu.memory_space<hbm>> -> memref<1x1x4096xf32, #tpu.memory_space<hbm>>
      %dma_start3A_561 = tpu.memref_squeeze %dma_start3A_560 : memref<1x1x4096xf32, #tpu.memory_space<hbm>> -> memref<4096xf32, #tpu.memory_space<hbm>>
      %dma_start3A_562 = arith.constant 12288 : i32
      %dma_start3A_563 = tpu.memref_slice %arg10[%dma_start3A_562] : memref<16384xf32, #tpu.memory_space<vmem>> -> memref<4096xf32, #tpu.memory_space<vmem>>
      tpu.enqueue_dma source(%dma_start3A_563 : memref<4096xf32, #tpu.memory_space<vmem>>) target(%dma_start3A_561 : memref<4096xf32, #tpu.memory_space<hbm>>) target_semaphore(%arg13 : memref<!tpu.dma_semaphore, #tpu.memory_space<semaphore_mem>>)
      %add3A_564 = arith.constant 3 : i32
      %add3A_565 = arith.addi %add3A_456, %add3A_564 : i32
      %lt3A_566 = arith.constant 20 : i32
      %lt3A_567 = arith.cmpi slt, %add3A_565, %lt3A_566 : i32
      %convert_element_type3A_568 = arith.extui %lt3A_567 : i1 to i32
      %cond3A_569 = arith.constant 0 : i32
      %cond3A_570 = arith.cmpi ne, %convert_element_type3A_568, %cond3A_569 : i32
      scf.if %cond3A_570 {
        %add3A_689 = arith.constant 3 : i32
        %add3A_690 = arith.addi %add3A_456, %add3A_689 : i32
        %mul3A_691 = arith.constant 4 : i32
        %mul3A_692 = arith.muli %add3A_690, %mul3A_691 : i32
        %add3A_693 = arith.constant 0 : i32
        %add3A_694 = arith.addi %mul3A_692, %add3A_693 : i32
        %dma_start3A_695 = arith.constant 0 : i32
        %dma_start3A_696 = arith.constant 0 : i32
        %dma_start3A_697 = tpu.memref_slice %arg7[%dma_start3A_695, %dma_start3A_696] : memref<512x32xf32, #tpu.memory_space<vmem>> -> memref<128x32xf32, #tpu.memory_space<vmem>>
        %dma_start3A_698 = arith.constant 0 : i32
        %dma_start3A_699 = tpu.memref_slice %arg5[%add3A_694, %dma_start3A_698] : memref<80x128xi32, #tpu.memory_space<vmem>> -> memref<1x128xi32, #tpu.memory_space<vmem>>
        %dma_start3A_700 = tpu.memref_squeeze %dma_start3A_699 : memref<1x128xi32, #tpu.memory_space<vmem>> -> memref<128xi32, #tpu.memory_space<vmem>>
        %dma_start3A_701 = arith.constant 0 : i32
        %dma_start3A_702 = arith.constant 0 : i32
        %dma_start3A_703 = tpu.memref_slice %arg2[%dma_start3A_701, %dma_start3A_702] : memref<1000000x32xf32, #tpu.memory_space<hbm>> -> memref<1000000x32xf32, #tpu.memory_space<hbm>>
        tpu.enqueue_indirect_dma source(%dma_start3A_703 : memref<1000000x32xf32, #tpu.memory_space<hbm>>) target(%dma_start3A_697 : memref<128x32xf32, #tpu.memory_space<vmem>>) offsets(%dma_start3A_700 : memref<128xi32, #tpu.memory_space<vmem>>) semaphore(%arg12 : memref<!tpu.dma_semaphore, #tpu.memory_space<semaphore_mem>>)
        %mul3A_704 = arith.constant 4 : i32
        %mul3A_705 = arith.muli %add3A_690, %mul3A_704 : i32
        %add3A_706 = arith.constant 1 : i32
        %add3A_707 = arith.addi %mul3A_705, %add3A_706 : i32
        %dma_start3A_708 = arith.constant 128 : i32
        %dma_start3A_709 = arith.constant 0 : i32
        %dma_start3A_710 = tpu.memref_slice %arg7[%dma_start3A_708, %dma_start3A_709] : memref<512x32xf32, #tpu.memory_space<vmem>> -> memref<128x32xf32, #tpu.memory_space<vmem>>
        %dma_start3A_711 = arith.constant 0 : i32
        %dma_start3A_712 = tpu.memref_slice %arg5[%add3A_707, %dma_start3A_711] : memref<80x128xi32, #tpu.memory_space<vmem>> -> memref<1x128xi32, #tpu.memory_space<vmem>>
        %dma_start3A_713 = tpu.memref_squeeze %dma_start3A_712 : memref<1x128xi32, #tpu.memory_space<vmem>> -> memref<128xi32, #tpu.memory_space<vmem>>
        %dma_start3A_714 = arith.constant 0 : i32
        %dma_start3A_715 = arith.constant 0 : i32
        %dma_start3A_716 = tpu.memref_slice %arg2[%dma_start3A_714, %dma_start3A_715] : memref<1000000x32xf32, #tpu.memory_space<hbm>> -> memref<1000000x32xf32, #tpu.memory_space<hbm>>
        tpu.enqueue_indirect_dma source(%dma_start3A_716 : memref<1000000x32xf32, #tpu.memory_space<hbm>>) target(%dma_start3A_710 : memref<128x32xf32, #tpu.memory_space<vmem>>) offsets(%dma_start3A_713 : memref<128xi32, #tpu.memory_space<vmem>>) semaphore(%arg12 : memref<!tpu.dma_semaphore, #tpu.memory_space<semaphore_mem>>)
        %mul3A_717 = arith.constant 4 : i32
        %mul3A_718 = arith.muli %add3A_690, %mul3A_717 : i32
        %add3A_719 = arith.constant 2 : i32
        %add3A_720 = arith.addi %mul3A_718, %add3A_719 : i32
        %dma_start3A_721 = arith.constant 256 : i32
        %dma_start3A_722 = arith.constant 0 : i32
        %dma_start3A_723 = tpu.memref_slice %arg7[%dma_start3A_721, %dma_start3A_722] : memref<512x32xf32, #tpu.memory_space<vmem>> -> memref<128x32xf32, #tpu.memory_space<vmem>>
        %dma_start3A_724 = arith.constant 0 : i32
        %dma_start3A_725 = tpu.memref_slice %arg5[%add3A_720, %dma_start3A_724] : memref<80x128xi32, #tpu.memory_space<vmem>> -> memref<1x128xi32, #tpu.memory_space<vmem>>
        %dma_start3A_726 = tpu.memref_squeeze %dma_start3A_725 : memref<1x128xi32, #tpu.memory_space<vmem>> -> memref<128xi32, #tpu.memory_space<vmem>>
        %dma_start3A_727 = arith.constant 0 : i32
        %dma_start3A_728 = arith.constant 0 : i32
        %dma_start3A_729 = tpu.memref_slice %arg2[%dma_start3A_727, %dma_start3A_728] : memref<1000000x32xf32, #tpu.memory_space<hbm>> -> memref<1000000x32xf32, #tpu.memory_space<hbm>>
        tpu.enqueue_indirect_dma source(%dma_start3A_729 : memref<1000000x32xf32, #tpu.memory_space<hbm>>) target(%dma_start3A_723 : memref<128x32xf32, #tpu.memory_space<vmem>>) offsets(%dma_start3A_726 : memref<128xi32, #tpu.memory_space<vmem>>) semaphore(%arg12 : memref<!tpu.dma_semaphore, #tpu.memory_space<semaphore_mem>>)
        %mul3A_730 = arith.constant 4 : i32
        %mul3A_731 = arith.muli %add3A_690, %mul3A_730 : i32
        %add3A_732 = arith.constant 3 : i32
        %add3A_733 = arith.addi %mul3A_731, %add3A_732 : i32
        %dma_start3A_734 = arith.constant 384 : i32
        %dma_start3A_735 = arith.constant 0 : i32
        %dma_start3A_736 = tpu.memref_slice %arg7[%dma_start3A_734, %dma_start3A_735] : memref<512x32xf32, #tpu.memory_space<vmem>> -> memref<128x32xf32, #tpu.memory_space<vmem>>
        %dma_start3A_737 = arith.constant 0 : i32
        %dma_start3A_738 = tpu.memref_slice %arg5[%add3A_733, %dma_start3A_737] : memref<80x128xi32, #tpu.memory_space<vmem>> -> memref<1x128xi32, #tpu.memory_space<vmem>>
        %dma_start3A_739 = tpu.memref_squeeze %dma_start3A_738 : memref<1x128xi32, #tpu.memory_space<vmem>> -> memref<128xi32, #tpu.memory_space<vmem>>
        %dma_start3A_740 = arith.constant 0 : i32
        %dma_start3A_741 = arith.constant 0 : i32
        %dma_start3A_742 = tpu.memref_slice %arg2[%dma_start3A_740, %dma_start3A_741] : memref<1000000x32xf32, #tpu.memory_space<hbm>> -> memref<1000000x32xf32, #tpu.memory_space<hbm>>
        tpu.enqueue_indirect_dma source(%dma_start3A_742 : memref<1000000x32xf32, #tpu.memory_space<hbm>>) target(%dma_start3A_736 : memref<128x32xf32, #tpu.memory_space<vmem>>) offsets(%dma_start3A_739 : memref<128xi32, #tpu.memory_space<vmem>>) semaphore(%arg12 : memref<!tpu.dma_semaphore, #tpu.memory_space<semaphore_mem>>)
      } else {
      }
      %mul3A_571 = arith.constant 4 : i32
      %mul3A_572 = arith.muli %mul3A_571, %scan3A_220 : i32
      %add3A_573 = arith.constant 3 : i32
      %add3A_574 = arith.addi %mul3A_572, %add3A_573 : i32
      %mul3A_575 = arith.constant 4 : i32
      %mul3A_576 = arith.muli %add3A_574, %mul3A_575 : i32
      %add3A_577 = arith.constant 0 : i32
      %add3A_578 = arith.addi %mul3A_576, %add3A_577 : i32
      %dma_wait3A_579 = arith.constant 0 : i32
      %dma_wait3A_580 = arith.constant 0 : i32
      %dma_wait3A_581 = tpu.memref_slice %arg9[%dma_wait3A_579, %dma_wait3A_580] : memref<512x32xf32, #tpu.memory_space<vmem>> -> memref<128x32xf32, #tpu.memory_space<vmem>>
      %dma_wait3A_582 = arith.constant 0 : i32
      %dma_wait3A_583 = tpu.memref_slice %arg5[%add3A_578, %dma_wait3A_582] : memref<80x128xi32, #tpu.memory_space<vmem>> -> memref<1x128xi32, #tpu.memory_space<vmem>>
      %dma_wait3A_584 = tpu.memref_squeeze %dma_wait3A_583 : memref<1x128xi32, #tpu.memory_space<vmem>> -> memref<128xi32, #tpu.memory_space<vmem>>
      %dma_wait3A_585 = arith.constant 0 : i32
      %dma_wait3A_586 = arith.constant 0 : i32
      %dma_wait3A_587 = tpu.memref_slice %arg2[%dma_wait3A_585, %dma_wait3A_586] : memref<1000000x32xf32, #tpu.memory_space<hbm>> -> memref<1000000x32xf32, #tpu.memory_space<hbm>>
      tpu.wait_indirect_dma semaphore(%arg12 : memref<!tpu.dma_semaphore, #tpu.memory_space<semaphore_mem>>) src(%dma_wait3A_587 : memref<1000000x32xf32, #tpu.memory_space<hbm>>) dst(%dma_wait3A_581 : memref<128x32xf32, #tpu.memory_space<vmem>>)
      %mul3A_588 = arith.constant 4 : i32
      %mul3A_589 = arith.muli %add3A_574, %mul3A_588 : i32
      %add3A_590 = arith.constant 1 : i32
      %add3A_591 = arith.addi %mul3A_589, %add3A_590 : i32
      %dma_wait3A_592 = arith.constant 128 : i32
      %dma_wait3A_593 = arith.constant 0 : i32
      %dma_wait3A_594 = tpu.memref_slice %arg9[%dma_wait3A_592, %dma_wait3A_593] : memref<512x32xf32, #tpu.memory_space<vmem>> -> memref<128x32xf32, #tpu.memory_space<vmem>>
      %dma_wait3A_595 = arith.constant 0 : i32
      %dma_wait3A_596 = tpu.memref_slice %arg5[%add3A_591, %dma_wait3A_595] : memref<80x128xi32, #tpu.memory_space<vmem>> -> memref<1x128xi32, #tpu.memory_space<vmem>>
      %dma_wait3A_597 = tpu.memref_squeeze %dma_wait3A_596 : memref<1x128xi32, #tpu.memory_space<vmem>> -> memref<128xi32, #tpu.memory_space<vmem>>
      %dma_wait3A_598 = arith.constant 0 : i32
      %dma_wait3A_599 = arith.constant 0 : i32
      %dma_wait3A_600 = tpu.memref_slice %arg2[%dma_wait3A_598, %dma_wait3A_599] : memref<1000000x32xf32, #tpu.memory_space<hbm>> -> memref<1000000x32xf32, #tpu.memory_space<hbm>>
      tpu.wait_indirect_dma semaphore(%arg12 : memref<!tpu.dma_semaphore, #tpu.memory_space<semaphore_mem>>) src(%dma_wait3A_600 : memref<1000000x32xf32, #tpu.memory_space<hbm>>) dst(%dma_wait3A_594 : memref<128x32xf32, #tpu.memory_space<vmem>>)
      %mul3A_601 = arith.constant 4 : i32
      %mul3A_602 = arith.muli %add3A_574, %mul3A_601 : i32
      %add3A_603 = arith.constant 2 : i32
      %add3A_604 = arith.addi %mul3A_602, %add3A_603 : i32
      %dma_wait3A_605 = arith.constant 256 : i32
      %dma_wait3A_606 = arith.constant 0 : i32
      %dma_wait3A_607 = tpu.memref_slice %arg9[%dma_wait3A_605, %dma_wait3A_606] : memref<512x32xf32, #tpu.memory_space<vmem>> -> memref<128x32xf32, #tpu.memory_space<vmem>>
      %dma_wait3A_608 = arith.constant 0 : i32
      %dma_wait3A_609 = tpu.memref_slice %arg5[%add3A_604, %dma_wait3A_608] : memref<80x128xi32, #tpu.memory_space<vmem>> -> memref<1x128xi32, #tpu.memory_space<vmem>>
      %dma_wait3A_610 = tpu.memref_squeeze %dma_wait3A_609 : memref<1x128xi32, #tpu.memory_space<vmem>> -> memref<128xi32, #tpu.memory_space<vmem>>
      %dma_wait3A_611 = arith.constant 0 : i32
      %dma_wait3A_612 = arith.constant 0 : i32
      %dma_wait3A_613 = tpu.memref_slice %arg2[%dma_wait3A_611, %dma_wait3A_612] : memref<1000000x32xf32, #tpu.memory_space<hbm>> -> memref<1000000x32xf32, #tpu.memory_space<hbm>>
      tpu.wait_indirect_dma semaphore(%arg12 : memref<!tpu.dma_semaphore, #tpu.memory_space<semaphore_mem>>) src(%dma_wait3A_613 : memref<1000000x32xf32, #tpu.memory_space<hbm>>) dst(%dma_wait3A_607 : memref<128x32xf32, #tpu.memory_space<vmem>>)
      %mul3A_614 = arith.constant 4 : i32
      %mul3A_615 = arith.muli %add3A_574, %mul3A_614 : i32
      %add3A_616 = arith.constant 3 : i32
      %add3A_617 = arith.addi %mul3A_615, %add3A_616 : i32
      %dma_wait3A_618 = arith.constant 384 : i32
      %dma_wait3A_619 = arith.constant 0 : i32
      %dma_wait3A_620 = tpu.memref_slice %arg9[%dma_wait3A_618, %dma_wait3A_619] : memref<512x32xf32, #tpu.memory_space<vmem>> -> memref<128x32xf32, #tpu.memory_space<vmem>>
      %dma_wait3A_621 = arith.constant 0 : i32
      %dma_wait3A_622 = tpu.memref_slice %arg5[%add3A_617, %dma_wait3A_621] : memref<80x128xi32, #tpu.memory_space<vmem>> -> memref<1x128xi32, #tpu.memory_space<vmem>>
      %dma_wait3A_623 = tpu.memref_squeeze %dma_wait3A_622 : memref<1x128xi32, #tpu.memory_space<vmem>> -> memref<128xi32, #tpu.memory_space<vmem>>
      %dma_wait3A_624 = arith.constant 0 : i32
      %dma_wait3A_625 = arith.constant 0 : i32
      %dma_wait3A_626 = tpu.memref_slice %arg2[%dma_wait3A_624, %dma_wait3A_625] : memref<1000000x32xf32, #tpu.memory_space<hbm>> -> memref<1000000x32xf32, #tpu.memory_space<hbm>>
      tpu.wait_indirect_dma semaphore(%arg12 : memref<!tpu.dma_semaphore, #tpu.memory_space<semaphore_mem>>) src(%dma_wait3A_626 : memref<1000000x32xf32, #tpu.memory_space<hbm>>) dst(%dma_wait3A_620 : memref<128x32xf32, #tpu.memory_space<vmem>>)
      %ge3A_627 = arith.constant 2 : i32
      %ge3A_628 = arith.cmpi sge, %add3A_574, %ge3A_627 : i32
      %convert_element_type3A_629 = arith.extui %ge3A_628 : i1 to i32
      %cond3A_630 = arith.constant 0 : i32
      %cond3A_631 = arith.cmpi ne, %convert_element_type3A_629, %cond3A_630 : i32
      scf.if %cond3A_631 {
        %mul3A_689 = arith.constant 4096 : i32
        %mul3A_690 = arith.muli %add3A, %mul3A_689 : i32
        %dma_wait3A_691 = arith.constant 0 : i32
        %dma_wait3A_692 = arith.constant 0 : i32
        %dma_wait3A_693 = arith.constant 0 : i32
        %dma_wait3A_694 = tpu.memref_slice %arg11[%dma_wait3A_693] : memref<16384xf32, #tpu.memory_space<vmem>> -> memref<4096xf32, #tpu.memory_space<vmem>>
        %dma_wait3A_695 = tpu.memref_slice %arg4[%dma_wait3A_691, %dma_wait3A_692, %mul3A_690] : memref<20x4x131072xf32, #tpu.memory_space<hbm>> -> memref<1x1x4096xf32, #tpu.memory_space<hbm>>
        %dma_wait3A_696 = tpu.memref_squeeze %dma_wait3A_695 : memref<1x1x4096xf32, #tpu.memory_space<hbm>> -> memref<4096xf32, #tpu.memory_space<hbm>>
        %dma_wait3A_697 = tpu.memref_slice %arg4[%dma_wait3A_691, %dma_wait3A_692, %mul3A_690] : memref<20x4x131072xf32, #tpu.memory_space<hbm>> -> memref<1x1x4096xf32, #tpu.memory_space<hbm>>
        %dma_wait3A_698 = tpu.memref_squeeze %dma_wait3A_697 : memref<1x1x4096xf32, #tpu.memory_space<hbm>> -> memref<4096xf32, #tpu.memory_space<hbm>>
        %dma_wait3A_699 = arith.constant 0 : i32
        %dma_wait3A_700 = tpu.memref_slice %arg11[%dma_wait3A_699] : memref<16384xf32, #tpu.memory_space<vmem>> -> memref<4096xf32, #tpu.memory_space<vmem>>
        tpu.wait_dma2 semaphore(%arg13 : memref<!tpu.dma_semaphore, #tpu.memory_space<semaphore_mem>>) src(%dma_wait3A_700 : memref<4096xf32, #tpu.memory_space<vmem>>) dst(%dma_wait3A_698 : memref<4096xf32, #tpu.memory_space<hbm>>)
        %mul3A_701 = arith.constant 4096 : i32
        %mul3A_702 = arith.muli %add3A, %mul3A_701 : i32
        %dma_wait3A_703 = arith.constant 0 : i32
        %dma_wait3A_704 = arith.constant 1 : i32
        %dma_wait3A_705 = arith.constant 4096 : i32
        %dma_wait3A_706 = tpu.memref_slice %arg11[%dma_wait3A_705] : memref<16384xf32, #tpu.memory_space<vmem>> -> memref<4096xf32, #tpu.memory_space<vmem>>
        %dma_wait3A_707 = tpu.memref_slice %arg4[%dma_wait3A_703, %dma_wait3A_704, %mul3A_702] : memref<20x4x131072xf32, #tpu.memory_space<hbm>> -> memref<1x1x4096xf32, #tpu.memory_space<hbm>>
        %dma_wait3A_708 = tpu.memref_squeeze %dma_wait3A_707 : memref<1x1x4096xf32, #tpu.memory_space<hbm>> -> memref<4096xf32, #tpu.memory_space<hbm>>
        %dma_wait3A_709 = tpu.memref_slice %arg4[%dma_wait3A_703, %dma_wait3A_704, %mul3A_702] : memref<20x4x131072xf32, #tpu.memory_space<hbm>> -> memref<1x1x4096xf32, #tpu.memory_space<hbm>>
        %dma_wait3A_710 = tpu.memref_squeeze %dma_wait3A_709 : memref<1x1x4096xf32, #tpu.memory_space<hbm>> -> memref<4096xf32, #tpu.memory_space<hbm>>
        %dma_wait3A_711 = arith.constant 4096 : i32
        %dma_wait3A_712 = tpu.memref_slice %arg11[%dma_wait3A_711] : memref<16384xf32, #tpu.memory_space<vmem>> -> memref<4096xf32, #tpu.memory_space<vmem>>
        tpu.wait_dma2 semaphore(%arg13 : memref<!tpu.dma_semaphore, #tpu.memory_space<semaphore_mem>>) src(%dma_wait3A_712 : memref<4096xf32, #tpu.memory_space<vmem>>) dst(%dma_wait3A_710 : memref<4096xf32, #tpu.memory_space<hbm>>)
        %mul3A_713 = arith.constant 4096 : i32
        %mul3A_714 = arith.muli %add3A, %mul3A_713 : i32
        %dma_wait3A_715 = arith.constant 0 : i32
        %dma_wait3A_716 = arith.constant 2 : i32
        %dma_wait3A_717 = arith.constant 8192 : i32
        %dma_wait3A_718 = tpu.memref_slice %arg11[%dma_wait3A_717] : memref<16384xf32, #tpu.memory_space<vmem>> -> memref<4096xf32, #tpu.memory_space<vmem>>
        %dma_wait3A_719 = tpu.memref_slice %arg4[%dma_wait3A_715, %dma_wait3A_716, %mul3A_714] : memref<20x4x131072xf32, #tpu.memory_space<hbm>> -> memref<1x1x4096xf32, #tpu.memory_space<hbm>>
        %dma_wait3A_720 = tpu.memref_squeeze %dma_wait3A_719 : memref<1x1x4096xf32, #tpu.memory_space<hbm>> -> memref<4096xf32, #tpu.memory_space<hbm>>
        %dma_wait3A_721 = tpu.memref_slice %arg4[%dma_wait3A_715, %dma_wait3A_716, %mul3A_714] : memref<20x4x131072xf32, #tpu.memory_space<hbm>> -> memref<1x1x4096xf32, #tpu.memory_space<hbm>>
        %dma_wait3A_722 = tpu.memref_squeeze %dma_wait3A_721 : memref<1x1x4096xf32, #tpu.memory_space<hbm>> -> memref<4096xf32, #tpu.memory_space<hbm>>
        %dma_wait3A_723 = arith.constant 8192 : i32
        %dma_wait3A_724 = tpu.memref_slice %arg11[%dma_wait3A_723] : memref<16384xf32, #tpu.memory_space<vmem>> -> memref<4096xf32, #tpu.memory_space<vmem>>
        tpu.wait_dma2 semaphore(%arg13 : memref<!tpu.dma_semaphore, #tpu.memory_space<semaphore_mem>>) src(%dma_wait3A_724 : memref<4096xf32, #tpu.memory_space<vmem>>) dst(%dma_wait3A_722 : memref<4096xf32, #tpu.memory_space<hbm>>)
        %mul3A_725 = arith.constant 4096 : i32
        %mul3A_726 = arith.muli %add3A, %mul3A_725 : i32
        %dma_wait3A_727 = arith.constant 0 : i32
        %dma_wait3A_728 = arith.constant 3 : i32
        %dma_wait3A_729 = arith.constant 12288 : i32
        %dma_wait3A_730 = tpu.memref_slice %arg11[%dma_wait3A_729] : memref<16384xf32, #tpu.memory_space<vmem>> -> memref<4096xf32, #tpu.memory_space<vmem>>
        %dma_wait3A_731 = tpu.memref_slice %arg4[%dma_wait3A_727, %dma_wait3A_728, %mul3A_726] : memref<20x4x131072xf32, #tpu.memory_space<hbm>> -> memref<1x1x4096xf32, #tpu.memory_space<hbm>>
        %dma_wait3A_732 = tpu.memref_squeeze %dma_wait3A_731 : memref<1x1x4096xf32, #tpu.memory_space<hbm>> -> memref<4096xf32, #tpu.memory_space<hbm>>
        %dma_wait3A_733 = tpu.memref_slice %arg4[%dma_wait3A_727, %dma_wait3A_728, %mul3A_726] : memref<20x4x131072xf32, #tpu.memory_space<hbm>> -> memref<1x1x4096xf32, #tpu.memory_space<hbm>>
        %dma_wait3A_734 = tpu.memref_squeeze %dma_wait3A_733 : memref<1x1x4096xf32, #tpu.memory_space<hbm>> -> memref<4096xf32, #tpu.memory_space<hbm>>
        %dma_wait3A_735 = arith.constant 12288 : i32
        %dma_wait3A_736 = tpu.memref_slice %arg11[%dma_wait3A_735] : memref<16384xf32, #tpu.memory_space<vmem>> -> memref<4096xf32, #tpu.memory_space<vmem>>
        tpu.wait_dma2 semaphore(%arg13 : memref<!tpu.dma_semaphore, #tpu.memory_space<semaphore_mem>>) src(%dma_wait3A_736 : memref<4096xf32, #tpu.memory_space<vmem>>) dst(%dma_wait3A_734 : memref<4096xf32, #tpu.memory_space<hbm>>)
      } else {
      }
      %scan3A_632 = arith.constant 0 : i32
      %scan3A_633 = arith.constant 0 : i32
      %scan3A_634 = arith.constant 16 : i32
      %scan3A_635 = arith.addi %scan3A_633, %scan3A_634 : i32
      %scan3A_636 = arith.constant 1 : i32
      scf.for %scan3A_689 = %scan3A_633 to %scan3A_635 step %scan3A_636  : i32 {
        %jit3A = arith.constant 4 : i32
        %div3A = arith.divsi %scan3A_689, %jit3A : i32
        %sign3A = arith.constant 0 : i32
        %sign3A_690 = arith.cmpi sgt, %scan3A_689, %sign3A : i32
        %sign3A_691 = arith.extui %sign3A_690 : i1 to i32
        %sign3A_692 = arith.constant 0 : i32
        %sign3A_693 = arith.cmpi slt, %scan3A_689, %sign3A_692 : i32
        %sign3A_694 = arith.extui %sign3A_693 : i1 to i32
        %sign3A_695 = arith.subi %sign3A_691, %sign3A_694 : i32
        %sign3A_696 = arith.constant 0 : i32
        %sign3A_697 = arith.cmpi sgt, %jit3A, %sign3A_696 : i32
        %sign3A_698 = arith.extui %sign3A_697 : i1 to i32
        %sign3A_699 = arith.constant 0 : i32
        %sign3A_700 = arith.cmpi slt, %jit3A, %sign3A_699 : i32
        %sign3A_701 = arith.extui %sign3A_700 : i1 to i32
        %sign3A_702 = arith.subi %sign3A_698, %sign3A_701 : i32
        %ne3A = arith.cmpi ne, %sign3A_695, %sign3A_702 : i32
        %rem3A = arith.remsi %scan3A_689, %jit3A : i32
        %ne3A_703 = arith.constant 0 : i32
        %ne3A_704 = arith.cmpi ne, %rem3A, %ne3A_703 : i32
        %and3A = arith.andi %ne3A, %ne3A_704 : i1
        %sub3A = arith.constant 1 : i32
        %sub3A_705 = arith.subi %div3A, %sub3A : i32
        %select_n3A = arith.select %and3A, %sub3A_705, %div3A : i32
        %rem3A_706 = arith.constant 4 : i32
        %rem3A_707 = arith.remsi %scan3A_689, %rem3A_706 : i32
        %mul3A_708 = arith.constant 128 : i32
        %mul3A_709 = arith.muli %rem3A_707, %mul3A_708 : i32
        %add3A_710 = arith.constant 0 : i32
        %add3A_711 = arith.addi %mul3A_709, %add3A_710 : i32
        %add3A_712 = vector.broadcast %add3A_711 : i32 to vector<16xi32>
        %add3A_713 = arith.addi %iota3A, %add3A_712 : vector<16xi32>
        %mul3A_714 = arith.constant 128 : i32
        %mul3A_715 = arith.muli %rem3A_707, %mul3A_714 : i32
        %add3A_716 = arith.constant 16 : i32
        %add3A_717 = arith.addi %mul3A_715, %add3A_716 : i32
        %add3A_718 = vector.broadcast %add3A_717 : i32 to vector<16xi32>
        %add3A_719 = arith.addi %iota3A, %add3A_718 : vector<16xi32>
        %mul3A_720 = arith.constant 128 : i32
        %mul3A_721 = arith.muli %rem3A_707, %mul3A_720 : i32
        %add3A_722 = arith.constant 32 : i32
        %add3A_723 = arith.addi %mul3A_721, %add3A_722 : i32
        %add3A_724 = vector.broadcast %add3A_723 : i32 to vector<16xi32>
        %add3A_725 = arith.addi %iota3A, %add3A_724 : vector<16xi32>
        %mul3A_726 = arith.constant 128 : i32
        %mul3A_727 = arith.muli %rem3A_707, %mul3A_726 : i32
        %add3A_728 = arith.constant 48 : i32
        %add3A_729 = arith.addi %mul3A_727, %add3A_728 : i32
        %add3A_730 = vector.broadcast %add3A_729 : i32 to vector<16xi32>
        %add3A_731 = arith.addi %iota3A, %add3A_730 : vector<16xi32>
        %mul3A_732 = arith.constant 128 : i32
        %mul3A_733 = arith.muli %rem3A_707, %mul3A_732 : i32
        %add3A_734 = arith.constant 64 : i32
        %add3A_735 = arith.addi %mul3A_733, %add3A_734 : i32
        %add3A_736 = vector.broadcast %add3A_735 : i32 to vector<16xi32>
        %add3A_737 = arith.addi %iota3A, %add3A_736 : vector<16xi32>
        %mul3A_738 = arith.constant 128 : i32
        %mul3A_739 = arith.muli %rem3A_707, %mul3A_738 : i32
        %add3A_740 = arith.constant 80 : i32
        %add3A_741 = arith.addi %mul3A_739, %add3A_740 : i32
        %add3A_742 = vector.broadcast %add3A_741 : i32 to vector<16xi32>
        %add3A_743 = arith.addi %iota3A, %add3A_742 : vector<16xi32>
        %mul3A_744 = arith.constant 128 : i32
        %mul3A_745 = arith.muli %rem3A_707, %mul3A_744 : i32
        %add3A_746 = arith.constant 96 : i32
        %add3A_747 = arith.addi %mul3A_745, %add3A_746 : i32
        %add3A_748 = vector.broadcast %add3A_747 : i32 to vector<16xi32>
        %add3A_749 = arith.addi %iota3A, %add3A_748 : vector<16xi32>
        %mul3A_750 = arith.constant 128 : i32
        %mul3A_751 = arith.muli %rem3A_707, %mul3A_750 : i32
        %add3A_752 = arith.constant 112 : i32
        %add3A_753 = arith.addi %mul3A_751, %add3A_752 : i32
        %add3A_754 = vector.broadcast %add3A_753 : i32 to vector<16xi32>
        %add3A_755 = arith.addi %iota3A, %add3A_754 : vector<16xi32>
        %broadcast_in_dim3A = arith.constant 0 : i32
        %broadcast_in_dim3A_756 = vector.broadcast %broadcast_in_dim3A : i32 to vector<16xi32>
        %mul3A_757 = arith.constant 8 : i32
        %mul3A_758 = arith.muli %select_n3A, %mul3A_757 : i32
        %add3A_759 = arith.constant 0 : i32
        %add3A_760 = arith.addi %mul3A_758, %add3A_759 : i32
        %add3A_761 = arith.constant 0 : i32
        %add3A_762 = arith.addi %add3A_760, %add3A_761 : i32
        %add3A_763 = vector.broadcast %add3A_762 : i32 to vector<16xi32>
        %add3A_764 = arith.addi %broadcast_in_dim3A_756, %add3A_763 : vector<16xi32>
        %broadcast_in_dim3A_765 = arith.constant 0 : i32
        %broadcast_in_dim3A_766 = vector.broadcast %broadcast_in_dim3A_765 : i32 to vector<16xi32>
        %mul3A_767 = arith.constant 8 : i32
        %mul3A_768 = arith.muli %select_n3A, %mul3A_767 : i32
        %add3A_769 = arith.constant 0 : i32
        %add3A_770 = arith.addi %mul3A_768, %add3A_769 : i32
        %add3A_771 = arith.constant 1 : i32
        %add3A_772 = arith.addi %add3A_770, %add3A_771 : i32
        %add3A_773 = vector.broadcast %add3A_772 : i32 to vector<16xi32>
        %add3A_774 = arith.addi %broadcast_in_dim3A_766, %add3A_773 : vector<16xi32>
        %gather3A = tpu.vector_load_idx %arg9[%add3A_713, %add3A_764] : memref<512x32xf32, #tpu.memory_space<vmem>>[vector<16xi32>, vector<16xi32>], vector<16xf32>,
        %gather3A_775 = tpu.vector_load_idx %arg9[%add3A_719, %add3A_764] : memref<512x32xf32, #tpu.memory_space<vmem>>[vector<16xi32>, vector<16xi32>], vector<16xf32>,
        %gather3A_776 = tpu.vector_load_idx %arg9[%add3A_725, %add3A_764] : memref<512x32xf32, #tpu.memory_space<vmem>>[vector<16xi32>, vector<16xi32>], vector<16xf32>,
        %gather3A_777 = tpu.vector_load_idx %arg9[%add3A_731, %add3A_764] : memref<512x32xf32, #tpu.memory_space<vmem>>[vector<16xi32>, vector<16xi32>], vector<16xf32>,
        %gather3A_778 = tpu.vector_load_idx %arg9[%add3A_737, %add3A_764] : memref<512x32xf32, #tpu.memory_space<vmem>>[vector<16xi32>, vector<16xi32>], vector<16xf32>,
        %gather3A_779 = tpu.vector_load_idx %arg9[%add3A_743, %add3A_764] : memref<512x32xf32, #tpu.memory_space<vmem>>[vector<16xi32>, vector<16xi32>], vector<16xf32>,
        %gather3A_780 = tpu.vector_load_idx %arg9[%add3A_749, %add3A_764] : memref<512x32xf32, #tpu.memory_space<vmem>>[vector<16xi32>, vector<16xi32>], vector<16xf32>,
        %gather3A_781 = tpu.vector_load_idx %arg9[%add3A_755, %add3A_764] : memref<512x32xf32, #tpu.memory_space<vmem>>[vector<16xi32>, vector<16xi32>], vector<16xf32>,
        %gather3A_782 = tpu.vector_load_idx %arg9[%add3A_713, %add3A_774] : memref<512x32xf32, #tpu.memory_space<vmem>>[vector<16xi32>, vector<16xi32>], vector<16xf32>,
        %gather3A_783 = tpu.vector_load_idx %arg9[%add3A_719, %add3A_774] : memref<512x32xf32, #tpu.memory_space<vmem>>[vector<16xi32>, vector<16xi32>], vector<16xf32>,
        %gather3A_784 = tpu.vector_load_idx %arg9[%add3A_725, %add3A_774] : memref<512x32xf32, #tpu.memory_space<vmem>>[vector<16xi32>, vector<16xi32>], vector<16xf32>,
        %gather3A_785 = tpu.vector_load_idx %arg9[%add3A_731, %add3A_774] : memref<512x32xf32, #tpu.memory_space<vmem>>[vector<16xi32>, vector<16xi32>], vector<16xf32>,
        %gather3A_786 = tpu.vector_load_idx %arg9[%add3A_737, %add3A_774] : memref<512x32xf32, #tpu.memory_space<vmem>>[vector<16xi32>, vector<16xi32>], vector<16xf32>,
        %gather3A_787 = tpu.vector_load_idx %arg9[%add3A_743, %add3A_774] : memref<512x32xf32, #tpu.memory_space<vmem>>[vector<16xi32>, vector<16xi32>], vector<16xf32>,
        %gather3A_788 = tpu.vector_load_idx %arg9[%add3A_749, %add3A_774] : memref<512x32xf32, #tpu.memory_space<vmem>>[vector<16xi32>, vector<16xi32>], vector<16xf32>,
        %gather3A_789 = tpu.vector_load_idx %arg9[%add3A_755, %add3A_774] : memref<512x32xf32, #tpu.memory_space<vmem>>[vector<16xi32>, vector<16xi32>], vector<16xf32>,
        %mul3A_790 = arith.constant 4096 : i32
        %mul3A_791 = arith.muli %select_n3A, %mul3A_790 : i32
        %mul3A_792 = arith.constant 1024 : i32
        %mul3A_793 = arith.muli %rem3A_707, %mul3A_792 : i32
        %add3A_794 = arith.addi %mul3A_791, %mul3A_793 : i32
        %add3A_795 = arith.constant 0 : i32
        %add3A_796 = arith.addi %add3A_794, %add3A_795 : i32
        %add3A_797 = arith.constant 0 : i32
        %add3A_798 = arith.addi %add3A_796, %add3A_797 : i32
        %swap3A = arith.index_cast %add3A_798 : i32 to index
        %swap3A_799 = tpu.vector_load %arg11[%swap3A] {strides = array<i32>} : memref<16384xf32, #tpu.memory_space<vmem>>, vector<16xf32>,
        tpu.vector_store %arg11[%swap3A], %gather3A {strides = array<i32>} : memref<16384xf32, #tpu.memory_space<vmem>>, vector<16xf32>,
        %mul3A_800 = arith.constant 4096 : i32
        %mul3A_801 = arith.muli %select_n3A, %mul3A_800 : i32
        %mul3A_802 = arith.constant 1024 : i32
        %mul3A_803 = arith.muli %rem3A_707, %mul3A_802 : i32
        %add3A_804 = arith.addi %mul3A_801, %mul3A_803 : i32
        %add3A_805 = arith.constant 0 : i32
        %add3A_806 = arith.addi %add3A_804, %add3A_805 : i32
        %add3A_807 = arith.constant 16 : i32
        %add3A_808 = arith.addi %add3A_806, %add3A_807 : i32
        %swap3A_809 = arith.index_cast %add3A_808 : i32 to index
        %swap3A_810 = tpu.vector_load %arg11[%swap3A_809] {strides = array<i32>} : memref<16384xf32, #tpu.memory_space<vmem>>, vector<16xf32>,
        tpu.vector_store %arg11[%swap3A_809], %gather3A_775 {strides = array<i32>} : memref<16384xf32, #tpu.memory_space<vmem>>, vector<16xf32>,
        %mul3A_811 = arith.constant 4096 : i32
        %mul3A_812 = arith.muli %select_n3A, %mul3A_811 : i32
        %mul3A_813 = arith.constant 1024 : i32
        %mul3A_814 = arith.muli %rem3A_707, %mul3A_813 : i32
        %add3A_815 = arith.addi %mul3A_812, %mul3A_814 : i32
        %add3A_816 = arith.constant 0 : i32
        %add3A_817 = arith.addi %add3A_815, %add3A_816 : i32
        %add3A_818 = arith.constant 32 : i32
        %add3A_819 = arith.addi %add3A_817, %add3A_818 : i32
        %swap3A_820 = arith.index_cast %add3A_819 : i32 to index
        %swap3A_821 = tpu.vector_load %arg11[%swap3A_820] {strides = array<i32>} : memref<16384xf32, #tpu.memory_space<vmem>>, vector<16xf32>,
        tpu.vector_store %arg11[%swap3A_820], %gather3A_776 {strides = array<i32>} : memref<16384xf32, #tpu.memory_space<vmem>>, vector<16xf32>,
        %mul3A_822 = arith.constant 4096 : i32
        %mul3A_823 = arith.muli %select_n3A, %mul3A_822 : i32
        %mul3A_824 = arith.constant 1024 : i32
        %mul3A_825 = arith.muli %rem3A_707, %mul3A_824 : i32
        %add3A_826 = arith.addi %mul3A_823, %mul3A_825 : i32
        %add3A_827 = arith.constant 0 : i32
        %add3A_828 = arith.addi %add3A_826, %add3A_827 : i32
        %add3A_829 = arith.constant 48 : i32
        %add3A_830 = arith.addi %add3A_828, %add3A_829 : i32
        %swap3A_831 = arith.index_cast %add3A_830 : i32 to index
        %swap3A_832 = tpu.vector_load %arg11[%swap3A_831] {strides = array<i32>} : memref<16384xf32, #tpu.memory_space<vmem>>, vector<16xf32>,
        tpu.vector_store %arg11[%swap3A_831], %gather3A_777 {strides = array<i32>} : memref<16384xf32, #tpu.memory_space<vmem>>, vector<16xf32>,
        %mul3A_833 = arith.constant 4096 : i32
        %mul3A_834 = arith.muli %select_n3A, %mul3A_833 : i32
        %mul3A_835 = arith.constant 1024 : i32
        %mul3A_836 = arith.muli %rem3A_707, %mul3A_835 : i32
        %add3A_837 = arith.addi %mul3A_834, %mul3A_836 : i32
        %add3A_838 = arith.constant 0 : i32
        %add3A_839 = arith.addi %add3A_837, %add3A_838 : i32
        %add3A_840 = arith.constant 64 : i32
        %add3A_841 = arith.addi %add3A_839, %add3A_840 : i32
        %swap3A_842 = arith.index_cast %add3A_841 : i32 to index
        %swap3A_843 = tpu.vector_load %arg11[%swap3A_842] {strides = array<i32>} : memref<16384xf32, #tpu.memory_space<vmem>>, vector<16xf32>,
        tpu.vector_store %arg11[%swap3A_842], %gather3A_778 {strides = array<i32>} : memref<16384xf32, #tpu.memory_space<vmem>>, vector<16xf32>,
        %mul3A_844 = arith.constant 4096 : i32
        %mul3A_845 = arith.muli %select_n3A, %mul3A_844 : i32
        %mul3A_846 = arith.constant 1024 : i32
        %mul3A_847 = arith.muli %rem3A_707, %mul3A_846 : i32
        %add3A_848 = arith.addi %mul3A_845, %mul3A_847 : i32
        %add3A_849 = arith.constant 0 : i32
        %add3A_850 = arith.addi %add3A_848, %add3A_849 : i32
        %add3A_851 = arith.constant 80 : i32
        %add3A_852 = arith.addi %add3A_850, %add3A_851 : i32
        %swap3A_853 = arith.index_cast %add3A_852 : i32 to index
        %swap3A_854 = tpu.vector_load %arg11[%swap3A_853] {strides = array<i32>} : memref<16384xf32, #tpu.memory_space<vmem>>, vector<16xf32>,
        tpu.vector_store %arg11[%swap3A_853], %gather3A_779 {strides = array<i32>} : memref<16384xf32, #tpu.memory_space<vmem>>, vector<16xf32>,
        %mul3A_855 = arith.constant 4096 : i32
        %mul3A_856 = arith.muli %select_n3A, %mul3A_855 : i32
        %mul3A_857 = arith.constant 1024 : i32
        %mul3A_858 = arith.muli %rem3A_707, %mul3A_857 : i32
        %add3A_859 = arith.addi %mul3A_856, %mul3A_858 : i32
        %add3A_860 = arith.constant 0 : i32
        %add3A_861 = arith.addi %add3A_859, %add3A_860 : i32
        %add3A_862 = arith.constant 96 : i32
        %add3A_863 = arith.addi %add3A_861, %add3A_862 : i32
        %swap3A_864 = arith.index_cast %add3A_863 : i32 to index
        %swap3A_865 = tpu.vector_load %arg11[%swap3A_864] {strides = array<i32>} : memref<16384xf32, #tpu.memory_space<vmem>>, vector<16xf32>,
        tpu.vector_store %arg11[%swap3A_864], %gather3A_780 {strides = array<i32>} : memref<16384xf32, #tpu.memory_space<vmem>>, vector<16xf32>,
        %mul3A_866 = arith.constant 4096 : i32
        %mul3A_867 = arith.muli %select_n3A, %mul3A_866 : i32
        %mul3A_868 = arith.constant 1024 : i32
        %mul3A_869 = arith.muli %rem3A_707, %mul3A_868 : i32
        %add3A_870 = arith.addi %mul3A_867, %mul3A_869 : i32
        %add3A_871 = arith.constant 0 : i32
        %add3A_872 = arith.addi %add3A_870, %add3A_871 : i32
        %add3A_873 = arith.constant 112 : i32
        %add3A_874 = arith.addi %add3A_872, %add3A_873 : i32
        %swap3A_875 = arith.index_cast %add3A_874 : i32 to index
        %swap3A_876 = tpu.vector_load %arg11[%swap3A_875] {strides = array<i32>} : memref<16384xf32, #tpu.memory_space<vmem>>, vector<16xf32>,
        tpu.vector_store %arg11[%swap3A_875], %gather3A_781 {strides = array<i32>} : memref<16384xf32, #tpu.memory_space<vmem>>, vector<16xf32>,
        %mul3A_877 = arith.constant 4096 : i32
        %mul3A_878 = arith.muli %select_n3A, %mul3A_877 : i32
        %mul3A_879 = arith.constant 1024 : i32
        %mul3A_880 = arith.muli %rem3A_707, %mul3A_879 : i32
        %add3A_881 = arith.addi %mul3A_878, %mul3A_880 : i32
        %add3A_882 = arith.constant 128 : i32
        %add3A_883 = arith.addi %add3A_881, %add3A_882 : i32
        %add3A_884 = arith.constant 0 : i32
        %add3A_885 = arith.addi %add3A_883, %add3A_884 : i32
        %swap3A_886 = arith.index_cast %add3A_885 : i32 to index
        %swap3A_887 = tpu.vector_load %arg11[%swap3A_886] {strides = array<i32>} : memref<16384xf32, #tpu.memory_space<vmem>>, vector<16xf32>,
        tpu.vector_store %arg11[%swap3A_886], %gather3A_782 {strides = array<i32>} : memref<16384xf32, #tpu.memory_space<vmem>>, vector<16xf32>,
        %mul3A_888 = arith.constant 4096 : i32
        %mul3A_889 = arith.muli %select_n3A, %mul3A_888 : i32
        %mul3A_890 = arith.constant 1024 : i32
        %mul3A_891 = arith.muli %rem3A_707, %mul3A_890 : i32
        %add3A_892 = arith.addi %mul3A_889, %mul3A_891 : i32
        %add3A_893 = arith.constant 128 : i32
        %add3A_894 = arith.addi %add3A_892, %add3A_893 : i32
        %add3A_895 = arith.constant 16 : i32
        %add3A_896 = arith.addi %add3A_894, %add3A_895 : i32
        %swap3A_897 = arith.index_cast %add3A_896 : i32 to index
        %swap3A_898 = tpu.vector_load %arg11[%swap3A_897] {strides = array<i32>} : memref<16384xf32, #tpu.memory_space<vmem>>, vector<16xf32>,
        tpu.vector_store %arg11[%swap3A_897], %gather3A_783 {strides = array<i32>} : memref<16384xf32, #tpu.memory_space<vmem>>, vector<16xf32>,
        %mul3A_899 = arith.constant 4096 : i32
        %mul3A_900 = arith.muli %select_n3A, %mul3A_899 : i32
        %mul3A_901 = arith.constant 1024 : i32
        %mul3A_902 = arith.muli %rem3A_707, %mul3A_901 : i32
        %add3A_903 = arith.addi %mul3A_900, %mul3A_902 : i32
        %add3A_904 = arith.constant 128 : i32
        %add3A_905 = arith.addi %add3A_903, %add3A_904 : i32
        %add3A_906 = arith.constant 32 : i32
        %add3A_907 = arith.addi %add3A_905, %add3A_906 : i32
        %swap3A_908 = arith.index_cast %add3A_907 : i32 to index
        %swap3A_909 = tpu.vector_load %arg11[%swap3A_908] {strides = array<i32>} : memref<16384xf32, #tpu.memory_space<vmem>>, vector<16xf32>,
        tpu.vector_store %arg11[%swap3A_908], %gather3A_784 {strides = array<i32>} : memref<16384xf32, #tpu.memory_space<vmem>>, vector<16xf32>,
        %mul3A_910 = arith.constant 4096 : i32
        %mul3A_911 = arith.muli %select_n3A, %mul3A_910 : i32
        %mul3A_912 = arith.constant 1024 : i32
        %mul3A_913 = arith.muli %rem3A_707, %mul3A_912 : i32
        %add3A_914 = arith.addi %mul3A_911, %mul3A_913 : i32
        %add3A_915 = arith.constant 128 : i32
        %add3A_916 = arith.addi %add3A_914, %add3A_915 : i32
        %add3A_917 = arith.constant 48 : i32
        %add3A_918 = arith.addi %add3A_916, %add3A_917 : i32
        %swap3A_919 = arith.index_cast %add3A_918 : i32 to index
        %swap3A_920 = tpu.vector_load %arg11[%swap3A_919] {strides = array<i32>} : memref<16384xf32, #tpu.memory_space<vmem>>, vector<16xf32>,
        tpu.vector_store %arg11[%swap3A_919], %gather3A_785 {strides = array<i32>} : memref<16384xf32, #tpu.memory_space<vmem>>, vector<16xf32>,
        %mul3A_921 = arith.constant 4096 : i32
        %mul3A_922 = arith.muli %select_n3A, %mul3A_921 : i32
        %mul3A_923 = arith.constant 1024 : i32
        %mul3A_924 = arith.muli %rem3A_707, %mul3A_923 : i32
        %add3A_925 = arith.addi %mul3A_922, %mul3A_924 : i32
        %add3A_926 = arith.constant 128 : i32
        %add3A_927 = arith.addi %add3A_925, %add3A_926 : i32
        %add3A_928 = arith.constant 64 : i32
        %add3A_929 = arith.addi %add3A_927, %add3A_928 : i32
        %swap3A_930 = arith.index_cast %add3A_929 : i32 to index
        %swap3A_931 = tpu.vector_load %arg11[%swap3A_930] {strides = array<i32>} : memref<16384xf32, #tpu.memory_space<vmem>>, vector<16xf32>,
        tpu.vector_store %arg11[%swap3A_930], %gather3A_786 {strides = array<i32>} : memref<16384xf32, #tpu.memory_space<vmem>>, vector<16xf32>,
        %mul3A_932 = arith.constant 4096 : i32
        %mul3A_933 = arith.muli %select_n3A, %mul3A_932 : i32
        %mul3A_934 = arith.constant 1024 : i32
        %mul3A_935 = arith.muli %rem3A_707, %mul3A_934 : i32
        %add3A_936 = arith.addi %mul3A_933, %mul3A_935 : i32
        %add3A_937 = arith.constant 128 : i32
        %add3A_938 = arith.addi %add3A_936, %add3A_937 : i32
        %add3A_939 = arith.constant 80 : i32
        %add3A_940 = arith.addi %add3A_938, %add3A_939 : i32
        %swap3A_941 = arith.index_cast %add3A_940 : i32 to index
        %swap3A_942 = tpu.vector_load %arg11[%swap3A_941] {strides = array<i32>} : memref<16384xf32, #tpu.memory_space<vmem>>, vector<16xf32>,
        tpu.vector_store %arg11[%swap3A_941], %gather3A_787 {strides = array<i32>} : memref<16384xf32, #tpu.memory_space<vmem>>, vector<16xf32>,
        %mul3A_943 = arith.constant 4096 : i32
        %mul3A_944 = arith.muli %select_n3A, %mul3A_943 : i32
        %mul3A_945 = arith.constant 1024 : i32
        %mul3A_946 = arith.muli %rem3A_707, %mul3A_945 : i32
        %add3A_947 = arith.addi %mul3A_944, %mul3A_946 : i32
        %add3A_948 = arith.constant 128 : i32
        %add3A_949 = arith.addi %add3A_947, %add3A_948 : i32
        %add3A_950 = arith.constant 96 : i32
        %add3A_951 = arith.addi %add3A_949, %add3A_950 : i32
        %swap3A_952 = arith.index_cast %add3A_951 : i32 to index
        %swap3A_953 = tpu.vector_load %arg11[%swap3A_952] {strides = array<i32>} : memref<16384xf32, #tpu.memory_space<vmem>>, vector<16xf32>,
        tpu.vector_store %arg11[%swap3A_952], %gather3A_788 {strides = array<i32>} : memref<16384xf32, #tpu.memory_space<vmem>>, vector<16xf32>,
        %mul3A_954 = arith.constant 4096 : i32
        %mul3A_955 = arith.muli %select_n3A, %mul3A_954 : i32
        %mul3A_956 = arith.constant 1024 : i32
        %mul3A_957 = arith.muli %rem3A_707, %mul3A_956 : i32
        %add3A_958 = arith.addi %mul3A_955, %mul3A_957 : i32
        %add3A_959 = arith.constant 128 : i32
        %add3A_960 = arith.addi %add3A_958, %add3A_959 : i32
        %add3A_961 = arith.constant 112 : i32
        %add3A_962 = arith.addi %add3A_960, %add3A_961 : i32
        %swap3A_963 = arith.index_cast %add3A_962 : i32 to index
        %swap3A_964 = tpu.vector_load %arg11[%swap3A_963] {strides = array<i32>} : memref<16384xf32, #tpu.memory_space<vmem>>, vector<16xf32>,
        tpu.vector_store %arg11[%swap3A_963], %gather3A_789 {strides = array<i32>} : memref<16384xf32, #tpu.memory_space<vmem>>, vector<16xf32>,
        %broadcast_in_dim3A_965 = arith.constant 0 : i32
        %broadcast_in_dim3A_966 = vector.broadcast %broadcast_in_dim3A_965 : i32 to vector<16xi32>
        %mul3A_967 = arith.constant 8 : i32
        %mul3A_968 = arith.muli %select_n3A, %mul3A_967 : i32
        %add3A_969 = arith.constant 2 : i32
        %add3A_970 = arith.addi %mul3A_968, %add3A_969 : i32
        %add3A_971 = arith.constant 0 : i32
        %add3A_972 = arith.addi %add3A_970, %add3A_971 : i32
        %add3A_973 = vector.broadcast %add3A_972 : i32 to vector<16xi32>
        %add3A_974 = arith.addi %broadcast_in_dim3A_966, %add3A_973 : vector<16xi32>
        %broadcast_in_dim3A_975 = arith.constant 0 : i32
        %broadcast_in_dim3A_976 = vector.broadcast %broadcast_in_dim3A_975 : i32 to vector<16xi32>
        %mul3A_977 = arith.constant 8 : i32
        %mul3A_978 = arith.muli %select_n3A, %mul3A_977 : i32
        %add3A_979 = arith.constant 2 : i32
        %add3A_980 = arith.addi %mul3A_978, %add3A_979 : i32
        %add3A_981 = arith.constant 1 : i32
        %add3A_982 = arith.addi %add3A_980, %add3A_981 : i32
        %add3A_983 = vector.broadcast %add3A_982 : i32 to vector<16xi32>
        %add3A_984 = arith.addi %broadcast_in_dim3A_976, %add3A_983 : vector<16xi32>
        %gather3A_985 = tpu.vector_load_idx %arg9[%add3A_713, %add3A_974] : memref<512x32xf32, #tpu.memory_space<vmem>>[vector<16xi32>, vector<16xi32>], vector<16xf32>,
        %gather3A_986 = tpu.vector_load_idx %arg9[%add3A_719, %add3A_974] : memref<512x32xf32, #tpu.memory_space<vmem>>[vector<16xi32>, vector<16xi32>], vector<16xf32>,
        %gather3A_987 = tpu.vector_load_idx %arg9[%add3A_725, %add3A_974] : memref<512x32xf32, #tpu.memory_space<vmem>>[vector<16xi32>, vector<16xi32>], vector<16xf32>,
        %gather3A_988 = tpu.vector_load_idx %arg9[%add3A_731, %add3A_974] : memref<512x32xf32, #tpu.memory_space<vmem>>[vector<16xi32>, vector<16xi32>], vector<16xf32>,
        %gather3A_989 = tpu.vector_load_idx %arg9[%add3A_737, %add3A_974] : memref<512x32xf32, #tpu.memory_space<vmem>>[vector<16xi32>, vector<16xi32>], vector<16xf32>,
        %gather3A_990 = tpu.vector_load_idx %arg9[%add3A_743, %add3A_974] : memref<512x32xf32, #tpu.memory_space<vmem>>[vector<16xi32>, vector<16xi32>], vector<16xf32>,
        %gather3A_991 = tpu.vector_load_idx %arg9[%add3A_749, %add3A_974] : memref<512x32xf32, #tpu.memory_space<vmem>>[vector<16xi32>, vector<16xi32>], vector<16xf32>,
        %gather3A_992 = tpu.vector_load_idx %arg9[%add3A_755, %add3A_974] : memref<512x32xf32, #tpu.memory_space<vmem>>[vector<16xi32>, vector<16xi32>], vector<16xf32>,
        %gather3A_993 = tpu.vector_load_idx %arg9[%add3A_713, %add3A_984] : memref<512x32xf32, #tpu.memory_space<vmem>>[vector<16xi32>, vector<16xi32>], vector<16xf32>,
        %gather3A_994 = tpu.vector_load_idx %arg9[%add3A_719, %add3A_984] : memref<512x32xf32, #tpu.memory_space<vmem>>[vector<16xi32>, vector<16xi32>], vector<16xf32>,
        %gather3A_995 = tpu.vector_load_idx %arg9[%add3A_725, %add3A_984] : memref<512x32xf32, #tpu.memory_space<vmem>>[vector<16xi32>, vector<16xi32>], vector<16xf32>,
        %gather3A_996 = tpu.vector_load_idx %arg9[%add3A_731, %add3A_984] : memref<512x32xf32, #tpu.memory_space<vmem>>[vector<16xi32>, vector<16xi32>], vector<16xf32>,
        %gather3A_997 = tpu.vector_load_idx %arg9[%add3A_737, %add3A_984] : memref<512x32xf32, #tpu.memory_space<vmem>>[vector<16xi32>, vector<16xi32>], vector<16xf32>,
        %gather3A_998 = tpu.vector_load_idx %arg9[%add3A_743, %add3A_984] : memref<512x32xf32, #tpu.memory_space<vmem>>[vector<16xi32>, vector<16xi32>], vector<16xf32>,
        %gather3A_999 = tpu.vector_load_idx %arg9[%add3A_749, %add3A_984] : memref<512x32xf32, #tpu.memory_space<vmem>>[vector<16xi32>, vector<16xi32>], vector<16xf32>,
        %gather3A_1000 = tpu.vector_load_idx %arg9[%add3A_755, %add3A_984] : memref<512x32xf32, #tpu.memory_space<vmem>>[vector<16xi32>, vector<16xi32>], vector<16xf32>,
        %mul3A_1001 = arith.constant 4096 : i32
        %mul3A_1002 = arith.muli %select_n3A, %mul3A_1001 : i32
        %mul3A_1003 = arith.constant 1024 : i32
        %mul3A_1004 = arith.muli %rem3A_707, %mul3A_1003 : i32
        %add3A_1005 = arith.addi %mul3A_1002, %mul3A_1004 : i32
        %add3A_1006 = arith.constant 256 : i32
        %add3A_1007 = arith.addi %add3A_1005, %add3A_1006 : i32
        %add3A_1008 = arith.constant 0 : i32
        %add3A_1009 = arith.addi %add3A_1007, %add3A_1008 : i32
        %swap3A_1010 = arith.index_cast %add3A_1009 : i32 to index
        %swap3A_1011 = tpu.vector_load %arg11[%swap3A_1010] {strides = array<i32>} : memref<16384xf32, #tpu.memory_space<vmem>>, vector<16xf32>,
        tpu.vector_store %arg11[%swap3A_1010], %gather3A_985 {strides = array<i32>} : memref<16384xf32, #tpu.memory_space<vmem>>, vector<16xf32>,
        %mul3A_1012 = arith.constant 4096 : i32
        %mul3A_1013 = arith.muli %select_n3A, %mul3A_1012 : i32
        %mul3A_1014 = arith.constant 1024 : i32
        %mul3A_1015 = arith.muli %rem3A_707, %mul3A_1014 : i32
        %add3A_1016 = arith.addi %mul3A_1013, %mul3A_1015 : i32
        %add3A_1017 = arith.constant 256 : i32
        %add3A_1018 = arith.addi %add3A_1016, %add3A_1017 : i32
        %add3A_1019 = arith.constant 16 : i32
        %add3A_1020 = arith.addi %add3A_1018, %add3A_1019 : i32
        %swap3A_1021 = arith.index_cast %add3A_1020 : i32 to index
        %swap3A_1022 = tpu.vector_load %arg11[%swap3A_1021] {strides = array<i32>} : memref<16384xf32, #tpu.memory_space<vmem>>, vector<16xf32>,
        tpu.vector_store %arg11[%swap3A_1021], %gather3A_986 {strides = array<i32>} : memref<16384xf32, #tpu.memory_space<vmem>>, vector<16xf32>,
        %mul3A_1023 = arith.constant 4096 : i32
        %mul3A_1024 = arith.muli %select_n3A, %mul3A_1023 : i32
        %mul3A_1025 = arith.constant 1024 : i32
        %mul3A_1026 = arith.muli %rem3A_707, %mul3A_1025 : i32
        %add3A_1027 = arith.addi %mul3A_1024, %mul3A_1026 : i32
        %add3A_1028 = arith.constant 256 : i32
        %add3A_1029 = arith.addi %add3A_1027, %add3A_1028 : i32
        %add3A_1030 = arith.constant 32 : i32
        %add3A_1031 = arith.addi %add3A_1029, %add3A_1030 : i32
        %swap3A_1032 = arith.index_cast %add3A_1031 : i32 to index
        %swap3A_1033 = tpu.vector_load %arg11[%swap3A_1032] {strides = array<i32>} : memref<16384xf32, #tpu.memory_space<vmem>>, vector<16xf32>,
        tpu.vector_store %arg11[%swap3A_1032], %gather3A_987 {strides = array<i32>} : memref<16384xf32, #tpu.memory_space<vmem>>, vector<16xf32>,
        %mul3A_1034 = arith.constant 4096 : i32
        %mul3A_1035 = arith.muli %select_n3A, %mul3A_1034 : i32
        %mul3A_1036 = arith.constant 1024 : i32
        %mul3A_1037 = arith.muli %rem3A_707, %mul3A_1036 : i32
        %add3A_1038 = arith.addi %mul3A_1035, %mul3A_1037 : i32
        %add3A_1039 = arith.constant 256 : i32
        %add3A_1040 = arith.addi %add3A_1038, %add3A_1039 : i32
        %add3A_1041 = arith.constant 48 : i32
        %add3A_1042 = arith.addi %add3A_1040, %add3A_1041 : i32
        %swap3A_1043 = arith.index_cast %add3A_1042 : i32 to index
        %swap3A_1044 = tpu.vector_load %arg11[%swap3A_1043] {strides = array<i32>} : memref<16384xf32, #tpu.memory_space<vmem>>, vector<16xf32>,
        tpu.vector_store %arg11[%swap3A_1043], %gather3A_988 {strides = array<i32>} : memref<16384xf32, #tpu.memory_space<vmem>>, vector<16xf32>,
        %mul3A_1045 = arith.constant 4096 : i32
        %mul3A_1046 = arith.muli %select_n3A, %mul3A_1045 : i32
        %mul3A_1047 = arith.constant 1024 : i32
        %mul3A_1048 = arith.muli %rem3A_707, %mul3A_1047 : i32
        %add3A_1049 = arith.addi %mul3A_1046, %mul3A_1048 : i32
        %add3A_1050 = arith.constant 256 : i32
        %add3A_1051 = arith.addi %add3A_1049, %add3A_1050 : i32
        %add3A_1052 = arith.constant 64 : i32
        %add3A_1053 = arith.addi %add3A_1051, %add3A_1052 : i32
        %swap3A_1054 = arith.index_cast %add3A_1053 : i32 to index
        %swap3A_1055 = tpu.vector_load %arg11[%swap3A_1054] {strides = array<i32>} : memref<16384xf32, #tpu.memory_space<vmem>>, vector<16xf32>,
        tpu.vector_store %arg11[%swap3A_1054], %gather3A_989 {strides = array<i32>} : memref<16384xf32, #tpu.memory_space<vmem>>, vector<16xf32>,
        %mul3A_1056 = arith.constant 4096 : i32
        %mul3A_1057 = arith.muli %select_n3A, %mul3A_1056 : i32
        %mul3A_1058 = arith.constant 1024 : i32
        %mul3A_1059 = arith.muli %rem3A_707, %mul3A_1058 : i32
        %add3A_1060 = arith.addi %mul3A_1057, %mul3A_1059 : i32
        %add3A_1061 = arith.constant 256 : i32
        %add3A_1062 = arith.addi %add3A_1060, %add3A_1061 : i32
        %add3A_1063 = arith.constant 80 : i32
        %add3A_1064 = arith.addi %add3A_1062, %add3A_1063 : i32
        %swap3A_1065 = arith.index_cast %add3A_1064 : i32 to index
        %swap3A_1066 = tpu.vector_load %arg11[%swap3A_1065] {strides = array<i32>} : memref<16384xf32, #tpu.memory_space<vmem>>, vector<16xf32>,
        tpu.vector_store %arg11[%swap3A_1065], %gather3A_990 {strides = array<i32>} : memref<16384xf32, #tpu.memory_space<vmem>>, vector<16xf32>,
        %mul3A_1067 = arith.constant 4096 : i32
        %mul3A_1068 = arith.muli %select_n3A, %mul3A_1067 : i32
        %mul3A_1069 = arith.constant 1024 : i32
        %mul3A_1070 = arith.muli %rem3A_707, %mul3A_1069 : i32
        %add3A_1071 = arith.addi %mul3A_1068, %mul3A_1070 : i32
        %add3A_1072 = arith.constant 256 : i32
        %add3A_1073 = arith.addi %add3A_1071, %add3A_1072 : i32
        %add3A_1074 = arith.constant 96 : i32
        %add3A_1075 = arith.addi %add3A_1073, %add3A_1074 : i32
        %swap3A_1076 = arith.index_cast %add3A_1075 : i32 to index
        %swap3A_1077 = tpu.vector_load %arg11[%swap3A_1076] {strides = array<i32>} : memref<16384xf32, #tpu.memory_space<vmem>>, vector<16xf32>,
        tpu.vector_store %arg11[%swap3A_1076], %gather3A_991 {strides = array<i32>} : memref<16384xf32, #tpu.memory_space<vmem>>, vector<16xf32>,
        %mul3A_1078 = arith.constant 4096 : i32
        %mul3A_1079 = arith.muli %select_n3A, %mul3A_1078 : i32
        %mul3A_1080 = arith.constant 1024 : i32
        %mul3A_1081 = arith.muli %rem3A_707, %mul3A_1080 : i32
        %add3A_1082 = arith.addi %mul3A_1079, %mul3A_1081 : i32
        %add3A_1083 = arith.constant 256 : i32
        %add3A_1084 = arith.addi %add3A_1082, %add3A_1083 : i32
        %add3A_1085 = arith.constant 112 : i32
        %add3A_1086 = arith.addi %add3A_1084, %add3A_1085 : i32
        %swap3A_1087 = arith.index_cast %add3A_1086 : i32 to index
        %swap3A_1088 = tpu.vector_load %arg11[%swap3A_1087] {strides = array<i32>} : memref<16384xf32, #tpu.memory_space<vmem>>, vector<16xf32>,
        tpu.vector_store %arg11[%swap3A_1087], %gather3A_992 {strides = array<i32>} : memref<16384xf32, #tpu.memory_space<vmem>>, vector<16xf32>,
        %mul3A_1089 = arith.constant 4096 : i32
        %mul3A_1090 = arith.muli %select_n3A, %mul3A_1089 : i32
        %mul3A_1091 = arith.constant 1024 : i32
        %mul3A_1092 = arith.muli %rem3A_707, %mul3A_1091 : i32
        %add3A_1093 = arith.addi %mul3A_1090, %mul3A_1092 : i32
        %add3A_1094 = arith.constant 384 : i32
        %add3A_1095 = arith.addi %add3A_1093, %add3A_1094 : i32
        %add3A_1096 = arith.constant 0 : i32
        %add3A_1097 = arith.addi %add3A_1095, %add3A_1096 : i32
        %swap3A_1098 = arith.index_cast %add3A_1097 : i32 to index
        %swap3A_1099 = tpu.vector_load %arg11[%swap3A_1098] {strides = array<i32>} : memref<16384xf32, #tpu.memory_space<vmem>>, vector<16xf32>,
        tpu.vector_store %arg11[%swap3A_1098], %gather3A_993 {strides = array<i32>} : memref<16384xf32, #tpu.memory_space<vmem>>, vector<16xf32>,
        %mul3A_1100 = arith.constant 4096 : i32
        %mul3A_1101 = arith.muli %select_n3A, %mul3A_1100 : i32
        %mul3A_1102 = arith.constant 1024 : i32
        %mul3A_1103 = arith.muli %rem3A_707, %mul3A_1102 : i32
        %add3A_1104 = arith.addi %mul3A_1101, %mul3A_1103 : i32
        %add3A_1105 = arith.constant 384 : i32
        %add3A_1106 = arith.addi %add3A_1104, %add3A_1105 : i32
        %add3A_1107 = arith.constant 16 : i32
        %add3A_1108 = arith.addi %add3A_1106, %add3A_1107 : i32
        %swap3A_1109 = arith.index_cast %add3A_1108 : i32 to index
        %swap3A_1110 = tpu.vector_load %arg11[%swap3A_1109] {strides = array<i32>} : memref<16384xf32, #tpu.memory_space<vmem>>, vector<16xf32>,
        tpu.vector_store %arg11[%swap3A_1109], %gather3A_994 {strides = array<i32>} : memref<16384xf32, #tpu.memory_space<vmem>>, vector<16xf32>,
        %mul3A_1111 = arith.constant 4096 : i32
        %mul3A_1112 = arith.muli %select_n3A, %mul3A_1111 : i32
        %mul3A_1113 = arith.constant 1024 : i32
        %mul3A_1114 = arith.muli %rem3A_707, %mul3A_1113 : i32
        %add3A_1115 = arith.addi %mul3A_1112, %mul3A_1114 : i32
        %add3A_1116 = arith.constant 384 : i32
        %add3A_1117 = arith.addi %add3A_1115, %add3A_1116 : i32
        %add3A_1118 = arith.constant 32 : i32
        %add3A_1119 = arith.addi %add3A_1117, %add3A_1118 : i32
        %swap3A_1120 = arith.index_cast %add3A_1119 : i32 to index
        %swap3A_1121 = tpu.vector_load %arg11[%swap3A_1120] {strides = array<i32>} : memref<16384xf32, #tpu.memory_space<vmem>>, vector<16xf32>,
        tpu.vector_store %arg11[%swap3A_1120], %gather3A_995 {strides = array<i32>} : memref<16384xf32, #tpu.memory_space<vmem>>, vector<16xf32>,
        %mul3A_1122 = arith.constant 4096 : i32
        %mul3A_1123 = arith.muli %select_n3A, %mul3A_1122 : i32
        %mul3A_1124 = arith.constant 1024 : i32
        %mul3A_1125 = arith.muli %rem3A_707, %mul3A_1124 : i32
        %add3A_1126 = arith.addi %mul3A_1123, %mul3A_1125 : i32
        %add3A_1127 = arith.constant 384 : i32
        %add3A_1128 = arith.addi %add3A_1126, %add3A_1127 : i32
        %add3A_1129 = arith.constant 48 : i32
        %add3A_1130 = arith.addi %add3A_1128, %add3A_1129 : i32
        %swap3A_1131 = arith.index_cast %add3A_1130 : i32 to index
        %swap3A_1132 = tpu.vector_load %arg11[%swap3A_1131] {strides = array<i32>} : memref<16384xf32, #tpu.memory_space<vmem>>, vector<16xf32>,
        tpu.vector_store %arg11[%swap3A_1131], %gather3A_996 {strides = array<i32>} : memref<16384xf32, #tpu.memory_space<vmem>>, vector<16xf32>,
        %mul3A_1133 = arith.constant 4096 : i32
        %mul3A_1134 = arith.muli %select_n3A, %mul3A_1133 : i32
        %mul3A_1135 = arith.constant 1024 : i32
        %mul3A_1136 = arith.muli %rem3A_707, %mul3A_1135 : i32
        %add3A_1137 = arith.addi %mul3A_1134, %mul3A_1136 : i32
        %add3A_1138 = arith.constant 384 : i32
        %add3A_1139 = arith.addi %add3A_1137, %add3A_1138 : i32
        %add3A_1140 = arith.constant 64 : i32
        %add3A_1141 = arith.addi %add3A_1139, %add3A_1140 : i32
        %swap3A_1142 = arith.index_cast %add3A_1141 : i32 to index
        %swap3A_1143 = tpu.vector_load %arg11[%swap3A_1142] {strides = array<i32>} : memref<16384xf32, #tpu.memory_space<vmem>>, vector<16xf32>,
        tpu.vector_store %arg11[%swap3A_1142], %gather3A_997 {strides = array<i32>} : memref<16384xf32, #tpu.memory_space<vmem>>, vector<16xf32>,
        %mul3A_1144 = arith.constant 4096 : i32
        %mul3A_1145 = arith.muli %select_n3A, %mul3A_1144 : i32
        %mul3A_1146 = arith.constant 1024 : i32
        %mul3A_1147 = arith.muli %rem3A_707, %mul3A_1146 : i32
        %add3A_1148 = arith.addi %mul3A_1145, %mul3A_1147 : i32
        %add3A_1149 = arith.constant 384 : i32
        %add3A_1150 = arith.addi %add3A_1148, %add3A_1149 : i32
        %add3A_1151 = arith.constant 80 : i32
        %add3A_1152 = arith.addi %add3A_1150, %add3A_1151 : i32
        %swap3A_1153 = arith.index_cast %add3A_1152 : i32 to index
        %swap3A_1154 = tpu.vector_load %arg11[%swap3A_1153] {strides = array<i32>} : memref<16384xf32, #tpu.memory_space<vmem>>, vector<16xf32>,
        tpu.vector_store %arg11[%swap3A_1153], %gather3A_998 {strides = array<i32>} : memref<16384xf32, #tpu.memory_space<vmem>>, vector<16xf32>,
        %mul3A_1155 = arith.constant 4096 : i32
        %mul3A_1156 = arith.muli %select_n3A, %mul3A_1155 : i32
        %mul3A_1157 = arith.constant 1024 : i32
        %mul3A_1158 = arith.muli %rem3A_707, %mul3A_1157 : i32
        %add3A_1159 = arith.addi %mul3A_1156, %mul3A_1158 : i32
        %add3A_1160 = arith.constant 384 : i32
        %add3A_1161 = arith.addi %add3A_1159, %add3A_1160 : i32
        %add3A_1162 = arith.constant 96 : i32
        %add3A_1163 = arith.addi %add3A_1161, %add3A_1162 : i32
        %swap3A_1164 = arith.index_cast %add3A_1163 : i32 to index
        %swap3A_1165 = tpu.vector_load %arg11[%swap3A_1164] {strides = array<i32>} : memref<16384xf32, #tpu.memory_space<vmem>>, vector<16xf32>,
        tpu.vector_store %arg11[%swap3A_1164], %gather3A_999 {strides = array<i32>} : memref<16384xf32, #tpu.memory_space<vmem>>, vector<16xf32>,
        %mul3A_1166 = arith.constant 4096 : i32
        %mul3A_1167 = arith.muli %select_n3A, %mul3A_1166 : i32
        %mul3A_1168 = arith.constant 1024 : i32
        %mul3A_1169 = arith.muli %rem3A_707, %mul3A_1168 : i32
        %add3A_1170 = arith.addi %mul3A_1167, %mul3A_1169 : i32
        %add3A_1171 = arith.constant 384 : i32
        %add3A_1172 = arith.addi %add3A_1170, %add3A_1171 : i32
        %add3A_1173 = arith.constant 112 : i32
        %add3A_1174 = arith.addi %add3A_1172, %add3A_1173 : i32
        %swap3A_1175 = arith.index_cast %add3A_1174 : i32 to index
        %swap3A_1176 = tpu.vector_load %arg11[%swap3A_1175] {strides = array<i32>} : memref<16384xf32, #tpu.memory_space<vmem>>, vector<16xf32>,
        tpu.vector_store %arg11[%swap3A_1175], %gather3A_1000 {strides = array<i32>} : memref<16384xf32, #tpu.memory_space<vmem>>, vector<16xf32>,
        %broadcast_in_dim3A_1177 = arith.constant 0 : i32
        %broadcast_in_dim3A_1178 = vector.broadcast %broadcast_in_dim3A_1177 : i32 to vector<16xi32>
        %mul3A_1179 = arith.constant 8 : i32
        %mul3A_1180 = arith.muli %select_n3A, %mul3A_1179 : i32
        %add3A_1181 = arith.constant 4 : i32
        %add3A_1182 = arith.addi %mul3A_1180, %add3A_1181 : i32
        %add3A_1183 = arith.constant 0 : i32
        %add3A_1184 = arith.addi %add3A_1182, %add3A_1183 : i32
        %add3A_1185 = vector.broadcast %add3A_1184 : i32 to vector<16xi32>
        %add3A_1186 = arith.addi %broadcast_in_dim3A_1178, %add3A_1185 : vector<16xi32>
        %broadcast_in_dim3A_1187 = arith.constant 0 : i32
        %broadcast_in_dim3A_1188 = vector.broadcast %broadcast_in_dim3A_1187 : i32 to vector<16xi32>
        %mul3A_1189 = arith.constant 8 : i32
        %mul3A_1190 = arith.muli %select_n3A, %mul3A_1189 : i32
        %add3A_1191 = arith.constant 4 : i32
        %add3A_1192 = arith.addi %mul3A_1190, %add3A_1191 : i32
        %add3A_1193 = arith.constant 1 : i32
        %add3A_1194 = arith.addi %add3A_1192, %add3A_1193 : i32
        %add3A_1195 = vector.broadcast %add3A_1194 : i32 to vector<16xi32>
        %add3A_1196 = arith.addi %broadcast_in_dim3A_1188, %add3A_1195 : vector<16xi32>
        %gather3A_1197 = tpu.vector_load_idx %arg9[%add3A_713, %add3A_1186] : memref<512x32xf32, #tpu.memory_space<vmem>>[vector<16xi32>, vector<16xi32>], vector<16xf32>,
        %gather3A_1198 = tpu.vector_load_idx %arg9[%add3A_719, %add3A_1186] : memref<512x32xf32, #tpu.memory_space<vmem>>[vector<16xi32>, vector<16xi32>], vector<16xf32>,
        %gather3A_1199 = tpu.vector_load_idx %arg9[%add3A_725, %add3A_1186] : memref<512x32xf32, #tpu.memory_space<vmem>>[vector<16xi32>, vector<16xi32>], vector<16xf32>,
        %gather3A_1200 = tpu.vector_load_idx %arg9[%add3A_731, %add3A_1186] : memref<512x32xf32, #tpu.memory_space<vmem>>[vector<16xi32>, vector<16xi32>], vector<16xf32>,
        %gather3A_1201 = tpu.vector_load_idx %arg9[%add3A_737, %add3A_1186] : memref<512x32xf32, #tpu.memory_space<vmem>>[vector<16xi32>, vector<16xi32>], vector<16xf32>,
        %gather3A_1202 = tpu.vector_load_idx %arg9[%add3A_743, %add3A_1186] : memref<512x32xf32, #tpu.memory_space<vmem>>[vector<16xi32>, vector<16xi32>], vector<16xf32>,
        %gather3A_1203 = tpu.vector_load_idx %arg9[%add3A_749, %add3A_1186] : memref<512x32xf32, #tpu.memory_space<vmem>>[vector<16xi32>, vector<16xi32>], vector<16xf32>,
        %gather3A_1204 = tpu.vector_load_idx %arg9[%add3A_755, %add3A_1186] : memref<512x32xf32, #tpu.memory_space<vmem>>[vector<16xi32>, vector<16xi32>], vector<16xf32>,
        %gather3A_1205 = tpu.vector_load_idx %arg9[%add3A_713, %add3A_1196] : memref<512x32xf32, #tpu.memory_space<vmem>>[vector<16xi32>, vector<16xi32>], vector<16xf32>,
        %gather3A_1206 = tpu.vector_load_idx %arg9[%add3A_719, %add3A_1196] : memref<512x32xf32, #tpu.memory_space<vmem>>[vector<16xi32>, vector<16xi32>], vector<16xf32>,
        %gather3A_1207 = tpu.vector_load_idx %arg9[%add3A_725, %add3A_1196] : memref<512x32xf32, #tpu.memory_space<vmem>>[vector<16xi32>, vector<16xi32>], vector<16xf32>,
        %gather3A_1208 = tpu.vector_load_idx %arg9[%add3A_731, %add3A_1196] : memref<512x32xf32, #tpu.memory_space<vmem>>[vector<16xi32>, vector<16xi32>], vector<16xf32>,
        %gather3A_1209 = tpu.vector_load_idx %arg9[%add3A_737, %add3A_1196] : memref<512x32xf32, #tpu.memory_space<vmem>>[vector<16xi32>, vector<16xi32>], vector<16xf32>,
        %gather3A_1210 = tpu.vector_load_idx %arg9[%add3A_743, %add3A_1196] : memref<512x32xf32, #tpu.memory_space<vmem>>[vector<16xi32>, vector<16xi32>], vector<16xf32>,
        %gather3A_1211 = tpu.vector_load_idx %arg9[%add3A_749, %add3A_1196] : memref<512x32xf32, #tpu.memory_space<vmem>>[vector<16xi32>, vector<16xi32>], vector<16xf32>,
        %gather3A_1212 = tpu.vector_load_idx %arg9[%add3A_755, %add3A_1196] : memref<512x32xf32, #tpu.memory_space<vmem>>[vector<16xi32>, vector<16xi32>], vector<16xf32>,
        %mul3A_1213 = arith.constant 4096 : i32
        %mul3A_1214 = arith.muli %select_n3A, %mul3A_1213 : i32
        %mul3A_1215 = arith.constant 1024 : i32
        %mul3A_1216 = arith.muli %rem3A_707, %mul3A_1215 : i32
        %add3A_1217 = arith.addi %mul3A_1214, %mul3A_1216 : i32
        %add3A_1218 = arith.constant 512 : i32
        %add3A_1219 = arith.addi %add3A_1217, %add3A_1218 : i32
        %add3A_1220 = arith.constant 0 : i32
        %add3A_1221 = arith.addi %add3A_1219, %add3A_1220 : i32
        %swap3A_1222 = arith.index_cast %add3A_1221 : i32 to index
        %swap3A_1223 = tpu.vector_load %arg11[%swap3A_1222] {strides = array<i32>} : memref<16384xf32, #tpu.memory_space<vmem>>, vector<16xf32>,
        tpu.vector_store %arg11[%swap3A_1222], %gather3A_1197 {strides = array<i32>} : memref<16384xf32, #tpu.memory_space<vmem>>, vector<16xf32>,
        %mul3A_1224 = arith.constant 4096 : i32
        %mul3A_1225 = arith.muli %select_n3A, %mul3A_1224 : i32
        %mul3A_1226 = arith.constant 1024 : i32
        %mul3A_1227 = arith.muli %rem3A_707, %mul3A_1226 : i32
        %add3A_1228 = arith.addi %mul3A_1225, %mul3A_1227 : i32
        %add3A_1229 = arith.constant 512 : i32
        %add3A_1230 = arith.addi %add3A_1228, %add3A_1229 : i32
        %add3A_1231 = arith.constant 16 : i32
        %add3A_1232 = arith.addi %add3A_1230, %add3A_1231 : i32
        %swap3A_1233 = arith.index_cast %add3A_1232 : i32 to index
        %swap3A_1234 = tpu.vector_load %arg11[%swap3A_1233] {strides = array<i32>} : memref<16384xf32, #tpu.memory_space<vmem>>, vector<16xf32>,
        tpu.vector_store %arg11[%swap3A_1233], %gather3A_1198 {strides = array<i32>} : memref<16384xf32, #tpu.memory_space<vmem>>, vector<16xf32>,
        %mul3A_1235 = arith.constant 4096 : i32
        %mul3A_1236 = arith.muli %select_n3A, %mul3A_1235 : i32
        %mul3A_1237 = arith.constant 1024 : i32
        %mul3A_1238 = arith.muli %rem3A_707, %mul3A_1237 : i32
        %add3A_1239 = arith.addi %mul3A_1236, %mul3A_1238 : i32
        %add3A_1240 = arith.constant 512 : i32
        %add3A_1241 = arith.addi %add3A_1239, %add3A_1240 : i32
        %add3A_1242 = arith.constant 32 : i32
        %add3A_1243 = arith.addi %add3A_1241, %add3A_1242 : i32
        %swap3A_1244 = arith.index_cast %add3A_1243 : i32 to index
        %swap3A_1245 = tpu.vector_load %arg11[%swap3A_1244] {strides = array<i32>} : memref<16384xf32, #tpu.memory_space<vmem>>, vector<16xf32>,
        tpu.vector_store %arg11[%swap3A_1244], %gather3A_1199 {strides = array<i32>} : memref<16384xf32, #tpu.memory_space<vmem>>, vector<16xf32>,
        %mul3A_1246 = arith.constant 4096 : i32
        %mul3A_1247 = arith.muli %select_n3A, %mul3A_1246 : i32
        %mul3A_1248 = arith.constant 1024 : i32
        %mul3A_1249 = arith.muli %rem3A_707, %mul3A_1248 : i32
        %add3A_1250 = arith.addi %mul3A_1247, %mul3A_1249 : i32
        %add3A_1251 = arith.constant 512 : i32
        %add3A_1252 = arith.addi %add3A_1250, %add3A_1251 : i32
        %add3A_1253 = arith.constant 48 : i32
        %add3A_1254 = arith.addi %add3A_1252, %add3A_1253 : i32
        %swap3A_1255 = arith.index_cast %add3A_1254 : i32 to index
        %swap3A_1256 = tpu.vector_load %arg11[%swap3A_1255] {strides = array<i32>} : memref<16384xf32, #tpu.memory_space<vmem>>, vector<16xf32>,
        tpu.vector_store %arg11[%swap3A_1255], %gather3A_1200 {strides = array<i32>} : memref<16384xf32, #tpu.memory_space<vmem>>, vector<16xf32>,
        %mul3A_1257 = arith.constant 4096 : i32
        %mul3A_1258 = arith.muli %select_n3A, %mul3A_1257 : i32
        %mul3A_1259 = arith.constant 1024 : i32
        %mul3A_1260 = arith.muli %rem3A_707, %mul3A_1259 : i32
        %add3A_1261 = arith.addi %mul3A_1258, %mul3A_1260 : i32
        %add3A_1262 = arith.constant 512 : i32
        %add3A_1263 = arith.addi %add3A_1261, %add3A_1262 : i32
        %add3A_1264 = arith.constant 64 : i32
        %add3A_1265 = arith.addi %add3A_1263, %add3A_1264 : i32
        %swap3A_1266 = arith.index_cast %add3A_1265 : i32 to index
        %swap3A_1267 = tpu.vector_load %arg11[%swap3A_1266] {strides = array<i32>} : memref<16384xf32, #tpu.memory_space<vmem>>, vector<16xf32>,
        tpu.vector_store %arg11[%swap3A_1266], %gather3A_1201 {strides = array<i32>} : memref<16384xf32, #tpu.memory_space<vmem>>, vector<16xf32>,
        %mul3A_1268 = arith.constant 4096 : i32
        %mul3A_1269 = arith.muli %select_n3A, %mul3A_1268 : i32
        %mul3A_1270 = arith.constant 1024 : i32
        %mul3A_1271 = arith.muli %rem3A_707, %mul3A_1270 : i32
        %add3A_1272 = arith.addi %mul3A_1269, %mul3A_1271 : i32
        %add3A_1273 = arith.constant 512 : i32
        %add3A_1274 = arith.addi %add3A_1272, %add3A_1273 : i32
        %add3A_1275 = arith.constant 80 : i32
        %add3A_1276 = arith.addi %add3A_1274, %add3A_1275 : i32
        %swap3A_1277 = arith.index_cast %add3A_1276 : i32 to index
        %swap3A_1278 = tpu.vector_load %arg11[%swap3A_1277] {strides = array<i32>} : memref<16384xf32, #tpu.memory_space<vmem>>, vector<16xf32>,
        tpu.vector_store %arg11[%swap3A_1277], %gather3A_1202 {strides = array<i32>} : memref<16384xf32, #tpu.memory_space<vmem>>, vector<16xf32>,
        %mul3A_1279 = arith.constant 4096 : i32
        %mul3A_1280 = arith.muli %select_n3A, %mul3A_1279 : i32
        %mul3A_1281 = arith.constant 1024 : i32
        %mul3A_1282 = arith.muli %rem3A_707, %mul3A_1281 : i32
        %add3A_1283 = arith.addi %mul3A_1280, %mul3A_1282 : i32
        %add3A_1284 = arith.constant 512 : i32
        %add3A_1285 = arith.addi %add3A_1283, %add3A_1284 : i32
        %add3A_1286 = arith.constant 96 : i32
        %add3A_1287 = arith.addi %add3A_1285, %add3A_1286 : i32
        %swap3A_1288 = arith.index_cast %add3A_1287 : i32 to index
        %swap3A_1289 = tpu.vector_load %arg11[%swap3A_1288] {strides = array<i32>} : memref<16384xf32, #tpu.memory_space<vmem>>, vector<16xf32>,
        tpu.vector_store %arg11[%swap3A_1288], %gather3A_1203 {strides = array<i32>} : memref<16384xf32, #tpu.memory_space<vmem>>, vector<16xf32>,
        %mul3A_1290 = arith.constant 4096 : i32
        %mul3A_1291 = arith.muli %select_n3A, %mul3A_1290 : i32
        %mul3A_1292 = arith.constant 1024 : i32
        %mul3A_1293 = arith.muli %rem3A_707, %mul3A_1292 : i32
        %add3A_1294 = arith.addi %mul3A_1291, %mul3A_1293 : i32
        %add3A_1295 = arith.constant 512 : i32
        %add3A_1296 = arith.addi %add3A_1294, %add3A_1295 : i32
        %add3A_1297 = arith.constant 112 : i32
        %add3A_1298 = arith.addi %add3A_1296, %add3A_1297 : i32
        %swap3A_1299 = arith.index_cast %add3A_1298 : i32 to index
        %swap3A_1300 = tpu.vector_load %arg11[%swap3A_1299] {strides = array<i32>} : memref<16384xf32, #tpu.memory_space<vmem>>, vector<16xf32>,
        tpu.vector_store %arg11[%swap3A_1299], %gather3A_1204 {strides = array<i32>} : memref<16384xf32, #tpu.memory_space<vmem>>, vector<16xf32>,
        %mul3A_1301 = arith.constant 4096 : i32
        %mul3A_1302 = arith.muli %select_n3A, %mul3A_1301 : i32
        %mul3A_1303 = arith.constant 1024 : i32
        %mul3A_1304 = arith.muli %rem3A_707, %mul3A_1303 : i32
        %add3A_1305 = arith.addi %mul3A_1302, %mul3A_1304 : i32
        %add3A_1306 = arith.constant 640 : i32
        %add3A_1307 = arith.addi %add3A_1305, %add3A_1306 : i32
        %add3A_1308 = arith.constant 0 : i32
        %add3A_1309 = arith.addi %add3A_1307, %add3A_1308 : i32
        %swap3A_1310 = arith.index_cast %add3A_1309 : i32 to index
        %swap3A_1311 = tpu.vector_load %arg11[%swap3A_1310] {strides = array<i32>} : memref<16384xf32, #tpu.memory_space<vmem>>, vector<16xf32>,
        tpu.vector_store %arg11[%swap3A_1310], %gather3A_1205 {strides = array<i32>} : memref<16384xf32, #tpu.memory_space<vmem>>, vector<16xf32>,
        %mul3A_1312 = arith.constant 4096 : i32
        %mul3A_1313 = arith.muli %select_n3A, %mul3A_1312 : i32
        %mul3A_1314 = arith.constant 1024 : i32
        %mul3A_1315 = arith.muli %rem3A_707, %mul3A_1314 : i32
        %add3A_1316 = arith.addi %mul3A_1313, %mul3A_1315 : i32
        %add3A_1317 = arith.constant 640 : i32
        %add3A_1318 = arith.addi %add3A_1316, %add3A_1317 : i32
        %add3A_1319 = arith.constant 16 : i32
        %add3A_1320 = arith.addi %add3A_1318, %add3A_1319 : i32
        %swap3A_1321 = arith.index_cast %add3A_1320 : i32 to index
        %swap3A_1322 = tpu.vector_load %arg11[%swap3A_1321] {strides = array<i32>} : memref<16384xf32, #tpu.memory_space<vmem>>, vector<16xf32>,
        tpu.vector_store %arg11[%swap3A_1321], %gather3A_1206 {strides = array<i32>} : memref<16384xf32, #tpu.memory_space<vmem>>, vector<16xf32>,
        %mul3A_1323 = arith.constant 4096 : i32
        %mul3A_1324 = arith.muli %select_n3A, %mul3A_1323 : i32
        %mul3A_1325 = arith.constant 1024 : i32
        %mul3A_1326 = arith.muli %rem3A_707, %mul3A_1325 : i32
        %add3A_1327 = arith.addi %mul3A_1324, %mul3A_1326 : i32
        %add3A_1328 = arith.constant 640 : i32
        %add3A_1329 = arith.addi %add3A_1327, %add3A_1328 : i32
        %add3A_1330 = arith.constant 32 : i32
        %add3A_1331 = arith.addi %add3A_1329, %add3A_1330 : i32
        %swap3A_1332 = arith.index_cast %add3A_1331 : i32 to index
        %swap3A_1333 = tpu.vector_load %arg11[%swap3A_1332] {strides = array<i32>} : memref<16384xf32, #tpu.memory_space<vmem>>, vector<16xf32>,
        tpu.vector_store %arg11[%swap3A_1332], %gather3A_1207 {strides = array<i32>} : memref<16384xf32, #tpu.memory_space<vmem>>, vector<16xf32>,
        %mul3A_1334 = arith.constant 4096 : i32
        %mul3A_1335 = arith.muli %select_n3A, %mul3A_1334 : i32
        %mul3A_1336 = arith.constant 1024 : i32
        %mul3A_1337 = arith.muli %rem3A_707, %mul3A_1336 : i32
        %add3A_1338 = arith.addi %mul3A_1335, %mul3A_1337 : i32
        %add3A_1339 = arith.constant 640 : i32
        %add3A_1340 = arith.addi %add3A_1338, %add3A_1339 : i32
        %add3A_1341 = arith.constant 48 : i32
        %add3A_1342 = arith.addi %add3A_1340, %add3A_1341 : i32
        %swap3A_1343 = arith.index_cast %add3A_1342 : i32 to index
        %swap3A_1344 = tpu.vector_load %arg11[%swap3A_1343] {strides = array<i32>} : memref<16384xf32, #tpu.memory_space<vmem>>, vector<16xf32>,
        tpu.vector_store %arg11[%swap3A_1343], %gather3A_1208 {strides = array<i32>} : memref<16384xf32, #tpu.memory_space<vmem>>, vector<16xf32>,
        %mul3A_1345 = arith.constant 4096 : i32
        %mul3A_1346 = arith.muli %select_n3A, %mul3A_1345 : i32
        %mul3A_1347 = arith.constant 1024 : i32
        %mul3A_1348 = arith.muli %rem3A_707, %mul3A_1347 : i32
        %add3A_1349 = arith.addi %mul3A_1346, %mul3A_1348 : i32
        %add3A_1350 = arith.constant 640 : i32
        %add3A_1351 = arith.addi %add3A_1349, %add3A_1350 : i32
        %add3A_1352 = arith.constant 64 : i32
        %add3A_1353 = arith.addi %add3A_1351, %add3A_1352 : i32
        %swap3A_1354 = arith.index_cast %add3A_1353 : i32 to index
        %swap3A_1355 = tpu.vector_load %arg11[%swap3A_1354] {strides = array<i32>} : memref<16384xf32, #tpu.memory_space<vmem>>, vector<16xf32>,
        tpu.vector_store %arg11[%swap3A_1354], %gather3A_1209 {strides = array<i32>} : memref<16384xf32, #tpu.memory_space<vmem>>, vector<16xf32>,
        %mul3A_1356 = arith.constant 4096 : i32
        %mul3A_1357 = arith.muli %select_n3A, %mul3A_1356 : i32
        %mul3A_1358 = arith.constant 1024 : i32
        %mul3A_1359 = arith.muli %rem3A_707, %mul3A_1358 : i32
        %add3A_1360 = arith.addi %mul3A_1357, %mul3A_1359 : i32
        %add3A_1361 = arith.constant 640 : i32
        %add3A_1362 = arith.addi %add3A_1360, %add3A_1361 : i32
        %add3A_1363 = arith.constant 80 : i32
        %add3A_1364 = arith.addi %add3A_1362, %add3A_1363 : i32
        %swap3A_1365 = arith.index_cast %add3A_1364 : i32 to index
        %swap3A_1366 = tpu.vector_load %arg11[%swap3A_1365] {strides = array<i32>} : memref<16384xf32, #tpu.memory_space<vmem>>, vector<16xf32>,
        tpu.vector_store %arg11[%swap3A_1365], %gather3A_1210 {strides = array<i32>} : memref<16384xf32, #tpu.memory_space<vmem>>, vector<16xf32>,
        %mul3A_1367 = arith.constant 4096 : i32
        %mul3A_1368 = arith.muli %select_n3A, %mul3A_1367 : i32
        %mul3A_1369 = arith.constant 1024 : i32
        %mul3A_1370 = arith.muli %rem3A_707, %mul3A_1369 : i32
        %add3A_1371 = arith.addi %mul3A_1368, %mul3A_1370 : i32
        %add3A_1372 = arith.constant 640 : i32
        %add3A_1373 = arith.addi %add3A_1371, %add3A_1372 : i32
        %add3A_1374 = arith.constant 96 : i32
        %add3A_1375 = arith.addi %add3A_1373, %add3A_1374 : i32
        %swap3A_1376 = arith.index_cast %add3A_1375 : i32 to index
        %swap3A_1377 = tpu.vector_load %arg11[%swap3A_1376] {strides = array<i32>} : memref<16384xf32, #tpu.memory_space<vmem>>, vector<16xf32>,
        tpu.vector_store %arg11[%swap3A_1376], %gather3A_1211 {strides = array<i32>} : memref<16384xf32, #tpu.memory_space<vmem>>, vector<16xf32>,
        %mul3A_1378 = arith.constant 4096 : i32
        %mul3A_1379 = arith.muli %select_n3A, %mul3A_1378 : i32
        %mul3A_1380 = arith.constant 1024 : i32
        %mul3A_1381 = arith.muli %rem3A_707, %mul3A_1380 : i32
        %add3A_1382 = arith.addi %mul3A_1379, %mul3A_1381 : i32
        %add3A_1383 = arith.constant 640 : i32
        %add3A_1384 = arith.addi %add3A_1382, %add3A_1383 : i32
        %add3A_1385 = arith.constant 112 : i32
        %add3A_1386 = arith.addi %add3A_1384, %add3A_1385 : i32
        %swap3A_1387 = arith.index_cast %add3A_1386 : i32 to index
        %swap3A_1388 = tpu.vector_load %arg11[%swap3A_1387] {strides = array<i32>} : memref<16384xf32, #tpu.memory_space<vmem>>, vector<16xf32>,
        tpu.vector_store %arg11[%swap3A_1387], %gather3A_1212 {strides = array<i32>} : memref<16384xf32, #tpu.memory_space<vmem>>, vector<16xf32>,
        %broadcast_in_dim3A_1389 = arith.constant 0 : i32
        %broadcast_in_dim3A_1390 = vector.broadcast %broadcast_in_dim3A_1389 : i32 to vector<16xi32>
        %mul3A_1391 = arith.constant 8 : i32
        %mul3A_1392 = arith.muli %select_n3A, %mul3A_1391 : i32
        %add3A_1393 = arith.constant 6 : i32
        %add3A_1394 = arith.addi %mul3A_1392, %add3A_1393 : i32
        %add3A_1395 = arith.constant 0 : i32
        %add3A_1396 = arith.addi %add3A_1394, %add3A_1395 : i32
        %add3A_1397 = vector.broadcast %add3A_1396 : i32 to vector<16xi32>
        %add3A_1398 = arith.addi %broadcast_in_dim3A_1390, %add3A_1397 : vector<16xi32>
        %broadcast_in_dim3A_1399 = arith.constant 0 : i32
        %broadcast_in_dim3A_1400 = vector.broadcast %broadcast_in_dim3A_1399 : i32 to vector<16xi32>
        %mul3A_1401 = arith.constant 8 : i32
        %mul3A_1402 = arith.muli %select_n3A, %mul3A_1401 : i32
        %add3A_1403 = arith.constant 6 : i32
        %add3A_1404 = arith.addi %mul3A_1402, %add3A_1403 : i32
        %add3A_1405 = arith.constant 1 : i32
        %add3A_1406 = arith.addi %add3A_1404, %add3A_1405 : i32
        %add3A_1407 = vector.broadcast %add3A_1406 : i32 to vector<16xi32>
        %add3A_1408 = arith.addi %broadcast_in_dim3A_1400, %add3A_1407 : vector<16xi32>
        %gather3A_1409 = tpu.vector_load_idx %arg9[%add3A_713, %add3A_1398] : memref<512x32xf32, #tpu.memory_space<vmem>>[vector<16xi32>, vector<16xi32>], vector<16xf32>,
        %gather3A_1410 = tpu.vector_load_idx %arg9[%add3A_719, %add3A_1398] : memref<512x32xf32, #tpu.memory_space<vmem>>[vector<16xi32>, vector<16xi32>], vector<16xf32>,
        %gather3A_1411 = tpu.vector_load_idx %arg9[%add3A_725, %add3A_1398] : memref<512x32xf32, #tpu.memory_space<vmem>>[vector<16xi32>, vector<16xi32>], vector<16xf32>,
        %gather3A_1412 = tpu.vector_load_idx %arg9[%add3A_731, %add3A_1398] : memref<512x32xf32, #tpu.memory_space<vmem>>[vector<16xi32>, vector<16xi32>], vector<16xf32>,
        %gather3A_1413 = tpu.vector_load_idx %arg9[%add3A_737, %add3A_1398] : memref<512x32xf32, #tpu.memory_space<vmem>>[vector<16xi32>, vector<16xi32>], vector<16xf32>,
        %gather3A_1414 = tpu.vector_load_idx %arg9[%add3A_743, %add3A_1398] : memref<512x32xf32, #tpu.memory_space<vmem>>[vector<16xi32>, vector<16xi32>], vector<16xf32>,
        %gather3A_1415 = tpu.vector_load_idx %arg9[%add3A_749, %add3A_1398] : memref<512x32xf32, #tpu.memory_space<vmem>>[vector<16xi32>, vector<16xi32>], vector<16xf32>,
        %gather3A_1416 = tpu.vector_load_idx %arg9[%add3A_755, %add3A_1398] : memref<512x32xf32, #tpu.memory_space<vmem>>[vector<16xi32>, vector<16xi32>], vector<16xf32>,
        %gather3A_1417 = tpu.vector_load_idx %arg9[%add3A_713, %add3A_1408] : memref<512x32xf32, #tpu.memory_space<vmem>>[vector<16xi32>, vector<16xi32>], vector<16xf32>,
        %gather3A_1418 = tpu.vector_load_idx %arg9[%add3A_719, %add3A_1408] : memref<512x32xf32, #tpu.memory_space<vmem>>[vector<16xi32>, vector<16xi32>], vector<16xf32>,
        %gather3A_1419 = tpu.vector_load_idx %arg9[%add3A_725, %add3A_1408] : memref<512x32xf32, #tpu.memory_space<vmem>>[vector<16xi32>, vector<16xi32>], vector<16xf32>,
        %gather3A_1420 = tpu.vector_load_idx %arg9[%add3A_731, %add3A_1408] : memref<512x32xf32, #tpu.memory_space<vmem>>[vector<16xi32>, vector<16xi32>], vector<16xf32>,
        %gather3A_1421 = tpu.vector_load_idx %arg9[%add3A_737, %add3A_1408] : memref<512x32xf32, #tpu.memory_space<vmem>>[vector<16xi32>, vector<16xi32>], vector<16xf32>,
        %gather3A_1422 = tpu.vector_load_idx %arg9[%add3A_743, %add3A_1408] : memref<512x32xf32, #tpu.memory_space<vmem>>[vector<16xi32>, vector<16xi32>], vector<16xf32>,
        %gather3A_1423 = tpu.vector_load_idx %arg9[%add3A_749, %add3A_1408] : memref<512x32xf32, #tpu.memory_space<vmem>>[vector<16xi32>, vector<16xi32>], vector<16xf32>,
        %gather3A_1424 = tpu.vector_load_idx %arg9[%add3A_755, %add3A_1408] : memref<512x32xf32, #tpu.memory_space<vmem>>[vector<16xi32>, vector<16xi32>], vector<16xf32>,
        %mul3A_1425 = arith.constant 4096 : i32
        %mul3A_1426 = arith.muli %select_n3A, %mul3A_1425 : i32
        %mul3A_1427 = arith.constant 1024 : i32
        %mul3A_1428 = arith.muli %rem3A_707, %mul3A_1427 : i32
        %add3A_1429 = arith.addi %mul3A_1426, %mul3A_1428 : i32
        %add3A_1430 = arith.constant 768 : i32
        %add3A_1431 = arith.addi %add3A_1429, %add3A_1430 : i32
        %add3A_1432 = arith.constant 0 : i32
        %add3A_1433 = arith.addi %add3A_1431, %add3A_1432 : i32
        %swap3A_1434 = arith.index_cast %add3A_1433 : i32 to index
        %swap3A_1435 = tpu.vector_load %arg11[%swap3A_1434] {strides = array<i32>} : memref<16384xf32, #tpu.memory_space<vmem>>, vector<16xf32>,
        tpu.vector_store %arg11[%swap3A_1434], %gather3A_1409 {strides = array<i32>} : memref<16384xf32, #tpu.memory_space<vmem>>, vector<16xf32>,
        %mul3A_1436 = arith.constant 4096 : i32
        %mul3A_1437 = arith.muli %select_n3A, %mul3A_1436 : i32
        %mul3A_1438 = arith.constant 1024 : i32
        %mul3A_1439 = arith.muli %rem3A_707, %mul3A_1438 : i32
        %add3A_1440 = arith.addi %mul3A_1437, %mul3A_1439 : i32
        %add3A_1441 = arith.constant 768 : i32
        %add3A_1442 = arith.addi %add3A_1440, %add3A_1441 : i32
        %add3A_1443 = arith.constant 16 : i32
        %add3A_1444 = arith.addi %add3A_1442, %add3A_1443 : i32
        %swap3A_1445 = arith.index_cast %add3A_1444 : i32 to index
        %swap3A_1446 = tpu.vector_load %arg11[%swap3A_1445] {strides = array<i32>} : memref<16384xf32, #tpu.memory_space<vmem>>, vector<16xf32>,
        tpu.vector_store %arg11[%swap3A_1445], %gather3A_1410 {strides = array<i32>} : memref<16384xf32, #tpu.memory_space<vmem>>, vector<16xf32>,
        %mul3A_1447 = arith.constant 4096 : i32
        %mul3A_1448 = arith.muli %select_n3A, %mul3A_1447 : i32
        %mul3A_1449 = arith.constant 1024 : i32
        %mul3A_1450 = arith.muli %rem3A_707, %mul3A_1449 : i32
        %add3A_1451 = arith.addi %mul3A_1448, %mul3A_1450 : i32
        %add3A_1452 = arith.constant 768 : i32
        %add3A_1453 = arith.addi %add3A_1451, %add3A_1452 : i32
        %add3A_1454 = arith.constant 32 : i32
        %add3A_1455 = arith.addi %add3A_1453, %add3A_1454 : i32
        %swap3A_1456 = arith.index_cast %add3A_1455 : i32 to index
        %swap3A_1457 = tpu.vector_load %arg11[%swap3A_1456] {strides = array<i32>} : memref<16384xf32, #tpu.memory_space<vmem>>, vector<16xf32>,
        tpu.vector_store %arg11[%swap3A_1456], %gather3A_1411 {strides = array<i32>} : memref<16384xf32, #tpu.memory_space<vmem>>, vector<16xf32>,
        %mul3A_1458 = arith.constant 4096 : i32
        %mul3A_1459 = arith.muli %select_n3A, %mul3A_1458 : i32
        %mul3A_1460 = arith.constant 1024 : i32
        %mul3A_1461 = arith.muli %rem3A_707, %mul3A_1460 : i32
        %add3A_1462 = arith.addi %mul3A_1459, %mul3A_1461 : i32
        %add3A_1463 = arith.constant 768 : i32
        %add3A_1464 = arith.addi %add3A_1462, %add3A_1463 : i32
        %add3A_1465 = arith.constant 48 : i32
        %add3A_1466 = arith.addi %add3A_1464, %add3A_1465 : i32
        %swap3A_1467 = arith.index_cast %add3A_1466 : i32 to index
        %swap3A_1468 = tpu.vector_load %arg11[%swap3A_1467] {strides = array<i32>} : memref<16384xf32, #tpu.memory_space<vmem>>, vector<16xf32>,
        tpu.vector_store %arg11[%swap3A_1467], %gather3A_1412 {strides = array<i32>} : memref<16384xf32, #tpu.memory_space<vmem>>, vector<16xf32>,
        %mul3A_1469 = arith.constant 4096 : i32
        %mul3A_1470 = arith.muli %select_n3A, %mul3A_1469 : i32
        %mul3A_1471 = arith.constant 1024 : i32
        %mul3A_1472 = arith.muli %rem3A_707, %mul3A_1471 : i32
        %add3A_1473 = arith.addi %mul3A_1470, %mul3A_1472 : i32
        %add3A_1474 = arith.constant 768 : i32
        %add3A_1475 = arith.addi %add3A_1473, %add3A_1474 : i32
        %add3A_1476 = arith.constant 64 : i32
        %add3A_1477 = arith.addi %add3A_1475, %add3A_1476 : i32
        %swap3A_1478 = arith.index_cast %add3A_1477 : i32 to index
        %swap3A_1479 = tpu.vector_load %arg11[%swap3A_1478] {strides = array<i32>} : memref<16384xf32, #tpu.memory_space<vmem>>, vector<16xf32>,
        tpu.vector_store %arg11[%swap3A_1478], %gather3A_1413 {strides = array<i32>} : memref<16384xf32, #tpu.memory_space<vmem>>, vector<16xf32>,
        %mul3A_1480 = arith.constant 4096 : i32
        %mul3A_1481 = arith.muli %select_n3A, %mul3A_1480 : i32
        %mul3A_1482 = arith.constant 1024 : i32
        %mul3A_1483 = arith.muli %rem3A_707, %mul3A_1482 : i32
        %add3A_1484 = arith.addi %mul3A_1481, %mul3A_1483 : i32
        %add3A_1485 = arith.constant 768 : i32
        %add3A_1486 = arith.addi %add3A_1484, %add3A_1485 : i32
        %add3A_1487 = arith.constant 80 : i32
        %add3A_1488 = arith.addi %add3A_1486, %add3A_1487 : i32
        %swap3A_1489 = arith.index_cast %add3A_1488 : i32 to index
        %swap3A_1490 = tpu.vector_load %arg11[%swap3A_1489] {strides = array<i32>} : memref<16384xf32, #tpu.memory_space<vmem>>, vector<16xf32>,
        tpu.vector_store %arg11[%swap3A_1489], %gather3A_1414 {strides = array<i32>} : memref<16384xf32, #tpu.memory_space<vmem>>, vector<16xf32>,
        %mul3A_1491 = arith.constant 4096 : i32
        %mul3A_1492 = arith.muli %select_n3A, %mul3A_1491 : i32
        %mul3A_1493 = arith.constant 1024 : i32
        %mul3A_1494 = arith.muli %rem3A_707, %mul3A_1493 : i32
        %add3A_1495 = arith.addi %mul3A_1492, %mul3A_1494 : i32
        %add3A_1496 = arith.constant 768 : i32
        %add3A_1497 = arith.addi %add3A_1495, %add3A_1496 : i32
        %add3A_1498 = arith.constant 96 : i32
        %add3A_1499 = arith.addi %add3A_1497, %add3A_1498 : i32
        %swap3A_1500 = arith.index_cast %add3A_1499 : i32 to index
        %swap3A_1501 = tpu.vector_load %arg11[%swap3A_1500] {strides = array<i32>} : memref<16384xf32, #tpu.memory_space<vmem>>, vector<16xf32>,
        tpu.vector_store %arg11[%swap3A_1500], %gather3A_1415 {strides = array<i32>} : memref<16384xf32, #tpu.memory_space<vmem>>, vector<16xf32>,
        %mul3A_1502 = arith.constant 4096 : i32
        %mul3A_1503 = arith.muli %select_n3A, %mul3A_1502 : i32
        %mul3A_1504 = arith.constant 1024 : i32
        %mul3A_1505 = arith.muli %rem3A_707, %mul3A_1504 : i32
        %add3A_1506 = arith.addi %mul3A_1503, %mul3A_1505 : i32
        %add3A_1507 = arith.constant 768 : i32
        %add3A_1508 = arith.addi %add3A_1506, %add3A_1507 : i32
        %add3A_1509 = arith.constant 112 : i32
        %add3A_1510 = arith.addi %add3A_1508, %add3A_1509 : i32
        %swap3A_1511 = arith.index_cast %add3A_1510 : i32 to index
        %swap3A_1512 = tpu.vector_load %arg11[%swap3A_1511] {strides = array<i32>} : memref<16384xf32, #tpu.memory_space<vmem>>, vector<16xf32>,
        tpu.vector_store %arg11[%swap3A_1511], %gather3A_1416 {strides = array<i32>} : memref<16384xf32, #tpu.memory_space<vmem>>, vector<16xf32>,
        %mul3A_1513 = arith.constant 4096 : i32
        %mul3A_1514 = arith.muli %select_n3A, %mul3A_1513 : i32
        %mul3A_1515 = arith.constant 1024 : i32
        %mul3A_1516 = arith.muli %rem3A_707, %mul3A_1515 : i32
        %add3A_1517 = arith.addi %mul3A_1514, %mul3A_1516 : i32
        %add3A_1518 = arith.constant 896 : i32
        %add3A_1519 = arith.addi %add3A_1517, %add3A_1518 : i32
        %add3A_1520 = arith.constant 0 : i32
        %add3A_1521 = arith.addi %add3A_1519, %add3A_1520 : i32
        %swap3A_1522 = arith.index_cast %add3A_1521 : i32 to index
        %swap3A_1523 = tpu.vector_load %arg11[%swap3A_1522] {strides = array<i32>} : memref<16384xf32, #tpu.memory_space<vmem>>, vector<16xf32>,
        tpu.vector_store %arg11[%swap3A_1522], %gather3A_1417 {strides = array<i32>} : memref<16384xf32, #tpu.memory_space<vmem>>, vector<16xf32>,
        %mul3A_1524 = arith.constant 4096 : i32
        %mul3A_1525 = arith.muli %select_n3A, %mul3A_1524 : i32
        %mul3A_1526 = arith.constant 1024 : i32
        %mul3A_1527 = arith.muli %rem3A_707, %mul3A_1526 : i32
        %add3A_1528 = arith.addi %mul3A_1525, %mul3A_1527 : i32
        %add3A_1529 = arith.constant 896 : i32
        %add3A_1530 = arith.addi %add3A_1528, %add3A_1529 : i32
        %add3A_1531 = arith.constant 16 : i32
        %add3A_1532 = arith.addi %add3A_1530, %add3A_1531 : i32
        %swap3A_1533 = arith.index_cast %add3A_1532 : i32 to index
        %swap3A_1534 = tpu.vector_load %arg11[%swap3A_1533] {strides = array<i32>} : memref<16384xf32, #tpu.memory_space<vmem>>, vector<16xf32>,
        tpu.vector_store %arg11[%swap3A_1533], %gather3A_1418 {strides = array<i32>} : memref<16384xf32, #tpu.memory_space<vmem>>, vector<16xf32>,
        %mul3A_1535 = arith.constant 4096 : i32
        %mul3A_1536 = arith.muli %select_n3A, %mul3A_1535 : i32
        %mul3A_1537 = arith.constant 1024 : i32
        %mul3A_1538 = arith.muli %rem3A_707, %mul3A_1537 : i32
        %add3A_1539 = arith.addi %mul3A_1536, %mul3A_1538 : i32
        %add3A_1540 = arith.constant 896 : i32
        %add3A_1541 = arith.addi %add3A_1539, %add3A_1540 : i32
        %add3A_1542 = arith.constant 32 : i32
        %add3A_1543 = arith.addi %add3A_1541, %add3A_1542 : i32
        %swap3A_1544 = arith.index_cast %add3A_1543 : i32 to index
        %swap3A_1545 = tpu.vector_load %arg11[%swap3A_1544] {strides = array<i32>} : memref<16384xf32, #tpu.memory_space<vmem>>, vector<16xf32>,
        tpu.vector_store %arg11[%swap3A_1544], %gather3A_1419 {strides = array<i32>} : memref<16384xf32, #tpu.memory_space<vmem>>, vector<16xf32>,
        %mul3A_1546 = arith.constant 4096 : i32
        %mul3A_1547 = arith.muli %select_n3A, %mul3A_1546 : i32
        %mul3A_1548 = arith.constant 1024 : i32
        %mul3A_1549 = arith.muli %rem3A_707, %mul3A_1548 : i32
        %add3A_1550 = arith.addi %mul3A_1547, %mul3A_1549 : i32
        %add3A_1551 = arith.constant 896 : i32
        %add3A_1552 = arith.addi %add3A_1550, %add3A_1551 : i32
        %add3A_1553 = arith.constant 48 : i32
        %add3A_1554 = arith.addi %add3A_1552, %add3A_1553 : i32
        %swap3A_1555 = arith.index_cast %add3A_1554 : i32 to index
        %swap3A_1556 = tpu.vector_load %arg11[%swap3A_1555] {strides = array<i32>} : memref<16384xf32, #tpu.memory_space<vmem>>, vector<16xf32>,
        tpu.vector_store %arg11[%swap3A_1555], %gather3A_1420 {strides = array<i32>} : memref<16384xf32, #tpu.memory_space<vmem>>, vector<16xf32>,
        %mul3A_1557 = arith.constant 4096 : i32
        %mul3A_1558 = arith.muli %select_n3A, %mul3A_1557 : i32
        %mul3A_1559 = arith.constant 1024 : i32
        %mul3A_1560 = arith.muli %rem3A_707, %mul3A_1559 : i32
        %add3A_1561 = arith.addi %mul3A_1558, %mul3A_1560 : i32
        %add3A_1562 = arith.constant 896 : i32
        %add3A_1563 = arith.addi %add3A_1561, %add3A_1562 : i32
        %add3A_1564 = arith.constant 64 : i32
        %add3A_1565 = arith.addi %add3A_1563, %add3A_1564 : i32
        %swap3A_1566 = arith.index_cast %add3A_1565 : i32 to index
        %swap3A_1567 = tpu.vector_load %arg11[%swap3A_1566] {strides = array<i32>} : memref<16384xf32, #tpu.memory_space<vmem>>, vector<16xf32>,
        tpu.vector_store %arg11[%swap3A_1566], %gather3A_1421 {strides = array<i32>} : memref<16384xf32, #tpu.memory_space<vmem>>, vector<16xf32>,
        %mul3A_1568 = arith.constant 4096 : i32
        %mul3A_1569 = arith.muli %select_n3A, %mul3A_1568 : i32
        %mul3A_1570 = arith.constant 1024 : i32
        %mul3A_1571 = arith.muli %rem3A_707, %mul3A_1570 : i32
        %add3A_1572 = arith.addi %mul3A_1569, %mul3A_1571 : i32
        %add3A_1573 = arith.constant 896 : i32
        %add3A_1574 = arith.addi %add3A_1572, %add3A_1573 : i32
        %add3A_1575 = arith.constant 80 : i32
        %add3A_1576 = arith.addi %add3A_1574, %add3A_1575 : i32
        %swap3A_1577 = arith.index_cast %add3A_1576 : i32 to index
        %swap3A_1578 = tpu.vector_load %arg11[%swap3A_1577] {strides = array<i32>} : memref<16384xf32, #tpu.memory_space<vmem>>, vector<16xf32>,
        tpu.vector_store %arg11[%swap3A_1577], %gather3A_1422 {strides = array<i32>} : memref<16384xf32, #tpu.memory_space<vmem>>, vector<16xf32>,
        %mul3A_1579 = arith.constant 4096 : i32
        %mul3A_1580 = arith.muli %select_n3A, %mul3A_1579 : i32
        %mul3A_1581 = arith.constant 1024 : i32
        %mul3A_1582 = arith.muli %rem3A_707, %mul3A_1581 : i32
        %add3A_1583 = arith.addi %mul3A_1580, %mul3A_1582 : i32
        %add3A_1584 = arith.constant 896 : i32
        %add3A_1585 = arith.addi %add3A_1583, %add3A_1584 : i32
        %add3A_1586 = arith.constant 96 : i32
        %add3A_1587 = arith.addi %add3A_1585, %add3A_1586 : i32
        %swap3A_1588 = arith.index_cast %add3A_1587 : i32 to index
        %swap3A_1589 = tpu.vector_load %arg11[%swap3A_1588] {strides = array<i32>} : memref<16384xf32, #tpu.memory_space<vmem>>, vector<16xf32>,
        tpu.vector_store %arg11[%swap3A_1588], %gather3A_1423 {strides = array<i32>} : memref<16384xf32, #tpu.memory_space<vmem>>, vector<16xf32>,
        %mul3A_1590 = arith.constant 4096 : i32
        %mul3A_1591 = arith.muli %select_n3A, %mul3A_1590 : i32
        %mul3A_1592 = arith.constant 1024 : i32
        %mul3A_1593 = arith.muli %rem3A_707, %mul3A_1592 : i32
        %add3A_1594 = arith.addi %mul3A_1591, %mul3A_1593 : i32
        %add3A_1595 = arith.constant 896 : i32
        %add3A_1596 = arith.addi %add3A_1594, %add3A_1595 : i32
        %add3A_1597 = arith.constant 112 : i32
        %add3A_1598 = arith.addi %add3A_1596, %add3A_1597 : i32
        %swap3A_1599 = arith.index_cast %add3A_1598 : i32 to index
        %swap3A_1600 = tpu.vector_load %arg11[%swap3A_1599] {strides = array<i32>} : memref<16384xf32, #tpu.memory_space<vmem>>, vector<16xf32>,
        tpu.vector_store %arg11[%swap3A_1599], %gather3A_1424 {strides = array<i32>} : memref<16384xf32, #tpu.memory_space<vmem>>, vector<16xf32>,
      }
      %scan3A_637 = arith.constant 16 : i32
      %mul3A_638 = arith.constant 4096 : i32
      %mul3A_639 = arith.muli %add3A, %mul3A_638 : i32
      %dma_start3A_640 = arith.constant 0 : i32
      %dma_start3A_641 = arith.constant 0 : i32
      %dma_start3A_642 = tpu.memref_slice %arg11[%dma_start3A_641] : memref<16384xf32, #tpu.memory_space<vmem>> -> memref<4096xf32, #tpu.memory_space<vmem>>
      %dma_start3A_643 = tpu.memref_slice %arg4[%add3A_574, %dma_start3A_640, %mul3A_639] : memref<20x4x131072xf32, #tpu.memory_space<hbm>> -> memref<1x1x4096xf32, #tpu.memory_space<hbm>>
      %dma_start3A_644 = tpu.memref_squeeze %dma_start3A_643 : memref<1x1x4096xf32, #tpu.memory_space<hbm>> -> memref<4096xf32, #tpu.memory_space<hbm>>
      %dma_start3A_645 = tpu.memref_slice %arg4[%add3A_574, %dma_start3A_640, %mul3A_639] : memref<20x4x131072xf32, #tpu.memory_space<hbm>> -> memref<1x1x4096xf32, #tpu.memory_space<hbm>>
      %dma_start3A_646 = tpu.memref_squeeze %dma_start3A_645 : memref<1x1x4096xf32, #tpu.memory_space<hbm>> -> memref<4096xf32, #tpu.memory_space<hbm>>
      %dma_start3A_647 = arith.constant 0 : i32
      %dma_start3A_648 = tpu.memref_slice %arg11[%dma_start3A_647] : memref<16384xf32, #tpu.memory_space<vmem>> -> memref<4096xf32, #tpu.memory_space<vmem>>
      tpu.enqueue_dma source(%dma_start3A_648 : memref<4096xf32, #tpu.memory_space<vmem>>) target(%dma_start3A_646 : memref<4096xf32, #tpu.memory_space<hbm>>) target_semaphore(%arg13 : memref<!tpu.dma_semaphore, #tpu.memory_space<semaphore_mem>>)
      %mul3A_649 = arith.constant 4096 : i32
      %mul3A_650 = arith.muli %add3A, %mul3A_649 : i32
      %dma_start3A_651 = arith.constant 1 : i32
      %dma_start3A_652 = arith.constant 4096 : i32
      %dma_start3A_653 = tpu.memref_slice %arg11[%dma_start3A_652] : memref<16384xf32, #tpu.memory_space<vmem>> -> memref<4096xf32, #tpu.memory_space<vmem>>
      %dma_start3A_654 = tpu.memref_slice %arg4[%add3A_574, %dma_start3A_651, %mul3A_650] : memref<20x4x131072xf32, #tpu.memory_space<hbm>> -> memref<1x1x4096xf32, #tpu.memory_space<hbm>>
      %dma_start3A_655 = tpu.memref_squeeze %dma_start3A_654 : memref<1x1x4096xf32, #tpu.memory_space<hbm>> -> memref<4096xf32, #tpu.memory_space<hbm>>
      %dma_start3A_656 = tpu.memref_slice %arg4[%add3A_574, %dma_start3A_651, %mul3A_650] : memref<20x4x131072xf32, #tpu.memory_space<hbm>> -> memref<1x1x4096xf32, #tpu.memory_space<hbm>>
      %dma_start3A_657 = tpu.memref_squeeze %dma_start3A_656 : memref<1x1x4096xf32, #tpu.memory_space<hbm>> -> memref<4096xf32, #tpu.memory_space<hbm>>
      %dma_start3A_658 = arith.constant 4096 : i32
      %dma_start3A_659 = tpu.memref_slice %arg11[%dma_start3A_658] : memref<16384xf32, #tpu.memory_space<vmem>> -> memref<4096xf32, #tpu.memory_space<vmem>>
      tpu.enqueue_dma source(%dma_start3A_659 : memref<4096xf32, #tpu.memory_space<vmem>>) target(%dma_start3A_657 : memref<4096xf32, #tpu.memory_space<hbm>>) target_semaphore(%arg13 : memref<!tpu.dma_semaphore, #tpu.memory_space<semaphore_mem>>)
      %mul3A_660 = arith.constant 4096 : i32
      %mul3A_661 = arith.muli %add3A, %mul3A_660 : i32
      %dma_start3A_662 = arith.constant 2 : i32
      %dma_start3A_663 = arith.constant 8192 : i32
      %dma_start3A_664 = tpu.memref_slice %arg11[%dma_start3A_663] : memref<16384xf32, #tpu.memory_space<vmem>> -> memref<4096xf32, #tpu.memory_space<vmem>>
      %dma_start3A_665 = tpu.memref_slice %arg4[%add3A_574, %dma_start3A_662, %mul3A_661] : memref<20x4x131072xf32, #tpu.memory_space<hbm>> -> memref<1x1x4096xf32, #tpu.memory_space<hbm>>
      %dma_start3A_666 = tpu.memref_squeeze %dma_start3A_665 : memref<1x1x4096xf32, #tpu.memory_space<hbm>> -> memref<4096xf32, #tpu.memory_space<hbm>>
      %dma_start3A_667 = tpu.memref_slice %arg4[%add3A_574, %dma_start3A_662, %mul3A_661] : memref<20x4x131072xf32, #tpu.memory_space<hbm>> -> memref<1x1x4096xf32, #tpu.memory_space<hbm>>
      %dma_start3A_668 = tpu.memref_squeeze %dma_start3A_667 : memref<1x1x4096xf32, #tpu.memory_space<hbm>> -> memref<4096xf32, #tpu.memory_space<hbm>>
      %dma_start3A_669 = arith.constant 8192 : i32
      %dma_start3A_670 = tpu.memref_slice %arg11[%dma_start3A_669] : memref<16384xf32, #tpu.memory_space<vmem>> -> memref<4096xf32, #tpu.memory_space<vmem>>
      tpu.enqueue_dma source(%dma_start3A_670 : memref<4096xf32, #tpu.memory_space<vmem>>) target(%dma_start3A_668 : memref<4096xf32, #tpu.memory_space<hbm>>) target_semaphore(%arg13 : memref<!tpu.dma_semaphore, #tpu.memory_space<semaphore_mem>>)
      %mul3A_671 = arith.constant 4096 : i32
      %mul3A_672 = arith.muli %add3A, %mul3A_671 : i32
      %dma_start3A_673 = arith.constant 3 : i32
      %dma_start3A_674 = arith.constant 12288 : i32
      %dma_start3A_675 = tpu.memref_slice %arg11[%dma_start3A_674] : memref<16384xf32, #tpu.memory_space<vmem>> -> memref<4096xf32, #tpu.memory_space<vmem>>
      %dma_start3A_676 = tpu.memref_slice %arg4[%add3A_574, %dma_start3A_673, %mul3A_672] : memref<20x4x131072xf32, #tpu.memory_space<hbm>> -> memref<1x1x4096xf32, #tpu.memory_space<hbm>>
      %dma_start3A_677 = tpu.memref_squeeze %dma_start3A_676 : memref<1x1x4096xf32, #tpu.memory_space<hbm>> -> memref<4096xf32, #tpu.memory_space<hbm>>
      %dma_start3A_678 = tpu.memref_slice %arg4[%add3A_574, %dma_start3A_673, %mul3A_672] : memref<20x4x131072xf32, #tpu.memory_space<hbm>> -> memref<1x1x4096xf32, #tpu.memory_space<hbm>>
      %dma_start3A_679 = tpu.memref_squeeze %dma_start3A_678 : memref<1x1x4096xf32, #tpu.memory_space<hbm>> -> memref<4096xf32, #tpu.memory_space<hbm>>
      %dma_start3A_680 = arith.constant 12288 : i32
      %dma_start3A_681 = tpu.memref_slice %arg11[%dma_start3A_680] : memref<16384xf32, #tpu.memory_space<vmem>> -> memref<4096xf32, #tpu.memory_space<vmem>>
      tpu.enqueue_dma source(%dma_start3A_681 : memref<4096xf32, #tpu.memory_space<vmem>>) target(%dma_start3A_679 : memref<4096xf32, #tpu.memory_space<hbm>>) target_semaphore(%arg13 : memref<!tpu.dma_semaphore, #tpu.memory_space<semaphore_mem>>)
      %add3A_682 = arith.constant 3 : i32
      %add3A_683 = arith.addi %add3A_574, %add3A_682 : i32
      %lt3A_684 = arith.constant 20 : i32
      %lt3A_685 = arith.cmpi slt, %add3A_683, %lt3A_684 : i32
      %convert_element_type3A_686 = arith.extui %lt3A_685 : i1 to i32
      %cond3A_687 = arith.constant 0 : i32
      %cond3A_688 = arith.cmpi ne, %convert_element_type3A_686, %cond3A_687 : i32
      scf.if %cond3A_688 {
        %add3A_689 = arith.constant 3 : i32
        %add3A_690 = arith.addi %add3A_574, %add3A_689 : i32
        %mul3A_691 = arith.constant 4 : i32
        %mul3A_692 = arith.muli %add3A_690, %mul3A_691 : i32
        %add3A_693 = arith.constant 0 : i32
        %add3A_694 = arith.addi %mul3A_692, %add3A_693 : i32
        %dma_start3A_695 = arith.constant 0 : i32
        %dma_start3A_696 = arith.constant 0 : i32
        %dma_start3A_697 = tpu.memref_slice %arg8[%dma_start3A_695, %dma_start3A_696] : memref<512x32xf32, #tpu.memory_space<vmem>> -> memref<128x32xf32, #tpu.memory_space<vmem>>
        %dma_start3A_698 = arith.constant 0 : i32
        %dma_start3A_699 = tpu.memref_slice %arg5[%add3A_694, %dma_start3A_698] : memref<80x128xi32, #tpu.memory_space<vmem>> -> memref<1x128xi32, #tpu.memory_space<vmem>>
        %dma_start3A_700 = tpu.memref_squeeze %dma_start3A_699 : memref<1x128xi32, #tpu.memory_space<vmem>> -> memref<128xi32, #tpu.memory_space<vmem>>
        %dma_start3A_701 = arith.constant 0 : i32
        %dma_start3A_702 = arith.constant 0 : i32
        %dma_start3A_703 = tpu.memref_slice %arg2[%dma_start3A_701, %dma_start3A_702] : memref<1000000x32xf32, #tpu.memory_space<hbm>> -> memref<1000000x32xf32, #tpu.memory_space<hbm>>
        tpu.enqueue_indirect_dma source(%dma_start3A_703 : memref<1000000x32xf32, #tpu.memory_space<hbm>>) target(%dma_start3A_697 : memref<128x32xf32, #tpu.memory_space<vmem>>) offsets(%dma_start3A_700 : memref<128xi32, #tpu.memory_space<vmem>>) semaphore(%arg12 : memref<!tpu.dma_semaphore, #tpu.memory_space<semaphore_mem>>)
        %mul3A_704 = arith.constant 4 : i32
        %mul3A_705 = arith.muli %add3A_690, %mul3A_704 : i32
        %add3A_706 = arith.constant 1 : i32
        %add3A_707 = arith.addi %mul3A_705, %add3A_706 : i32
        %dma_start3A_708 = arith.constant 128 : i32
        %dma_start3A_709 = arith.constant 0 : i32
        %dma_start3A_710 = tpu.memref_slice %arg8[%dma_start3A_708, %dma_start3A_709] : memref<512x32xf32, #tpu.memory_space<vmem>> -> memref<128x32xf32, #tpu.memory_space<vmem>>
        %dma_start3A_711 = arith.constant 0 : i32
        %dma_start3A_712 = tpu.memref_slice %arg5[%add3A_707, %dma_start3A_711] : memref<80x128xi32, #tpu.memory_space<vmem>> -> memref<1x128xi32, #tpu.memory_space<vmem>>
        %dma_start3A_713 = tpu.memref_squeeze %dma_start3A_712 : memref<1x128xi32, #tpu.memory_space<vmem>> -> memref<128xi32, #tpu.memory_space<vmem>>
        %dma_start3A_714 = arith.constant 0 : i32
        %dma_start3A_715 = arith.constant 0 : i32
        %dma_start3A_716 = tpu.memref_slice %arg2[%dma_start3A_714, %dma_start3A_715] : memref<1000000x32xf32, #tpu.memory_space<hbm>> -> memref<1000000x32xf32, #tpu.memory_space<hbm>>
        tpu.enqueue_indirect_dma source(%dma_start3A_716 : memref<1000000x32xf32, #tpu.memory_space<hbm>>) target(%dma_start3A_710 : memref<128x32xf32, #tpu.memory_space<vmem>>) offsets(%dma_start3A_713 : memref<128xi32, #tpu.memory_space<vmem>>) semaphore(%arg12 : memref<!tpu.dma_semaphore, #tpu.memory_space<semaphore_mem>>)
        %mul3A_717 = arith.constant 4 : i32
        %mul3A_718 = arith.muli %add3A_690, %mul3A_717 : i32
        %add3A_719 = arith.constant 2 : i32
        %add3A_720 = arith.addi %mul3A_718, %add3A_719 : i32
        %dma_start3A_721 = arith.constant 256 : i32
        %dma_start3A_722 = arith.constant 0 : i32
        %dma_start3A_723 = tpu.memref_slice %arg8[%dma_start3A_721, %dma_start3A_722] : memref<512x32xf32, #tpu.memory_space<vmem>> -> memref<128x32xf32, #tpu.memory_space<vmem>>
        %dma_start3A_724 = arith.constant 0 : i32
        %dma_start3A_725 = tpu.memref_slice %arg5[%add3A_720, %dma_start3A_724] : memref<80x128xi32, #tpu.memory_space<vmem>> -> memref<1x128xi32, #tpu.memory_space<vmem>>
        %dma_start3A_726 = tpu.memref_squeeze %dma_start3A_725 : memref<1x128xi32, #tpu.memory_space<vmem>> -> memref<128xi32, #tpu.memory_space<vmem>>
        %dma_start3A_727 = arith.constant 0 : i32
        %dma_start3A_728 = arith.constant 0 : i32
        %dma_start3A_729 = tpu.memref_slice %arg2[%dma_start3A_727, %dma_start3A_728] : memref<1000000x32xf32, #tpu.memory_space<hbm>> -> memref<1000000x32xf32, #tpu.memory_space<hbm>>
        tpu.enqueue_indirect_dma source(%dma_start3A_729 : memref<1000000x32xf32, #tpu.memory_space<hbm>>) target(%dma_start3A_723 : memref<128x32xf32, #tpu.memory_space<vmem>>) offsets(%dma_start3A_726 : memref<128xi32, #tpu.memory_space<vmem>>) semaphore(%arg12 : memref<!tpu.dma_semaphore, #tpu.memory_space<semaphore_mem>>)
        %mul3A_730 = arith.constant 4 : i32
        %mul3A_731 = arith.muli %add3A_690, %mul3A_730 : i32
        %add3A_732 = arith.constant 3 : i32
        %add3A_733 = arith.addi %mul3A_731, %add3A_732 : i32
        %dma_start3A_734 = arith.constant 384 : i32
        %dma_start3A_735 = arith.constant 0 : i32
        %dma_start3A_736 = tpu.memref_slice %arg8[%dma_start3A_734, %dma_start3A_735] : memref<512x32xf32, #tpu.memory_space<vmem>> -> memref<128x32xf32, #tpu.memory_space<vmem>>
        %dma_start3A_737 = arith.constant 0 : i32
        %dma_start3A_738 = tpu.memref_slice %arg5[%add3A_733, %dma_start3A_737] : memref<80x128xi32, #tpu.memory_space<vmem>> -> memref<1x128xi32, #tpu.memory_space<vmem>>
        %dma_start3A_739 = tpu.memref_squeeze %dma_start3A_738 : memref<1x128xi32, #tpu.memory_space<vmem>> -> memref<128xi32, #tpu.memory_space<vmem>>
        %dma_start3A_740 = arith.constant 0 : i32
        %dma_start3A_741 = arith.constant 0 : i32
        %dma_start3A_742 = tpu.memref_slice %arg2[%dma_start3A_740, %dma_start3A_741] : memref<1000000x32xf32, #tpu.memory_space<hbm>> -> memref<1000000x32xf32, #tpu.memory_space<hbm>>
        tpu.enqueue_indirect_dma source(%dma_start3A_742 : memref<1000000x32xf32, #tpu.memory_space<hbm>>) target(%dma_start3A_736 : memref<128x32xf32, #tpu.memory_space<vmem>>) offsets(%dma_start3A_739 : memref<128xi32, #tpu.memory_space<vmem>>) semaphore(%arg12 : memref<!tpu.dma_semaphore, #tpu.memory_space<semaphore_mem>>)
      } else {
      }
    }
    %scan3A_124 = arith.constant 5 : i32
    %mul3A_125 = arith.constant 4096 : i32
    %mul3A_126 = arith.muli %add3A, %mul3A_125 : i32
    %dma_wait3A = arith.constant 0 : i32
    %dma_wait3A_127 = arith.constant 0 : i32
    %dma_wait3A_128 = arith.constant 0 : i32
    %dma_wait3A_129 = tpu.memref_slice %arg10[%dma_wait3A_128] : memref<16384xf32, #tpu.memory_space<vmem>> -> memref<4096xf32, #tpu.memory_space<vmem>>
    %dma_wait3A_130 = tpu.memref_slice %arg4[%dma_wait3A, %dma_wait3A_127, %mul3A_126] : memref<20x4x131072xf32, #tpu.memory_space<hbm>> -> memref<1x1x4096xf32, #tpu.memory_space<hbm>>
    %dma_wait3A_131 = tpu.memref_squeeze %dma_wait3A_130 : memref<1x1x4096xf32, #tpu.memory_space<hbm>> -> memref<4096xf32, #tpu.memory_space<hbm>>
    %dma_wait3A_132 = tpu.memref_slice %arg4[%dma_wait3A, %dma_wait3A_127, %mul3A_126] : memref<20x4x131072xf32, #tpu.memory_space<hbm>> -> memref<1x1x4096xf32, #tpu.memory_space<hbm>>
    %dma_wait3A_133 = tpu.memref_squeeze %dma_wait3A_132 : memref<1x1x4096xf32, #tpu.memory_space<hbm>> -> memref<4096xf32, #tpu.memory_space<hbm>>
    %dma_wait3A_134 = arith.constant 0 : i32
    %dma_wait3A_135 = tpu.memref_slice %arg10[%dma_wait3A_134] : memref<16384xf32, #tpu.memory_space<vmem>> -> memref<4096xf32, #tpu.memory_space<vmem>>
    tpu.wait_dma2 semaphore(%arg13 : memref<!tpu.dma_semaphore, #tpu.memory_space<semaphore_mem>>) src(%dma_wait3A_135 : memref<4096xf32, #tpu.memory_space<vmem>>) dst(%dma_wait3A_133 : memref<4096xf32, #tpu.memory_space<hbm>>)
    %mul3A_136 = arith.constant 4096 : i32
    %mul3A_137 = arith.muli %add3A, %mul3A_136 : i32
    %dma_wait3A_138 = arith.constant 0 : i32
    %dma_wait3A_139 = arith.constant 1 : i32
    %dma_wait3A_140 = arith.constant 4096 : i32
    %dma_wait3A_141 = tpu.memref_slice %arg10[%dma_wait3A_140] : memref<16384xf32, #tpu.memory_space<vmem>> -> memref<4096xf32, #tpu.memory_space<vmem>>
    %dma_wait3A_142 = tpu.memref_slice %arg4[%dma_wait3A_138, %dma_wait3A_139, %mul3A_137] : memref<20x4x131072xf32, #tpu.memory_space<hbm>> -> memref<1x1x4096xf32, #tpu.memory_space<hbm>>
    %dma_wait3A_143 = tpu.memref_squeeze %dma_wait3A_142 : memref<1x1x4096xf32, #tpu.memory_space<hbm>> -> memref<4096xf32, #tpu.memory_space<hbm>>
    %dma_wait3A_144 = tpu.memref_slice %arg4[%dma_wait3A_138, %dma_wait3A_139, %mul3A_137] : memref<20x4x131072xf32, #tpu.memory_space<hbm>> -> memref<1x1x4096xf32, #tpu.memory_space<hbm>>
    %dma_wait3A_145 = tpu.memref_squeeze %dma_wait3A_144 : memref<1x1x4096xf32, #tpu.memory_space<hbm>> -> memref<4096xf32, #tpu.memory_space<hbm>>
    %dma_wait3A_146 = arith.constant 4096 : i32
    %dma_wait3A_147 = tpu.memref_slice %arg10[%dma_wait3A_146] : memref<16384xf32, #tpu.memory_space<vmem>> -> memref<4096xf32, #tpu.memory_space<vmem>>
    tpu.wait_dma2 semaphore(%arg13 : memref<!tpu.dma_semaphore, #tpu.memory_space<semaphore_mem>>) src(%dma_wait3A_147 : memref<4096xf32, #tpu.memory_space<vmem>>) dst(%dma_wait3A_145 : memref<4096xf32, #tpu.memory_space<hbm>>)
    %mul3A_148 = arith.constant 4096 : i32
    %mul3A_149 = arith.muli %add3A, %mul3A_148 : i32
    %dma_wait3A_150 = arith.constant 0 : i32
    %dma_wait3A_151 = arith.constant 2 : i32
    %dma_wait3A_152 = arith.constant 8192 : i32
    %dma_wait3A_153 = tpu.memref_slice %arg10[%dma_wait3A_152] : memref<16384xf32, #tpu.memory_space<vmem>> -> memref<4096xf32, #tpu.memory_space<vmem>>
    %dma_wait3A_154 = tpu.memref_slice %arg4[%dma_wait3A_150, %dma_wait3A_151, %mul3A_149] : memref<20x4x131072xf32, #tpu.memory_space<hbm>> -> memref<1x1x4096xf32, #tpu.memory_space<hbm>>
    %dma_wait3A_155 = tpu.memref_squeeze %dma_wait3A_154 : memref<1x1x4096xf32, #tpu.memory_space<hbm>> -> memref<4096xf32, #tpu.memory_space<hbm>>
    %dma_wait3A_156 = tpu.memref_slice %arg4[%dma_wait3A_150, %dma_wait3A_151, %mul3A_149] : memref<20x4x131072xf32, #tpu.memory_space<hbm>> -> memref<1x1x4096xf32, #tpu.memory_space<hbm>>
    %dma_wait3A_157 = tpu.memref_squeeze %dma_wait3A_156 : memref<1x1x4096xf32, #tpu.memory_space<hbm>> -> memref<4096xf32, #tpu.memory_space<hbm>>
    %dma_wait3A_158 = arith.constant 8192 : i32
    %dma_wait3A_159 = tpu.memref_slice %arg10[%dma_wait3A_158] : memref<16384xf32, #tpu.memory_space<vmem>> -> memref<4096xf32, #tpu.memory_space<vmem>>
    tpu.wait_dma2 semaphore(%arg13 : memref<!tpu.dma_semaphore, #tpu.memory_space<semaphore_mem>>) src(%dma_wait3A_159 : memref<4096xf32, #tpu.memory_space<vmem>>) dst(%dma_wait3A_157 : memref<4096xf32, #tpu.memory_space<hbm>>)
    %mul3A_160 = arith.constant 4096 : i32
    %mul3A_161 = arith.muli %add3A, %mul3A_160 : i32
    %dma_wait3A_162 = arith.constant 0 : i32
    %dma_wait3A_163 = arith.constant 3 : i32
    %dma_wait3A_164 = arith.constant 12288 : i32
    %dma_wait3A_165 = tpu.memref_slice %arg10[%dma_wait3A_164] : memref<16384xf32, #tpu.memory_space<vmem>> -> memref<4096xf32, #tpu.memory_space<vmem>>
    %dma_wait3A_166 = tpu.memref_slice %arg4[%dma_wait3A_162, %dma_wait3A_163, %mul3A_161] : memref<20x4x131072xf32, #tpu.memory_space<hbm>> -> memref<1x1x4096xf32, #tpu.memory_space<hbm>>
    %dma_wait3A_167 = tpu.memref_squeeze %dma_wait3A_166 : memref<1x1x4096xf32, #tpu.memory_space<hbm>> -> memref<4096xf32, #tpu.memory_space<hbm>>
    %dma_wait3A_168 = tpu.memref_slice %arg4[%dma_wait3A_162, %dma_wait3A_163, %mul3A_161] : memref<20x4x131072xf32, #tpu.memory_space<hbm>> -> memref<1x1x4096xf32, #tpu.memory_space<hbm>>
    %dma_wait3A_169 = tpu.memref_squeeze %dma_wait3A_168 : memref<1x1x4096xf32, #tpu.memory_space<hbm>> -> memref<4096xf32, #tpu.memory_space<hbm>>
    %dma_wait3A_170 = arith.constant 12288 : i32
    %dma_wait3A_171 = tpu.memref_slice %arg10[%dma_wait3A_170] : memref<16384xf32, #tpu.memory_space<vmem>> -> memref<4096xf32, #tpu.memory_space<vmem>>
    tpu.wait_dma2 semaphore(%arg13 : memref<!tpu.dma_semaphore, #tpu.memory_space<semaphore_mem>>) src(%dma_wait3A_171 : memref<4096xf32, #tpu.memory_space<vmem>>) dst(%dma_wait3A_169 : memref<4096xf32, #tpu.memory_space<hbm>>)
    %mul3A_172 = arith.constant 4096 : i32
    %mul3A_173 = arith.muli %add3A, %mul3A_172 : i32
    %dma_wait3A_174 = arith.constant 0 : i32
    %dma_wait3A_175 = arith.constant 0 : i32
    %dma_wait3A_176 = arith.constant 0 : i32
    %dma_wait3A_177 = tpu.memref_slice %arg11[%dma_wait3A_176] : memref<16384xf32, #tpu.memory_space<vmem>> -> memref<4096xf32, #tpu.memory_space<vmem>>
    %dma_wait3A_178 = tpu.memref_slice %arg4[%dma_wait3A_174, %dma_wait3A_175, %mul3A_173] : memref<20x4x131072xf32, #tpu.memory_space<hbm>> -> memref<1x1x4096xf32, #tpu.memory_space<hbm>>
    %dma_wait3A_179 = tpu.memref_squeeze %dma_wait3A_178 : memref<1x1x4096xf32, #tpu.memory_space<hbm>> -> memref<4096xf32, #tpu.memory_space<hbm>>
    %dma_wait3A_180 = tpu.memref_slice %arg4[%dma_wait3A_174, %dma_wait3A_175, %mul3A_173] : memref<20x4x131072xf32, #tpu.memory_space<hbm>> -> memref<1x1x4096xf32, #tpu.memory_space<hbm>>
    %dma_wait3A_181 = tpu.memref_squeeze %dma_wait3A_180 : memref<1x1x4096xf32, #tpu.memory_space<hbm>> -> memref<4096xf32, #tpu.memory_space<hbm>>
    %dma_wait3A_182 = arith.constant 0 : i32
    %dma_wait3A_183 = tpu.memref_slice %arg11[%dma_wait3A_182] : memref<16384xf32, #tpu.memory_space<vmem>> -> memref<4096xf32, #tpu.memory_space<vmem>>
    tpu.wait_dma2 semaphore(%arg13 : memref<!tpu.dma_semaphore, #tpu.memory_space<semaphore_mem>>) src(%dma_wait3A_183 : memref<4096xf32, #tpu.memory_space<vmem>>) dst(%dma_wait3A_181 : memref<4096xf32, #tpu.memory_space<hbm>>)
    %mul3A_184 = arith.constant 4096 : i32
    %mul3A_185 = arith.muli %add3A, %mul3A_184 : i32
    %dma_wait3A_186 = arith.constant 0 : i32
    %dma_wait3A_187 = arith.constant 1 : i32
    %dma_wait3A_188 = arith.constant 4096 : i32
    %dma_wait3A_189 = tpu.memref_slice %arg11[%dma_wait3A_188] : memref<16384xf32, #tpu.memory_space<vmem>> -> memref<4096xf32, #tpu.memory_space<vmem>>
    %dma_wait3A_190 = tpu.memref_slice %arg4[%dma_wait3A_186, %dma_wait3A_187, %mul3A_185] : memref<20x4x131072xf32, #tpu.memory_space<hbm>> -> memref<1x1x4096xf32, #tpu.memory_space<hbm>>
    %dma_wait3A_191 = tpu.memref_squeeze %dma_wait3A_190 : memref<1x1x4096xf32, #tpu.memory_space<hbm>> -> memref<4096xf32, #tpu.memory_space<hbm>>
    %dma_wait3A_192 = tpu.memref_slice %arg4[%dma_wait3A_186, %dma_wait3A_187, %mul3A_185] : memref<20x4x131072xf32, #tpu.memory_space<hbm>> -> memref<1x1x4096xf32, #tpu.memory_space<hbm>>
    %dma_wait3A_193 = tpu.memref_squeeze %dma_wait3A_192 : memref<1x1x4096xf32, #tpu.memory_space<hbm>> -> memref<4096xf32, #tpu.memory_space<hbm>>
    %dma_wait3A_194 = arith.constant 4096 : i32
    %dma_wait3A_195 = tpu.memref_slice %arg11[%dma_wait3A_194] : memref<16384xf32, #tpu.memory_space<vmem>> -> memref<4096xf32, #tpu.memory_space<vmem>>
    tpu.wait_dma2 semaphore(%arg13 : memref<!tpu.dma_semaphore, #tpu.memory_space<semaphore_mem>>) src(%dma_wait3A_195 : memref<4096xf32, #tpu.memory_space<vmem>>) dst(%dma_wait3A_193 : memref<4096xf32, #tpu.memory_space<hbm>>)
    %mul3A_196 = arith.constant 4096 : i32
    %mul3A_197 = arith.muli %add3A, %mul3A_196 : i32
    %dma_wait3A_198 = arith.constant 0 : i32
    %dma_wait3A_199 = arith.constant 2 : i32
    %dma_wait3A_200 = arith.constant 8192 : i32
    %dma_wait3A_201 = tpu.memref_slice %arg11[%dma_wait3A_200] : memref<16384xf32, #tpu.memory_space<vmem>> -> memref<4096xf32, #tpu.memory_space<vmem>>
    %dma_wait3A_202 = tpu.memref_slice %arg4[%dma_wait3A_198, %dma_wait3A_199, %mul3A_197] : memref<20x4x131072xf32, #tpu.memory_space<hbm>> -> memref<1x1x4096xf32, #tpu.memory_space<hbm>>
    %dma_wait3A_203 = tpu.memref_squeeze %dma_wait3A_202 : memref<1x1x4096xf32, #tpu.memory_space<hbm>> -> memref<4096xf32, #tpu.memory_space<hbm>>
    %dma_wait3A_204 = tpu.memref_slice %arg4[%dma_wait3A_198, %dma_wait3A_199, %mul3A_197] : memref<20x4x131072xf32, #tpu.memory_space<hbm>> -> memref<1x1x4096xf32, #tpu.memory_space<hbm>>
    %dma_wait3A_205 = tpu.memref_squeeze %dma_wait3A_204 : memref<1x1x4096xf32, #tpu.memory_space<hbm>> -> memref<4096xf32, #tpu.memory_space<hbm>>
    %dma_wait3A_206 = arith.constant 8192 : i32
    %dma_wait3A_207 = tpu.memref_slice %arg11[%dma_wait3A_206] : memref<16384xf32, #tpu.memory_space<vmem>> -> memref<4096xf32, #tpu.memory_space<vmem>>
    tpu.wait_dma2 semaphore(%arg13 : memref<!tpu.dma_semaphore, #tpu.memory_space<semaphore_mem>>) src(%dma_wait3A_207 : memref<4096xf32, #tpu.memory_space<vmem>>) dst(%dma_wait3A_205 : memref<4096xf32, #tpu.memory_space<hbm>>)
    %mul3A_208 = arith.constant 4096 : i32
    %mul3A_209 = arith.muli %add3A, %mul3A_208 : i32
    %dma_wait3A_210 = arith.constant 0 : i32
    %dma_wait3A_211 = arith.constant 3 : i32
    %dma_wait3A_212 = arith.constant 12288 : i32
    %dma_wait3A_213 = tpu.memref_slice %arg11[%dma_wait3A_212] : memref<16384xf32, #tpu.memory_space<vmem>> -> memref<4096xf32, #tpu.memory_space<vmem>>
    %dma_wait3A_214 = tpu.memref_slice %arg4[%dma_wait3A_210, %dma_wait3A_211, %mul3A_209] : memref<20x4x131072xf32, #tpu.memory_space<hbm>> -> memref<1x1x4096xf32, #tpu.memory_space<hbm>>
    %dma_wait3A_215 = tpu.memref_squeeze %dma_wait3A_214 : memref<1x1x4096xf32, #tpu.memory_space<hbm>> -> memref<4096xf32, #tpu.memory_space<hbm>>
    %dma_wait3A_216 = tpu.memref_slice %arg4[%dma_wait3A_210, %dma_wait3A_211, %mul3A_209] : memref<20x4x131072xf32, #tpu.memory_space<hbm>> -> memref<1x1x4096xf32, #tpu.memory_space<hbm>>
    %dma_wait3A_217 = tpu.memref_squeeze %dma_wait3A_216 : memref<1x1x4096xf32, #tpu.memory_space<hbm>> -> memref<4096xf32, #tpu.memory_space<hbm>>
    %dma_wait3A_218 = arith.constant 12288 : i32
    %dma_wait3A_219 = tpu.memref_slice %arg11[%dma_wait3A_218] : memref<16384xf32, #tpu.memory_space<vmem>> -> memref<4096xf32, #tpu.memory_space<vmem>>
    tpu.wait_dma2 semaphore(%arg13 : memref<!tpu.dma_semaphore, #tpu.memory_space<semaphore_mem>>) src(%dma_wait3A_219 : memref<4096xf32, #tpu.memory_space<vmem>>) dst(%dma_wait3A_217 : memref<4096xf32, #tpu.memory_space<hbm>>)
    return
  }
}

</mosaic_0001>

<sc_bundles>
// kernel: kernel.3.cloned.1.call-start
scs
__scs_entry_jumppad:
0x0: {  	(pc) =	sbr.rel $0x88, $3  }
0x1: {  	(tag) =	ssettag $0x0;
	lr =	simm.s32 $0x1  }
0x2: {  	[smem:$0x3F9F] =	sst lr;
	_ =	strace $0xD0000000  }
0x3: {  	_ = 	snop  }
0x4: {  	_ = 	snop  }
0x5: {  	_ = 	snop  }
0x6: {  	_ = 	snop  }
0x7: {  	_ = 	snop  }
__scs_overlays_trampoline_lowered:
0x8: {  	[smem:$0x3FAE] =	sst s0  }
0x9: {  	[smem:$0x3FAF] =	sst s1  }
0xa: {  	[smem:$0x3FB0] =	sst s2  }
0xb: {  	[smem:$0x3FB1] =	sst s3  }
0xc: {  	[smem:$0x3FB2] =	sst s4  }
0xd: {  	[smem:$0x3FB3] =	sst s5  }
0xe: {  	[smem:$0x3FB4] =	sst s6  }
0xf: {  	[smem:$0x3FB5] =	sst s7  }
0x10: {  	[smem:$0x3FB6] =	sst s8  }
0x11: {  	[smem:$0x3FB7] =	sst s9;
	s0 =	simm.s32 @!p0 $0x0  }
0x12: {  	s1 =	sld [smem:$0x3F9D];
	s0 =	simm.s32 @p0 $0x1  }
0x13: {  	[smem:$0x3FB8] =	sst s0;
	s0 =	simm.s32 @!p1 $0x0  }
0x14: {  	s2 =	sld [smem:$0x3F9C];
	s0 =	simm.s32 @p1 $0x1  }
0x15: {  	[smem:$0x3FB9] =	sst s0;
	s0 =	simm.s32 @!p2 $0x0  }
0x16: {  	s3 =	sld [smem:$0x3FDB];
	s0 =	simm.s32 @p2 $0x1  }
0x17: {  	s4 =	simm.s32 $0x1BF5;
	[smem:$0x3FBB] =	sst s0  }
0x18: {  	s0 =	sld [smem:$0x3F9E];
	_ =	swait.ge [sflag:s4], $0x0  }
0x19: {  	s7 =	sld [smem:$0x3F9F]  }
0x1a: {  	s8 =	sadd.s32 $0xFFFFE003, lr  }
0x1b: {  	s9 =	sadd.s32 $0xFFFFFEF7, lr;
	s5 =	simm.s32 $0xFFFFFFFF;
	p2 =	slt.u32 s8, $0xFFFFF086  }
0x1c: {  	p1 =	slt.u32 s9, $0xF7A;
	s5 =	simm.s32 @!p2 $0x0  }
0x1d: {  	s5 =	simm.s32 @p1 $0x1;
	p0 =	seq.s32 s7, s2  }
0x1e: {  	s7 =	smul.u32 @!p0 $0xF7A, s2;
	p2 =	seq.s32 @!p0 s5, $0x0  }
0x1f: {  	s9 =	smul.u32 $0xF7A, s1;
	s8 =	simm.s32 @!p0 $0x1BF5;
	p2 =	por !p2, p0  }
0x20: {  	[sflag:s8] =	ssyncset.s32 @!p0 $0xFFFFF086;
	s6 =	sadd.s32 @!p0 s3, s7;
	s7 =	simm.s32 @!p0 $0x108  }
0x21: {  	s3 =	sadd.s32 s3, s9;
	s6 =	sadd.s32 @!p0 $0x88, s6;
	s7 =	simm.s32 @p2 $0x1082  }
0x22: {  	[simem:s7], [sflag:s8] =	dma.local @!p0 [hbm:s6], $0xF7A  }
0x23: {  	s9 =	sor.u32 $0xD0000000, s2;
	s6 =	simm.s32 $0x108;
	_ =	swait.ge @!p0 [sflag:s8], $0x0  }
0x24: {  	s3 =	sadd.s32 $0x88, s3;
	s6 =	simm.s32 @!p1 $0x1082;
	[sflag:s4] =	ssyncset.s32 $0xFFFFF086  }
0x25: {  	[simem:s6], [sflag:s4] =	dma.local [hbm:s3], $0xF7A  }
0x26: {  	[smem:$0x3F9F] =	sst s1;
	(tag) =	ssettag s2;
	_ =	strace s9  }
0x27: {  	s1 =	sld [smem:$0x3FAF]  }
0x28: {  	s2 =	sld [smem:$0x3FB0]  }
0x29: {  	s4 =	sld [smem:$0x3FB2]  }
0x2a: {  	p0 =	seq.s32 s5, $0x0;
	s5 =	sld [smem:$0x3FB3]  }
0x2b: {  	s6 =	sld [smem:$0x3FB4]  }
0x2c: {  	s7 =	sld [smem:$0x3FB5]  }
0x2d: {  	s3 =	simm.s32 $0x108;
	s8 =	sld [smem:$0x3FB6]  }
0x2e: {  	s3 =	simm.s32 @!p0 $0x1082;
	s9 =	sld [smem:$0x3FB7]  }
0x2f: {  	lr =	sadd.s32 s0, s3;
	s0 =	sld [smem:$0x3FAE]  }
0x30: {  	s3 =	sld [smem:$0x3FB1]  }
0x31: {  	[smem:$0x3FBA] =	sst s10  }
0x32: {  	s10 =	sld [smem:$0x3FB8];
	_ =	sdelay $0x3  }
0x33: {  	p0 =	seq.s32 s10, $0x1;
	s10 =	sld [smem:$0x3FBA];
	_ =	sdelay $0x3  }
0x34: {  	[smem:$0x3FBA] =	sst s10  }
0x35: {  	s10 =	sld [smem:$0x3FB9];
	_ =	sdelay $0x3  }
0x36: {  	p1 =	seq.s32 s10, $0x1;
	s10 =	sld [smem:$0x3FBA];
	_ =	sdelay $0x3  }
0x37: {  	[smem:$0x3FBA] =	sst s10  }
0x38: {  	s10 =	sld [smem:$0x3FBB]  }
0x39: {  	_ = 	snop;
	(pc) =	sbr.ind lr, $3  }
0x3a: {  	_ = 	snop  }
0x3b: {  	_ = 	snop  }
0x3c: {  	p2 =	seq.s32 s10, $0x1;
	s10 =	sld [smem:$0x3FBA]  }
0x3d: {  	_ =	shalt  }
0x3e: {  	_ =	shalt  }
0x3f: {  	_ =	shalt  }
0x40: {  	_ =	shalt  }
0x41: {  	_ =	shalt  }
0x42: {  	_ =	shalt  }
0x43: {  	_ =	shalt  }
0x44: {  	_ =	shalt  }
0x45: {  	_ =	shalt  }
0x46: {  	_ =	shalt  }
0x47: {  	_ =	shalt  }
0x48: {  	_ =	shalt  }
0x49: {  	_ =	shalt  }
0x4a: {  	_ =	shalt  }
0x4b: {  	_ =	shalt  }
0x4c: {  	_ =	shalt  }
0x4d: {  	_ =	shalt  }
0x4e: {  	_ =	shalt  }
0x4f: {  	_ =	shalt  }
0x50: {  	_ =	shalt  }
0x51: {  	_ =	shalt  }
0x52: {  	_ =	shalt  }
0x53: {  	_ =	shalt  }
0x54: {  	_ =	shalt  }
0x55: {  	_ =	shalt  }
0x56: {  	_ =	shalt  }
0x57: {  	_ =	shalt  }
0x58: {  	_ =	shalt  }
0x59: {  	_ =	shalt  }
0x5a: {  	_ =	shalt  }
0x5b: {  	_ =	shalt  }
0x5c: {  	_ =	shalt  }
0x5d: {  	_ =	shalt  }
0x5e: {  	_ =	shalt  }
0x5f: {  	_ =	shalt  }
0x60: {  	_ =	shalt  }
0x61: {  	_ =	shalt  }
0x62: {  	_ =	shalt  }
0x63: {  	_ =	shalt  }
0x64: {  	_ =	shalt  }
0x65: {  	_ =	shalt  }
0x66: {  	_ =	shalt  }
0x67: {  	_ =	shalt  }
0x68: {  	_ =	shalt  }
0x69: {  	_ =	shalt  }
0x6a: {  	_ =	shalt  }
0x6b: {  	_ =	shalt  }
0x6c: {  	_ =	shalt  }
0x6d: {  	_ =	shalt  }
0x6e: {  	_ =	shalt  }
0x6f: {  	_ =	shalt  }
0x70: {  	_ =	shalt  }
0x71: {  	_ =	shalt  }
0x72: {  	_ =	shalt  }
0x73: {  	_ =	shalt  }
0x74: {  	_ =	shalt  }
0x75: {  	_ =	shalt  }
0x76: {  	_ =	shalt  }
0x77: {  	_ =	shalt  }
0x78: {  	_ =	shalt  }
0x79: {  	_ =	shalt  }
0x7a: {  	_ =	shalt  }
0x7b: {  	_ =	shalt  }
0x7c: {  	_ =	shalt  }
0x7d: {  	_ =	shalt  }
0x7e: {  	_ =	shalt  }
0x7f: {  	_ =	shalt  }
0x80: {  	_ =	shalt  }
0x81: {  	_ =	shalt  }
0x82: {  	_ =	shalt  }
0x83: {  	_ =	shalt  }
0x84: {  	_ =	shalt  }
0x85: {  	_ =	shalt  }
0x86: {  	_ =	shalt  }
0x87: {  	_ =	shalt  }
.Lfunc_end0:
.L_simem_size_0:
called_computation_lowered:
.L_overlay_start_0:
0x88: {  	s2 =	sld [smem:$0x3FD9]  }
0x89: {  	s3 =	sld [smem:$0x3FFE];
	_ =	sdelay $0x1  }
0x8a: {  	s1 =	srdreg.scid  }
0x8b: {  	s0 =	sand.u32 $0x1, s1  }
0x8c: {  	s17 =	sshll.u32 s0, $0xA;
	s2 =	sadd.s32 s3, s2  }
0x8d: {  	s2 =	sadd.s32 s2, s17  }
0x8e: {  	[smem:$0x3FC6] =	sst s2  }
0x8f: {  	_ = 	snop  }
0x90: {  	s2 =	sld [smem:$0x3FD0];
	(tm) =	ssettm $0x1  }
0x91: {  	s18 =	sld [smem:$0x3FFB];
	_ =	sdelay $0x3  }
0x92: {  	_ =	strace s18  }
0x93: {  	s3 =	sld [smem:$0x3FFC];
	_ =	sdelay $0x3  }
0x94: {  	_ =	strace s3  }
0x95: {  	s3 =	sld [smem:$0x3FFD];
	_ =	sdelay $0x3  }
0x96: {  	_ =	strace s3  }
0x97: {  	_ =	strace $0x8FFFFFFF  }
0x98: {  	s19 =	sld [smem:$0x3FDB];
	_ =	sdelay $0x1  }
0x99: {  	s4 =	simm.s32 $_scs_section_size  }
0x9a: {  	s5 =	simm.s32 $_size__tile_overlayer_lowered;
	s6 =	simm.s32 $_tile_overlayer_lowered  }
0x9b: {  	s22 =	simm.s32 $0x1BFF;
	s21 =	sshll.u32 s6, $0x1;
	s3 =	sadd.s32 s4, s19  }
0x9c: {  	s7 =	simm.s32 $0x0;
	s20 =	sshll.u32 s5, $0x1;
	s5 =	sadd.s32 s21, s3  }
0x9d: {  	[timem:s7], [sflag:s22] =	dma.local [hbm:s5], s20  }
0x9e: {  	_ =	swait.ge [sflag:s22], s20  }
0x9f: {  	s4 =	ssub.s32 $0x0, s20;
	[sflag:s22] =	ssyncset.done $0x0  }
0xa0: {  	[sflag:s22] =	ssyncadd.s32 s4;
	_ =	sdelay $0x1  }
0xa1: {  	s23 =	simm.s32 $0x1B8B  }
0xa2: {  	_ =	swait.ge [sflag:s23], $0x1  }
0xa3: {  	[sflag:s23] =	ssyncset.done $0x0  }
0xa4: {  	s25 =	simm.s32 $0x1B8E;
	s24 =	sld [smem:$0x3FFE];
	[sflag:s23] =	ssyncadd.s32 $0xFFFFFFFF  }
0xa5: {  	s26 =	simm.s32 $execute0_lowered;
	[smem:$0x3FD2] =	sst s25  }
0xa6: {  	s5 =	sshll.u32 s26, $0x1;
	_ =	strace $0x80000046;
	[dreg:$0x1] =	wrdreg $0xFFFFFFFF  }
0xa7: {  	s28 =	simm.s32 $_size_execute0_lowered;
	s3 =	sadd.s32 s3, s5;
	[dreg:$0x0] =	wrdreg $0x0  }
0xa8: {  	s5 =	sshll.u32 s28, $0x1;
	[dreg:$0x2] =	wrdreg s3  }
0xa9: {  	[dreg:$0x3] =	wrdreg s5  }
0xaa: {  	[dreg:$0x4] =	wrdreg $0xC0  }
0xab: {  	_ =	task [dreg:s7], $0x5FFFF  }
0xac: {  	[dreg:$0x1] =	wrdreg $0xFFFFFFFF  }
0xad: {  	[dreg:$0x0] =	wrdreg $0x60  }
0xae: {  	[dreg:$0x2] =	wrdreg s24  }
0xaf: {  	[dreg:$0x3] =	wrdreg s2  }
0xb0: {  	[dreg:$0x4] =	wrdreg $0x9  }
0xb1: {  	_ =	task.clear_ibuf [dreg:s7], $0x5FFFF;
	_ =	strace $0x90000046  }
0xb2: {  	s29 =	simm.s32 $0x9;
	_ =	strace $0x80000048  }
0xb3: {  	_ =	swait.ge [sflag:s29], $0x1  }
0xb4: {  	[sflag:s29] =	ssyncadd.s32 $0xFFFFFFFF  }
0xb5: {  	_ =	strace $0x90000048  }
0xb6: {  	_ =	sfence  }
0xb7: {  	s30 =	sld [smem:$0x0];
	_ =	sdelay $0x2  }
0xb8: {  	s31 =	sshll.u32 s1, $0xD;
	s1 =	sshrl.u32 s1, $0x2  }
0xb9: {  	s3 =	sand.u32 $0x4000, s31;
	s1 =	sadd.s32 s1, s30  }
0xba: {  	s0 =	sor.u32 s3, s0;
	s1 =	sshll.u32 s1, $0x11  }
0xbb: {  	s0 =	sor.u32 s1, s0  }
0xbc: {  	s0 =	sadd.s32 $0x8F2B, s0  }
0xbd: {  	[sflag:s0] =	ssyncadd.remote.s32 $0x1  }
0xbe: {  	_ =	sfence.sel $0xFFFF  }
0xbf: {  	[dreg:$0x0] =	wrdreg $0xFFFFFFFF;
	(pc) =	sbr.abs _section_cstart, $3  }
0xc0: {  	[dreg:$0x1] =	wrdreg $0xFFFFFFFF  }
0xc1: {  	_ =	task.clear_ibuf [dreg:s7], $0x2FFFF;
	_ =	strace $0x9FFFFFFF  }
0xc2: {  	(tm) =	ssettm $0x7FFFFFFF  }
0xc3: {  	_ =	shalt  }
tec
execute0_lowered:
.L_overlay_start_1:
0x0: {  	(tag) =	ssettag $0x1  }
0x1: {  	s0 =	rddreg [dreg:$0x0]  }
0x2: {  	s1 =	srdreg.scid;
	s2 =	stileid.u32  }
0x3: {  	s15 =	rddreg [dreg:$0x1];
	s3 =	simm.s32 $0x0;
	s29 =	simm.s32 $0x6800  }
0x4: {  	s30 =	simm.s32 $0x15800;
	s28 =	simm.s32 $0x16800;
	s31 =	simm.s32 $0x17800  }
0x5: {  	s10 =	simm.s32 $0x0;
	[smem:$0x7FF] =	sst s3;
	s18 =	sadd.s32 $0x10000, s15  }
0x6: {  	s19 =	sadd.s32 $0x14000, s15;
	_ =	strace $0x80000047;
	[dreg:$0x4] =	wrdreg s18  }
0x7: {  	s1 =	sand.u32 $0x1, s1;
	s20 =	sadd.s32 $0x18000, s15;
	[dreg:$0x5] =	wrdreg s19  }
0x8: {  	s2 =	sshll.u32 s2, $0x1;
	s21 =	sadd.s32 $0x1C000, s15;
	[dreg:$0x6] =	wrdreg s20  }
0x9: {  	s4 =	sadd.s32 $0xF42A00, s0;
	s22 =	sadd.s32 $0x20000, s15;
	[dreg:$0x7] =	wrdreg s21  }
0xa: {  	s7 =	sadd.s32 $0x4000, s15;
	s23 =	sadd.s32 $0x24000, s15;
	[dreg:$0x8] =	wrdreg s22  }
0xb: {  	s8 =	sadd.s32 $0x8000, s15;
	s24 =	sadd.s32 $0x28000, s15;
	[dreg:$0x9] =	wrdreg s23  }
0xc: {  	s9 =	sadd.s32 $0xC000, s15;
	s25 =	sadd.s32 $0x2C000, s15;
	[dreg:$0xa] =	wrdreg s24  }
0xd: {  	s2 =	sor.u32 s1, s2;
	s1 =	ssub.s32 $0x2, s1;
	[dreg:$0xb] =	wrdreg s25  }
0xe: {  	s20 =	simm.s32 $0x80;
	s21 =	simm.s32 $0x2800;
	s25 =	simm.s32 $0xA800  }
0xf: {  	s22 =	simm.s32 $0x1;
	s23 =	simm.s32 $0x12800;
	s5 =	smul.u32 $0x500, s2  }
.Ltmp0:
0x10: {  	s24 =	simm.s32 $0x13800;
	s17 =	sshrl.u32 s1, $0x1;
	(pc) =	sbr.rel .LBB2_1-.Ltmp0, $4  }
0x11: {  	s18 =	simm.s32 $0x2;
	s6 =	sshll.u32 s2, $0xC;
	s1 =	ssub.s32 s1, s17  }
0x12: {  	s0 =	sadd.s32 s5, s0;
	s26 =	smax.u32 s1, $0x1;
	s1 =	simm.s32 $0xE800  }
0x13: {  	v0 =	vlaneseq.u32;
	s5 =	simm.s32 $0x19800;
	s0 =	sadd.s32 $0x600, s0;
	[dreg:$0xc] =	wrdreg s26  }
0x14: {  	v0 =	vmul.u32 $0x20, v0;
	s26 =	simm.s32 $0x14800;
	[dreg:$0x3] =	wrdreg s0;
	s0 =	simm.s32 $0x18800  }
.LBB2_12:
0x15: {  	_ =	swait.ge [sflag:s18], $0x1000  }
0x16: {  	[sflag:s18] =	ssyncset.done $0x0  }
0x17: {  	[sflag:s18] =	ssyncadd.s32 $0xFFFFF000  }
0x18: {  	_ =	swait.ge [sflag:s18], $0x1000  }
0x19: {  	[sflag:s18] =	ssyncset.done $0x0  }
0x1a: {  	[sflag:s18] =	ssyncadd.s32 $0xFFFFF000  }
0x1b: {  	_ =	swait.ge [sflag:s18], $0x1000  }
0x1c: {  	[sflag:s18] =	ssyncset.done $0x0  }
0x1d: {  	[sflag:s18] =	ssyncadd.s32 $0xFFFFF000  }
0x1e: {  	_ =	swait.ge [sflag:s18], $0x1000  }
0x1f: {  	[sflag:s18] =	ssyncset.done $0x0  }
0x20: {  	[sflag:s18] =	ssyncadd.s32 $0xFFFFF000  }
0x21: {  	_ =	swait.ge [sflag:s18], $0x1000  }
0x22: {  	[sflag:s18] =	ssyncset.done $0x0  }
0x23: {  	[sflag:s18] =	ssyncadd.s32 $0xFFFFF000  }
0x24: {  	_ =	swait.ge [sflag:s18], $0x1000  }
0x25: {  	[sflag:s18] =	ssyncset.done $0x0  }
0x26: {  	[sflag:s18] =	ssyncadd.s32 $0xFFFFF000  }
0x27: {  	_ =	swait.ge [sflag:s18], $0x1000  }
0x28: {  	[sflag:s18] =	ssyncset.done $0x0  }
0x29: {  	[sflag:s18] =	ssyncadd.s32 $0xFFFFF000  }
0x2a: {  	_ =	swait.ge [sflag:s18], $0x1000  }
0x2b: {  	s10 =	rddreg [dreg:$0xd]  }
0x2c: {  	s2 =	rddreg [dreg:$0xc];
	s10 =	sadd.s32 $0x1, s10  }
0x2d: {  	p0 =	sne.s32 s10, s2  }
.Ltmp1:
0x2e: {  	_ = 	snop;
	(pc) =	sbr.rel @!p0 .LBB2_13-.Ltmp1, $3  }
0x2f: {  	_ =	sdelay $0x1  }
0x30: {  	[sflag:s18] =	ssyncset.done $0x0  }
0x31: {  	[sflag:s18] =	ssyncadd.s32 $0xFFFFF000  }
.LBB2_1:
0x32: {  	[dreg:$0xd] =	wrdreg s10  }
0x33: {  	s2 =	rddreg [dreg:$0x3];
	s12 =	simm.s32 $0x3  }
0x34: {  	[tilespmem:s3], [sflag:$0x3] =	stream.linear.gather [hbm4b:s2+s3], $0x2800, $0x38;
	[tilespmem:$0x1A800] =	vst v63  }
0x35: {  	_ =	swait.ge [sflag:s12], $0x2800  }
0x36: {  	[sflag:s12] =	ssyncset.done $0x0  }
0x37: {  	[sflag:s12] =	ssyncadd.s32 $0xFFFFD800  }
0x38: {  	[tilespmem:s21], [sflag:$0x1] =	stream.indirect.gather [hbm4b:s4+s20], $0x20, s3, s20, $0xb8;
	[tilespmem:$0x1A800] =	vst v63  }
0x39: {  	s13 =	simm.s32 $0x3800  }
0x3a: {  	[tilespmem:s13], [sflag:$0x1] =	stream.indirect.gather [hbm4b:s4+s20], $0x20, s20, s20, $0xb8;
	[tilespmem:$0x1A800] =	vst v63  }
0x3b: {  	s14 =	simm.s32 $0x100;
	s16 =	simm.s32 $0x4800  }
0x3c: {  	[tilespmem:s16], [sflag:$0x1] =	stream.indirect.gather [hbm4b:s4+s20], $0x20, s14, s20, $0xb8;
	[tilespmem:$0x1A800] =	vst v63  }
0x3d: {  	s17 =	simm.s32 $0x180;
	s19 =	simm.s32 $0x5800  }
0x3e: {  	[tilespmem:s19], [sflag:$0x1] =	stream.indirect.gather [hbm4b:s4+s20], $0x20, s17, s20, $0xb8;
	[tilespmem:$0x1A800] =	vst v63  }
0x3f: {  	s11 =	simm.s32 $0x200  }
0x40: {  	[tilespmem:s29], [sflag:$0x1] =	stream.indirect.gather [hbm4b:s4+s20], $0x20, s11, s20, $0xb8;
	[tilespmem:$0x1A800] =	vst v63  }
0x41: {  	s12 =	simm.s32 $0x280;
	s13 =	simm.s32 $0x7800  }
0x42: {  	[tilespmem:s13], [sflag:$0x1] =	stream.indirect.gather [hbm4b:s4+s20], $0x20, s12, s20, $0xb8;
	[tilespmem:$0x1A800] =	vst v63  }
0x43: {  	s14 =	simm.s32 $0x300;
	s16 =	simm.s32 $0x8800  }
0x44: {  	[tilespmem:s16], [sflag:$0x1] =	stream.indirect.gather [hbm4b:s4+s20], $0x20, s14, s20, $0xb8;
	[tilespmem:$0x1A800] =	vst v63  }
0x45: {  	s17 =	simm.s32 $0x380;
	s19 =	simm.s32 $0x9800  }
0x46: {  	[tilespmem:s19], [sflag:$0x1] =	stream.indirect.gather [hbm4b:s4+s20], $0x20, s17, s20, $0xb8;
	[tilespmem:$0x1A800] =	vst v63  }
0x47: {  	s11 =	simm.s32 $0x400  }
0x48: {  	[tilespmem:s25], [sflag:$0x1] =	stream.indirect.gather [hbm4b:s4+s20], $0x20, s11, s20, $0xb8;
	[tilespmem:$0x1A800] =	vst v63  }
0x49: {  	s12 =	simm.s32 $0x480;
	s13 =	simm.s32 $0xB800  }
0x4a: {  	[tilespmem:s13], [sflag:$0x1] =	stream.indirect.gather [hbm4b:s4+s20], $0x20, s12, s20, $0xb8;
	[tilespmem:$0x1A800] =	vst v63  }
0x4b: {  	s14 =	simm.s32 $0x500;
	s16 =	simm.s32 $0xC800  }
0x4c: {  	[tilespmem:s16], [sflag:$0x1] =	stream.indirect.gather [hbm4b:s4+s20], $0x20, s14, s20, $0xb8;
	[tilespmem:$0x1A800] =	vst v63  }
0x4d: {  	s17 =	simm.s32 $0x580;
	s19 =	simm.s32 $0xD800  }
0x4e: {  	[tilespmem:s19], [sflag:$0x1] =	stream.indirect.gather [hbm4b:s4+s20], $0x20, s17, s20, $0xb8;
	[tilespmem:$0x1A800] =	vst v63  }
0x4f: {  	s19 =	simm.s32 $0x0  }
.LBB2_2:
0x50: {  	_ =	swait.ge [sflag:s22], $0x1000  }
0x51: {  	[sflag:s22] =	ssyncset.done $0x0  }
0x52: {  	[sflag:s22] =	ssyncadd.s32 $0xFFFFF000  }
0x53: {  	_ =	swait.ge [sflag:s22], $0x1000  }
0x54: {  	[sflag:s22] =	ssyncset.done $0x0  }
0x55: {  	[sflag:s22] =	ssyncadd.s32 $0xFFFFF000  }
0x56: {  	_ =	swait.ge [sflag:s22], $0x1000  }
0x57: {  	[sflag:s22] =	ssyncset.done $0x0  }
0x58: {  	[sflag:s22] =	ssyncadd.s32 $0xFFFFF000  }
0x59: {  	_ =	swait.ge [sflag:s22], $0x1000  }
0x5a: {  	p0 =	seq.s32 s19, $0x0;
	[sflag:s22] =	ssyncset.done $0x0  }
0x5b: {  	s10 =	simm.s32 @!p0 $0x2;
	[sflag:s22] =	ssyncadd.s32 $0xFFFFF000  }
0x5c: {  	_ =	swait.ge @!p0 [sflag:s10], $0x1000  }
0x5d: {  	[sflag:s10] =	ssyncset.done @!p0 $0x0  }
0x5e: {  	[sflag:s10] =	ssyncadd.s32 @!p0 $0xFFFFF000  }
0x5f: {  	_ =	swait.ge @!p0 [sflag:s10], $0x1000  }
0x60: {  	[sflag:s10] =	ssyncset.done @!p0 $0x0  }
0x61: {  	[sflag:s10] =	ssyncadd.s32 @!p0 $0xFFFFF000  }
0x62: {  	_ =	swait.ge @!p0 [sflag:s10], $0x1000  }
0x63: {  	[sflag:s10] =	ssyncset.done @!p0 $0x0  }
0x64: {  	[sflag:s10] =	ssyncadd.s32 @!p0 $0xFFFFF000  }
0x65: {  	_ =	swait.ge @!p0 [sflag:s10], $0x1000  }
0x66: {  	[sflag:s10] =	ssyncset.done @!p0 $0x0  }
0x67: {  	s2 =	sshll.u32 s19, $0x2;
	[sflag:s10] =	ssyncadd.s32 @!p0 $0xFFFFF000;
	s10 =	simm.s32 $0x0  }
.LBB2_3:
0x68: {  	s11 =	sand.u32 $0x3, s10;
	s14 =	sshll.u32 s10, $0x1  }
0x69: {  	s12 =	sshll.u32 s11, $0x7;
	v3 =	vmov s14  }
0x6a: {  	s13 =	sor.u32 $0x10, s12;
	v2 =	vmov s12;
	s14 =	sor.u32 $0x20, s12;
	v3 =	vshrl.u32 v3, $0x3  }
0x6b: {  	s17 =	sor.u32 $0x40, s12;
	v1 =	vmov s13;
	v2 =	vshll.u32 v2, $0x5;
	v4 =	vmov s14  }
0x6c: {  	s16 =	sor.u32 $0x30, s12;
	v3 =	vshll.u32 v3, $0x3;
	v6 =	vmov s17;
	v5 =	vshll.u32 v1, $0x5  }
0x6d: {  	v1 =	vmov s16;
	v4 =	vshll.u32 v4, $0x5;
	v8 =	vbroadcast v3, $0x0  }
0x6e: {  	s14 =	sor.u32 $0x50, s12;
	v6 =	vshll.u32 v6, $0x5;
	v7 =	vshll.u32 v1, $0x5;
	v1 =	vor.u32 v0, v2  }
0x6f: {  	v2 =	vmov s14;
	v3 =	vor.u32 v0, v5;
	v1 =	vadd.s32 v8, v1  }
0x70: {  	v60 =	vor.u32 v0, v6;
	v9 =	vshll.u32 v2, $0x5;
	v2 =	vadd.s32 v8, v3  }
0x71: {  	v3 =	vor.u32 v0, v4;
	v5 =	vadd.s32 v8, v60  }
0x72: {  	v58 =	vor.u32 v0, v7;
	v3 =	vadd.s32 v8, v3  }
0x73: {  	v4 =	vadd.s32 v8, v58  }
0x74: {  	s16 =	sor.u32 $0x60, s12;
	s12 =	sor.u32 $0x70, s12;
	v13 =	vor.u32 $0x1, v1;
	v11 =	vld.idx.msk [tilespmem:v1+s21+$0x0], $0xffff  }
0x75: {  	v57 =	vmov s16;
	v61 =	vmov s12;
	v15 =	vor.u32 $0x1, v2;
	v62 =	vld.idx.msk [tilespmem:v2+s21+$0x0], $0xffff  }
0x76: {  	v59 =	vshll.u32 v57, $0x5;
	v9 =	vor.u32 v0, v9;
	v21 =	vor.u32 $0x1, v5;
	v14 =	vld.idx.msk [tilespmem:v5+s21+$0x0], $0xffff  }
0x77: {  	v10 =	vshll.u32 v61, $0x5;
	v7 =	vor.u32 v0, v59;
	v6 =	vadd.s32 v8, v9;
	v12 =	vld.idx.msk [tilespmem:v3+s21+$0x0], $0xffff  }
0x78: {  	v10 =	vor.u32 v0, v10;
	v7 =	vadd.s32 v8, v7;
	v63 =	vld.idx.msk [tilespmem:v4+s21+$0x0], $0xffff  }
0x79: {  	v8 =	vadd.s32 v8, v10;
	v13 =	vld.idx.msk [tilespmem:v13+s21+$0x0], $0xffff  }
0x7a: {  	v17 =	vor.u32 $0x1, v3;
	v15 =	vld.idx.msk [tilespmem:v15+s21+$0x0], $0xffff  }
0x7b: {  	v19 =	vor.u32 $0x1, v4;
	v21 =	vld.idx.msk [tilespmem:v21+s21+$0x0], $0xffff  }
0x7c: {  	v22 =	vor.u32 $0x1, v6;
	v16 =	vld.idx.msk [tilespmem:v6+s21+$0x0], $0xffff  }
0x7d: {  	v23 =	vor.u32 $0x1, v7;
	v18 =	vld.idx.msk [tilespmem:v7+s21+$0x0], $0xffff  }
0x7e: {  	v24 =	vor.u32 $0x1, v8;
	v20 =	vld.idx.msk [tilespmem:v8+s21+$0x0], $0xffff  }
0x7f: {  	v17 =	vld.idx.msk [tilespmem:v17+s21+$0x0], $0xffff  }
0x80: {  	s17 =	sshll.u32 s10, $0xA;
	v19 =	vld.idx.msk [tilespmem:v19+s21+$0x0], $0xffff  }
0x81: {  	s11 =	sshll.u32 s11, $0xA;
	s12 =	sand.u32 $0x3FFFF000, s17;
	v22 =	vld.idx.msk [tilespmem:v22+s21+$0x0], $0xffff  }
0x82: {  	s12 =	sor.u32 s11, s12;
	v23 =	vld.idx.msk [tilespmem:v23+s21+$0x0], $0xffff  }
0x83: {  	s11 =	sadd.s32 $0x12800, s12;
	v24 =	vld.idx.msk [tilespmem:v24+s21+$0x0], $0xffff;
	[tilespmem:s12+$0x12800] =	vst v11  }
0x84: {  	[tilespmem:s11+$0x40] =	vst v14  }
0x85: {  	[tilespmem:s11+$0x10] =	vst v62  }
0x86: {  	[tilespmem:s11+$0x20] =	vst v12  }
0x87: {  	[tilespmem:s11+$0x30] =	vst v63  }
0x88: {  	[tilespmem:s11+$0x80] =	vst v13  }
0x89: {  	[tilespmem:s11+$0x90] =	vst v15  }
0x8a: {  	[tilespmem:s11+$0xC0] =	vst v21  }
0x8b: {  	[tilespmem:s11+$0x50] =	vst v16  }
0x8c: {  	[tilespmem:s11+$0x60] =	vst v18  }
0x8d: {  	[tilespmem:s11+$0x70] =	vst v20  }
0x8e: {  	v25 =	vor.u32 $0x2, v2;
	[tilespmem:s11+$0xA0] =	vst v17  }
0x8f: {  	v26 =	vor.u32 $0x2, v3;
	[tilespmem:s11+$0xB0] =	vst v19  }
0x90: {  	v27 =	vor.u32 $0x2, v4;
	[tilespmem:s11+$0xD0] =	vst v22  }
0x91: {  	v28 =	vor.u32 $0x2, v5;
	[tilespmem:s11+$0xE0] =	vst v23  }
0x92: {  	v29 =	vor.u32 $0x2, v6;
	[tilespmem:s11+$0xF0] =	vst v24  }
0x93: {  	v30 =	vor.u32 $0x2, v7;
	v10 =	vld.idx.msk [tilespmem:v25+s21+$0x0], $0xffff  }
0x94: {  	v31 =	vor.u32 $0x2, v8;
	v11 =	vld.idx.msk [tilespmem:v26+s21+$0x0], $0xffff  }
0x95: {  	v32 =	vor.u32 $0x3, v1;
	v12 =	vld.idx.msk [tilespmem:v27+s21+$0x0], $0xffff  }
0x96: {  	v33 =	vor.u32 $0x3, v2;
	v13 =	vld.idx.msk [tilespmem:v28+s21+$0x0], $0xffff  }
0x97: {  	v34 =	vor.u32 $0x3, v3;
	v14 =	vld.idx.msk [tilespmem:v29+s21+$0x0], $0xffff  }
0x98: {  	v36 =	vor.u32 $0x3, v5;
	v15 =	vld.idx.msk [tilespmem:v30+s21+$0x0], $0xffff  }
0x99: {  	v37 =	vor.u32 $0x3, v6;
	v16 =	vld.idx.msk [tilespmem:v31+s21+$0x0], $0xffff  }
0x9a: {  	v38 =	vor.u32 $0x3, v7;
	v17 =	vld.idx.msk [tilespmem:v32+s21+$0x0], $0xffff  }
0x9b: {  	v39 =	vor.u32 $0x3, v8;
	v18 =	vld.idx.msk [tilespmem:v33+s21+$0x0], $0xffff  }
0x9c: {  	v20 =	vor.u32 $0x2, v1;
	v19 =	vld.idx.msk [tilespmem:v34+s21+$0x0], $0xffff  }
0x9d: {  	v35 =	vor.u32 $0x3, v4;
	v21 =	vld.idx.msk [tilespmem:v36+s21+$0x0], $0xffff  }
0x9e: {  	v22 =	vld.idx.msk [tilespmem:v37+s21+$0x0], $0xffff  }
0x9f: {  	v23 =	vld.idx.msk [tilespmem:v38+s21+$0x0], $0xffff  }
0xa0: {  	v24 =	vld.idx.msk [tilespmem:v39+s21+$0x0], $0xffff  }
0xa1: {  	v9 =	vld.idx.msk [tilespmem:v20+s21+$0x0], $0xffff  }
0xa2: {  	v20 =	vld.idx.msk [tilespmem:v35+s21+$0x0], $0xffff;
	[tilespmem:s11+$0x110] =	vst v10  }
0xa3: {  	[tilespmem:s11+$0x120] =	vst v11  }
0xa4: {  	[tilespmem:s11+$0x130] =	vst v12  }
0xa5: {  	[tilespmem:s11+$0x140] =	vst v13  }
0xa6: {  	[tilespmem:s11+$0x150] =	vst v14  }
0xa7: {  	[tilespmem:s11+$0x160] =	vst v15  }
0xa8: {  	[tilespmem:s11+$0x170] =	vst v16  }
0xa9: {  	[tilespmem:s11+$0x180] =	vst v17  }
0xaa: {  	[tilespmem:s11+$0x190] =	vst v18  }
0xab: {  	[tilespmem:s11+$0x1A0] =	vst v19  }
0xac: {  	[tilespmem:s11+$0x1C0] =	vst v21  }
0xad: {  	v40 =	vor.u32 $0x4, v1;
	[tilespmem:s11+$0x1D0] =	vst v22  }
0xae: {  	v41 =	vor.u32 $0x4, v2;
	[tilespmem:s11+$0x1E0] =	vst v23  }
0xaf: {  	v42 =	vor.u32 $0x4, v3;
	[tilespmem:s11+$0x1F0] =	vst v24  }
0xb0: {  	v43 =	vor.u32 $0x4, v4;
	[tilespmem:s11+$0x100] =	vst v9  }
0xb1: {  	v44 =	vor.u32 $0x4, v5;
	[tilespmem:s11+$0x1B0] =	vst v20  }
0xb2: {  	v45 =	vor.u32 $0x4, v6;
	v9 =	vld.idx.msk [tilespmem:v40+s21+$0x0], $0xffff  }
0xb3: {  	v46 =	vor.u32 $0x4, v7;
	v10 =	vld.idx.msk [tilespmem:v41+s21+$0x0], $0xffff  }
0xb4: {  	v47 =	vor.u32 $0x4, v8;
	v11 =	vld.idx.msk [tilespmem:v42+s21+$0x0], $0xffff  }
0xb5: {  	v48 =	vor.u32 $0x5, v1;
	v12 =	vld.idx.msk [tilespmem:v43+s21+$0x0], $0xffff  }
0xb6: {  	v49 =	vor.u32 $0x5, v2;
	v13 =	vld.idx.msk [tilespmem:v44+s21+$0x0], $0xffff  }
0xb7: {  	v50 =	vor.u32 $0x5, v3;
	v14 =	vld.idx.msk [tilespmem:v45+s21+$0x0], $0xffff  }
0xb8: {  	v51 =	vor.u32 $0x5, v4;
	v15 =	vld.idx.msk [tilespmem:v46+s21+$0x0], $0xffff  }
0xb9: {  	v52 =	vor.u32 $0x5, v5;
	v16 =	vld.idx.msk [tilespmem:v47+s21+$0x0], $0xffff  }
0xba: {  	v53 =	vor.u32 $0x5, v6;
	v17 =	vld.idx.msk [tilespmem:v48+s21+$0x0], $0xffff  }
0xbb: {  	v54 =	vor.u32 $0x5, v7;
	v18 =	vld.idx.msk [tilespmem:v49+s21+$0x0], $0xffff  }
0xbc: {  	v55 =	vor.u32 $0x5, v8;
	v19 =	vld.idx.msk [tilespmem:v50+s21+$0x0], $0xffff  }
0xbd: {  	v20 =	vld.idx.msk [tilespmem:v51+s21+$0x0], $0xffff  }
0xbe: {  	v21 =	vld.idx.msk [tilespmem:v52+s21+$0x0], $0xffff  }
0xbf: {  	v22 =	vld.idx.msk [tilespmem:v53+s21+$0x0], $0xffff  }
0xc0: {  	v23 =	vld.idx.msk [tilespmem:v54+s21+$0x0], $0xffff  }
0xc1: {  	v24 =	vld.idx.msk [tilespmem:v55+s21+$0x0], $0xffff;
	[tilespmem:s11+$0x200] =	vst v9  }
0xc2: {  	[tilespmem:s11+$0x210] =	vst v10  }
0xc3: {  	[tilespmem:s11+$0x220] =	vst v11  }
0xc4: {  	[tilespmem:s11+$0x230] =	vst v12  }
0xc5: {  	[tilespmem:s11+$0x240] =	vst v13  }
0xc6: {  	[tilespmem:s11+$0x250] =	vst v14  }
0xc7: {  	[tilespmem:s11+$0x260] =	vst v15  }
0xc8: {  	[tilespmem:s11+$0x270] =	vst v16  }
0xc9: {  	[tilespmem:s11+$0x280] =	vst v17  }
0xca: {  	[tilespmem:s11+$0x290] =	vst v18  }
0xcb: {  	[tilespmem:s11+$0x2A0] =	vst v19  }
0xcc: {  	v56 =	vor.u32 $0x6, v1;
	[tilespmem:s11+$0x2B0] =	vst v20  }
0xcd: {  	v57 =	vor.u32 $0x6, v2;
	[tilespmem:s11+$0x2C0] =	vst v21  }
0xce: {  	v58 =	vor.u32 $0x6, v3;
	[tilespmem:s11+$0x2D0] =	vst v22  }
0xcf: {  	v59 =	vor.u32 $0x6, v4;
	[tilespmem:s11+$0x2E0] =	vst v23  }
0xd0: {  	v60 =	vor.u32 $0x6, v5;
	[tilespmem:s11+$0x2F0] =	vst v24  }
0xd1: {  	v61 =	vor.u32 $0x6, v6;
	v9 =	vld.idx.msk [tilespmem:v56+s21+$0x0], $0xffff  }
0xd2: {  	v62 =	vor.u32 $0x6, v7;
	v10 =	vld.idx.msk [tilespmem:v57+s21+$0x0], $0xffff  }
0xd3: {  	v63 =	vor.u32 $0x6, v8;
	v11 =	vld.idx.msk [tilespmem:v58+s21+$0x0], $0xffff  }
0xd4: {  	v1 =	vor.u32 $0x7, v1;
	v12 =	vld.idx.msk [tilespmem:v59+s21+$0x0], $0xffff  }
0xd5: {  	v2 =	vor.u32 $0x7, v2;
	v13 =	vld.idx.msk [tilespmem:v60+s21+$0x0], $0xffff  }
0xd6: {  	v3 =	vor.u32 $0x7, v3;
	v14 =	vld.idx.msk [tilespmem:v61+s21+$0x0], $0xffff  }
0xd7: {  	v4 =	vor.u32 $0x7, v4;
	v15 =	vld.idx.msk [tilespmem:v62+s21+$0x0], $0xffff  }
0xd8: {  	v5 =	vor.u32 $0x7, v5;
	v16 =	vld.idx.msk [tilespmem:v63+s21+$0x0], $0xffff  }
0xd9: {  	v6 =	vor.u32 $0x7, v6;
	v1 =	vld.idx.msk [tilespmem:v1+s21+$0x0], $0xffff  }
0xda: {  	v7 =	vor.u32 $0x7, v7;
	v2 =	vld.idx.msk [tilespmem:v2+s21+$0x0], $0xffff  }
0xdb: {  	v8 =	vor.u32 $0x7, v8;
	v3 =	vld.idx.msk [tilespmem:v3+s21+$0x0], $0xffff  }
0xdc: {  	v4 =	vld.idx.msk [tilespmem:v4+s21+$0x0], $0xffff  }
0xdd: {  	v5 =	vld.idx.msk [tilespmem:v5+s21+$0x0], $0xffff  }
0xde: {  	v6 =	vld.idx.msk [tilespmem:v6+s21+$0x0], $0xffff  }
0xdf: {  	v7 =	vld.idx.msk [tilespmem:v7+s21+$0x0], $0xffff  }
0xe0: {  	v8 =	vld.idx.msk [tilespmem:v8+s21+$0x0], $0xffff;
	[tilespmem:s11+$0x300] =	vst v9  }
0xe1: {  	[tilespmem:s11+$0x310] =	vst v10  }
0xe2: {  	[tilespmem:s11+$0x320] =	vst v11  }
0xe3: {  	[tilespmem:s11+$0x330] =	vst v12  }
0xe4: {  	[tilespmem:s11+$0x340] =	vst v13  }
0xe5: {  	[tilespmem:s11+$0x350] =	vst v14  }
0xe6: {  	[tilespmem:s11+$0x360] =	vst v15  }
0xe7: {  	[tilespmem:s11+$0x370] =	vst v16  }
0xe8: {  	[tilespmem:s11+$0x380] =	vst v1  }
0xe9: {  	[tilespmem:s11+$0x390] =	vst v2  }
0xea: {  	p1 =	sne.s32 s10, $0xF;
	[tilespmem:s11+$0x3A0] =	vst v3  }
.Ltmp2:
0xeb: {  	[tilespmem:s11+$0x3B0] =	vst v4;
	(pc) =	sbr.rel @p1 .LBB2_3-.Ltmp2, $4  }
0xec: {  	[tilespmem:s11+$0x3C0] =	vst v5  }
0xed: {  	[tilespmem:s11+$0x3D0] =	vst v6  }
0xee: {  	[tilespmem:s11+$0x3E0] =	vst v7  }
0xef: {  	s10 =	sadd.s32 $0x1, s10;
	[tilespmem:s11+$0x3F0] =	vst v8  }
0xf0: {  	s10 =	sshll.u32 s19, $0x15  }
0xf1: {  	s10 =	sor.u32 s6, s10  }
0xf2: {  	s10 =	sshrl.u32 s10, $0x3  }
0xf3: {  	s11 =	sadd.s32 s15, s10  }
0xf4: {  	[hbm4b:s11+s3] =	stream.linear.scatter [tilespmem:s23], [sflag:$0x2], $0x1000, $0x38;
	[tilespmem:$0x1A800] =	vst v63  }
0xf5: {  	s17 =	smov.u32 s15;
	s15 =	sadd.s32 s10, s7  }
0xf6: {  	[hbm4b:s15+s3] =	stream.linear.scatter [tilespmem:s24], [sflag:$0x2], $0x1000, $0x38;
	[tilespmem:$0x1A800] =	vst v63  }
0xf7: {  	s2 =	sor.u32 $0x3, s2;
	s16 =	sadd.s32 s10, s8  }
0xf8: {  	[hbm4b:s16+s3] =	stream.linear.scatter [tilespmem:s26], [sflag:$0x2], $0x1000, $0x38;
	[tilespmem:$0x1A800] =	vst v63  }
0xf9: {  	s13 =	sshll.u32 s2, $0x9;
	s12 =	sadd.s32 s10, s9  }
0xfa: {  	[hbm4b:s12+s3] =	stream.linear.scatter [tilespmem:s30], [sflag:$0x2], $0x1000, $0x38;
	[tilespmem:$0x1A800] =	vst v63  }
0xfb: {  	s11 =	sand.u32 $0x3FFFFE00, s13  }
0xfc: {  	[tilespmem:s1], [sflag:$0x1] =	stream.indirect.gather [hbm4b:s4+s20], $0x20, s11, s20, $0xb8;
	[tilespmem:$0x1A800] =	vst v63  }
0xfd: {  	s13 =	simm.s32 $0xF800;
	s12 =	sor.u32 $0x80, s11  }
0xfe: {  	[tilespmem:s13], [sflag:$0x1] =	stream.indirect.gather [hbm4b:s4+s20], $0x20, s12, s20, $0xb8;
	[tilespmem:$0x1A800] =	vst v63  }
0xff: {  	s14 =	sor.u32 $0x100, s11;
	s15 =	simm.s32 $0x10800  }
0x100: {  	[tilespmem:s15], [sflag:$0x1] =	stream.indirect.gather [hbm4b:s4+s20], $0x20, s14, s20, $0xb8;
	[tilespmem:$0x1A800] =	vst v63  }
0x101: {  	s16 =	simm.s32 $0x11800;
	s11 =	sor.u32 $0x180, s11  }
0x102: {  	[tilespmem:s16], [sflag:$0x1] =	stream.indirect.gather [hbm4b:s4+s20], $0x20, s11, s20, $0xb8;
	[tilespmem:$0x1A800] =	vst v63  }
0x103: {  	_ =	swait.ge [sflag:s22], $0x1000  }
0x104: {  	[sflag:s22] =	ssyncset.done $0x0  }
0x105: {  	[sflag:s22] =	ssyncadd.s32 $0xFFFFF000  }
0x106: {  	_ =	swait.ge [sflag:s22], $0x1000  }
0x107: {  	[sflag:s22] =	ssyncset.done $0x0  }
0x108: {  	[sflag:s22] =	ssyncadd.s32 $0xFFFFF000  }
0x109: {  	_ =	swait.ge [sflag:s22], $0x1000  }
0x10a: {  	[sflag:s22] =	ssyncset.done $0x0  }
0x10b: {  	[sflag:s22] =	ssyncadd.s32 $0xFFFFF000  }
0x10c: {  	_ =	swait.ge [sflag:s22], $0x1000  }
0x10d: {  	[sflag:s22] =	ssyncset.done $0x0  }
0x10e: {  	s11 =	simm.s32 @!p0 $0x2;
	[sflag:s22] =	ssyncadd.s32 $0xFFFFF000  }
0x10f: {  	_ =	swait.ge @!p0 [sflag:s11], $0x1000  }
0x110: {  	[sflag:s11] =	ssyncset.done @!p0 $0x0  }
0x111: {  	[sflag:s11] =	ssyncadd.s32 @!p0 $0xFFFFF000  }
0x112: {  	_ =	swait.ge @!p0 [sflag:s11], $0x1000  }
0x113: {  	[sflag:s11] =	ssyncset.done @!p0 $0x0  }
0x114: {  	[sflag:s11] =	ssyncadd.s32 @!p0 $0xFFFFF000  }
0x115: {  	_ =	swait.ge @!p0 [sflag:s11], $0x1000  }
0x116: {  	[sflag:s11] =	ssyncset.done @!p0 $0x0  }
0x117: {  	[sflag:s11] =	ssyncadd.s32 @!p0 $0xFFFFF000  }
0x118: {  	_ =	swait.ge @!p0 [sflag:s11], $0x1000  }
0x119: {  	[sflag:s11] =	ssyncset.done @!p0 $0x0  }
0x11a: {  	[sflag:s11] =	ssyncadd.s32 @!p0 $0xFFFFF000;
	s11 =	simm.s32 $0x0  }
.LBB2_5:
0x11b: {  	s12 =	sand.u32 $0x3, s11  }
0x11c: {  	s15 =	sshll.u32 s11, $0x1;
	s13 =	sshll.u32 s12, $0x7  }
0x11d: {  	v3 =	vmov s15;
	s14 =	sor.u32 $0x10, s13;
	v2 =	vmov s13  }
0x11e: {  	s15 =	sor.u32 $0x20, s13;
	v3 =	vshrl.u32 v3, $0x3;
	v1 =	vmov s14;
	v2 =	vshll.u32 v2, $0x5  }
0x11f: {  	s16 =	sor.u32 $0x30, s13;
	v4 =	vmov s15;
	v3 =	vshll.u32 v3, $0x3;
	v5 =	vshll.u32 v1, $0x5  }
0x120: {  	s15 =	sor.u32 $0x40, s13;
	v1 =	vmov s16;
	v4 =	vshll.u32 v4, $0x5;
	v8 =	vbroadcast v3, $0x0  }
0x121: {  	v6 =	vmov s15;
	s16 =	sor.u32 $0x50, s13;
	v7 =	vshll.u32 v1, $0x5;
	v1 =	vor.u32 v0, v2  }
0x122: {  	v2 =	vmov s16;
	v3 =	vor.u32 v0, v5;
	v1 =	vadd.s32 v8, v1  }
0x123: {  	v9 =	vshll.u32 v2, $0x5;
	v2 =	vadd.s32 v8, v3;
	v3 =	vor.u32 v0, v4  }
0x124: {  	v6 =	vshll.u32 v6, $0x5;
	v58 =	vor.u32 v0, v7;
	v3 =	vadd.s32 v8, v3  }
0x125: {  	v60 =	vor.u32 v0, v6;
	v4 =	vadd.s32 v8, v58  }
0x126: {  	s15 =	sor.u32 $0x60, s13;
	s13 =	sor.u32 $0x70, s13;
	v5 =	vadd.s32 v8, v60  }
0x127: {  	v57 =	vmov s15;
	v61 =	vmov s13;
	v13 =	vor.u32 $0x1, v1;
	v11 =	vld.idx.msk [tilespmem:v1+s29+$0x0], $0xffff  }
0x128: {  	v59 =	vshll.u32 v57, $0x5;
	v9 =	vor.u32 v0, v9;
	v15 =	vor.u32 $0x1, v2;
	v62 =	vld.idx.msk [tilespmem:v2+s29+$0x0], $0xffff  }
0x129: {  	v10 =	vshll.u32 v61, $0x5;
	v7 =	vor.u32 v0, v59;
	v6 =	vadd.s32 v8, v9;
	v12 =	vld.idx.msk [tilespmem:v3+s29+$0x0], $0xffff  }
0x12a: {  	v10 =	vor.u32 v0, v10;
	v7 =	vadd.s32 v8, v7;
	v63 =	vld.idx.msk [tilespmem:v4+s29+$0x0], $0xffff  }
0x12b: {  	v8 =	vadd.s32 v8, v10;
	v14 =	vld.idx.msk [tilespmem:v5+s29+$0x0], $0xffff  }
0x12c: {  	v17 =	vor.u32 $0x1, v3;
	v13 =	vld.idx.msk [tilespmem:v13+s29+$0x0], $0xffff  }
0x12d: {  	v19 =	vor.u32 $0x1, v4;
	v15 =	vld.idx.msk [tilespmem:v15+s29+$0x0], $0xffff  }
0x12e: {  	v21 =	vor.u32 $0x1, v5;
	v16 =	vld.idx.msk [tilespmem:v6+s29+$0x0], $0xffff  }
0x12f: {  	v22 =	vor.u32 $0x1, v6;
	v18 =	vld.idx.msk [tilespmem:v7+s29+$0x0], $0xffff  }
0x130: {  	v23 =	vor.u32 $0x1, v7;
	v20 =	vld.idx.msk [tilespmem:v8+s29+$0x0], $0xffff  }
0x131: {  	v24 =	vor.u32 $0x1, v8;
	v17 =	vld.idx.msk [tilespmem:v17+s29+$0x0], $0xffff  }
0x132: {  	v19 =	vld.idx.msk [tilespmem:v19+s29+$0x0], $0xffff  }
0x133: {  	s16 =	sshll.u32 s11, $0xA;
	v21 =	vld.idx.msk [tilespmem:v21+s29+$0x0], $0xffff  }
0x134: {  	s12 =	sshll.u32 s12, $0xA;
	s13 =	sand.u32 $0x3FFFF000, s16;
	v22 =	vld.idx.msk [tilespmem:v22+s29+$0x0], $0xffff  }
0x135: {  	s13 =	sor.u32 s12, s13;
	v23 =	vld.idx.msk [tilespmem:v23+s29+$0x0], $0xffff  }
0x136: {  	s12 =	sadd.s32 $0x16800, s13;
	v24 =	vld.idx.msk [tilespmem:v24+s29+$0x0], $0xffff;
	[tilespmem:s13+$0x16800] =	vst v11  }
0x137: {  	[tilespmem:s12+$0x10] =	vst v62  }
0x138: {  	[tilespmem:s12+$0x20] =	vst v12  }
0x139: {  	[tilespmem:s12+$0x30] =	vst v63  }
0x13a: {  	[tilespmem:s12+$0x40] =	vst v14  }
0x13b: {  	[tilespmem:s12+$0x80] =	vst v13  }
0x13c: {  	[tilespmem:s12+$0x90] =	vst v15  }
0x13d: {  	[tilespmem:s12+$0x50] =	vst v16  }
0x13e: {  	[tilespmem:s12+$0x60] =	vst v18  }
0x13f: {  	[tilespmem:s12+$0x70] =	vst v20  }
0x140: {  	[tilespmem:s12+$0xA0] =	vst v17  }
0x141: {  	v25 =	vor.u32 $0x2, v2;
	[tilespmem:s12+$0xB0] =	vst v19  }
0x142: {  	v26 =	vor.u32 $0x2, v3;
	[tilespmem:s12+$0xC0] =	vst v21  }
0x143: {  	v27 =	vor.u32 $0x2, v4;
	[tilespmem:s12+$0xD0] =	vst v22  }
0x144: {  	v28 =	vor.u32 $0x2, v5;
	[tilespmem:s12+$0xE0] =	vst v23  }
0x145: {  	v29 =	vor.u32 $0x2, v6;
	[tilespmem:s12+$0xF0] =	vst v24  }
0x146: {  	v30 =	vor.u32 $0x2, v7;
	v10 =	vld.idx.msk [tilespmem:v25+s29+$0x0], $0xffff  }
0x147: {  	v31 =	vor.u32 $0x2, v8;
	v11 =	vld.idx.msk [tilespmem:v26+s29+$0x0], $0xffff  }
0x148: {  	v32 =	vor.u32 $0x3, v1;
	v12 =	vld.idx.msk [tilespmem:v27+s29+$0x0], $0xffff  }
0x149: {  	v33 =	vor.u32 $0x3, v2;
	v13 =	vld.idx.msk [tilespmem:v28+s29+$0x0], $0xffff  }
0x14a: {  	v34 =	vor.u32 $0x3, v3;
	v14 =	vld.idx.msk [tilespmem:v29+s29+$0x0], $0xffff  }
0x14b: {  	v36 =	vor.u32 $0x3, v5;
	v15 =	vld.idx.msk [tilespmem:v30+s29+$0x0], $0xffff  }
0x14c: {  	v37 =	vor.u32 $0x3, v6;
	v16 =	vld.idx.msk [tilespmem:v31+s29+$0x0], $0xffff  }
0x14d: {  	v38 =	vor.u32 $0x3, v7;
	v17 =	vld.idx.msk [tilespmem:v32+s29+$0x0], $0xffff  }
0x14e: {  	v39 =	vor.u32 $0x3, v8;
	v18 =	vld.idx.msk [tilespmem:v33+s29+$0x0], $0xffff  }
0x14f: {  	v20 =	vor.u32 $0x2, v1;
	v19 =	vld.idx.msk [tilespmem:v34+s29+$0x0], $0xffff  }
0x150: {  	v35 =	vor.u32 $0x3, v4;
	v21 =	vld.idx.msk [tilespmem:v36+s29+$0x0], $0xffff  }
0x151: {  	v22 =	vld.idx.msk [tilespmem:v37+s29+$0x0], $0xffff  }
0x152: {  	v23 =	vld.idx.msk [tilespmem:v38+s29+$0x0], $0xffff  }
0x153: {  	v24 =	vld.idx.msk [tilespmem:v39+s29+$0x0], $0xffff  }
0x154: {  	v9 =	vld.idx.msk [tilespmem:v20+s29+$0x0], $0xffff  }
0x155: {  	v20 =	vld.idx.msk [tilespmem:v35+s29+$0x0], $0xffff;
	[tilespmem:s12+$0x110] =	vst v10  }
0x156: {  	[tilespmem:s12+$0x120] =	vst v11  }
0x157: {  	[tilespmem:s12+$0x130] =	vst v12  }
0x158: {  	[tilespmem:s12+$0x140] =	vst v13  }
0x159: {  	[tilespmem:s12+$0x150] =	vst v14  }
0x15a: {  	[tilespmem:s12+$0x160] =	vst v15  }
0x15b: {  	[tilespmem:s12+$0x170] =	vst v16  }
0x15c: {  	[tilespmem:s12+$0x180] =	vst v17  }
0x15d: {  	[tilespmem:s12+$0x190] =	vst v18  }
0x15e: {  	[tilespmem:s12+$0x1A0] =	vst v19  }
0x15f: {  	[tilespmem:s12+$0x1C0] =	vst v21  }
0x160: {  	v40 =	vor.u32 $0x4, v1;
	[tilespmem:s12+$0x1D0] =	vst v22  }
0x161: {  	v41 =	vor.u32 $0x4, v2;
	[tilespmem:s12+$0x1E0] =	vst v23  }
0x162: {  	v42 =	vor.u32 $0x4, v3;
	[tilespmem:s12+$0x1F0] =	vst v24  }
0x163: {  	v43 =	vor.u32 $0x4, v4;
	[tilespmem:s12+$0x100] =	vst v9  }
0x164: {  	v44 =	vor.u32 $0x4, v5;
	[tilespmem:s12+$0x1B0] =	vst v20  }
0x165: {  	v45 =	vor.u32 $0x4, v6;
	v9 =	vld.idx.msk [tilespmem:v40+s29+$0x0], $0xffff  }
0x166: {  	v46 =	vor.u32 $0x4, v7;
	v10 =	vld.idx.msk [tilespmem:v41+s29+$0x0], $0xffff  }
0x167: {  	v47 =	vor.u32 $0x4, v8;
	v11 =	vld.idx.msk [tilespmem:v42+s29+$0x0], $0xffff  }
0x168: {  	v48 =	vor.u32 $0x5, v1;
	v12 =	vld.idx.msk [tilespmem:v43+s29+$0x0], $0xffff  }
0x169: {  	v49 =	vor.u32 $0x5, v2;
	v13 =	vld.idx.msk [tilespmem:v44+s29+$0x0], $0xffff  }
0x16a: {  	v50 =	vor.u32 $0x5, v3;
	v14 =	vld.idx.msk [tilespmem:v45+s29+$0x0], $0xffff  }
0x16b: {  	v51 =	vor.u32 $0x5, v4;
	v15 =	vld.idx.msk [tilespmem:v46+s29+$0x0], $0xffff  }
0x16c: {  	v52 =	vor.u32 $0x5, v5;
	v16 =	vld.idx.msk [tilespmem:v47+s29+$0x0], $0xffff  }
0x16d: {  	v53 =	vor.u32 $0x5, v6;
	v17 =	vld.idx.msk [tilespmem:v48+s29+$0x0], $0xffff  }
0x16e: {  	v54 =	vor.u32 $0x5, v7;
	v18 =	vld.idx.msk [tilespmem:v49+s29+$0x0], $0xffff  }
0x16f: {  	v55 =	vor.u32 $0x5, v8;
	v19 =	vld.idx.msk [tilespmem:v50+s29+$0x0], $0xffff  }
0x170: {  	v20 =	vld.idx.msk [tilespmem:v51+s29+$0x0], $0xffff  }
0x171: {  	v21 =	vld.idx.msk [tilespmem:v52+s29+$0x0], $0xffff  }
0x172: {  	v22 =	vld.idx.msk [tilespmem:v53+s29+$0x0], $0xffff  }
0x173: {  	v23 =	vld.idx.msk [tilespmem:v54+s29+$0x0], $0xffff  }
0x174: {  	v24 =	vld.idx.msk [tilespmem:v55+s29+$0x0], $0xffff;
	[tilespmem:s12+$0x200] =	vst v9  }
0x175: {  	[tilespmem:s12+$0x210] =	vst v10  }
0x176: {  	[tilespmem:s12+$0x220] =	vst v11  }
0x177: {  	[tilespmem:s12+$0x230] =	vst v12  }
0x178: {  	[tilespmem:s12+$0x240] =	vst v13  }
0x179: {  	[tilespmem:s12+$0x250] =	vst v14  }
0x17a: {  	[tilespmem:s12+$0x260] =	vst v15  }
0x17b: {  	[tilespmem:s12+$0x270] =	vst v16  }
0x17c: {  	[tilespmem:s12+$0x280] =	vst v17  }
0x17d: {  	[tilespmem:s12+$0x290] =	vst v18  }
0x17e: {  	[tilespmem:s12+$0x2A0] =	vst v19  }
0x17f: {  	v56 =	vor.u32 $0x6, v1;
	[tilespmem:s12+$0x2B0] =	vst v20  }
0x180: {  	v57 =	vor.u32 $0x6, v2;
	[tilespmem:s12+$0x2C0] =	vst v21  }
0x181: {  	v58 =	vor.u32 $0x6, v3;
	[tilespmem:s12+$0x2D0] =	vst v22  }
0x182: {  	v59 =	vor.u32 $0x6, v4;
	[tilespmem:s12+$0x2E0] =	vst v23  }
0x183: {  	v60 =	vor.u32 $0x6, v5;
	[tilespmem:s12+$0x2F0] =	vst v24  }
0x184: {  	v61 =	vor.u32 $0x6, v6;
	v9 =	vld.idx.msk [tilespmem:v56+s29+$0x0], $0xffff  }
0x185: {  	v62 =	vor.u32 $0x6, v7;
	v10 =	vld.idx.msk [tilespmem:v57+s29+$0x0], $0xffff  }
0x186: {  	v63 =	vor.u32 $0x6, v8;
	v11 =	vld.idx.msk [tilespmem:v58+s29+$0x0], $0xffff  }
0x187: {  	v1 =	vor.u32 $0x7, v1;
	v12 =	vld.idx.msk [tilespmem:v59+s29+$0x0], $0xffff  }
0x188: {  	v2 =	vor.u32 $0x7, v2;
	v13 =	vld.idx.msk [tilespmem:v60+s29+$0x0], $0xffff  }
0x189: {  	v3 =	vor.u32 $0x7, v3;
	v14 =	vld.idx.msk [tilespmem:v61+s29+$0x0], $0xffff  }
0x18a: {  	v4 =	vor.u32 $0x7, v4;
	v15 =	vld.idx.msk [tilespmem:v62+s29+$0x0], $0xffff  }
0x18b: {  	v5 =	vor.u32 $0x7, v5;
	v16 =	vld.idx.msk [tilespmem:v63+s29+$0x0], $0xffff  }
0x18c: {  	v6 =	vor.u32 $0x7, v6;
	v1 =	vld.idx.msk [tilespmem:v1+s29+$0x0], $0xffff  }
0x18d: {  	v7 =	vor.u32 $0x7, v7;
	v2 =	vld.idx.msk [tilespmem:v2+s29+$0x0], $0xffff  }
0x18e: {  	v8 =	vor.u32 $0x7, v8;
	v3 =	vld.idx.msk [tilespmem:v3+s29+$0x0], $0xffff  }
0x18f: {  	v4 =	vld.idx.msk [tilespmem:v4+s29+$0x0], $0xffff  }
0x190: {  	v5 =	vld.idx.msk [tilespmem:v5+s29+$0x0], $0xffff  }
0x191: {  	v6 =	vld.idx.msk [tilespmem:v6+s29+$0x0], $0xffff  }
0x192: {  	v7 =	vld.idx.msk [tilespmem:v7+s29+$0x0], $0xffff  }
0x193: {  	v8 =	vld.idx.msk [tilespmem:v8+s29+$0x0], $0xffff;
	[tilespmem:s12+$0x300] =	vst v9  }
0x194: {  	[tilespmem:s12+$0x310] =	vst v10  }
0x195: {  	[tilespmem:s12+$0x320] =	vst v11  }
0x196: {  	[tilespmem:s12+$0x330] =	vst v12  }
0x197: {  	[tilespmem:s12+$0x340] =	vst v13  }
0x198: {  	[tilespmem:s12+$0x350] =	vst v14  }
0x199: {  	[tilespmem:s12+$0x360] =	vst v15  }
0x19a: {  	[tilespmem:s12+$0x370] =	vst v16  }
0x19b: {  	[tilespmem:s12+$0x380] =	vst v1  }
0x19c: {  	[tilespmem:s12+$0x390] =	vst v2  }
0x19d: {  	p0 =	sne.s32 s11, $0xF;
	[tilespmem:s12+$0x3A0] =	vst v3  }
.Ltmp3:
0x19e: {  	[tilespmem:s12+$0x3B0] =	vst v4;
	(pc) =	sbr.rel @p0 .LBB2_5-.Ltmp3, $4  }
0x19f: {  	[tilespmem:s12+$0x3C0] =	vst v5  }
0x1a0: {  	[tilespmem:s12+$0x3D0] =	vst v6  }
0x1a1: {  	[tilespmem:s12+$0x3E0] =	vst v7  }
0x1a2: {  	s11 =	sadd.s32 $0x1, s11;
	[tilespmem:s12+$0x3F0] =	vst v8  }
0x1a3: {  	s11 =	rddreg [dreg:$0x4]  }
0x1a4: {  	s14 =	rddreg [dreg:$0x5];
	s11 =	sadd.s32 s10, s11  }
0x1a5: {  	[hbm4b:s11+s3] =	stream.linear.scatter [tilespmem:s28], [sflag:$0x2], $0x1000, $0x38;
	[tilespmem:$0x1A800] =	vst v63  }
0x1a6: {  	s15 =	rddreg [dreg:$0x6];
	s11 =	sadd.s32 s10, s14  }
0x1a7: {  	[hbm4b:s11+s3] =	stream.linear.scatter [tilespmem:s31], [sflag:$0x2], $0x1000, $0x38;
	[tilespmem:$0x1A800] =	vst v63  }
0x1a8: {  	s16 =	rddreg [dreg:$0x7];
	s11 =	sadd.s32 s10, s15  }
0x1a9: {  	[hbm4b:s11+s3] =	stream.linear.scatter [tilespmem:s0], [sflag:$0x2], $0x1000, $0x38;
	[tilespmem:$0x1A800] =	vst v63  }
0x1aa: {  	p0 =	seq.s32 s19, $0x4;
	s11 =	sadd.s32 s10, s16  }
0x1ab: {  	[hbm4b:s11+s3] =	stream.linear.scatter [tilespmem:s5], [sflag:$0x2], $0x1000, $0x38;
	[tilespmem:$0x1A800] =	vst v63  }
0x1ac: {  	s11 =	sshll.u32 @!p0 s19, $0xB  }
0x1ad: {  	s11 =	sand.u32 @!p0 $0x3FFFF800, s11  }
0x1ae: {  	s13 =	simm.s32 @!p0 $0x80;
	s14 =	simm.s32 @!p0 $0x2800;
	s12 =	sadd.s32 @!p0 $0x800, s11  }
0x1af: {  	[tilespmem:s14], [sflag:$0x1] =	stream.indirect.gather @!p0 [hbm4b:s4+s13], $0x20, s12, s13, $0xb8;
	[tilespmem:$0x1A800] =	vst v63  }
0x1b0: {  	s12 =	sadd.s32 @!p0 $0x880, s11;
	s14 =	simm.s32 @!p0 $0x3800  }
0x1b1: {  	[tilespmem:s14], [sflag:$0x1] =	stream.indirect.gather @!p0 [hbm4b:s4+s13], $0x20, s12, s13, $0xb8;
	[tilespmem:$0x1A800] =	vst v63  }
0x1b2: {  	s12 =	sadd.s32 @!p0 $0x900, s11;
	s14 =	simm.s32 @!p0 $0x4800  }
0x1b3: {  	[tilespmem:s14], [sflag:$0x1] =	stream.indirect.gather @!p0 [hbm4b:s4+s13], $0x20, s12, s13, $0xb8;
	[tilespmem:$0x1A800] =	vst v63  }
0x1b4: {  	s12 =	sadd.s32 @!p0 $0x980, s11;
	s14 =	simm.s32 @!p0 $0x5800  }
0x1b5: {  	[tilespmem:s14], [sflag:$0x1] =	stream.indirect.gather @!p0 [hbm4b:s4+s13], $0x20, s12, s13, $0xb8;
	[tilespmem:$0x1A800] =	vst v63  }
0x1b6: {  	_ =	swait.ge [sflag:s22], $0x1000  }
0x1b7: {  	[sflag:s22] =	ssyncset.done $0x0  }
0x1b8: {  	[sflag:s22] =	ssyncadd.s32 $0xFFFFF000  }
0x1b9: {  	_ =	swait.ge [sflag:s22], $0x1000  }
0x1ba: {  	[sflag:s22] =	ssyncset.done $0x0  }
0x1bb: {  	[sflag:s22] =	ssyncadd.s32 $0xFFFFF000  }
0x1bc: {  	_ =	swait.ge [sflag:s22], $0x1000  }
0x1bd: {  	[sflag:s22] =	ssyncset.done $0x0  }
0x1be: {  	[sflag:s22] =	ssyncadd.s32 $0xFFFFF000  }
0x1bf: {  	_ =	swait.ge [sflag:s22], $0x1000  }
0x1c0: {  	[sflag:s22] =	ssyncset.done $0x0  }
0x1c1: {  	[sflag:s22] =	ssyncadd.s32 $0xFFFFF000  }
0x1c2: {  	_ =	swait.ge [sflag:s18], $0x1000  }
0x1c3: {  	[sflag:s18] =	ssyncset.done $0x0  }
0x1c4: {  	[sflag:s18] =	ssyncadd.s32 $0xFFFFF000  }
0x1c5: {  	_ =	swait.ge [sflag:s18], $0x1000  }
0x1c6: {  	[sflag:s18] =	ssyncset.done $0x0  }
0x1c7: {  	[sflag:s18] =	ssyncadd.s32 $0xFFFFF000  }
0x1c8: {  	_ =	swait.ge [sflag:s18], $0x1000  }
0x1c9: {  	[sflag:s18] =	ssyncset.done $0x0  }
0x1ca: {  	[sflag:s18] =	ssyncadd.s32 $0xFFFFF000  }
0x1cb: {  	_ =	swait.ge [sflag:s18], $0x1000  }
0x1cc: {  	[sflag:s18] =	ssyncset.done $0x0  }
0x1cd: {  	s12 =	simm.s32 $0x0;
	[sflag:s18] =	ssyncadd.s32 $0xFFFFF000  }
.LBB2_7:
0x1ce: {  	s13 =	sand.u32 $0x3, s12  }
0x1cf: {  	s16 =	sshll.u32 s12, $0x1;
	s14 =	sshll.u32 s13, $0x7  }
0x1d0: {  	v3 =	vmov s16;
	s15 =	sor.u32 $0x10, s14;
	v2 =	vmov s14  }
0x1d1: {  	s16 =	sor.u32 $0x20, s14;
	v3 =	vshrl.u32 v3, $0x3;
	v1 =	vmov s15;
	v2 =	vshll.u32 v2, $0x5  }
0x1d2: {  	v4 =	vmov s16;
	s16 =	sor.u32 $0x30, s14;
	v3 =	vshll.u32 v3, $0x3;
	v5 =	vshll.u32 v1, $0x5  }
0x1d3: {  	v1 =	vmov s16;
	s16 =	sor.u32 $0x40, s14;
	v4 =	vshll.u32 v4, $0x5;
	v8 =	vbroadcast v3, $0x0  }
0x1d4: {  	v6 =	vmov s16;
	v7 =	vshll.u32 v1, $0x5;
	s16 =	sor.u32 $0x50, s14;
	v1 =	vor.u32 v0, v2  }
0x1d5: {  	v3 =	vor.u32 v0, v5;
	v2 =	vmov s16;
	v1 =	vadd.s32 v8, v1  }
0x1d6: {  	v58 =	vor.u32 v0, v7;
	v9 =	vshll.u32 v2, $0x5;
	v2 =	vadd.s32 v8, v3  }
0x1d7: {  	v3 =	vor.u32 v0, v4;
	v4 =	vadd.s32 v8, v58  }
0x1d8: {  	v6 =	vshll.u32 v6, $0x5;
	v13 =	vor.u32 $0x1, v1  }
0x1d9: {  	v60 =	vor.u32 v0, v6;
	v3 =	vadd.s32 v8, v3  }
0x1da: {  	v5 =	vadd.s32 v8, v60;
	v11 =	vld.idx.msk [tilespmem:v1+s25+$0x0], $0xffff  }
0x1db: {  	v15 =	vor.u32 $0x1, v2;
	v62 =	vld.idx.msk [tilespmem:v2+s25+$0x0], $0xffff  }
0x1dc: {  	s16 =	sor.u32 $0x60, s14;
	v9 =	vor.u32 v0, v9;
	v19 =	vor.u32 $0x1, v4;
	v63 =	vld.idx.msk [tilespmem:v4+s25+$0x0], $0xffff  }
0x1dd: {  	s14 =	sor.u32 $0x70, s14;
	v57 =	vmov s16;
	v6 =	vadd.s32 v8, v9;
	v13 =	vld.idx.msk [tilespmem:v13+s25+$0x0], $0xffff  }
0x1de: {  	v61 =	vmov s14;
	v59 =	vshll.u32 v57, $0x5;
	v17 =	vor.u32 $0x1, v3;
	v12 =	vld.idx.msk [tilespmem:v3+s25+$0x0], $0xffff  }
0x1df: {  	v10 =	vshll.u32 v61, $0x5;
	v7 =	vor.u32 v0, v59;
	v21 =	vor.u32 $0x1, v5;
	v14 =	vld.idx.msk [tilespmem:v5+s25+$0x0], $0xffff  }
0x1e0: {  	v10 =	vor.u32 v0, v10;
	v7 =	vadd.s32 v8, v7;
	v15 =	vld.idx.msk [tilespmem:v15+s25+$0x0], $0xffff  }
0x1e1: {  	v8 =	vadd.s32 v8, v10;
	v19 =	vld.idx.msk [tilespmem:v19+s25+$0x0], $0xffff  }
0x1e2: {  	v22 =	vor.u32 $0x1, v6;
	v16 =	vld.idx.msk [tilespmem:v6+s25+$0x0], $0xffff  }
0x1e3: {  	v23 =	vor.u32 $0x1, v7;
	v17 =	vld.idx.msk [tilespmem:v17+s25+$0x0], $0xffff  }
0x1e4: {  	v24 =	vor.u32 $0x1, v8;
	v21 =	vld.idx.msk [tilespmem:v21+s25+$0x0], $0xffff  }
0x1e5: {  	v18 =	vld.idx.msk [tilespmem:v7+s25+$0x0], $0xffff  }
0x1e6: {  	s16 =	sshll.u32 s12, $0xA;
	v20 =	vld.idx.msk [tilespmem:v8+s25+$0x0], $0xffff  }
0x1e7: {  	s13 =	sshll.u32 s13, $0xA;
	s14 =	sand.u32 $0x3FFFF000, s16;
	v22 =	vld.idx.msk [tilespmem:v22+s25+$0x0], $0xffff  }
0x1e8: {  	s14 =	sor.u32 s13, s14;
	v23 =	vld.idx.msk [tilespmem:v23+s25+$0x0], $0xffff  }
0x1e9: {  	s13 =	sadd.s32 $0x12800, s14;
	v24 =	vld.idx.msk [tilespmem:v24+s25+$0x0], $0xffff;
	[tilespmem:s14+$0x12800] =	vst v11  }
0x1ea: {  	[tilespmem:s13+$0x10] =	vst v62  }
0x1eb: {  	[tilespmem:s13+$0x30] =	vst v63  }
0x1ec: {  	[tilespmem:s13+$0x80] =	vst v13  }
0x1ed: {  	[tilespmem:s13+$0x20] =	vst v12  }
0x1ee: {  	[tilespmem:s13+$0x40] =	vst v14  }
0x1ef: {  	[tilespmem:s13+$0x90] =	vst v15  }
0x1f0: {  	[tilespmem:s13+$0xB0] =	vst v19  }
0x1f1: {  	[tilespmem:s13+$0x50] =	vst v16  }
0x1f2: {  	[tilespmem:s13+$0xA0] =	vst v17  }
0x1f3: {  	[tilespmem:s13+$0xC0] =	vst v21  }
0x1f4: {  	v25 =	vor.u32 $0x2, v2;
	[tilespmem:s13+$0x60] =	vst v18  }
0x1f5: {  	v26 =	vor.u32 $0x2, v3;
	[tilespmem:s13+$0x70] =	vst v20  }
0x1f6: {  	v27 =	vor.u32 $0x2, v4;
	[tilespmem:s13+$0xD0] =	vst v22  }
0x1f7: {  	v28 =	vor.u32 $0x2, v5;
	[tilespmem:s13+$0xE0] =	vst v23  }
0x1f8: {  	v29 =	vor.u32 $0x2, v6;
	[tilespmem:s13+$0xF0] =	vst v24  }
0x1f9: {  	v30 =	vor.u32 $0x2, v7;
	v10 =	vld.idx.msk [tilespmem:v25+s25+$0x0], $0xffff  }
0x1fa: {  	v31 =	vor.u32 $0x2, v8;
	v11 =	vld.idx.msk [tilespmem:v26+s25+$0x0], $0xffff  }
0x1fb: {  	v32 =	vor.u32 $0x3, v1;
	v12 =	vld.idx.msk [tilespmem:v27+s25+$0x0], $0xffff  }
0x1fc: {  	v33 =	vor.u32 $0x3, v2;
	v13 =	vld.idx.msk [tilespmem:v28+s25+$0x0], $0xffff  }
0x1fd: {  	v34 =	vor.u32 $0x3, v3;
	v14 =	vld.idx.msk [tilespmem:v29+s25+$0x0], $0xffff  }
0x1fe: {  	v36 =	vor.u32 $0x3, v5;
	v15 =	vld.idx.msk [tilespmem:v30+s25+$0x0], $0xffff  }
0x1ff: {  	v37 =	vor.u32 $0x3, v6;
	v16 =	vld.idx.msk [tilespmem:v31+s25+$0x0], $0xffff  }
0x200: {  	v38 =	vor.u32 $0x3, v7;
	v17 =	vld.idx.msk [tilespmem:v32+s25+$0x0], $0xffff  }
0x201: {  	v39 =	vor.u32 $0x3, v8;
	v18 =	vld.idx.msk [tilespmem:v33+s25+$0x0], $0xffff  }
0x202: {  	v20 =	vor.u32 $0x2, v1;
	v19 =	vld.idx.msk [tilespmem:v34+s25+$0x0], $0xffff  }
0x203: {  	v35 =	vor.u32 $0x3, v4;
	v21 =	vld.idx.msk [tilespmem:v36+s25+$0x0], $0xffff  }
0x204: {  	v22 =	vld.idx.msk [tilespmem:v37+s25+$0x0], $0xffff  }
0x205: {  	v23 =	vld.idx.msk [tilespmem:v38+s25+$0x0], $0xffff  }
0x206: {  	v24 =	vld.idx.msk [tilespmem:v39+s25+$0x0], $0xffff  }
0x207: {  	v9 =	vld.idx.msk [tilespmem:v20+s25+$0x0], $0xffff  }
0x208: {  	v20 =	vld.idx.msk [tilespmem:v35+s25+$0x0], $0xffff;
	[tilespmem:s13+$0x110] =	vst v10  }
0x209: {  	[tilespmem:s13+$0x120] =	vst v11  }
0x20a: {  	[tilespmem:s13+$0x130] =	vst v12  }
0x20b: {  	[tilespmem:s13+$0x140] =	vst v13  }
0x20c: {  	[tilespmem:s13+$0x150] =	vst v14  }
0x20d: {  	[tilespmem:s13+$0x160] =	vst v15  }
0x20e: {  	[tilespmem:s13+$0x170] =	vst v16  }
0x20f: {  	[tilespmem:s13+$0x180] =	vst v17  }
0x210: {  	[tilespmem:s13+$0x190] =	vst v18  }
0x211: {  	[tilespmem:s13+$0x1A0] =	vst v19  }
0x212: {  	[tilespmem:s13+$0x1C0] =	vst v21  }
0x213: {  	v40 =	vor.u32 $0x4, v1;
	[tilespmem:s13+$0x1D0] =	vst v22  }
0x214: {  	v41 =	vor.u32 $0x4, v2;
	[tilespmem:s13+$0x1E0] =	vst v23  }
0x215: {  	v42 =	vor.u32 $0x4, v3;
	[tilespmem:s13+$0x1F0] =	vst v24  }
0x216: {  	v43 =	vor.u32 $0x4, v4;
	[tilespmem:s13+$0x100] =	vst v9  }
0x217: {  	v44 =	vor.u32 $0x4, v5;
	[tilespmem:s13+$0x1B0] =	vst v20  }
0x218: {  	v45 =	vor.u32 $0x4, v6;
	v9 =	vld.idx.msk [tilespmem:v40+s25+$0x0], $0xffff  }
0x219: {  	v46 =	vor.u32 $0x4, v7;
	v10 =	vld.idx.msk [tilespmem:v41+s25+$0x0], $0xffff  }
0x21a: {  	v47 =	vor.u32 $0x4, v8;
	v11 =	vld.idx.msk [tilespmem:v42+s25+$0x0], $0xffff  }
0x21b: {  	v48 =	vor.u32 $0x5, v1;
	v12 =	vld.idx.msk [tilespmem:v43+s25+$0x0], $0xffff  }
0x21c: {  	v49 =	vor.u32 $0x5, v2;
	v13 =	vld.idx.msk [tilespmem:v44+s25+$0x0], $0xffff  }
0x21d: {  	v50 =	vor.u32 $0x5, v3;
	v14 =	vld.idx.msk [tilespmem:v45+s25+$0x0], $0xffff  }
0x21e: {  	v51 =	vor.u32 $0x5, v4;
	v15 =	vld.idx.msk [tilespmem:v46+s25+$0x0], $0xffff  }
0x21f: {  	v52 =	vor.u32 $0x5, v5;
	v16 =	vld.idx.msk [tilespmem:v47+s25+$0x0], $0xffff  }
0x220: {  	v53 =	vor.u32 $0x5, v6;
	v17 =	vld.idx.msk [tilespmem:v48+s25+$0x0], $0xffff  }
0x221: {  	v54 =	vor.u32 $0x5, v7;
	v18 =	vld.idx.msk [tilespmem:v49+s25+$0x0], $0xffff  }
0x222: {  	v55 =	vor.u32 $0x5, v8;
	v19 =	vld.idx.msk [tilespmem:v50+s25+$0x0], $0xffff  }
0x223: {  	v20 =	vld.idx.msk [tilespmem:v51+s25+$0x0], $0xffff  }
0x224: {  	v21 =	vld.idx.msk [tilespmem:v52+s25+$0x0], $0xffff  }
0x225: {  	v22 =	vld.idx.msk [tilespmem:v53+s25+$0x0], $0xffff  }
0x226: {  	v23 =	vld.idx.msk [tilespmem:v54+s25+$0x0], $0xffff  }
0x227: {  	v24 =	vld.idx.msk [tilespmem:v55+s25+$0x0], $0xffff;
	[tilespmem:s13+$0x200] =	vst v9  }
0x228: {  	[tilespmem:s13+$0x210] =	vst v10  }
0x229: {  	[tilespmem:s13+$0x220] =	vst v11  }
0x22a: {  	[tilespmem:s13+$0x230] =	vst v12  }
0x22b: {  	[tilespmem:s13+$0x240] =	vst v13  }
0x22c: {  	[tilespmem:s13+$0x250] =	vst v14  }
0x22d: {  	[tilespmem:s13+$0x260] =	vst v15  }
0x22e: {  	[tilespmem:s13+$0x270] =	vst v16  }
0x22f: {  	[tilespmem:s13+$0x280] =	vst v17  }
0x230: {  	[tilespmem:s13+$0x290] =	vst v18  }
0x231: {  	[tilespmem:s13+$0x2A0] =	vst v19  }
0x232: {  	v56 =	vor.u32 $0x6, v1;
	[tilespmem:s13+$0x2B0] =	vst v20  }
0x233: {  	v57 =	vor.u32 $0x6, v2;
	[tilespmem:s13+$0x2C0] =	vst v21  }
0x234: {  	v58 =	vor.u32 $0x6, v3;
	[tilespmem:s13+$0x2D0] =	vst v22  }
0x235: {  	v59 =	vor.u32 $0x6, v4;
	[tilespmem:s13+$0x2E0] =	vst v23  }
0x236: {  	v60 =	vor.u32 $0x6, v5;
	[tilespmem:s13+$0x2F0] =	vst v24  }
0x237: {  	v61 =	vor.u32 $0x6, v6;
	v9 =	vld.idx.msk [tilespmem:v56+s25+$0x0], $0xffff  }
0x238: {  	v62 =	vor.u32 $0x6, v7;
	v10 =	vld.idx.msk [tilespmem:v57+s25+$0x0], $0xffff  }
0x239: {  	v63 =	vor.u32 $0x6, v8;
	v11 =	vld.idx.msk [tilespmem:v58+s25+$0x0], $0xffff  }
0x23a: {  	v1 =	vor.u32 $0x7, v1;
	v12 =	vld.idx.msk [tilespmem:v59+s25+$0x0], $0xffff  }
0x23b: {  	v2 =	vor.u32 $0x7, v2;
	v13 =	vld.idx.msk [tilespmem:v60+s25+$0x0], $0xffff  }
0x23c: {  	v3 =	vor.u32 $0x7, v3;
	v14 =	vld.idx.msk [tilespmem:v61+s25+$0x0], $0xffff  }
0x23d: {  	v4 =	vor.u32 $0x7, v4;
	v15 =	vld.idx.msk [tilespmem:v62+s25+$0x0], $0xffff  }
0x23e: {  	v5 =	vor.u32 $0x7, v5;
	v16 =	vld.idx.msk [tilespmem:v63+s25+$0x0], $0xffff  }
0x23f: {  	v6 =	vor.u32 $0x7, v6;
	v1 =	vld.idx.msk [tilespmem:v1+s25+$0x0], $0xffff  }
0x240: {  	v7 =	vor.u32 $0x7, v7;
	v2 =	vld.idx.msk [tilespmem:v2+s25+$0x0], $0xffff  }
0x241: {  	v8 =	vor.u32 $0x7, v8;
	v3 =	vld.idx.msk [tilespmem:v3+s25+$0x0], $0xffff  }
0x242: {  	v4 =	vld.idx.msk [tilespmem:v4+s25+$0x0], $0xffff  }
0x243: {  	v5 =	vld.idx.msk [tilespmem:v5+s25+$0x0], $0xffff  }
0x244: {  	v6 =	vld.idx.msk [tilespmem:v6+s25+$0x0], $0xffff  }
0x245: {  	v7 =	vld.idx.msk [tilespmem:v7+s25+$0x0], $0xffff  }
0x246: {  	v8 =	vld.idx.msk [tilespmem:v8+s25+$0x0], $0xffff;
	[tilespmem:s13+$0x300] =	vst v9  }
0x247: {  	[tilespmem:s13+$0x310] =	vst v10  }
0x248: {  	[tilespmem:s13+$0x320] =	vst v11  }
0x249: {  	[tilespmem:s13+$0x330] =	vst v12  }
0x24a: {  	[tilespmem:s13+$0x340] =	vst v13  }
0x24b: {  	[tilespmem:s13+$0x350] =	vst v14  }
0x24c: {  	[tilespmem:s13+$0x360] =	vst v15  }
0x24d: {  	[tilespmem:s13+$0x370] =	vst v16  }
0x24e: {  	[tilespmem:s13+$0x380] =	vst v1  }
0x24f: {  	[tilespmem:s13+$0x390] =	vst v2  }
0x250: {  	p1 =	sne.s32 s12, $0xF;
	[tilespmem:s13+$0x3A0] =	vst v3  }
.Ltmp4:
0x251: {  	[tilespmem:s13+$0x3B0] =	vst v4;
	(pc) =	sbr.rel @p1 .LBB2_7-.Ltmp4, $4  }
0x252: {  	[tilespmem:s13+$0x3C0] =	vst v5  }
0x253: {  	[tilespmem:s13+$0x3D0] =	vst v6  }
0x254: {  	[tilespmem:s13+$0x3E0] =	vst v7  }
0x255: {  	s12 =	sadd.s32 $0x1, s12;
	[tilespmem:s13+$0x3F0] =	vst v8  }
0x256: {  	s12 =	rddreg [dreg:$0x8]  }
0x257: {  	s13 =	rddreg [dreg:$0x9];
	s12 =	sadd.s32 s10, s12  }
0x258: {  	[hbm4b:s12+s3] =	stream.linear.scatter [tilespmem:s23], [sflag:$0x2], $0x1000, $0x38;
	[tilespmem:$0x1A800] =	vst v63  }
0x259: {  	s14 =	rddreg [dreg:$0xa];
	s12 =	sadd.s32 s10, s13  }
0x25a: {  	[hbm4b:s12+s3] =	stream.linear.scatter [tilespmem:s24], [sflag:$0x2], $0x1000, $0x38;
	[tilespmem:$0x1A800] =	vst v63  }
0x25b: {  	s15 =	rddreg [dreg:$0xb];
	s12 =	sadd.s32 s10, s14  }
0x25c: {  	[hbm4b:s12+s3] =	stream.linear.scatter [tilespmem:s26], [sflag:$0x2], $0x1000, $0x38;
	[tilespmem:$0x1A800] =	vst v63  }
0x25d: {  	s16 =	sadd.s32 s10, s15  }
0x25e: {  	[hbm4b:s16+s3] =	stream.linear.scatter [tilespmem:s30], [sflag:$0x2], $0x1000, $0x38;
	[tilespmem:$0x1A800] =	vst v63  }
0x25f: {  	s13 =	simm.s32 @!p0 $0x6800;
	s10 =	sadd.s32 @!p0 $0xA00, s11;
	s12 =	simm.s32 @!p0 $0x80  }
0x260: {  	[tilespmem:s13], [sflag:$0x1] =	stream.indirect.gather @!p0 [hbm4b:s4+s12], $0x20, s10, s12, $0xb8;
	[tilespmem:$0x1A800] =	vst v63  }
0x261: {  	s10 =	sadd.s32 @!p0 $0xA80, s11;
	s13 =	simm.s32 @!p0 $0x7800  }
0x262: {  	[tilespmem:s13], [sflag:$0x1] =	stream.indirect.gather @!p0 [hbm4b:s4+s12], $0x20, s10, s12, $0xb8;
	[tilespmem:$0x1A800] =	vst v63  }
0x263: {  	s10 =	sadd.s32 @!p0 $0xB00, s11;
	s13 =	simm.s32 @!p0 $0x8800  }
0x264: {  	[tilespmem:s13], [sflag:$0x1] =	stream.indirect.gather @!p0 [hbm4b:s4+s12], $0x20, s10, s12, $0xb8;
	[tilespmem:$0x1A800] =	vst v63  }
0x265: {  	s10 =	sadd.s32 @!p0 $0xB80, s11;
	s11 =	simm.s32 @!p0 $0x9800  }
0x266: {  	[tilespmem:s11], [sflag:$0x1] =	stream.indirect.gather @!p0 [hbm4b:s4+s12], $0x20, s10, s12, $0xb8;
	[tilespmem:$0x1A800] =	vst v63  }
0x267: {  	_ =	swait.ge [sflag:s22], $0x1000  }
0x268: {  	[sflag:s22] =	ssyncset.done $0x0  }
0x269: {  	[sflag:s22] =	ssyncadd.s32 $0xFFFFF000  }
0x26a: {  	_ =	swait.ge [sflag:s22], $0x1000  }
0x26b: {  	[sflag:s22] =	ssyncset.done $0x0  }
0x26c: {  	[sflag:s22] =	ssyncadd.s32 $0xFFFFF000  }
0x26d: {  	_ =	swait.ge [sflag:s22], $0x1000  }
0x26e: {  	[sflag:s22] =	ssyncset.done $0x0  }
0x26f: {  	[sflag:s22] =	ssyncadd.s32 $0xFFFFF000  }
0x270: {  	_ =	swait.ge [sflag:s22], $0x1000  }
0x271: {  	[sflag:s22] =	ssyncset.done $0x0  }
0x272: {  	[sflag:s22] =	ssyncadd.s32 $0xFFFFF000  }
0x273: {  	_ =	swait.ge [sflag:s18], $0x1000  }
0x274: {  	[sflag:s18] =	ssyncset.done $0x0  }
0x275: {  	[sflag:s18] =	ssyncadd.s32 $0xFFFFF000  }
0x276: {  	_ =	swait.ge [sflag:s18], $0x1000  }
0x277: {  	[sflag:s18] =	ssyncset.done $0x0  }
0x278: {  	[sflag:s18] =	ssyncadd.s32 $0xFFFFF000  }
0x279: {  	_ =	swait.ge [sflag:s18], $0x1000  }
0x27a: {  	[sflag:s18] =	ssyncset.done $0x0  }
0x27b: {  	[sflag:s18] =	ssyncadd.s32 $0xFFFFF000  }
0x27c: {  	_ =	swait.ge [sflag:s18], $0x1000  }
0x27d: {  	[sflag:s18] =	ssyncset.done $0x0  }
0x27e: {  	s15 =	smov.u32 s17;
	s10 =	simm.s32 $0x0;
	[sflag:s18] =	ssyncadd.s32 $0xFFFFF000  }
.LBB2_9:
0x27f: {  	s11 =	sand.u32 $0x3, s10;
	s14 =	sshll.u32 s10, $0x1  }
0x280: {  	s12 =	sshll.u32 s11, $0x7;
	v3 =	vmov s14  }
0x281: {  	s13 =	sor.u32 $0x10, s12;
	v2 =	vmov s12;
	s14 =	sor.u32 $0x20, s12;
	v3 =	vshrl.u32 v3, $0x3  }
0x282: {  	s17 =	sor.u32 $0x40, s12;
	v1 =	vmov s13;
	v2 =	vshll.u32 v2, $0x5;
	v4 =	vmov s14  }
0x283: {  	s16 =	sor.u32 $0x30, s12;
	v3 =	vshll.u32 v3, $0x3;
	v6 =	vmov s17;
	v5 =	vshll.u32 v1, $0x5  }
0x284: {  	v1 =	vmov s16;
	v4 =	vshll.u32 v4, $0x5;
	v8 =	vbroadcast v3, $0x0  }
0x285: {  	s14 =	sor.u32 $0x50, s12;
	v6 =	vshll.u32 v6, $0x5;
	v7 =	vshll.u32 v1, $0x5;
	v1 =	vor.u32 v0, v2  }
0x286: {  	v2 =	vmov s14;
	v3 =	vor.u32 v0, v5;
	v1 =	vadd.s32 v8, v1  }
0x287: {  	v60 =	vor.u32 v0, v6;
	v9 =	vshll.u32 v2, $0x5;
	v2 =	vadd.s32 v8, v3  }
0x288: {  	v3 =	vor.u32 v0, v4;
	v5 =	vadd.s32 v8, v60  }
0x289: {  	v58 =	vor.u32 v0, v7;
	v3 =	vadd.s32 v8, v3  }
0x28a: {  	v4 =	vadd.s32 v8, v58  }
0x28b: {  	s16 =	sor.u32 $0x60, s12;
	s12 =	sor.u32 $0x70, s12;
	v13 =	vor.u32 $0x1, v1;
	v11 =	vld.idx.msk [tilespmem:v1+s1+$0x0], $0xffff  }
0x28c: {  	v57 =	vmov s16;
	v61 =	vmov s12;
	v15 =	vor.u32 $0x1, v2;
	v62 =	vld.idx.msk [tilespmem:v2+s1+$0x0], $0xffff  }
0x28d: {  	v59 =	vshll.u32 v57, $0x5;
	v9 =	vor.u32 v0, v9;
	v21 =	vor.u32 $0x1, v5;
	v14 =	vld.idx.msk [tilespmem:v5+s1+$0x0], $0xffff  }
0x28e: {  	v10 =	vshll.u32 v61, $0x5;
	v7 =	vor.u32 v0, v59;
	v6 =	vadd.s32 v8, v9;
	v12 =	vld.idx.msk [tilespmem:v3+s1+$0x0], $0xffff  }
0x28f: {  	v10 =	vor.u32 v0, v10;
	v7 =	vadd.s32 v8, v7;
	v63 =	vld.idx.msk [tilespmem:v4+s1+$0x0], $0xffff  }
0x290: {  	v8 =	vadd.s32 v8, v10;
	v13 =	vld.idx.msk [tilespmem:v13+s1+$0x0], $0xffff  }
0x291: {  	v17 =	vor.u32 $0x1, v3;
	v15 =	vld.idx.msk [tilespmem:v15+s1+$0x0], $0xffff  }
0x292: {  	v19 =	vor.u32 $0x1, v4;
	v21 =	vld.idx.msk [tilespmem:v21+s1+$0x0], $0xffff  }
0x293: {  	v22 =	vor.u32 $0x1, v6;
	v16 =	vld.idx.msk [tilespmem:v6+s1+$0x0], $0xffff  }
0x294: {  	v23 =	vor.u32 $0x1, v7;
	v18 =	vld.idx.msk [tilespmem:v7+s1+$0x0], $0xffff  }
0x295: {  	v24 =	vor.u32 $0x1, v8;
	v20 =	vld.idx.msk [tilespmem:v8+s1+$0x0], $0xffff  }
0x296: {  	v17 =	vld.idx.msk [tilespmem:v17+s1+$0x0], $0xffff  }
0x297: {  	s17 =	sshll.u32 s10, $0xA;
	v19 =	vld.idx.msk [tilespmem:v19+s1+$0x0], $0xffff  }
0x298: {  	s11 =	sshll.u32 s11, $0xA;
	s12 =	sand.u32 $0x3FFFF000, s17;
	v22 =	vld.idx.msk [tilespmem:v22+s1+$0x0], $0xffff  }
0x299: {  	s12 =	sor.u32 s11, s12;
	v23 =	vld.idx.msk [tilespmem:v23+s1+$0x0], $0xffff  }
0x29a: {  	s11 =	sadd.s32 $0x16800, s12;
	v24 =	vld.idx.msk [tilespmem:v24+s1+$0x0], $0xffff;
	[tilespmem:s12+$0x16800] =	vst v11  }
0x29b: {  	[tilespmem:s11+$0x40] =	vst v14  }
0x29c: {  	[tilespmem:s11+$0x10] =	vst v62  }
0x29d: {  	[tilespmem:s11+$0x20] =	vst v12  }
0x29e: {  	[tilespmem:s11+$0x30] =	vst v63  }
0x29f: {  	[tilespmem:s11+$0x80] =	vst v13  }
0x2a0: {  	[tilespmem:s11+$0x90] =	vst v15  }
0x2a1: {  	[tilespmem:s11+$0xC0] =	vst v21  }
0x2a2: {  	[tilespmem:s11+$0x50] =	vst v16  }
0x2a3: {  	[tilespmem:s11+$0x60] =	vst v18  }
0x2a4: {  	[tilespmem:s11+$0x70] =	vst v20  }
0x2a5: {  	v25 =	vor.u32 $0x2, v2;
	[tilespmem:s11+$0xA0] =	vst v17  }
0x2a6: {  	v26 =	vor.u32 $0x2, v3;
	[tilespmem:s11+$0xB0] =	vst v19  }
0x2a7: {  	v27 =	vor.u32 $0x2, v4;
	[tilespmem:s11+$0xD0] =	vst v22  }
0x2a8: {  	v28 =	vor.u32 $0x2, v5;
	[tilespmem:s11+$0xE0] =	vst v23  }
0x2a9: {  	v29 =	vor.u32 $0x2, v6;
	[tilespmem:s11+$0xF0] =	vst v24  }
0x2aa: {  	v30 =	vor.u32 $0x2, v7;
	v10 =	vld.idx.msk [tilespmem:v25+s1+$0x0], $0xffff  }
0x2ab: {  	v31 =	vor.u32 $0x2, v8;
	v11 =	vld.idx.msk [tilespmem:v26+s1+$0x0], $0xffff  }
0x2ac: {  	v32 =	vor.u32 $0x3, v1;
	v12 =	vld.idx.msk [tilespmem:v27+s1+$0x0], $0xffff  }
0x2ad: {  	v33 =	vor.u32 $0x3, v2;
	v13 =	vld.idx.msk [tilespmem:v28+s1+$0x0], $0xffff  }
0x2ae: {  	v34 =	vor.u32 $0x3, v3;
	v14 =	vld.idx.msk [tilespmem:v29+s1+$0x0], $0xffff  }
0x2af: {  	v36 =	vor.u32 $0x3, v5;
	v15 =	vld.idx.msk [tilespmem:v30+s1+$0x0], $0xffff  }
0x2b0: {  	v37 =	vor.u32 $0x3, v6;
	v16 =	vld.idx.msk [tilespmem:v31+s1+$0x0], $0xffff  }
0x2b1: {  	v38 =	vor.u32 $0x3, v7;
	v17 =	vld.idx.msk [tilespmem:v32+s1+$0x0], $0xffff  }
0x2b2: {  	v39 =	vor.u32 $0x3, v8;
	v18 =	vld.idx.msk [tilespmem:v33+s1+$0x0], $0xffff  }
0x2b3: {  	v20 =	vor.u32 $0x2, v1;
	v19 =	vld.idx.msk [tilespmem:v34+s1+$0x0], $0xffff  }
0x2b4: {  	v35 =	vor.u32 $0x3, v4;
	v21 =	vld.idx.msk [tilespmem:v36+s1+$0x0], $0xffff  }
0x2b5: {  	v22 =	vld.idx.msk [tilespmem:v37+s1+$0x0], $0xffff  }
0x2b6: {  	v23 =	vld.idx.msk [tilespmem:v38+s1+$0x0], $0xffff  }
0x2b7: {  	v24 =	vld.idx.msk [tilespmem:v39+s1+$0x0], $0xffff  }
0x2b8: {  	v9 =	vld.idx.msk [tilespmem:v20+s1+$0x0], $0xffff  }
0x2b9: {  	v20 =	vld.idx.msk [tilespmem:v35+s1+$0x0], $0xffff;
	[tilespmem:s11+$0x110] =	vst v10  }
0x2ba: {  	[tilespmem:s11+$0x120] =	vst v11  }
0x2bb: {  	[tilespmem:s11+$0x130] =	vst v12  }
0x2bc: {  	[tilespmem:s11+$0x140] =	vst v13  }
0x2bd: {  	[tilespmem:s11+$0x150] =	vst v14  }
0x2be: {  	[tilespmem:s11+$0x160] =	vst v15  }
0x2bf: {  	[tilespmem:s11+$0x170] =	vst v16  }
0x2c0: {  	[tilespmem:s11+$0x180] =	vst v17  }
0x2c1: {  	[tilespmem:s11+$0x190] =	vst v18  }
0x2c2: {  	[tilespmem:s11+$0x1A0] =	vst v19  }
0x2c3: {  	[tilespmem:s11+$0x1C0] =	vst v21  }
0x2c4: {  	v40 =	vor.u32 $0x4, v1;
	[tilespmem:s11+$0x1D0] =	vst v22  }
0x2c5: {  	v41 =	vor.u32 $0x4, v2;
	[tilespmem:s11+$0x1E0] =	vst v23  }
0x2c6: {  	v42 =	vor.u32 $0x4, v3;
	[tilespmem:s11+$0x1F0] =	vst v24  }
0x2c7: {  	v43 =	vor.u32 $0x4, v4;
	[tilespmem:s11+$0x100] =	vst v9  }
0x2c8: {  	v44 =	vor.u32 $0x4, v5;
	[tilespmem:s11+$0x1B0] =	vst v20  }
0x2c9: {  	v45 =	vor.u32 $0x4, v6;
	v9 =	vld.idx.msk [tilespmem:v40+s1+$0x0], $0xffff  }
0x2ca: {  	v46 =	vor.u32 $0x4, v7;
	v10 =	vld.idx.msk [tilespmem:v41+s1+$0x0], $0xffff  }
0x2cb: {  	v47 =	vor.u32 $0x4, v8;
	v11 =	vld.idx.msk [tilespmem:v42+s1+$0x0], $0xffff  }
0x2cc: {  	v48 =	vor.u32 $0x5, v1;
	v12 =	vld.idx.msk [tilespmem:v43+s1+$0x0], $0xffff  }
0x2cd: {  	v49 =	vor.u32 $0x5, v2;
	v13 =	vld.idx.msk [tilespmem:v44+s1+$0x0], $0xffff  }
0x2ce: {  	v50 =	vor.u32 $0x5, v3;
	v14 =	vld.idx.msk [tilespmem:v45+s1+$0x0], $0xffff  }
0x2cf: {  	v51 =	vor.u32 $0x5, v4;
	v15 =	vld.idx.msk [tilespmem:v46+s1+$0x0], $0xffff  }
0x2d0: {  	v52 =	vor.u32 $0x5, v5;
	v16 =	vld.idx.msk [tilespmem:v47+s1+$0x0], $0xffff  }
0x2d1: {  	v53 =	vor.u32 $0x5, v6;
	v17 =	vld.idx.msk [tilespmem:v48+s1+$0x0], $0xffff  }
0x2d2: {  	v54 =	vor.u32 $0x5, v7;
	v18 =	vld.idx.msk [tilespmem:v49+s1+$0x0], $0xffff  }
0x2d3: {  	v55 =	vor.u32 $0x5, v8;
	v19 =	vld.idx.msk [tilespmem:v50+s1+$0x0], $0xffff  }
0x2d4: {  	v20 =	vld.idx.msk [tilespmem:v51+s1+$0x0], $0xffff  }
0x2d5: {  	v21 =	vld.idx.msk [tilespmem:v52+s1+$0x0], $0xffff  }
0x2d6: {  	v22 =	vld.idx.msk [tilespmem:v53+s1+$0x0], $0xffff  }
0x2d7: {  	v23 =	vld.idx.msk [tilespmem:v54+s1+$0x0], $0xffff  }
0x2d8: {  	v24 =	vld.idx.msk [tilespmem:v55+s1+$0x0], $0xffff;
	[tilespmem:s11+$0x200] =	vst v9  }
0x2d9: {  	[tilespmem:s11+$0x210] =	vst v10  }
0x2da: {  	[tilespmem:s11+$0x220] =	vst v11  }
0x2db: {  	[tilespmem:s11+$0x230] =	vst v12  }
0x2dc: {  	[tilespmem:s11+$0x240] =	vst v13  }
0x2dd: {  	[tilespmem:s11+$0x250] =	vst v14  }
0x2de: {  	[tilespmem:s11+$0x260] =	vst v15  }
0x2df: {  	[tilespmem:s11+$0x270] =	vst v16  }
0x2e0: {  	[tilespmem:s11+$0x280] =	vst v17  }
0x2e1: {  	[tilespmem:s11+$0x290] =	vst v18  }
0x2e2: {  	[tilespmem:s11+$0x2A0] =	vst v19  }
0x2e3: {  	v56 =	vor.u32 $0x6, v1;
	[tilespmem:s11+$0x2B0] =	vst v20  }
0x2e4: {  	v57 =	vor.u32 $0x6, v2;
	[tilespmem:s11+$0x2C0] =	vst v21  }
0x2e5: {  	v58 =	vor.u32 $0x6, v3;
	[tilespmem:s11+$0x2D0] =	vst v22  }
0x2e6: {  	v59 =	vor.u32 $0x6, v4;
	[tilespmem:s11+$0x2E0] =	vst v23  }
0x2e7: {  	v60 =	vor.u32 $0x6, v5;
	[tilespmem:s11+$0x2F0] =	vst v24  }
0x2e8: {  	v61 =	vor.u32 $0x6, v6;
	v9 =	vld.idx.msk [tilespmem:v56+s1+$0x0], $0xffff  }
0x2e9: {  	v62 =	vor.u32 $0x6, v7;
	v10 =	vld.idx.msk [tilespmem:v57+s1+$0x0], $0xffff  }
0x2ea: {  	v63 =	vor.u32 $0x6, v8;
	v11 =	vld.idx.msk [tilespmem:v58+s1+$0x0], $0xffff  }
0x2eb: {  	v1 =	vor.u32 $0x7, v1;
	v12 =	vld.idx.msk [tilespmem:v59+s1+$0x0], $0xffff  }
0x2ec: {  	v2 =	vor.u32 $0x7, v2;
	v13 =	vld.idx.msk [tilespmem:v60+s1+$0x0], $0xffff  }
0x2ed: {  	v3 =	vor.u32 $0x7, v3;
	v14 =	vld.idx.msk [tilespmem:v61+s1+$0x0], $0xffff  }
0x2ee: {  	v4 =	vor.u32 $0x7, v4;
	v15 =	vld.idx.msk [tilespmem:v62+s1+$0x0], $0xffff  }
0x2ef: {  	v5 =	vor.u32 $0x7, v5;
	v16 =	vld.idx.msk [tilespmem:v63+s1+$0x0], $0xffff  }
0x2f0: {  	v6 =	vor.u32 $0x7, v6;
	v1 =	vld.idx.msk [tilespmem:v1+s1+$0x0], $0xffff  }
0x2f1: {  	v7 =	vor.u32 $0x7, v7;
	v2 =	vld.idx.msk [tilespmem:v2+s1+$0x0], $0xffff  }
0x2f2: {  	v8 =	vor.u32 $0x7, v8;
	v3 =	vld.idx.msk [tilespmem:v3+s1+$0x0], $0xffff  }
0x2f3: {  	v4 =	vld.idx.msk [tilespmem:v4+s1+$0x0], $0xffff  }
0x2f4: {  	v5 =	vld.idx.msk [tilespmem:v5+s1+$0x0], $0xffff  }
0x2f5: {  	v6 =	vld.idx.msk [tilespmem:v6+s1+$0x0], $0xffff  }
0x2f6: {  	v7 =	vld.idx.msk [tilespmem:v7+s1+$0x0], $0xffff  }
0x2f7: {  	v8 =	vld.idx.msk [tilespmem:v8+s1+$0x0], $0xffff;
	[tilespmem:s11+$0x300] =	vst v9  }
0x2f8: {  	[tilespmem:s11+$0x310] =	vst v10  }
0x2f9: {  	[tilespmem:s11+$0x320] =	vst v11  }
0x2fa: {  	[tilespmem:s11+$0x330] =	vst v12  }
0x2fb: {  	[tilespmem:s11+$0x340] =	vst v13  }
0x2fc: {  	[tilespmem:s11+$0x350] =	vst v14  }
0x2fd: {  	[tilespmem:s11+$0x360] =	vst v15  }
0x2fe: {  	[tilespmem:s11+$0x370] =	vst v16  }
0x2ff: {  	[tilespmem:s11+$0x380] =	vst v1  }
0x300: {  	[tilespmem:s11+$0x390] =	vst v2  }
0x301: {  	p1 =	sne.s32 s10, $0xF;
	[tilespmem:s11+$0x3A0] =	vst v3  }
.Ltmp5:
0x302: {  	[tilespmem:s11+$0x3B0] =	vst v4;
	(pc) =	sbr.rel @p1 .LBB2_9-.Ltmp5, $4  }
0x303: {  	[tilespmem:s11+$0x3C0] =	vst v5  }
0x304: {  	[tilespmem:s11+$0x3D0] =	vst v6  }
0x305: {  	[tilespmem:s11+$0x3E0] =	vst v7  }
0x306: {  	s10 =	sadd.s32 $0x1, s10;
	[tilespmem:s11+$0x3F0] =	vst v8  }
0x307: {  	s2 =	sshll.u32 s2, $0x13  }
0x308: {  	s2 =	sor.u32 s6, s2  }
0x309: {  	s2 =	sshrl.u32 s2, $0x3  }
0x30a: {  	s10 =	sadd.s32 s15, s2  }
0x30b: {  	[hbm4b:s10+s3] =	stream.linear.scatter [tilespmem:s28], [sflag:$0x2], $0x1000, $0x38;
	[tilespmem:$0x1A800] =	vst v63  }
0x30c: {  	s16 =	sadd.s32 s2, s7  }
0x30d: {  	[hbm4b:s16+s3] =	stream.linear.scatter [tilespmem:s31], [sflag:$0x2], $0x1000, $0x38;
	[tilespmem:$0x1A800] =	vst v63  }
.Ltmp6:
0x30e: {  	_ = 	snop;
	(pc) =	sbr.rel @p0 .LBB2_12-.Ltmp6, $4  }
0x30f: {  	s17 =	sadd.s32 s2, s8  }
0x310: {  	[hbm4b:s17+s3] =	stream.linear.scatter [tilespmem:s0], [sflag:$0x2], $0x1000, $0x38;
	[tilespmem:$0x1A800] =	vst v63  }
0x311: {  	s2 =	sadd.s32 s2, s9  }
0x312: {  	[hbm4b:s2+s3] =	stream.linear.scatter [tilespmem:s5], [sflag:$0x2], $0x1000, $0x38;
	[tilespmem:$0x1A800] =	vst v63  }
0x313: {  	s2 =	sshll.u32 s19, $0xB  }
0x314: {  	s2 =	sand.u32 $0x3FFFF800, s2  }
0x315: {  	s10 =	sadd.s32 $0xC00, s2  }
0x316: {  	[tilespmem:s25], [sflag:$0x1] =	stream.indirect.gather [hbm4b:s4+s20], $0x20, s10, s20, $0xb8;
	[tilespmem:$0x1A800] =	vst v63  }
0x317: {  	s11 =	simm.s32 $0xB800;
	s13 =	sadd.s32 $0xC80, s2  }
0x318: {  	[tilespmem:s11], [sflag:$0x1] =	stream.indirect.gather [hbm4b:s4+s20], $0x20, s13, s20, $0xb8;
	[tilespmem:$0x1A800] =	vst v63  }
.Ltmp7:
0x319: {  	_ = 	snop;
	(pc) =	sbr.rel .LBB2_2-.Ltmp7, $4  }
0x31a: {  	s16 =	simm.s32 $0xC800;
	s14 =	sadd.s32 $0xD00, s2  }
0x31b: {  	[tilespmem:s16], [sflag:$0x1] =	stream.indirect.gather [hbm4b:s4+s20], $0x20, s14, s20, $0xb8;
	[tilespmem:$0x1A800] =	vst v63  }
0x31c: {  	s17 =	simm.s32 $0xD800;
	s19 =	sadd.s32 $0x1, s19;
	s2 =	sadd.s32 $0xD80, s2  }
0x31d: {  	[tilespmem:s17], [sflag:$0x1] =	stream.indirect.gather [hbm4b:s4+s20], $0x20, s2, s20, $0xb8;
	[tilespmem:$0x1A800] =	vst v63  }
.LBB2_13:
0x31e: {  	_ =	sfence.sel $0x180000  }
0x31f: {  	[bflag:$0x0] =	sbarrier.arrive $0xFFFF  }
0x320: {  	_ =	strace $0x90000047  }
0x321: {  	s0 =	stileid.u32;
	[bflag:$0x2] =	sbarrier.arrive $0xFFFF  }
0x322: {  	p0 =	sne.s32 s0, $0x0;
	s0 =	rddreg [dreg:$0x2]  }
0x323: {  	s0 =	sadd.s32 @!p0 $0x100000, s0  }
0x324: {  	[sflag:s0] =	ssyncadd.tile.s32 @!p0 $0x1;
	_ =	shalt  }
.Lfunc_end2:
_tile_overlayer_lowered:
.L_overlay_start_2:
0x325: {  	(tag) =	ssettag $0x2  }
0x326: {  	s0 =	rddreg [dreg:$0x0];
	s2 =	stileid.u32  }
0x327: {  	s1 =	rddreg [dreg:$0x1];
	p0 =	sne.s32 s2, $0x0  }
0x328: {  	s3 =	rddreg [dreg:$0x2];
	[bflag:$0x3] =	sbarrier.arrive $0xFFFF;
	s2 =	simm.s32 @!p0 $0x1C03  }
0x329: {  	[timem:s3], [sflag:s2] =	dma.local @!p0 [hbm:s0], s1  }
0x32a: {  	s0 =	simm.s32 @!p0 $0x3  }
0x32b: {  	_ =	swait.ge @!p0 [sflag:s0], s1  }
0x32c: {  	s1 =	ssub.s32 @!p0 $0x0, s1;
	[sflag:s0] =	ssyncset.done @!p0 $0x0  }
0x32d: {  	[sflag:s0] =	ssyncadd.s32 @!p0 s1  }
0x32e: {  	[bflag:$0x3] =	sbarrier.arrive $0xFFFF  }
0x32f: {  	_ =	shalt  }

</sc_bundles>
